<compile_context>
chip_gen: v7x
topology: tpu7x:2x2x1
jax: 0.10.2.dev20260603
libtpu: 0.0.44.dev20260713+nightly
codegen_flags: <defaults>
</compile_context>

<pallas_src>
import functools

import jax
import jax.numpy as jnp
from jax import lax
from jax.experimental import pallas as pl
from jax.experimental.pallas import tpu as pltpu
from jax.experimental.pallas import tpu_sc as plsc

_B = 2
_C = 3
_N = 4096
_LAT = 128
_KQ = 132
_KT = 83
_KP = 96
_NV = _KP // 16
_TAIL = _KT - 5 * 16

_NW = 32
_RPW = _N // _NW
_BR = 8
_NBLK = _RPW // _BR

_TQ = 256
_TM = 256


def _proj_body(x_ref, wb_ref, bb_ref, wk_ref, bk_ref, wq_ref, bq_ref,
               mfeat_ref, ks_ref, qs_ref):
    x = x_ref[0]
    feat = jnp.dot(x, wb_ref[...], preferred_element_type=jnp.float32) + bb_ref[...]
    mfeat_ref[0] = feat * (x[:, _C:_C + 1] > 0).astype(jnp.float32)
    ks_ref[0] = jnp.dot(feat, wk_ref[...], preferred_element_type=jnp.float32) + bk_ref[...]
    qs_ref[0] = jnp.dot(feat, wq_ref[...], preferred_element_type=jnp.float32) + bq_ref[...]


def _stage_a(xp, wbp, bb2, wk, bk2, wq, bq2):
    return pl.pallas_call(
        _proj_body,
        grid=(_B,),
        in_specs=[
            pl.BlockSpec((1, _N, _LAT), lambda b: (b, 0, 0)),
            pl.BlockSpec((_LAT, _LAT), lambda b: (0, 0)),
            pl.BlockSpec((1, _LAT), lambda b: (0, 0)),
            pl.BlockSpec((_LAT, _KQ), lambda b: (0, 0)),
            pl.BlockSpec((1, _KQ), lambda b: (0, 0)),
            pl.BlockSpec((_LAT, _KQ), lambda b: (0, 0)),
            pl.BlockSpec((1, _KQ), lambda b: (0, 0)),
        ],
        out_specs=[
            pl.BlockSpec((1, _N, _LAT), lambda b: (b, 0, 0)),
            pl.BlockSpec((1, _N, _KQ), lambda b: (b, 0, 0)),
            pl.BlockSpec((1, _N, _KQ), lambda b: (b, 0, 0)),
        ],
        out_shape=[
            jax.ShapeDtypeStruct((_B, _N, _LAT), jnp.float32),
            jax.ShapeDtypeStruct((_B, _N, _KQ), jnp.float32),
            jax.ShapeDtypeStruct((_B, _N, _KQ), jnp.float32),
        ],
    )(xp, wbp, bb2, wk, bk2, wq, bq2)


def _logits_body(qs_ref, ks_ref, l_ref):
    l = lax.dot_general(
        qs_ref[...].astype(jnp.bfloat16), ks_ref[...].astype(jnp.bfloat16),
        (((1,), (1,)), ((), ())), preferred_element_type=jnp.float32)
    lo = lax.bitcast_convert_type(
        l[:, : _N // 2].astype(jnp.bfloat16), jnp.uint16).astype(jnp.int32)
    hi = lax.bitcast_convert_type(
        l[:, _N // 2:].astype(jnp.bfloat16), jnp.uint16).astype(jnp.int32)
    l_ref[...] = (hi << 16) | lo


def _stage_b(qs, ks):
    return pl.pallas_call(
        _logits_body,
        grid=(_N // _TQ,),
        in_specs=[
            pl.BlockSpec((_TQ, _KQ), lambda t: (t, 0)),
            pl.BlockSpec((_N, _KQ), lambda t: (0, 0)),
        ],
        out_specs=pl.BlockSpec((_TQ, _N // 2), lambda t: (t, 0)),
        out_shape=jax.ShapeDtypeStruct((_N, _N // 2), jnp.int32),
    )(qs, ks)


_SC_MESH = plsc.VectorSubcoreMesh(core_axis_name="c", subcore_axis_name="s")


@functools.partial(
    pl.kernel,
    out_type=jax.ShapeDtypeStruct((_N, _N), jnp.float32),
    mesh=_SC_MESH,
    compiler_params=pltpu.CompilerParams(needs_layout_passes=False),
    scratch_types=[
        pltpu.VMEM((_BR, _KP), jnp.int32),
        pltpu.VMEM((_BR, _KP), jnp.int32),
        pltpu.VMEM((_BR * _N // 2,), jnp.int32),
        pltpu.VMEM((_BR * _N // 2,), jnp.int32),
        pltpu.VMEM((_BR * _N,), jnp.float32),
        pltpu.SemaphoreType.DMA,
        pltpu.SemaphoreType.DMA,
        pltpu.SemaphoreType.DMA,
    ],
)
def _stage_c(l_hbm, vcol_hbm, w_hbm, idxc0, idxc1, lbuf0, lbuf1,
             wrow, insem0, insem1, outsem):
    wid = lax.axis_index("s") * 2 + lax.axis_index("c")
    base = wid * _RPW
    idxc = (idxc0, idxc1)
    lbuf = (lbuf0, lbuf1)
    insem = (insem0, insem1)

    zero16 = jnp.zeros((16,), jnp.float32)
    lane = lax.broadcasted_iota(jnp.int32, (16,), 0)
    tail_valid = lane < _TAIL

    def _z(i, _):
        wrow[pl.ds(i * 16, 16)] = zero16
        return 0
    lax.fori_loop(0, _BR * _N // 16, _z, 0)

    def _in_copies(blk, u):
        rowstart = base + blk * _BR
        return [pltpu.make_async_copy(l_hbm.at[rowstart + j],
                                      lbuf[u].at[pl.ds(j * _N // 2, _N // 2)],
                                      insem[u])
                for j in range(_BR)]

    def _out_copies(blk):
        rowstart = base + blk * _BR
        return [pltpu.make_async_copy(wrow.at[pl.ds(j * _N, _N)],
                                      w_hbm.at[rowstart + j], outsem)
                for j in range(_BR)]

    def _start_in(blk, u):
        for d in _in_copies(blk, u):
            d.start()
        pltpu.sync_copy(vcol_hbm.at[pl.ds(base + blk * _BR, _BR)], idxc[u])

    def _do_block(blk, u):
        for d in _in_copies(blk, u):
            d.wait()

        @pl.when(blk > 0)
        def _():
            for d in _out_copies(blk - 1):
                d.wait()

            def _rz(j, _):
                for g in range(_NV):
                    cg = idxc[1 - u][j, pl.ds(g * 16, 16)] + j * _N
                    msk = None if g < _NV - 1 else tail_valid
                    plsc.store_scatter(wrow, [cg], zero16, mask=msk)
                return 0
            lax.fori_loop(0, _BR, _rz, 0)

        @pl.when(blk + 1 < _NBLK)
        def _():
            _start_in(blk + 1, 1 - u)

        def _row(j, _):
            vcols = [idxc[u][j, pl.ds(g * 16, 16)] for g in range(_NV)]
            cols = [vc + j * _N for vc in vcols]
            logit = []
            for g in range(_NV):
                widx = (vcols[g] & (_N // 2 - 1)) + j * (_N // 2)
                u32 = plsc.load_gather(lbuf[u], [widx])
                hi = vcols[g] >= (_N // 2)
                bits = jnp.where(hi, u32 & jnp.int32(-65536), u32 << 16)
                logit.append(lax.bitcast_convert_type(bits, jnp.float32))
            logit[_NV - 1] = jnp.where(tail_valid, logit[_NV - 1], -1e30)
            m = logit[0]
            for g in range(1, _NV):
                m = jnp.maximum(m, logit[g])
            mx = jnp.max(m)
            e = [jnp.exp(lg - mx) for lg in logit]
            acc = e[0]
            for g in range(1, _NV):
                acc = acc + e[g]
            z = jnp.sum(acc)
            denom = jnp.full((16,), 1e-12, jnp.float32) + z
            s = jnp.full((16,), 1.0, jnp.float32) / denom
            for g in range(_NV):
                w = e[g] * s
                if g < _NV - 1:
                    plsc.addupdate_scatter(wrow, [cols[g]], w)
                else:
                    plsc.addupdate_scatter(wrow, [cols[g]], w, mask=tail_valid)
            return 0

        lax.fori_loop(0, _BR, _row, 0)
        for d in _out_copies(blk):
            d.start()

    _start_in(0, 0)

    def _pair(i, _):
        _do_block(i * 2, 0)
        _do_block(i * 2 + 1, 1)
        return 0

    lax.fori_loop(0, _NBLK // 2, _pair, 0)
    for d in _out_copies(_NBLK - 1):
        d.wait()


def _out_body(w_ref, mf_ref, out_ref):
    out_ref[...] = lax.dot_general(
        w_ref[...], mf_ref[...], (((0,), (0,)), ((), ())),
        preferred_element_type=jnp.float32)


def _stage_d(wmat, mfeat):
    return pl.pallas_call(
        _out_body,
        grid=(_N // _TM,),
        in_specs=[
            pl.BlockSpec((_N, _TM), lambda t: (0, t)),
            pl.BlockSpec((_N, _LAT), lambda t: (0, 0)),
        ],
        out_specs=pl.BlockSpec((_TM, _LAT), lambda t: (t, 0)),
        out_shape=jax.ShapeDtypeStruct((_N, _LAT), jnp.float32),
    )(wmat, mfeat)


def kernel(ims, target_masks, Wb, bb, Wk, bk, Wq, bq, local_inds, long_inds):
    b, c, h, w = ims.shape
    n = h * w
    x = ims.reshape(b, c, n).transpose(0, 2, 1)
    xp = jnp.pad(jnp.concatenate([x, target_masks.reshape(b, n, 1)], -1),
                 ((0, 0), (0, 0), (0, _LAT - c - 1)))
    wbp = jnp.pad(Wb, ((0, _LAT - c), (0, 0)))
    bb2 = bb.reshape(1, _LAT)
    bk2 = bk.reshape(1, _KQ)
    bq2 = bq.reshape(1, _KQ)

    v = jnp.concatenate(
        [jnp.broadcast_to(local_inds[None].astype(jnp.int32),
                          (b, n, local_inds.shape[1])),
         long_inds.astype(jnp.int32)], axis=-1)
    vp = jnp.concatenate(
        [v, jnp.broadcast_to(v[..., :1], (b, n, _KP - _KT))], axis=-1)
    vcol = vp.reshape(b * n, _KP)

    mfeat, ks, qs = _stage_a(xp, wbp, bb2, Wk, bk2, Wq, bq2)
    outs = []
    for bi in range(b):
        logits = _stage_b(qs[bi], ks[bi])
        wmat = _stage_c(logits, vcol[bi * n:(bi + 1) * n])
        outs.append(_stage_d(wmat, mfeat[bi]))
    return jnp.stack(outs)

# --- scband reference (transcript-rebuilt; emitter-appended) ---
"""Pipeline reference for scband-group-net-84499186582122 (READ-ONLY COPY).

The authoritative reference and input builder live on the scoring server;
editing this copy changes nothing except your own understanding.
"""

import jax, jax.numpy as jnp
import numpy as np
from numpy.lib.stride_tricks import sliding_window_view

B = 2; C = 3; H = 64; W = 64; N = H * W
K = 7; NLR = int(K * K * 0.7)  # 34 long-range neighbors
LATENT = 128; KQ = 132


def _local_indices():
    # generate_local_indices: reflection-pad an arange index map, unfold KxK patches
    idx = np.arange(H * W, dtype=np.float32).reshape(H, W)
    half = (K - 1) // 2
    padded = np.pad(idx, half, mode='reflect')
    sw = sliding_window_view(padded, (K, K))  # [H, W, K, K], matches F.unfold ordering
    return jnp.asarray(sw.reshape(H * W, K * K).astype(np.int64))


def weighted_softmax(x, weight):
    maxes = jnp.max(x, -1, keepdims=True)
    x_exp = jnp.exp(x - maxes)
    x_exp_sum = jnp.sum(x_exp * weight, -1, keepdims=True) + 1e-12
    return x_exp / x_exp_sum * weight


def setup_inputs(seed: int = 0) -> dict:
    key = jax.random.key(seed)
    ks = jax.random.split(key, 8)
    ims = jax.random.normal(ks[0], (B, C, H, W), dtype=jnp.float32)
    target_masks = jax.random.uniform(ks[1], (B, H, W), dtype=jnp.float32)
    long_inds = jax.random.randint(ks[2], (B, N, NLR), 0, N).astype(jnp.int64)
    local_inds = _local_indices()
    Wb = jax.random.normal(ks[3], (C, LATENT), dtype=jnp.float32) * 0.1
    bb = jnp.zeros((LATENT,), jnp.float32)
    Wk = jax.random.normal(ks[4], (LATENT, KQ), dtype=jnp.float32) * 0.05
    bk = jnp.zeros((KQ,), jnp.float32)
    Wq = jax.random.normal(ks[5], (LATENT, KQ), dtype=jnp.float32) * 0.05
    bq = jnp.zeros((KQ,), jnp.float32)
    return {"ims": ims, "target_masks": target_masks, "Wb": Wb, "bb": bb,
            "Wk": Wk, "bk": bk, "Wq": Wq, "bq": bq,
            "local_inds": local_inds, "long_inds": long_inds}


def reference(ims, target_masks, Wb, bb, Wk, bk, Wq, bq, local_inds, long_inds):
    Bq, Cq, Hq, Wq_ = ims.shape
    Nn = Hq * Wq_
    # backbone stub: per-pixel linear projection to latent features
    x = ims.reshape(Bq, Cq, Nn).transpose(0, 2, 1)  # [B, N, C]
    feat = x @ Wb + bb                               # [B, N, LATENT]
    ks_ = feat @ Wk + bk                             # [B, N, KQ]
    qs_ = feat @ Wq + bq                             # [B, N, KQ]
    # get_indices: local KxK neighbors + long-range random neighbors
    v = jnp.concatenate([jnp.broadcast_to(local_inds[None], (Bq, Nn, local_inds.shape[1])),
                         long_inds], axis=-1)        # [B, N, Kt]
    Kt = v.shape[-1]
    off = (jnp.arange(Bq, dtype=v.dtype) * Nn)[:, None, None]
    vi = (v + off).reshape(-1)                       # flat batched neighbor ids
    ks_flat = ks_.reshape(Bq * Nn, KQ)
    k_g = ks_flat[vi].reshape(Bq, Nn, Kt, KQ)        # gather neighbor keys
    logits = jnp.einsum('bnd,bnkd->bnk', qs_, k_g)   # affinity logits [B, N, Kt]
    # active-edge filtering via gathered target mask (original uses x_active twice)
    tm = target_masks.reshape(Bq, Nn, 1)
    active = (tm > 0).astype(logits.dtype)           # [B, N, 1]
    weight = jnp.broadcast_to(active, logits.shape)
    adj = weighted_softmax(logits, weight)           # masked local adjacency
    # local_to_sparse_global_affinity (sparse_transpose=True) + one propagation step:
    # messages from source u scattered (added) to destination v
    feat_flat = feat.reshape(Bq * Nn, LATENT)
    u = jnp.broadcast_to(jnp.arange(Nn, dtype=v.dtype)[None, :, None], (Bq, Nn, Kt)) + off
    msgs = adj.reshape(-1, 1) * feat_flat[u.reshape(-1)]
    out = jnp.zeros_like(feat_flat).at[vi].add(msgs)
    return out.reshape(Bq, Nn, LATENT)

if __name__ == "__main__":
    import jax
    _d = setup_inputs()
    print(jax.jit(kernel)(*tuple(_d.values())))

</pallas_src>

<mosaic_0001>
#map = affine_map<(d0, d1) -> (0, 0)>
module attributes {stable_mosaic.version = 14 : i64} {
  func.func @_stage_c(%arg0: i32, %arg1: i32, %arg2: memref<4096x2048xi32, #tpu.memory_space<hbm>>, %arg3: memref<4096x96xi32, #tpu.memory_space<hbm>>, %arg4: memref<4096x4096xf32, #tpu.memory_space<hbm>>, %arg5: memref<8x96xi32, #tpu.memory_space<vmem>>, %arg6: memref<8x96xi32, #tpu.memory_space<vmem>>, %arg7: memref<16384xi32, #tpu.memory_space<vmem>>, %arg8: memref<16384xi32, #tpu.memory_space<vmem>>, %arg9: memref<32768xf32, #tpu.memory_space<vmem>>, %arg10: memref<!tpu.dma_semaphore, #tpu.memory_space<semaphore_mem>>, %arg11: memref<!tpu.dma_semaphore, #tpu.memory_space<semaphore_mem>>, %arg12: memref<!tpu.dma_semaphore, #tpu.memory_space<semaphore_mem>>) attributes {dimension_semantics = [#tpu.dimension_semantics<core_parallel>, #tpu.dimension_semantics<subcore_parallel>], iteration_bounds = array<i64: 2, 16>, scalar_prefetch = 0 : i64, scratch_operands = 8 : i64, tpu.core_type = #tpu.core_type<sc_vector_subcore>, window_params = [{transform_indices = #map}, {transform_indices = #map}, {transform_indices = #map}]} {
    %mul3A = arith.constant 2 : i32
    %mul3A_0 = arith.muli %arg1, %mul3A : i32
    %add3A = arith.addi %mul3A_0, %arg0 : i32
    %mul3A_1 = arith.constant 128 : i32
    %mul3A_2 = arith.muli %add3A, %mul3A_1 : i32
    %broadcast_in_dim3A = arith.constant 0.000000e+00 : f32
    %broadcast_in_dim3A_3 = vector.broadcast %broadcast_in_dim3A : f32 to vector<16xf32>
    %iota3A = tpu.iota {dimensions = array<i32: 0>} : vector<16xi32>
    %lt3A = arith.constant 3 : i32
    %lt3A_4 = vector.broadcast %lt3A : i32 to vector<16xi32>
    %lt3A_5 = arith.cmpi slt, %iota3A, %lt3A_4 : vector<16xi32>
    %scan3A = arith.constant 0 : i32
    %scan3A_6 = arith.constant 0 : i32
    %scan3A_7 = arith.constant 2048 : i32
    %scan3A_8 = arith.addi %scan3A_6, %scan3A_7 : i32
    %scan3A_9 = arith.constant 1 : i32
    %scan3A_10 = scf.for %scan3A_215 = %scan3A_6 to %scan3A_8 step %scan3A_9 iter_args(%scan3A_216 = %scan3A) -> (i32)  : i32 {
      %mul3A_217 = arith.constant 16 : i32
      %mul3A_218 = arith.muli %scan3A_215, %mul3A_217 : i32
      %swap3A = arith.index_cast %mul3A_218 : i32 to index
      %swap3A_219 = tpu.vector_load %arg9[%swap3A] {strides = array<i32>} : memref<32768xf32, #tpu.memory_space<vmem>>, vector<16xf32>,
      tpu.vector_store %arg9[%swap3A], %broadcast_in_dim3A_3 {strides = array<i32>} : memref<32768xf32, #tpu.memory_space<vmem>>, vector<16xf32>,
      %scan3A_220 = arith.constant 0 : i32
      scf.yield %scan3A_220 : i32
    }
    %scan3A_11 = arith.constant 2048 : i32
    %add3A_12 = arith.constant 0 : i32
    %add3A_13 = arith.addi %mul3A_2, %add3A_12 : i32
    %add3A_14 = arith.constant 0 : i32
    %add3A_15 = arith.addi %add3A_13, %add3A_14 : i32
    %add3A_16 = arith.constant 1 : i32
    %add3A_17 = arith.addi %add3A_13, %add3A_16 : i32
    %add3A_18 = arith.constant 2 : i32
    %add3A_19 = arith.addi %add3A_13, %add3A_18 : i32
    %add3A_20 = arith.constant 3 : i32
    %add3A_21 = arith.addi %add3A_13, %add3A_20 : i32
    %add3A_22 = arith.constant 4 : i32
    %add3A_23 = arith.addi %add3A_13, %add3A_22 : i32
    %add3A_24 = arith.constant 5 : i32
    %add3A_25 = arith.addi %add3A_13, %add3A_24 : i32
    %add3A_26 = arith.constant 6 : i32
    %add3A_27 = arith.addi %add3A_13, %add3A_26 : i32
    %add3A_28 = arith.constant 7 : i32
    %add3A_29 = arith.addi %add3A_13, %add3A_28 : i32
    %dma_start3A = arith.constant 0 : i32
    %dma_start3A_30 = tpu.memref_slice %arg7[%dma_start3A] : memref<16384xi32, #tpu.memory_space<vmem>> -> memref<2048xi32, #tpu.memory_space<vmem>>
    %dma_start3A_31 = arith.constant 0 : i32
    %dma_start3A_32 = tpu.memref_slice %arg2[%add3A_15, %dma_start3A_31] : memref<4096x2048xi32, #tpu.memory_space<hbm>> -> memref<1x2048xi32, #tpu.memory_space<hbm>>
    %dma_start3A_33 = tpu.memref_squeeze %dma_start3A_32 : memref<1x2048xi32, #tpu.memory_space<hbm>> -> memref<2048xi32, #tpu.memory_space<hbm>>
    %dma_start3A_34 = arith.constant 0 : i32
    %dma_start3A_35 = tpu.memref_slice %arg7[%dma_start3A_34] : memref<16384xi32, #tpu.memory_space<vmem>> -> memref<2048xi32, #tpu.memory_space<vmem>>
    %dma_start3A_36 = arith.constant 0 : i32
    %dma_start3A_37 = tpu.memref_slice %arg2[%add3A_15, %dma_start3A_36] : memref<4096x2048xi32, #tpu.memory_space<hbm>> -> memref<1x2048xi32, #tpu.memory_space<hbm>>
    %dma_start3A_38 = tpu.memref_squeeze %dma_start3A_37 : memref<1x2048xi32, #tpu.memory_space<hbm>> -> memref<2048xi32, #tpu.memory_space<hbm>>
    tpu.enqueue_dma source(%dma_start3A_38 : memref<2048xi32, #tpu.memory_space<hbm>>) target(%dma_start3A_35 : memref<2048xi32, #tpu.memory_space<vmem>>) target_semaphore(%arg10 : memref<!tpu.dma_semaphore, #tpu.memory_space<semaphore_mem>>)
    %dma_start3A_39 = arith.constant 2048 : i32
    %dma_start3A_40 = tpu.memref_slice %arg7[%dma_start3A_39] : memref<16384xi32, #tpu.memory_space<vmem>> -> memref<2048xi32, #tpu.memory_space<vmem>>
    %dma_start3A_41 = arith.constant 0 : i32
    %dma_start3A_42 = tpu.memref_slice %arg2[%add3A_17, %dma_start3A_41] : memref<4096x2048xi32, #tpu.memory_space<hbm>> -> memref<1x2048xi32, #tpu.memory_space<hbm>>
    %dma_start3A_43 = tpu.memref_squeeze %dma_start3A_42 : memref<1x2048xi32, #tpu.memory_space<hbm>> -> memref<2048xi32, #tpu.memory_space<hbm>>
    %dma_start3A_44 = arith.constant 2048 : i32
    %dma_start3A_45 = tpu.memref_slice %arg7[%dma_start3A_44] : memref<16384xi32, #tpu.memory_space<vmem>> -> memref<2048xi32, #tpu.memory_space<vmem>>
    %dma_start3A_46 = arith.constant 0 : i32
    %dma_start3A_47 = tpu.memref_slice %arg2[%add3A_17, %dma_start3A_46] : memref<4096x2048xi32, #tpu.memory_space<hbm>> -> memref<1x2048xi32, #tpu.memory_space<hbm>>
    %dma_start3A_48 = tpu.memref_squeeze %dma_start3A_47 : memref<1x2048xi32, #tpu.memory_space<hbm>> -> memref<2048xi32, #tpu.memory_space<hbm>>
    tpu.enqueue_dma source(%dma_start3A_48 : memref<2048xi32, #tpu.memory_space<hbm>>) target(%dma_start3A_45 : memref<2048xi32, #tpu.memory_space<vmem>>) target_semaphore(%arg10 : memref<!tpu.dma_semaphore, #tpu.memory_space<semaphore_mem>>)
    %dma_start3A_49 = arith.constant 4096 : i32
    %dma_start3A_50 = tpu.memref_slice %arg7[%dma_start3A_49] : memref<16384xi32, #tpu.memory_space<vmem>> -> memref<2048xi32, #tpu.memory_space<vmem>>
    %dma_start3A_51 = arith.constant 0 : i32
    %dma_start3A_52 = tpu.memref_slice %arg2[%add3A_19, %dma_start3A_51] : memref<4096x2048xi32, #tpu.memory_space<hbm>> -> memref<1x2048xi32, #tpu.memory_space<hbm>>
    %dma_start3A_53 = tpu.memref_squeeze %dma_start3A_52 : memref<1x2048xi32, #tpu.memory_space<hbm>> -> memref<2048xi32, #tpu.memory_space<hbm>>
    %dma_start3A_54 = arith.constant 4096 : i32
    %dma_start3A_55 = tpu.memref_slice %arg7[%dma_start3A_54] : memref<16384xi32, #tpu.memory_space<vmem>> -> memref<2048xi32, #tpu.memory_space<vmem>>
    %dma_start3A_56 = arith.constant 0 : i32
    %dma_start3A_57 = tpu.memref_slice %arg2[%add3A_19, %dma_start3A_56] : memref<4096x2048xi32, #tpu.memory_space<hbm>> -> memref<1x2048xi32, #tpu.memory_space<hbm>>
    %dma_start3A_58 = tpu.memref_squeeze %dma_start3A_57 : memref<1x2048xi32, #tpu.memory_space<hbm>> -> memref<2048xi32, #tpu.memory_space<hbm>>
    tpu.enqueue_dma source(%dma_start3A_58 : memref<2048xi32, #tpu.memory_space<hbm>>) target(%dma_start3A_55 : memref<2048xi32, #tpu.memory_space<vmem>>) target_semaphore(%arg10 : memref<!tpu.dma_semaphore, #tpu.memory_space<semaphore_mem>>)
    %dma_start3A_59 = arith.constant 6144 : i32
    %dma_start3A_60 = tpu.memref_slice %arg7[%dma_start3A_59] : memref<16384xi32, #tpu.memory_space<vmem>> -> memref<2048xi32, #tpu.memory_space<vmem>>
    %dma_start3A_61 = arith.constant 0 : i32
    %dma_start3A_62 = tpu.memref_slice %arg2[%add3A_21, %dma_start3A_61] : memref<4096x2048xi32, #tpu.memory_space<hbm>> -> memref<1x2048xi32, #tpu.memory_space<hbm>>
    %dma_start3A_63 = tpu.memref_squeeze %dma_start3A_62 : memref<1x2048xi32, #tpu.memory_space<hbm>> -> memref<2048xi32, #tpu.memory_space<hbm>>
    %dma_start3A_64 = arith.constant 6144 : i32
    %dma_start3A_65 = tpu.memref_slice %arg7[%dma_start3A_64] : memref<16384xi32, #tpu.memory_space<vmem>> -> memref<2048xi32, #tpu.memory_space<vmem>>
    %dma_start3A_66 = arith.constant 0 : i32
    %dma_start3A_67 = tpu.memref_slice %arg2[%add3A_21, %dma_start3A_66] : memref<4096x2048xi32, #tpu.memory_space<hbm>> -> memref<1x2048xi32, #tpu.memory_space<hbm>>
    %dma_start3A_68 = tpu.memref_squeeze %dma_start3A_67 : memref<1x2048xi32, #tpu.memory_space<hbm>> -> memref<2048xi32, #tpu.memory_space<hbm>>
    tpu.enqueue_dma source(%dma_start3A_68 : memref<2048xi32, #tpu.memory_space<hbm>>) target(%dma_start3A_65 : memref<2048xi32, #tpu.memory_space<vmem>>) target_semaphore(%arg10 : memref<!tpu.dma_semaphore, #tpu.memory_space<semaphore_mem>>)
    %dma_start3A_69 = arith.constant 8192 : i32
    %dma_start3A_70 = tpu.memref_slice %arg7[%dma_start3A_69] : memref<16384xi32, #tpu.memory_space<vmem>> -> memref<2048xi32, #tpu.memory_space<vmem>>
    %dma_start3A_71 = arith.constant 0 : i32
    %dma_start3A_72 = tpu.memref_slice %arg2[%add3A_23, %dma_start3A_71] : memref<4096x2048xi32, #tpu.memory_space<hbm>> -> memref<1x2048xi32, #tpu.memory_space<hbm>>
    %dma_start3A_73 = tpu.memref_squeeze %dma_start3A_72 : memref<1x2048xi32, #tpu.memory_space<hbm>> -> memref<2048xi32, #tpu.memory_space<hbm>>
    %dma_start3A_74 = arith.constant 8192 : i32
    %dma_start3A_75 = tpu.memref_slice %arg7[%dma_start3A_74] : memref<16384xi32, #tpu.memory_space<vmem>> -> memref<2048xi32, #tpu.memory_space<vmem>>
    %dma_start3A_76 = arith.constant 0 : i32
    %dma_start3A_77 = tpu.memref_slice %arg2[%add3A_23, %dma_start3A_76] : memref<4096x2048xi32, #tpu.memory_space<hbm>> -> memref<1x2048xi32, #tpu.memory_space<hbm>>
    %dma_start3A_78 = tpu.memref_squeeze %dma_start3A_77 : memref<1x2048xi32, #tpu.memory_space<hbm>> -> memref<2048xi32, #tpu.memory_space<hbm>>
    tpu.enqueue_dma source(%dma_start3A_78 : memref<2048xi32, #tpu.memory_space<hbm>>) target(%dma_start3A_75 : memref<2048xi32, #tpu.memory_space<vmem>>) target_semaphore(%arg10 : memref<!tpu.dma_semaphore, #tpu.memory_space<semaphore_mem>>)
    %dma_start3A_79 = arith.constant 10240 : i32
    %dma_start3A_80 = tpu.memref_slice %arg7[%dma_start3A_79] : memref<16384xi32, #tpu.memory_space<vmem>> -> memref<2048xi32, #tpu.memory_space<vmem>>
    %dma_start3A_81 = arith.constant 0 : i32
    %dma_start3A_82 = tpu.memref_slice %arg2[%add3A_25, %dma_start3A_81] : memref<4096x2048xi32, #tpu.memory_space<hbm>> -> memref<1x2048xi32, #tpu.memory_space<hbm>>
    %dma_start3A_83 = tpu.memref_squeeze %dma_start3A_82 : memref<1x2048xi32, #tpu.memory_space<hbm>> -> memref<2048xi32, #tpu.memory_space<hbm>>
    %dma_start3A_84 = arith.constant 10240 : i32
    %dma_start3A_85 = tpu.memref_slice %arg7[%dma_start3A_84] : memref<16384xi32, #tpu.memory_space<vmem>> -> memref<2048xi32, #tpu.memory_space<vmem>>
    %dma_start3A_86 = arith.constant 0 : i32
    %dma_start3A_87 = tpu.memref_slice %arg2[%add3A_25, %dma_start3A_86] : memref<4096x2048xi32, #tpu.memory_space<hbm>> -> memref<1x2048xi32, #tpu.memory_space<hbm>>
    %dma_start3A_88 = tpu.memref_squeeze %dma_start3A_87 : memref<1x2048xi32, #tpu.memory_space<hbm>> -> memref<2048xi32, #tpu.memory_space<hbm>>
    tpu.enqueue_dma source(%dma_start3A_88 : memref<2048xi32, #tpu.memory_space<hbm>>) target(%dma_start3A_85 : memref<2048xi32, #tpu.memory_space<vmem>>) target_semaphore(%arg10 : memref<!tpu.dma_semaphore, #tpu.memory_space<semaphore_mem>>)
    %dma_start3A_89 = arith.constant 12288 : i32
    %dma_start3A_90 = tpu.memref_slice %arg7[%dma_start3A_89] : memref<16384xi32, #tpu.memory_space<vmem>> -> memref<2048xi32, #tpu.memory_space<vmem>>
    %dma_start3A_91 = arith.constant 0 : i32
    %dma_start3A_92 = tpu.memref_slice %arg2[%add3A_27, %dma_start3A_91] : memref<4096x2048xi32, #tpu.memory_space<hbm>> -> memref<1x2048xi32, #tpu.memory_space<hbm>>
    %dma_start3A_93 = tpu.memref_squeeze %dma_start3A_92 : memref<1x2048xi32, #tpu.memory_space<hbm>> -> memref<2048xi32, #tpu.memory_space<hbm>>
    %dma_start3A_94 = arith.constant 12288 : i32
    %dma_start3A_95 = tpu.memref_slice %arg7[%dma_start3A_94] : memref<16384xi32, #tpu.memory_space<vmem>> -> memref<2048xi32, #tpu.memory_space<vmem>>
    %dma_start3A_96 = arith.constant 0 : i32
    %dma_start3A_97 = tpu.memref_slice %arg2[%add3A_27, %dma_start3A_96] : memref<4096x2048xi32, #tpu.memory_space<hbm>> -> memref<1x2048xi32, #tpu.memory_space<hbm>>
    %dma_start3A_98 = tpu.memref_squeeze %dma_start3A_97 : memref<1x2048xi32, #tpu.memory_space<hbm>> -> memref<2048xi32, #tpu.memory_space<hbm>>
    tpu.enqueue_dma source(%dma_start3A_98 : memref<2048xi32, #tpu.memory_space<hbm>>) target(%dma_start3A_95 : memref<2048xi32, #tpu.memory_space<vmem>>) target_semaphore(%arg10 : memref<!tpu.dma_semaphore, #tpu.memory_space<semaphore_mem>>)
    %dma_start3A_99 = arith.constant 14336 : i32
    %dma_start3A_100 = tpu.memref_slice %arg7[%dma_start3A_99] : memref<16384xi32, #tpu.memory_space<vmem>> -> memref<2048xi32, #tpu.memory_space<vmem>>
    %dma_start3A_101 = arith.constant 0 : i32
    %dma_start3A_102 = tpu.memref_slice %arg2[%add3A_29, %dma_start3A_101] : memref<4096x2048xi32, #tpu.memory_space<hbm>> -> memref<1x2048xi32, #tpu.memory_space<hbm>>
    %dma_start3A_103 = tpu.memref_squeeze %dma_start3A_102 : memref<1x2048xi32, #tpu.memory_space<hbm>> -> memref<2048xi32, #tpu.memory_space<hbm>>
    %dma_start3A_104 = arith.constant 14336 : i32
    %dma_start3A_105 = tpu.memref_slice %arg7[%dma_start3A_104] : memref<16384xi32, #tpu.memory_space<vmem>> -> memref<2048xi32, #tpu.memory_space<vmem>>
    %dma_start3A_106 = arith.constant 0 : i32
    %dma_start3A_107 = tpu.memref_slice %arg2[%add3A_29, %dma_start3A_106] : memref<4096x2048xi32, #tpu.memory_space<hbm>> -> memref<1x2048xi32, #tpu.memory_space<hbm>>
    %dma_start3A_108 = tpu.memref_squeeze %dma_start3A_107 : memref<1x2048xi32, #tpu.memory_space<hbm>> -> memref<2048xi32, #tpu.memory_space<hbm>>
    tpu.enqueue_dma source(%dma_start3A_108 : memref<2048xi32, #tpu.memory_space<hbm>>) target(%dma_start3A_105 : memref<2048xi32, #tpu.memory_space<vmem>>) target_semaphore(%arg10 : memref<!tpu.dma_semaphore, #tpu.memory_space<semaphore_mem>>)
    %add3A_109 = arith.constant 0 : i32
    %add3A_110 = arith.addi %mul3A_2, %add3A_109 : i32
    "tpu.region"() ({
      %run_scoped3A = tpu.sem_alloc : memref<!tpu.dma_semaphore, #tpu.memory_space<semaphore_mem>>
      %dma_start3A_215 = arith.constant 0 : i32
      %dma_start3A_216 = tpu.memref_slice %arg3[%add3A_110, %dma_start3A_215] : memref<4096x96xi32, #tpu.memory_space<hbm>> -> memref<8x96xi32, #tpu.memory_space<hbm>>
      %dma_start3A_217 = arith.constant 0 : i32
      %dma_start3A_218 = tpu.memref_slice %arg3[%add3A_110, %dma_start3A_217] : memref<4096x96xi32, #tpu.memory_space<hbm>> -> memref<8x96xi32, #tpu.memory_space<hbm>>
      tpu.enqueue_dma source(%dma_start3A_218 : memref<8x96xi32, #tpu.memory_space<hbm>>) target(%arg5 : memref<8x96xi32, #tpu.memory_space<vmem>>) target_semaphore(%run_scoped3A : memref<!tpu.dma_semaphore, #tpu.memory_space<semaphore_mem>>)
      %dma_wait3A_219 = arith.constant 0 : i32
      %dma_wait3A_220 = tpu.memref_slice %arg3[%add3A_110, %dma_wait3A_219] : memref<4096x96xi32, #tpu.memory_space<hbm>> -> memref<8x96xi32, #tpu.memory_space<hbm>>
      %dma_wait3A_221 = arith.constant 0 : i32
      %dma_wait3A_222 = tpu.memref_slice %arg3[%add3A_110, %dma_wait3A_221] : memref<4096x96xi32, #tpu.memory_space<hbm>> -> memref<8x96xi32, #tpu.memory_space<hbm>>
      tpu.wait_dma2 semaphore(%run_scoped3A : memref<!tpu.dma_semaphore, #tpu.memory_space<semaphore_mem>>) src(%dma_wait3A_222 : memref<8x96xi32, #tpu.memory_space<hbm>>) dst(%arg5 : memref<8x96xi32, #tpu.memory_space<vmem>>)
      tpu.yield
    }) : () -> ()
    %scan3A_111 = arith.constant 0 : i32
    %scan3A_112 = arith.constant 0 : i32
    %scan3A_113 = arith.constant 8 : i32
    %scan3A_114 = arith.addi %scan3A_112, %scan3A_113 : i32
    %scan3A_115 = arith.constant 1 : i32
    %scan3A_116 = scf.for %scan3A_215 = %scan3A_112 to %scan3A_114 step %scan3A_115 iter_args(%scan3A_216 = %scan3A_111) -> (i32)  : i32 {
      %mul3A_217 = arith.constant 2 : i32
      %mul3A_218 = arith.muli %scan3A_215, %mul3A_217 : i32
      %mul3A_219 = arith.constant 8 : i32
      %mul3A_220 = arith.muli %mul3A_218, %mul3A_219 : i32
      %add3A_221 = arith.addi %mul3A_2, %mul3A_220 : i32
      %add3A_222 = arith.constant 0 : i32
      %add3A_223 = arith.addi %add3A_221, %add3A_222 : i32
      %add3A_224 = arith.constant 1 : i32
      %add3A_225 = arith.addi %add3A_221, %add3A_224 : i32
      %add3A_226 = arith.constant 2 : i32
      %add3A_227 = arith.addi %add3A_221, %add3A_226 : i32
      %add3A_228 = arith.constant 3 : i32
      %add3A_229 = arith.addi %add3A_221, %add3A_228 : i32
      %add3A_230 = arith.constant 4 : i32
      %add3A_231 = arith.addi %add3A_221, %add3A_230 : i32
      %add3A_232 = arith.constant 5 : i32
      %add3A_233 = arith.addi %add3A_221, %add3A_232 : i32
      %add3A_234 = arith.constant 6 : i32
      %add3A_235 = arith.addi %add3A_221, %add3A_234 : i32
      %add3A_236 = arith.constant 7 : i32
      %add3A_237 = arith.addi %add3A_221, %add3A_236 : i32
      %dma_wait3A_238 = arith.constant 0 : i32
      %dma_wait3A_239 = tpu.memref_slice %arg7[%dma_wait3A_238] : memref<16384xi32, #tpu.memory_space<vmem>> -> memref<2048xi32, #tpu.memory_space<vmem>>
      %dma_wait3A_240 = arith.constant 0 : i32
      %dma_wait3A_241 = tpu.memref_slice %arg2[%add3A_223, %dma_wait3A_240] : memref<4096x2048xi32, #tpu.memory_space<hbm>> -> memref<1x2048xi32, #tpu.memory_space<hbm>>
      %dma_wait3A_242 = tpu.memref_squeeze %dma_wait3A_241 : memref<1x2048xi32, #tpu.memory_space<hbm>> -> memref<2048xi32, #tpu.memory_space<hbm>>
      %dma_wait3A_243 = arith.constant 0 : i32
      %dma_wait3A_244 = tpu.memref_slice %arg7[%dma_wait3A_243] : memref<16384xi32, #tpu.memory_space<vmem>> -> memref<2048xi32, #tpu.memory_space<vmem>>
      %dma_wait3A_245 = arith.constant 0 : i32
      %dma_wait3A_246 = tpu.memref_slice %arg2[%add3A_223, %dma_wait3A_245] : memref<4096x2048xi32, #tpu.memory_space<hbm>> -> memref<1x2048xi32, #tpu.memory_space<hbm>>
      %dma_wait3A_247 = tpu.memref_squeeze %dma_wait3A_246 : memref<1x2048xi32, #tpu.memory_space<hbm>> -> memref<2048xi32, #tpu.memory_space<hbm>>
      tpu.wait_dma2 semaphore(%arg10 : memref<!tpu.dma_semaphore, #tpu.memory_space<semaphore_mem>>) src(%dma_wait3A_247 : memref<2048xi32, #tpu.memory_space<hbm>>) dst(%dma_wait3A_244 : memref<2048xi32, #tpu.memory_space<vmem>>)
      %dma_wait3A_248 = arith.constant 2048 : i32
      %dma_wait3A_249 = tpu.memref_slice %arg7[%dma_wait3A_248] : memref<16384xi32, #tpu.memory_space<vmem>> -> memref<2048xi32, #tpu.memory_space<vmem>>
      %dma_wait3A_250 = arith.constant 0 : i32
      %dma_wait3A_251 = tpu.memref_slice %arg2[%add3A_225, %dma_wait3A_250] : memref<4096x2048xi32, #tpu.memory_space<hbm>> -> memref<1x2048xi32, #tpu.memory_space<hbm>>
      %dma_wait3A_252 = tpu.memref_squeeze %dma_wait3A_251 : memref<1x2048xi32, #tpu.memory_space<hbm>> -> memref<2048xi32, #tpu.memory_space<hbm>>
      %dma_wait3A_253 = arith.constant 2048 : i32
      %dma_wait3A_254 = tpu.memref_slice %arg7[%dma_wait3A_253] : memref<16384xi32, #tpu.memory_space<vmem>> -> memref<2048xi32, #tpu.memory_space<vmem>>
      %dma_wait3A_255 = arith.constant 0 : i32
      %dma_wait3A_256 = tpu.memref_slice %arg2[%add3A_225, %dma_wait3A_255] : memref<4096x2048xi32, #tpu.memory_space<hbm>> -> memref<1x2048xi32, #tpu.memory_space<hbm>>
      %dma_wait3A_257 = tpu.memref_squeeze %dma_wait3A_256 : memref<1x2048xi32, #tpu.memory_space<hbm>> -> memref<2048xi32, #tpu.memory_space<hbm>>
      tpu.wait_dma2 semaphore(%arg10 : memref<!tpu.dma_semaphore, #tpu.memory_space<semaphore_mem>>) src(%dma_wait3A_257 : memref<2048xi32, #tpu.memory_space<hbm>>) dst(%dma_wait3A_254 : memref<2048xi32, #tpu.memory_space<vmem>>)
      %dma_wait3A_258 = arith.constant 4096 : i32
      %dma_wait3A_259 = tpu.memref_slice %arg7[%dma_wait3A_258] : memref<16384xi32, #tpu.memory_space<vmem>> -> memref<2048xi32, #tpu.memory_space<vmem>>
      %dma_wait3A_260 = arith.constant 0 : i32
      %dma_wait3A_261 = tpu.memref_slice %arg2[%add3A_227, %dma_wait3A_260] : memref<4096x2048xi32, #tpu.memory_space<hbm>> -> memref<1x2048xi32, #tpu.memory_space<hbm>>
      %dma_wait3A_262 = tpu.memref_squeeze %dma_wait3A_261 : memref<1x2048xi32, #tpu.memory_space<hbm>> -> memref<2048xi32, #tpu.memory_space<hbm>>
      %dma_wait3A_263 = arith.constant 4096 : i32
      %dma_wait3A_264 = tpu.memref_slice %arg7[%dma_wait3A_263] : memref<16384xi32, #tpu.memory_space<vmem>> -> memref<2048xi32, #tpu.memory_space<vmem>>
      %dma_wait3A_265 = arith.constant 0 : i32
      %dma_wait3A_266 = tpu.memref_slice %arg2[%add3A_227, %dma_wait3A_265] : memref<4096x2048xi32, #tpu.memory_space<hbm>> -> memref<1x2048xi32, #tpu.memory_space<hbm>>
      %dma_wait3A_267 = tpu.memref_squeeze %dma_wait3A_266 : memref<1x2048xi32, #tpu.memory_space<hbm>> -> memref<2048xi32, #tpu.memory_space<hbm>>
      tpu.wait_dma2 semaphore(%arg10 : memref<!tpu.dma_semaphore, #tpu.memory_space<semaphore_mem>>) src(%dma_wait3A_267 : memref<2048xi32, #tpu.memory_space<hbm>>) dst(%dma_wait3A_264 : memref<2048xi32, #tpu.memory_space<vmem>>)
      %dma_wait3A_268 = arith.constant 6144 : i32
      %dma_wait3A_269 = tpu.memref_slice %arg7[%dma_wait3A_268] : memref<16384xi32, #tpu.memory_space<vmem>> -> memref<2048xi32, #tpu.memory_space<vmem>>
      %dma_wait3A_270 = arith.constant 0 : i32
      %dma_wait3A_271 = tpu.memref_slice %arg2[%add3A_229, %dma_wait3A_270] : memref<4096x2048xi32, #tpu.memory_space<hbm>> -> memref<1x2048xi32, #tpu.memory_space<hbm>>
      %dma_wait3A_272 = tpu.memref_squeeze %dma_wait3A_271 : memref<1x2048xi32, #tpu.memory_space<hbm>> -> memref<2048xi32, #tpu.memory_space<hbm>>
      %dma_wait3A_273 = arith.constant 6144 : i32
      %dma_wait3A_274 = tpu.memref_slice %arg7[%dma_wait3A_273] : memref<16384xi32, #tpu.memory_space<vmem>> -> memref<2048xi32, #tpu.memory_space<vmem>>
      %dma_wait3A_275 = arith.constant 0 : i32
      %dma_wait3A_276 = tpu.memref_slice %arg2[%add3A_229, %dma_wait3A_275] : memref<4096x2048xi32, #tpu.memory_space<hbm>> -> memref<1x2048xi32, #tpu.memory_space<hbm>>
      %dma_wait3A_277 = tpu.memref_squeeze %dma_wait3A_276 : memref<1x2048xi32, #tpu.memory_space<hbm>> -> memref<2048xi32, #tpu.memory_space<hbm>>
      tpu.wait_dma2 semaphore(%arg10 : memref<!tpu.dma_semaphore, #tpu.memory_space<semaphore_mem>>) src(%dma_wait3A_277 : memref<2048xi32, #tpu.memory_space<hbm>>) dst(%dma_wait3A_274 : memref<2048xi32, #tpu.memory_space<vmem>>)
      %dma_wait3A_278 = arith.constant 8192 : i32
      %dma_wait3A_279 = tpu.memref_slice %arg7[%dma_wait3A_278] : memref<16384xi32, #tpu.memory_space<vmem>> -> memref<2048xi32, #tpu.memory_space<vmem>>
      %dma_wait3A_280 = arith.constant 0 : i32
      %dma_wait3A_281 = tpu.memref_slice %arg2[%add3A_231, %dma_wait3A_280] : memref<4096x2048xi32, #tpu.memory_space<hbm>> -> memref<1x2048xi32, #tpu.memory_space<hbm>>
      %dma_wait3A_282 = tpu.memref_squeeze %dma_wait3A_281 : memref<1x2048xi32, #tpu.memory_space<hbm>> -> memref<2048xi32, #tpu.memory_space<hbm>>
      %dma_wait3A_283 = arith.constant 8192 : i32
      %dma_wait3A_284 = tpu.memref_slice %arg7[%dma_wait3A_283] : memref<16384xi32, #tpu.memory_space<vmem>> -> memref<2048xi32, #tpu.memory_space<vmem>>
      %dma_wait3A_285 = arith.constant 0 : i32
      %dma_wait3A_286 = tpu.memref_slice %arg2[%add3A_231, %dma_wait3A_285] : memref<4096x2048xi32, #tpu.memory_space<hbm>> -> memref<1x2048xi32, #tpu.memory_space<hbm>>
      %dma_wait3A_287 = tpu.memref_squeeze %dma_wait3A_286 : memref<1x2048xi32, #tpu.memory_space<hbm>> -> memref<2048xi32, #tpu.memory_space<hbm>>
      tpu.wait_dma2 semaphore(%arg10 : memref<!tpu.dma_semaphore, #tpu.memory_space<semaphore_mem>>) src(%dma_wait3A_287 : memref<2048xi32, #tpu.memory_space<hbm>>) dst(%dma_wait3A_284 : memref<2048xi32, #tpu.memory_space<vmem>>)
      %dma_wait3A_288 = arith.constant 10240 : i32
      %dma_wait3A_289 = tpu.memref_slice %arg7[%dma_wait3A_288] : memref<16384xi32, #tpu.memory_space<vmem>> -> memref<2048xi32, #tpu.memory_space<vmem>>
      %dma_wait3A_290 = arith.constant 0 : i32
      %dma_wait3A_291 = tpu.memref_slice %arg2[%add3A_233, %dma_wait3A_290] : memref<4096x2048xi32, #tpu.memory_space<hbm>> -> memref<1x2048xi32, #tpu.memory_space<hbm>>
      %dma_wait3A_292 = tpu.memref_squeeze %dma_wait3A_291 : memref<1x2048xi32, #tpu.memory_space<hbm>> -> memref<2048xi32, #tpu.memory_space<hbm>>
      %dma_wait3A_293 = arith.constant 10240 : i32
      %dma_wait3A_294 = tpu.memref_slice %arg7[%dma_wait3A_293] : memref<16384xi32, #tpu.memory_space<vmem>> -> memref<2048xi32, #tpu.memory_space<vmem>>
      %dma_wait3A_295 = arith.constant 0 : i32
      %dma_wait3A_296 = tpu.memref_slice %arg2[%add3A_233, %dma_wait3A_295] : memref<4096x2048xi32, #tpu.memory_space<hbm>> -> memref<1x2048xi32, #tpu.memory_space<hbm>>
      %dma_wait3A_297 = tpu.memref_squeeze %dma_wait3A_296 : memref<1x2048xi32, #tpu.memory_space<hbm>> -> memref<2048xi32, #tpu.memory_space<hbm>>
      tpu.wait_dma2 semaphore(%arg10 : memref<!tpu.dma_semaphore, #tpu.memory_space<semaphore_mem>>) src(%dma_wait3A_297 : memref<2048xi32, #tpu.memory_space<hbm>>) dst(%dma_wait3A_294 : memref<2048xi32, #tpu.memory_space<vmem>>)
      %dma_wait3A_298 = arith.constant 12288 : i32
      %dma_wait3A_299 = tpu.memref_slice %arg7[%dma_wait3A_298] : memref<16384xi32, #tpu.memory_space<vmem>> -> memref<2048xi32, #tpu.memory_space<vmem>>
      %dma_wait3A_300 = arith.constant 0 : i32
      %dma_wait3A_301 = tpu.memref_slice %arg2[%add3A_235, %dma_wait3A_300] : memref<4096x2048xi32, #tpu.memory_space<hbm>> -> memref<1x2048xi32, #tpu.memory_space<hbm>>
      %dma_wait3A_302 = tpu.memref_squeeze %dma_wait3A_301 : memref<1x2048xi32, #tpu.memory_space<hbm>> -> memref<2048xi32, #tpu.memory_space<hbm>>
      %dma_wait3A_303 = arith.constant 12288 : i32
      %dma_wait3A_304 = tpu.memref_slice %arg7[%dma_wait3A_303] : memref<16384xi32, #tpu.memory_space<vmem>> -> memref<2048xi32, #tpu.memory_space<vmem>>
      %dma_wait3A_305 = arith.constant 0 : i32
      %dma_wait3A_306 = tpu.memref_slice %arg2[%add3A_235, %dma_wait3A_305] : memref<4096x2048xi32, #tpu.memory_space<hbm>> -> memref<1x2048xi32, #tpu.memory_space<hbm>>
      %dma_wait3A_307 = tpu.memref_squeeze %dma_wait3A_306 : memref<1x2048xi32, #tpu.memory_space<hbm>> -> memref<2048xi32, #tpu.memory_space<hbm>>
      tpu.wait_dma2 semaphore(%arg10 : memref<!tpu.dma_semaphore, #tpu.memory_space<semaphore_mem>>) src(%dma_wait3A_307 : memref<2048xi32, #tpu.memory_space<hbm>>) dst(%dma_wait3A_304 : memref<2048xi32, #tpu.memory_space<vmem>>)
      %dma_wait3A_308 = arith.constant 14336 : i32
      %dma_wait3A_309 = tpu.memref_slice %arg7[%dma_wait3A_308] : memref<16384xi32, #tpu.memory_space<vmem>> -> memref<2048xi32, #tpu.memory_space<vmem>>
      %dma_wait3A_310 = arith.constant 0 : i32
      %dma_wait3A_311 = tpu.memref_slice %arg2[%add3A_237, %dma_wait3A_310] : memref<4096x2048xi32, #tpu.memory_space<hbm>> -> memref<1x2048xi32, #tpu.memory_space<hbm>>
      %dma_wait3A_312 = tpu.memref_squeeze %dma_wait3A_311 : memref<1x2048xi32, #tpu.memory_space<hbm>> -> memref<2048xi32, #tpu.memory_space<hbm>>
      %dma_wait3A_313 = arith.constant 14336 : i32
      %dma_wait3A_314 = tpu.memref_slice %arg7[%dma_wait3A_313] : memref<16384xi32, #tpu.memory_space<vmem>> -> memref<2048xi32, #tpu.memory_space<vmem>>
      %dma_wait3A_315 = arith.constant 0 : i32
      %dma_wait3A_316 = tpu.memref_slice %arg2[%add3A_237, %dma_wait3A_315] : memref<4096x2048xi32, #tpu.memory_space<hbm>> -> memref<1x2048xi32, #tpu.memory_space<hbm>>
      %dma_wait3A_317 = tpu.memref_squeeze %dma_wait3A_316 : memref<1x2048xi32, #tpu.memory_space<hbm>> -> memref<2048xi32, #tpu.memory_space<hbm>>
      tpu.wait_dma2 semaphore(%arg10 : memref<!tpu.dma_semaphore, #tpu.memory_space<semaphore_mem>>) src(%dma_wait3A_317 : memref<2048xi32, #tpu.memory_space<hbm>>) dst(%dma_wait3A_314 : memref<2048xi32, #tpu.memory_space<vmem>>)
      %gt3A = arith.constant 0 : i32
      %gt3A_318 = arith.cmpi sgt, %mul3A_218, %gt3A : i32
      %convert_element_type3A = arith.extui %gt3A_318 : i1 to i32
      %cond3A = arith.constant 0 : i32
      %cond3A_319 = arith.cmpi ne, %convert_element_type3A, %cond3A : i32
      scf.if %cond3A_319 {
        %sub3A = arith.constant 1 : i32
        %sub3A_655 = arith.subi %mul3A_218, %sub3A : i32
        %mul3A_656 = arith.constant 8 : i32
        %mul3A_657 = arith.muli %sub3A_655, %mul3A_656 : i32
        %add3A_658 = arith.addi %mul3A_2, %mul3A_657 : i32
        %add3A_659 = arith.constant 0 : i32
        %add3A_660 = arith.addi %add3A_658, %add3A_659 : i32
        %add3A_661 = arith.constant 1 : i32
        %add3A_662 = arith.addi %add3A_658, %add3A_661 : i32
        %add3A_663 = arith.constant 2 : i32
        %add3A_664 = arith.addi %add3A_658, %add3A_663 : i32
        %add3A_665 = arith.constant 3 : i32
        %add3A_666 = arith.addi %add3A_658, %add3A_665 : i32
        %add3A_667 = arith.constant 4 : i32
        %add3A_668 = arith.addi %add3A_658, %add3A_667 : i32
        %add3A_669 = arith.constant 5 : i32
        %add3A_670 = arith.addi %add3A_658, %add3A_669 : i32
        %add3A_671 = arith.constant 6 : i32
        %add3A_672 = arith.addi %add3A_658, %add3A_671 : i32
        %add3A_673 = arith.constant 7 : i32
        %add3A_674 = arith.addi %add3A_658, %add3A_673 : i32
        %dma_wait3A_675 = arith.constant 0 : i32
        %dma_wait3A_676 = tpu.memref_slice %arg9[%dma_wait3A_675] : memref<32768xf32, #tpu.memory_space<vmem>> -> memref<4096xf32, #tpu.memory_space<vmem>>
        %dma_wait3A_677 = arith.constant 0 : i32
        %dma_wait3A_678 = tpu.memref_slice %arg4[%add3A_660, %dma_wait3A_677] : memref<4096x4096xf32, #tpu.memory_space<hbm>> -> memref<1x4096xf32, #tpu.memory_space<hbm>>
        %dma_wait3A_679 = tpu.memref_squeeze %dma_wait3A_678 : memref<1x4096xf32, #tpu.memory_space<hbm>> -> memref<4096xf32, #tpu.memory_space<hbm>>
        %dma_wait3A_680 = arith.constant 0 : i32
        %dma_wait3A_681 = tpu.memref_slice %arg4[%add3A_660, %dma_wait3A_680] : memref<4096x4096xf32, #tpu.memory_space<hbm>> -> memref<1x4096xf32, #tpu.memory_space<hbm>>
        %dma_wait3A_682 = tpu.memref_squeeze %dma_wait3A_681 : memref<1x4096xf32, #tpu.memory_space<hbm>> -> memref<4096xf32, #tpu.memory_space<hbm>>
        %dma_wait3A_683 = arith.constant 0 : i32
        %dma_wait3A_684 = tpu.memref_slice %arg9[%dma_wait3A_683] : memref<32768xf32, #tpu.memory_space<vmem>> -> memref<4096xf32, #tpu.memory_space<vmem>>
        tpu.wait_dma2 semaphore(%arg12 : memref<!tpu.dma_semaphore, #tpu.memory_space<semaphore_mem>>) src(%dma_wait3A_684 : memref<4096xf32, #tpu.memory_space<vmem>>) dst(%dma_wait3A_682 : memref<4096xf32, #tpu.memory_space<hbm>>)
        %dma_wait3A_685 = arith.constant 4096 : i32
        %dma_wait3A_686 = tpu.memref_slice %arg9[%dma_wait3A_685] : memref<32768xf32, #tpu.memory_space<vmem>> -> memref<4096xf32, #tpu.memory_space<vmem>>
        %dma_wait3A_687 = arith.constant 0 : i32
        %dma_wait3A_688 = tpu.memref_slice %arg4[%add3A_662, %dma_wait3A_687] : memref<4096x4096xf32, #tpu.memory_space<hbm>> -> memref<1x4096xf32, #tpu.memory_space<hbm>>
        %dma_wait3A_689 = tpu.memref_squeeze %dma_wait3A_688 : memref<1x4096xf32, #tpu.memory_space<hbm>> -> memref<4096xf32, #tpu.memory_space<hbm>>
        %dma_wait3A_690 = arith.constant 0 : i32
        %dma_wait3A_691 = tpu.memref_slice %arg4[%add3A_662, %dma_wait3A_690] : memref<4096x4096xf32, #tpu.memory_space<hbm>> -> memref<1x4096xf32, #tpu.memory_space<hbm>>
        %dma_wait3A_692 = tpu.memref_squeeze %dma_wait3A_691 : memref<1x4096xf32, #tpu.memory_space<hbm>> -> memref<4096xf32, #tpu.memory_space<hbm>>
        %dma_wait3A_693 = arith.constant 4096 : i32
        %dma_wait3A_694 = tpu.memref_slice %arg9[%dma_wait3A_693] : memref<32768xf32, #tpu.memory_space<vmem>> -> memref<4096xf32, #tpu.memory_space<vmem>>
        tpu.wait_dma2 semaphore(%arg12 : memref<!tpu.dma_semaphore, #tpu.memory_space<semaphore_mem>>) src(%dma_wait3A_694 : memref<4096xf32, #tpu.memory_space<vmem>>) dst(%dma_wait3A_692 : memref<4096xf32, #tpu.memory_space<hbm>>)
        %dma_wait3A_695 = arith.constant 8192 : i32
        %dma_wait3A_696 = tpu.memref_slice %arg9[%dma_wait3A_695] : memref<32768xf32, #tpu.memory_space<vmem>> -> memref<4096xf32, #tpu.memory_space<vmem>>
        %dma_wait3A_697 = arith.constant 0 : i32
        %dma_wait3A_698 = tpu.memref_slice %arg4[%add3A_664, %dma_wait3A_697] : memref<4096x4096xf32, #tpu.memory_space<hbm>> -> memref<1x4096xf32, #tpu.memory_space<hbm>>
        %dma_wait3A_699 = tpu.memref_squeeze %dma_wait3A_698 : memref<1x4096xf32, #tpu.memory_space<hbm>> -> memref<4096xf32, #tpu.memory_space<hbm>>
        %dma_wait3A_700 = arith.constant 0 : i32
        %dma_wait3A_701 = tpu.memref_slice %arg4[%add3A_664, %dma_wait3A_700] : memref<4096x4096xf32, #tpu.memory_space<hbm>> -> memref<1x4096xf32, #tpu.memory_space<hbm>>
        %dma_wait3A_702 = tpu.memref_squeeze %dma_wait3A_701 : memref<1x4096xf32, #tpu.memory_space<hbm>> -> memref<4096xf32, #tpu.memory_space<hbm>>
        %dma_wait3A_703 = arith.constant 8192 : i32
        %dma_wait3A_704 = tpu.memref_slice %arg9[%dma_wait3A_703] : memref<32768xf32, #tpu.memory_space<vmem>> -> memref<4096xf32, #tpu.memory_space<vmem>>
        tpu.wait_dma2 semaphore(%arg12 : memref<!tpu.dma_semaphore, #tpu.memory_space<semaphore_mem>>) src(%dma_wait3A_704 : memref<4096xf32, #tpu.memory_space<vmem>>) dst(%dma_wait3A_702 : memref<4096xf32, #tpu.memory_space<hbm>>)
        %dma_wait3A_705 = arith.constant 12288 : i32
        %dma_wait3A_706 = tpu.memref_slice %arg9[%dma_wait3A_705] : memref<32768xf32, #tpu.memory_space<vmem>> -> memref<4096xf32, #tpu.memory_space<vmem>>
        %dma_wait3A_707 = arith.constant 0 : i32
        %dma_wait3A_708 = tpu.memref_slice %arg4[%add3A_666, %dma_wait3A_707] : memref<4096x4096xf32, #tpu.memory_space<hbm>> -> memref<1x4096xf32, #tpu.memory_space<hbm>>
        %dma_wait3A_709 = tpu.memref_squeeze %dma_wait3A_708 : memref<1x4096xf32, #tpu.memory_space<hbm>> -> memref<4096xf32, #tpu.memory_space<hbm>>
        %dma_wait3A_710 = arith.constant 0 : i32
        %dma_wait3A_711 = tpu.memref_slice %arg4[%add3A_666, %dma_wait3A_710] : memref<4096x4096xf32, #tpu.memory_space<hbm>> -> memref<1x4096xf32, #tpu.memory_space<hbm>>
        %dma_wait3A_712 = tpu.memref_squeeze %dma_wait3A_711 : memref<1x4096xf32, #tpu.memory_space<hbm>> -> memref<4096xf32, #tpu.memory_space<hbm>>
        %dma_wait3A_713 = arith.constant 12288 : i32
        %dma_wait3A_714 = tpu.memref_slice %arg9[%dma_wait3A_713] : memref<32768xf32, #tpu.memory_space<vmem>> -> memref<4096xf32, #tpu.memory_space<vmem>>
        tpu.wait_dma2 semaphore(%arg12 : memref<!tpu.dma_semaphore, #tpu.memory_space<semaphore_mem>>) src(%dma_wait3A_714 : memref<4096xf32, #tpu.memory_space<vmem>>) dst(%dma_wait3A_712 : memref<4096xf32, #tpu.memory_space<hbm>>)
        %dma_wait3A_715 = arith.constant 16384 : i32
        %dma_wait3A_716 = tpu.memref_slice %arg9[%dma_wait3A_715] : memref<32768xf32, #tpu.memory_space<vmem>> -> memref<4096xf32, #tpu.memory_space<vmem>>
        %dma_wait3A_717 = arith.constant 0 : i32
        %dma_wait3A_718 = tpu.memref_slice %arg4[%add3A_668, %dma_wait3A_717] : memref<4096x4096xf32, #tpu.memory_space<hbm>> -> memref<1x4096xf32, #tpu.memory_space<hbm>>
        %dma_wait3A_719 = tpu.memref_squeeze %dma_wait3A_718 : memref<1x4096xf32, #tpu.memory_space<hbm>> -> memref<4096xf32, #tpu.memory_space<hbm>>
        %dma_wait3A_720 = arith.constant 0 : i32
        %dma_wait3A_721 = tpu.memref_slice %arg4[%add3A_668, %dma_wait3A_720] : memref<4096x4096xf32, #tpu.memory_space<hbm>> -> memref<1x4096xf32, #tpu.memory_space<hbm>>
        %dma_wait3A_722 = tpu.memref_squeeze %dma_wait3A_721 : memref<1x4096xf32, #tpu.memory_space<hbm>> -> memref<4096xf32, #tpu.memory_space<hbm>>
        %dma_wait3A_723 = arith.constant 16384 : i32
        %dma_wait3A_724 = tpu.memref_slice %arg9[%dma_wait3A_723] : memref<32768xf32, #tpu.memory_space<vmem>> -> memref<4096xf32, #tpu.memory_space<vmem>>
        tpu.wait_dma2 semaphore(%arg12 : memref<!tpu.dma_semaphore, #tpu.memory_space<semaphore_mem>>) src(%dma_wait3A_724 : memref<4096xf32, #tpu.memory_space<vmem>>) dst(%dma_wait3A_722 : memref<4096xf32, #tpu.memory_space<hbm>>)
        %dma_wait3A_725 = arith.constant 20480 : i32
        %dma_wait3A_726 = tpu.memref_slice %arg9[%dma_wait3A_725] : memref<32768xf32, #tpu.memory_space<vmem>> -> memref<4096xf32, #tpu.memory_space<vmem>>
        %dma_wait3A_727 = arith.constant 0 : i32
        %dma_wait3A_728 = tpu.memref_slice %arg4[%add3A_670, %dma_wait3A_727] : memref<4096x4096xf32, #tpu.memory_space<hbm>> -> memref<1x4096xf32, #tpu.memory_space<hbm>>
        %dma_wait3A_729 = tpu.memref_squeeze %dma_wait3A_728 : memref<1x4096xf32, #tpu.memory_space<hbm>> -> memref<4096xf32, #tpu.memory_space<hbm>>
        %dma_wait3A_730 = arith.constant 0 : i32
        %dma_wait3A_731 = tpu.memref_slice %arg4[%add3A_670, %dma_wait3A_730] : memref<4096x4096xf32, #tpu.memory_space<hbm>> -> memref<1x4096xf32, #tpu.memory_space<hbm>>
        %dma_wait3A_732 = tpu.memref_squeeze %dma_wait3A_731 : memref<1x4096xf32, #tpu.memory_space<hbm>> -> memref<4096xf32, #tpu.memory_space<hbm>>
        %dma_wait3A_733 = arith.constant 20480 : i32
        %dma_wait3A_734 = tpu.memref_slice %arg9[%dma_wait3A_733] : memref<32768xf32, #tpu.memory_space<vmem>> -> memref<4096xf32, #tpu.memory_space<vmem>>
        tpu.wait_dma2 semaphore(%arg12 : memref<!tpu.dma_semaphore, #tpu.memory_space<semaphore_mem>>) src(%dma_wait3A_734 : memref<4096xf32, #tpu.memory_space<vmem>>) dst(%dma_wait3A_732 : memref<4096xf32, #tpu.memory_space<hbm>>)
        %dma_wait3A_735 = arith.constant 24576 : i32
        %dma_wait3A_736 = tpu.memref_slice %arg9[%dma_wait3A_735] : memref<32768xf32, #tpu.memory_space<vmem>> -> memref<4096xf32, #tpu.memory_space<vmem>>
        %dma_wait3A_737 = arith.constant 0 : i32
        %dma_wait3A_738 = tpu.memref_slice %arg4[%add3A_672, %dma_wait3A_737] : memref<4096x4096xf32, #tpu.memory_space<hbm>> -> memref<1x4096xf32, #tpu.memory_space<hbm>>
        %dma_wait3A_739 = tpu.memref_squeeze %dma_wait3A_738 : memref<1x4096xf32, #tpu.memory_space<hbm>> -> memref<4096xf32, #tpu.memory_space<hbm>>
        %dma_wait3A_740 = arith.constant 0 : i32
        %dma_wait3A_741 = tpu.memref_slice %arg4[%add3A_672, %dma_wait3A_740] : memref<4096x4096xf32, #tpu.memory_space<hbm>> -> memref<1x4096xf32, #tpu.memory_space<hbm>>
        %dma_wait3A_742 = tpu.memref_squeeze %dma_wait3A_741 : memref<1x4096xf32, #tpu.memory_space<hbm>> -> memref<4096xf32, #tpu.memory_space<hbm>>
        %dma_wait3A_743 = arith.constant 24576 : i32
        %dma_wait3A_744 = tpu.memref_slice %arg9[%dma_wait3A_743] : memref<32768xf32, #tpu.memory_space<vmem>> -> memref<4096xf32, #tpu.memory_space<vmem>>
        tpu.wait_dma2 semaphore(%arg12 : memref<!tpu.dma_semaphore, #tpu.memory_space<semaphore_mem>>) src(%dma_wait3A_744 : memref<4096xf32, #tpu.memory_space<vmem>>) dst(%dma_wait3A_742 : memref<4096xf32, #tpu.memory_space<hbm>>)
        %dma_wait3A_745 = arith.constant 28672 : i32
        %dma_wait3A_746 = tpu.memref_slice %arg9[%dma_wait3A_745] : memref<32768xf32, #tpu.memory_space<vmem>> -> memref<4096xf32, #tpu.memory_space<vmem>>
        %dma_wait3A_747 = arith.constant 0 : i32
        %dma_wait3A_748 = tpu.memref_slice %arg4[%add3A_674, %dma_wait3A_747] : memref<4096x4096xf32, #tpu.memory_space<hbm>> -> memref<1x4096xf32, #tpu.memory_space<hbm>>
        %dma_wait3A_749 = tpu.memref_squeeze %dma_wait3A_748 : memref<1x4096xf32, #tpu.memory_space<hbm>> -> memref<4096xf32, #tpu.memory_space<hbm>>
        %dma_wait3A_750 = arith.constant 0 : i32
        %dma_wait3A_751 = tpu.memref_slice %arg4[%add3A_674, %dma_wait3A_750] : memref<4096x4096xf32, #tpu.memory_space<hbm>> -> memref<1x4096xf32, #tpu.memory_space<hbm>>
        %dma_wait3A_752 = tpu.memref_squeeze %dma_wait3A_751 : memref<1x4096xf32, #tpu.memory_space<hbm>> -> memref<4096xf32, #tpu.memory_space<hbm>>
        %dma_wait3A_753 = arith.constant 28672 : i32
        %dma_wait3A_754 = tpu.memref_slice %arg9[%dma_wait3A_753] : memref<32768xf32, #tpu.memory_space<vmem>> -> memref<4096xf32, #tpu.memory_space<vmem>>
        tpu.wait_dma2 semaphore(%arg12 : memref<!tpu.dma_semaphore, #tpu.memory_space<semaphore_mem>>) src(%dma_wait3A_754 : memref<4096xf32, #tpu.memory_space<vmem>>) dst(%dma_wait3A_752 : memref<4096xf32, #tpu.memory_space<hbm>>)
        %scan3A_755 = arith.constant 0 : i32
        %scan3A_756 = arith.constant 0 : i32
        %scan3A_757 = arith.constant 8 : i32
        %scan3A_758 = arith.addi %scan3A_756, %scan3A_757 : i32
        %scan3A_759 = arith.constant 1 : i32
        %scan3A_760 = scf.for %scan3A_762 = %scan3A_756 to %scan3A_758 step %scan3A_759 iter_args(%scan3A_763 = %scan3A_755) -> (i32)  : i32 {
          %get3A = arith.index_cast %scan3A_762 : i32 to index
          %get3A_764 = arith.constant 0 : index
          %get3A_765 = tpu.vector_load %arg6[%get3A, %get3A_764] {strides = array<i32>} : memref<8x96xi32, #tpu.memory_space<vmem>>, vector<16xi32>,
          %mul3A_766 = arith.constant 4096 : i32
          %mul3A_767 = arith.muli %scan3A_762, %mul3A_766 : i32
          %add3A_768 = vector.broadcast %mul3A_767 : i32 to vector<16xi32>
          %add3A_769 = arith.addi %get3A_765, %add3A_768 : vector<16xi32>
          tpu.vector_store_idx %arg9[%add3A_769], %broadcast_in_dim3A_3 : memref<32768xf32, #tpu.memory_space<vmem>>[vector<16xi32>], vector<16xf32>,
          %get3A_770 = arith.index_cast %scan3A_762 : i32 to index
          %get3A_771 = arith.constant 16 : index
          %get3A_772 = tpu.vector_load %arg6[%get3A_770, %get3A_771] {strides = array<i32>} : memref<8x96xi32, #tpu.memory_space<vmem>>, vector<16xi32>,
          %mul3A_773 = arith.constant 4096 : i32
          %mul3A_774 = arith.muli %scan3A_762, %mul3A_773 : i32
          %add3A_775 = vector.broadcast %mul3A_774 : i32 to vector<16xi32>
          %add3A_776 = arith.addi %get3A_772, %add3A_775 : vector<16xi32>
          tpu.vector_store_idx %arg9[%add3A_776], %broadcast_in_dim3A_3 : memref<32768xf32, #tpu.memory_space<vmem>>[vector<16xi32>], vector<16xf32>,
          %get3A_777 = arith.index_cast %scan3A_762 : i32 to index
          %get3A_778 = arith.constant 32 : index
          %get3A_779 = tpu.vector_load %arg6[%get3A_777, %get3A_778] {strides = array<i32>} : memref<8x96xi32, #tpu.memory_space<vmem>>, vector<16xi32>,
          %mul3A_780 = arith.constant 4096 : i32
          %mul3A_781 = arith.muli %scan3A_762, %mul3A_780 : i32
          %add3A_782 = vector.broadcast %mul3A_781 : i32 to vector<16xi32>
          %add3A_783 = arith.addi %get3A_779, %add3A_782 : vector<16xi32>
          tpu.vector_store_idx %arg9[%add3A_783], %broadcast_in_dim3A_3 : memref<32768xf32, #tpu.memory_space<vmem>>[vector<16xi32>], vector<16xf32>,
          %get3A_784 = arith.index_cast %scan3A_762 : i32 to index
          %get3A_785 = arith.constant 48 : index
          %get3A_786 = tpu.vector_load %arg6[%get3A_784, %get3A_785] {strides = array<i32>} : memref<8x96xi32, #tpu.memory_space<vmem>>, vector<16xi32>,
          %mul3A_787 = arith.constant 4096 : i32
          %mul3A_788 = arith.muli %scan3A_762, %mul3A_787 : i32
          %add3A_789 = vector.broadcast %mul3A_788 : i32 to vector<16xi32>
          %add3A_790 = arith.addi %get3A_786, %add3A_789 : vector<16xi32>
          tpu.vector_store_idx %arg9[%add3A_790], %broadcast_in_dim3A_3 : memref<32768xf32, #tpu.memory_space<vmem>>[vector<16xi32>], vector<16xf32>,
          %get3A_791 = arith.index_cast %scan3A_762 : i32 to index
          %get3A_792 = arith.constant 64 : index
          %get3A_793 = tpu.vector_load %arg6[%get3A_791, %get3A_792] {strides = array<i32>} : memref<8x96xi32, #tpu.memory_space<vmem>>, vector<16xi32>,
          %mul3A_794 = arith.constant 4096 : i32
          %mul3A_795 = arith.muli %scan3A_762, %mul3A_794 : i32
          %add3A_796 = vector.broadcast %mul3A_795 : i32 to vector<16xi32>
          %add3A_797 = arith.addi %get3A_793, %add3A_796 : vector<16xi32>
          tpu.vector_store_idx %arg9[%add3A_797], %broadcast_in_dim3A_3 : memref<32768xf32, #tpu.memory_space<vmem>>[vector<16xi32>], vector<16xf32>,
          %get3A_798 = arith.index_cast %scan3A_762 : i32 to index
          %get3A_799 = arith.constant 80 : index
          %get3A_800 = tpu.vector_load %arg6[%get3A_798, %get3A_799] {strides = array<i32>} : memref<8x96xi32, #tpu.memory_space<vmem>>, vector<16xi32>,
          %mul3A_801 = arith.constant 4096 : i32
          %mul3A_802 = arith.muli %scan3A_762, %mul3A_801 : i32
          %add3A_803 = vector.broadcast %mul3A_802 : i32 to vector<16xi32>
          %add3A_804 = arith.addi %get3A_800, %add3A_803 : vector<16xi32>
          tpu.vector_store_idx %arg9[%add3A_804], %broadcast_in_dim3A_3 masked %lt3A_5 : memref<32768xf32, #tpu.memory_space<vmem>>[vector<16xi32>], vector<16xf32>, vector<16xi1>
          %scan3A_805 = arith.constant 0 : i32
          scf.yield %scan3A_805 : i32
        }
        %scan3A_761 = arith.constant 8 : i32
      } else {
      }
      %add3A_320 = arith.constant 1 : i32
      %add3A_321 = arith.addi %mul3A_218, %add3A_320 : i32
      %lt3A_322 = arith.constant 16 : i32
      %lt3A_323 = arith.cmpi slt, %add3A_321, %lt3A_322 : i32
      %convert_element_type3A_324 = arith.extui %lt3A_323 : i1 to i32
      %cond3A_325 = arith.constant 0 : i32
      %cond3A_326 = arith.cmpi ne, %convert_element_type3A_324, %cond3A_325 : i32
      scf.if %cond3A_326 {
        %add3A_655 = arith.constant 1 : i32
        %add3A_656 = arith.addi %mul3A_218, %add3A_655 : i32
        %mul3A_657 = arith.constant 8 : i32
        %mul3A_658 = arith.muli %add3A_656, %mul3A_657 : i32
        %add3A_659 = arith.addi %mul3A_2, %mul3A_658 : i32
        %add3A_660 = arith.constant 0 : i32
        %add3A_661 = arith.addi %add3A_659, %add3A_660 : i32
        %add3A_662 = arith.constant 1 : i32
        %add3A_663 = arith.addi %add3A_659, %add3A_662 : i32
        %add3A_664 = arith.constant 2 : i32
        %add3A_665 = arith.addi %add3A_659, %add3A_664 : i32
        %add3A_666 = arith.constant 3 : i32
        %add3A_667 = arith.addi %add3A_659, %add3A_666 : i32
        %add3A_668 = arith.constant 4 : i32
        %add3A_669 = arith.addi %add3A_659, %add3A_668 : i32
        %add3A_670 = arith.constant 5 : i32
        %add3A_671 = arith.addi %add3A_659, %add3A_670 : i32
        %add3A_672 = arith.constant 6 : i32
        %add3A_673 = arith.addi %add3A_659, %add3A_672 : i32
        %add3A_674 = arith.constant 7 : i32
        %add3A_675 = arith.addi %add3A_659, %add3A_674 : i32
        %dma_start3A_676 = arith.constant 0 : i32
        %dma_start3A_677 = tpu.memref_slice %arg8[%dma_start3A_676] : memref<16384xi32, #tpu.memory_space<vmem>> -> memref<2048xi32, #tpu.memory_space<vmem>>
        %dma_start3A_678 = arith.constant 0 : i32
        %dma_start3A_679 = tpu.memref_slice %arg2[%add3A_661, %dma_start3A_678] : memref<4096x2048xi32, #tpu.memory_space<hbm>> -> memref<1x2048xi32, #tpu.memory_space<hbm>>
        %dma_start3A_680 = tpu.memref_squeeze %dma_start3A_679 : memref<1x2048xi32, #tpu.memory_space<hbm>> -> memref<2048xi32, #tpu.memory_space<hbm>>
        %dma_start3A_681 = arith.constant 0 : i32
        %dma_start3A_682 = tpu.memref_slice %arg8[%dma_start3A_681] : memref<16384xi32, #tpu.memory_space<vmem>> -> memref<2048xi32, #tpu.memory_space<vmem>>
        %dma_start3A_683 = arith.constant 0 : i32
        %dma_start3A_684 = tpu.memref_slice %arg2[%add3A_661, %dma_start3A_683] : memref<4096x2048xi32, #tpu.memory_space<hbm>> -> memref<1x2048xi32, #tpu.memory_space<hbm>>
        %dma_start3A_685 = tpu.memref_squeeze %dma_start3A_684 : memref<1x2048xi32, #tpu.memory_space<hbm>> -> memref<2048xi32, #tpu.memory_space<hbm>>
        tpu.enqueue_dma source(%dma_start3A_685 : memref<2048xi32, #tpu.memory_space<hbm>>) target(%dma_start3A_682 : memref<2048xi32, #tpu.memory_space<vmem>>) target_semaphore(%arg11 : memref<!tpu.dma_semaphore, #tpu.memory_space<semaphore_mem>>)
        %dma_start3A_686 = arith.constant 2048 : i32
        %dma_start3A_687 = tpu.memref_slice %arg8[%dma_start3A_686] : memref<16384xi32, #tpu.memory_space<vmem>> -> memref<2048xi32, #tpu.memory_space<vmem>>
        %dma_start3A_688 = arith.constant 0 : i32
        %dma_start3A_689 = tpu.memref_slice %arg2[%add3A_663, %dma_start3A_688] : memref<4096x2048xi32, #tpu.memory_space<hbm>> -> memref<1x2048xi32, #tpu.memory_space<hbm>>
        %dma_start3A_690 = tpu.memref_squeeze %dma_start3A_689 : memref<1x2048xi32, #tpu.memory_space<hbm>> -> memref<2048xi32, #tpu.memory_space<hbm>>
        %dma_start3A_691 = arith.constant 2048 : i32
        %dma_start3A_692 = tpu.memref_slice %arg8[%dma_start3A_691] : memref<16384xi32, #tpu.memory_space<vmem>> -> memref<2048xi32, #tpu.memory_space<vmem>>
        %dma_start3A_693 = arith.constant 0 : i32
        %dma_start3A_694 = tpu.memref_slice %arg2[%add3A_663, %dma_start3A_693] : memref<4096x2048xi32, #tpu.memory_space<hbm>> -> memref<1x2048xi32, #tpu.memory_space<hbm>>
        %dma_start3A_695 = tpu.memref_squeeze %dma_start3A_694 : memref<1x2048xi32, #tpu.memory_space<hbm>> -> memref<2048xi32, #tpu.memory_space<hbm>>
        tpu.enqueue_dma source(%dma_start3A_695 : memref<2048xi32, #tpu.memory_space<hbm>>) target(%dma_start3A_692 : memref<2048xi32, #tpu.memory_space<vmem>>) target_semaphore(%arg11 : memref<!tpu.dma_semaphore, #tpu.memory_space<semaphore_mem>>)
        %dma_start3A_696 = arith.constant 4096 : i32
        %dma_start3A_697 = tpu.memref_slice %arg8[%dma_start3A_696] : memref<16384xi32, #tpu.memory_space<vmem>> -> memref<2048xi32, #tpu.memory_space<vmem>>
        %dma_start3A_698 = arith.constant 0 : i32
        %dma_start3A_699 = tpu.memref_slice %arg2[%add3A_665, %dma_start3A_698] : memref<4096x2048xi32, #tpu.memory_space<hbm>> -> memref<1x2048xi32, #tpu.memory_space<hbm>>
        %dma_start3A_700 = tpu.memref_squeeze %dma_start3A_699 : memref<1x2048xi32, #tpu.memory_space<hbm>> -> memref<2048xi32, #tpu.memory_space<hbm>>
        %dma_start3A_701 = arith.constant 4096 : i32
        %dma_start3A_702 = tpu.memref_slice %arg8[%dma_start3A_701] : memref<16384xi32, #tpu.memory_space<vmem>> -> memref<2048xi32, #tpu.memory_space<vmem>>
        %dma_start3A_703 = arith.constant 0 : i32
        %dma_start3A_704 = tpu.memref_slice %arg2[%add3A_665, %dma_start3A_703] : memref<4096x2048xi32, #tpu.memory_space<hbm>> -> memref<1x2048xi32, #tpu.memory_space<hbm>>
        %dma_start3A_705 = tpu.memref_squeeze %dma_start3A_704 : memref<1x2048xi32, #tpu.memory_space<hbm>> -> memref<2048xi32, #tpu.memory_space<hbm>>
        tpu.enqueue_dma source(%dma_start3A_705 : memref<2048xi32, #tpu.memory_space<hbm>>) target(%dma_start3A_702 : memref<2048xi32, #tpu.memory_space<vmem>>) target_semaphore(%arg11 : memref<!tpu.dma_semaphore, #tpu.memory_space<semaphore_mem>>)
        %dma_start3A_706 = arith.constant 6144 : i32
        %dma_start3A_707 = tpu.memref_slice %arg8[%dma_start3A_706] : memref<16384xi32, #tpu.memory_space<vmem>> -> memref<2048xi32, #tpu.memory_space<vmem>>
        %dma_start3A_708 = arith.constant 0 : i32
        %dma_start3A_709 = tpu.memref_slice %arg2[%add3A_667, %dma_start3A_708] : memref<4096x2048xi32, #tpu.memory_space<hbm>> -> memref<1x2048xi32, #tpu.memory_space<hbm>>
        %dma_start3A_710 = tpu.memref_squeeze %dma_start3A_709 : memref<1x2048xi32, #tpu.memory_space<hbm>> -> memref<2048xi32, #tpu.memory_space<hbm>>
        %dma_start3A_711 = arith.constant 6144 : i32
        %dma_start3A_712 = tpu.memref_slice %arg8[%dma_start3A_711] : memref<16384xi32, #tpu.memory_space<vmem>> -> memref<2048xi32, #tpu.memory_space<vmem>>
        %dma_start3A_713 = arith.constant 0 : i32
        %dma_start3A_714 = tpu.memref_slice %arg2[%add3A_667, %dma_start3A_713] : memref<4096x2048xi32, #tpu.memory_space<hbm>> -> memref<1x2048xi32, #tpu.memory_space<hbm>>
        %dma_start3A_715 = tpu.memref_squeeze %dma_start3A_714 : memref<1x2048xi32, #tpu.memory_space<hbm>> -> memref<2048xi32, #tpu.memory_space<hbm>>
        tpu.enqueue_dma source(%dma_start3A_715 : memref<2048xi32, #tpu.memory_space<hbm>>) target(%dma_start3A_712 : memref<2048xi32, #tpu.memory_space<vmem>>) target_semaphore(%arg11 : memref<!tpu.dma_semaphore, #tpu.memory_space<semaphore_mem>>)
        %dma_start3A_716 = arith.constant 8192 : i32
        %dma_start3A_717 = tpu.memref_slice %arg8[%dma_start3A_716] : memref<16384xi32, #tpu.memory_space<vmem>> -> memref<2048xi32, #tpu.memory_space<vmem>>
        %dma_start3A_718 = arith.constant 0 : i32
        %dma_start3A_719 = tpu.memref_slice %arg2[%add3A_669, %dma_start3A_718] : memref<4096x2048xi32, #tpu.memory_space<hbm>> -> memref<1x2048xi32, #tpu.memory_space<hbm>>
        %dma_start3A_720 = tpu.memref_squeeze %dma_start3A_719 : memref<1x2048xi32, #tpu.memory_space<hbm>> -> memref<2048xi32, #tpu.memory_space<hbm>>
        %dma_start3A_721 = arith.constant 8192 : i32
        %dma_start3A_722 = tpu.memref_slice %arg8[%dma_start3A_721] : memref<16384xi32, #tpu.memory_space<vmem>> -> memref<2048xi32, #tpu.memory_space<vmem>>
        %dma_start3A_723 = arith.constant 0 : i32
        %dma_start3A_724 = tpu.memref_slice %arg2[%add3A_669, %dma_start3A_723] : memref<4096x2048xi32, #tpu.memory_space<hbm>> -> memref<1x2048xi32, #tpu.memory_space<hbm>>
        %dma_start3A_725 = tpu.memref_squeeze %dma_start3A_724 : memref<1x2048xi32, #tpu.memory_space<hbm>> -> memref<2048xi32, #tpu.memory_space<hbm>>
        tpu.enqueue_dma source(%dma_start3A_725 : memref<2048xi32, #tpu.memory_space<hbm>>) target(%dma_start3A_722 : memref<2048xi32, #tpu.memory_space<vmem>>) target_semaphore(%arg11 : memref<!tpu.dma_semaphore, #tpu.memory_space<semaphore_mem>>)
        %dma_start3A_726 = arith.constant 10240 : i32
        %dma_start3A_727 = tpu.memref_slice %arg8[%dma_start3A_726] : memref<16384xi32, #tpu.memory_space<vmem>> -> memref<2048xi32, #tpu.memory_space<vmem>>
        %dma_start3A_728 = arith.constant 0 : i32
        %dma_start3A_729 = tpu.memref_slice %arg2[%add3A_671, %dma_start3A_728] : memref<4096x2048xi32, #tpu.memory_space<hbm>> -> memref<1x2048xi32, #tpu.memory_space<hbm>>
        %dma_start3A_730 = tpu.memref_squeeze %dma_start3A_729 : memref<1x2048xi32, #tpu.memory_space<hbm>> -> memref<2048xi32, #tpu.memory_space<hbm>>
        %dma_start3A_731 = arith.constant 10240 : i32
        %dma_start3A_732 = tpu.memref_slice %arg8[%dma_start3A_731] : memref<16384xi32, #tpu.memory_space<vmem>> -> memref<2048xi32, #tpu.memory_space<vmem>>
        %dma_start3A_733 = arith.constant 0 : i32
        %dma_start3A_734 = tpu.memref_slice %arg2[%add3A_671, %dma_start3A_733] : memref<4096x2048xi32, #tpu.memory_space<hbm>> -> memref<1x2048xi32, #tpu.memory_space<hbm>>
        %dma_start3A_735 = tpu.memref_squeeze %dma_start3A_734 : memref<1x2048xi32, #tpu.memory_space<hbm>> -> memref<2048xi32, #tpu.memory_space<hbm>>
        tpu.enqueue_dma source(%dma_start3A_735 : memref<2048xi32, #tpu.memory_space<hbm>>) target(%dma_start3A_732 : memref<2048xi32, #tpu.memory_space<vmem>>) target_semaphore(%arg11 : memref<!tpu.dma_semaphore, #tpu.memory_space<semaphore_mem>>)
        %dma_start3A_736 = arith.constant 12288 : i32
        %dma_start3A_737 = tpu.memref_slice %arg8[%dma_start3A_736] : memref<16384xi32, #tpu.memory_space<vmem>> -> memref<2048xi32, #tpu.memory_space<vmem>>
        %dma_start3A_738 = arith.constant 0 : i32
        %dma_start3A_739 = tpu.memref_slice %arg2[%add3A_673, %dma_start3A_738] : memref<4096x2048xi32, #tpu.memory_space<hbm>> -> memref<1x2048xi32, #tpu.memory_space<hbm>>
        %dma_start3A_740 = tpu.memref_squeeze %dma_start3A_739 : memref<1x2048xi32, #tpu.memory_space<hbm>> -> memref<2048xi32, #tpu.memory_space<hbm>>
        %dma_start3A_741 = arith.constant 12288 : i32
        %dma_start3A_742 = tpu.memref_slice %arg8[%dma_start3A_741] : memref<16384xi32, #tpu.memory_space<vmem>> -> memref<2048xi32, #tpu.memory_space<vmem>>
        %dma_start3A_743 = arith.constant 0 : i32
        %dma_start3A_744 = tpu.memref_slice %arg2[%add3A_673, %dma_start3A_743] : memref<4096x2048xi32, #tpu.memory_space<hbm>> -> memref<1x2048xi32, #tpu.memory_space<hbm>>
        %dma_start3A_745 = tpu.memref_squeeze %dma_start3A_744 : memref<1x2048xi32, #tpu.memory_space<hbm>> -> memref<2048xi32, #tpu.memory_space<hbm>>
        tpu.enqueue_dma source(%dma_start3A_745 : memref<2048xi32, #tpu.memory_space<hbm>>) target(%dma_start3A_742 : memref<2048xi32, #tpu.memory_space<vmem>>) target_semaphore(%arg11 : memref<!tpu.dma_semaphore, #tpu.memory_space<semaphore_mem>>)
        %dma_start3A_746 = arith.constant 14336 : i32
        %dma_start3A_747 = tpu.memref_slice %arg8[%dma_start3A_746] : memref<16384xi32, #tpu.memory_space<vmem>> -> memref<2048xi32, #tpu.memory_space<vmem>>
        %dma_start3A_748 = arith.constant 0 : i32
        %dma_start3A_749 = tpu.memref_slice %arg2[%add3A_675, %dma_start3A_748] : memref<4096x2048xi32, #tpu.memory_space<hbm>> -> memref<1x2048xi32, #tpu.memory_space<hbm>>
        %dma_start3A_750 = tpu.memref_squeeze %dma_start3A_749 : memref<1x2048xi32, #tpu.memory_space<hbm>> -> memref<2048xi32, #tpu.memory_space<hbm>>
        %dma_start3A_751 = arith.constant 14336 : i32
        %dma_start3A_752 = tpu.memref_slice %arg8[%dma_start3A_751] : memref<16384xi32, #tpu.memory_space<vmem>> -> memref<2048xi32, #tpu.memory_space<vmem>>
        %dma_start3A_753 = arith.constant 0 : i32
        %dma_start3A_754 = tpu.memref_slice %arg2[%add3A_675, %dma_start3A_753] : memref<4096x2048xi32, #tpu.memory_space<hbm>> -> memref<1x2048xi32, #tpu.memory_space<hbm>>
        %dma_start3A_755 = tpu.memref_squeeze %dma_start3A_754 : memref<1x2048xi32, #tpu.memory_space<hbm>> -> memref<2048xi32, #tpu.memory_space<hbm>>
        tpu.enqueue_dma source(%dma_start3A_755 : memref<2048xi32, #tpu.memory_space<hbm>>) target(%dma_start3A_752 : memref<2048xi32, #tpu.memory_space<vmem>>) target_semaphore(%arg11 : memref<!tpu.dma_semaphore, #tpu.memory_space<semaphore_mem>>)
        %mul3A_756 = arith.constant 8 : i32
        %mul3A_757 = arith.muli %add3A_656, %mul3A_756 : i32
        %add3A_758 = arith.addi %mul3A_2, %mul3A_757 : i32
        "tpu.region"() ({
          %run_scoped3A = tpu.sem_alloc : memref<!tpu.dma_semaphore, #tpu.memory_space<semaphore_mem>>
          %dma_start3A_759 = arith.constant 0 : i32
          %dma_start3A_760 = tpu.memref_slice %arg3[%add3A_758, %dma_start3A_759] : memref<4096x96xi32, #tpu.memory_space<hbm>> -> memref<8x96xi32, #tpu.memory_space<hbm>>
          %dma_start3A_761 = arith.constant 0 : i32
          %dma_start3A_762 = tpu.memref_slice %arg3[%add3A_758, %dma_start3A_761] : memref<4096x96xi32, #tpu.memory_space<hbm>> -> memref<8x96xi32, #tpu.memory_space<hbm>>
          tpu.enqueue_dma source(%dma_start3A_762 : memref<8x96xi32, #tpu.memory_space<hbm>>) target(%arg6 : memref<8x96xi32, #tpu.memory_space<vmem>>) target_semaphore(%run_scoped3A : memref<!tpu.dma_semaphore, #tpu.memory_space<semaphore_mem>>)
          %dma_wait3A_763 = arith.constant 0 : i32
          %dma_wait3A_764 = tpu.memref_slice %arg3[%add3A_758, %dma_wait3A_763] : memref<4096x96xi32, #tpu.memory_space<hbm>> -> memref<8x96xi32, #tpu.memory_space<hbm>>
          %dma_wait3A_765 = arith.constant 0 : i32
          %dma_wait3A_766 = tpu.memref_slice %arg3[%add3A_758, %dma_wait3A_765] : memref<4096x96xi32, #tpu.memory_space<hbm>> -> memref<8x96xi32, #tpu.memory_space<hbm>>
          tpu.wait_dma2 semaphore(%run_scoped3A : memref<!tpu.dma_semaphore, #tpu.memory_space<semaphore_mem>>) src(%dma_wait3A_766 : memref<8x96xi32, #tpu.memory_space<hbm>>) dst(%arg6 : memref<8x96xi32, #tpu.memory_space<vmem>>)
          tpu.yield
        }) : () -> ()
      } else {
      }
      %scan3A_327 = arith.constant 0 : i32
      %scan3A_328 = arith.constant 0 : i32
      %scan3A_329 = arith.constant 8 : i32
      %scan3A_330 = arith.addi %scan3A_328, %scan3A_329 : i32
      %scan3A_331 = arith.constant 1 : i32
      %scan3A_332 = scf.for %scan3A_655 = %scan3A_328 to %scan3A_330 step %scan3A_331 iter_args(%scan3A_656 = %scan3A_327) -> (i32)  : i32 {
        %get3A = arith.index_cast %scan3A_655 : i32 to index
        %get3A_657 = arith.constant 0 : index
        %get3A_658 = tpu.vector_load %arg5[%get3A, %get3A_657] {strides = array<i32>} : memref<8x96xi32, #tpu.memory_space<vmem>>, vector<16xi32>,
        %get3A_659 = arith.index_cast %scan3A_655 : i32 to index
        %get3A_660 = arith.constant 16 : index
        %get3A_661 = tpu.vector_load %arg5[%get3A_659, %get3A_660] {strides = array<i32>} : memref<8x96xi32, #tpu.memory_space<vmem>>, vector<16xi32>,
        %get3A_662 = arith.index_cast %scan3A_655 : i32 to index
        %get3A_663 = arith.constant 32 : index
        %get3A_664 = tpu.vector_load %arg5[%get3A_662, %get3A_663] {strides = array<i32>} : memref<8x96xi32, #tpu.memory_space<vmem>>, vector<16xi32>,
        %get3A_665 = arith.index_cast %scan3A_655 : i32 to index
        %get3A_666 = arith.constant 48 : index
        %get3A_667 = tpu.vector_load %arg5[%get3A_665, %get3A_666] {strides = array<i32>} : memref<8x96xi32, #tpu.memory_space<vmem>>, vector<16xi32>,
        %get3A_668 = arith.index_cast %scan3A_655 : i32 to index
        %get3A_669 = arith.constant 64 : index
        %get3A_670 = tpu.vector_load %arg5[%get3A_668, %get3A_669] {strides = array<i32>} : memref<8x96xi32, #tpu.memory_space<vmem>>, vector<16xi32>,
        %get3A_671 = arith.index_cast %scan3A_655 : i32 to index
        %get3A_672 = arith.constant 80 : index
        %get3A_673 = tpu.vector_load %arg5[%get3A_671, %get3A_672] {strides = array<i32>} : memref<8x96xi32, #tpu.memory_space<vmem>>, vector<16xi32>,
        %mul3A_674 = arith.constant 4096 : i32
        %mul3A_675 = arith.muli %scan3A_655, %mul3A_674 : i32
        %add3A_676 = vector.broadcast %mul3A_675 : i32 to vector<16xi32>
        %add3A_677 = arith.addi %get3A_658, %add3A_676 : vector<16xi32>
        %mul3A_678 = arith.constant 4096 : i32
        %mul3A_679 = arith.muli %scan3A_655, %mul3A_678 : i32
        %add3A_680 = vector.broadcast %mul3A_679 : i32 to vector<16xi32>
        %add3A_681 = arith.addi %get3A_661, %add3A_680 : vector<16xi32>
        %mul3A_682 = arith.constant 4096 : i32
        %mul3A_683 = arith.muli %scan3A_655, %mul3A_682 : i32
        %add3A_684 = vector.broadcast %mul3A_683 : i32 to vector<16xi32>
        %add3A_685 = arith.addi %get3A_664, %add3A_684 : vector<16xi32>
        %mul3A_686 = arith.constant 4096 : i32
        %mul3A_687 = arith.muli %scan3A_655, %mul3A_686 : i32
        %add3A_688 = vector.broadcast %mul3A_687 : i32 to vector<16xi32>
        %add3A_689 = arith.addi %get3A_667, %add3A_688 : vector<16xi32>
        %mul3A_690 = arith.constant 4096 : i32
        %mul3A_691 = arith.muli %scan3A_655, %mul3A_690 : i32
        %add3A_692 = vector.broadcast %mul3A_691 : i32 to vector<16xi32>
        %add3A_693 = arith.addi %get3A_670, %add3A_692 : vector<16xi32>
        %mul3A_694 = arith.constant 4096 : i32
        %mul3A_695 = arith.muli %scan3A_655, %mul3A_694 : i32
        %add3A_696 = vector.broadcast %mul3A_695 : i32 to vector<16xi32>
        %add3A_697 = arith.addi %get3A_673, %add3A_696 : vector<16xi32>
        %and3A = arith.constant 2047 : i32
        %and3A_698 = vector.broadcast %and3A : i32 to vector<16xi32>
        %and3A_699 = arith.andi %get3A_658, %and3A_698 : vector<16xi32>
        %mul3A_700 = arith.constant 2048 : i32
        %mul3A_701 = arith.muli %scan3A_655, %mul3A_700 : i32
        %add3A_702 = vector.broadcast %mul3A_701 : i32 to vector<16xi32>
        %add3A_703 = arith.addi %and3A_699, %add3A_702 : vector<16xi32>
        %gather3A = tpu.vector_load_idx %arg7[%add3A_703] : memref<16384xi32, #tpu.memory_space<vmem>>[vector<16xi32>], vector<16xi32>,
        %ge3A = arith.constant 2048 : i32
        %ge3A_704 = vector.broadcast %ge3A : i32 to vector<16xi32>
        %ge3A_705 = arith.cmpi sge, %get3A_658, %ge3A_704 : vector<16xi32>
        %and3A_706 = arith.constant -65536 : i32
        %and3A_707 = vector.broadcast %and3A_706 : i32 to vector<16xi32>
        %and3A_708 = arith.andi %gather3A, %and3A_707 : vector<16xi32>
        %shift_left3A = arith.constant 16 : i32
        %shift_left3A_709 = vector.broadcast %shift_left3A : i32 to vector<16xi32>
        %shift_left3A_710 = arith.shli %gather3A, %shift_left3A_709 : vector<16xi32>
        %select_n3A = arith.select %ge3A_705, %and3A_708, %shift_left3A_710 : vector<16xi1>, vector<16xi32>
        %bitcast_convert_type3A = tpu.bitcast %select_n3A : vector<16xi32> -> vector<16xf32>
        %and3A_711 = arith.constant 2047 : i32
        %and3A_712 = vector.broadcast %and3A_711 : i32 to vector<16xi32>
        %and3A_713 = arith.andi %get3A_661, %and3A_712 : vector<16xi32>
        %mul3A_714 = arith.constant 2048 : i32
        %mul3A_715 = arith.muli %scan3A_655, %mul3A_714 : i32
        %add3A_716 = vector.broadcast %mul3A_715 : i32 to vector<16xi32>
        %add3A_717 = arith.addi %and3A_713, %add3A_716 : vector<16xi32>
        %gather3A_718 = tpu.vector_load_idx %arg7[%add3A_717] : memref<16384xi32, #tpu.memory_space<vmem>>[vector<16xi32>], vector<16xi32>,
        %ge3A_719 = arith.constant 2048 : i32
        %ge3A_720 = vector.broadcast %ge3A_719 : i32 to vector<16xi32>
        %ge3A_721 = arith.cmpi sge, %get3A_661, %ge3A_720 : vector<16xi32>
        %and3A_722 = arith.constant -65536 : i32
        %and3A_723 = vector.broadcast %and3A_722 : i32 to vector<16xi32>
        %and3A_724 = arith.andi %gather3A_718, %and3A_723 : vector<16xi32>
        %shift_left3A_725 = arith.constant 16 : i32
        %shift_left3A_726 = vector.broadcast %shift_left3A_725 : i32 to vector<16xi32>
        %shift_left3A_727 = arith.shli %gather3A_718, %shift_left3A_726 : vector<16xi32>
        %select_n3A_728 = arith.select %ge3A_721, %and3A_724, %shift_left3A_727 : vector<16xi1>, vector<16xi32>
        %bitcast_convert_type3A_729 = tpu.bitcast %select_n3A_728 : vector<16xi32> -> vector<16xf32>
        %and3A_730 = arith.constant 2047 : i32
        %and3A_731 = vector.broadcast %and3A_730 : i32 to vector<16xi32>
        %and3A_732 = arith.andi %get3A_664, %and3A_731 : vector<16xi32>
        %mul3A_733 = arith.constant 2048 : i32
        %mul3A_734 = arith.muli %scan3A_655, %mul3A_733 : i32
        %add3A_735 = vector.broadcast %mul3A_734 : i32 to vector<16xi32>
        %add3A_736 = arith.addi %and3A_732, %add3A_735 : vector<16xi32>
        %gather3A_737 = tpu.vector_load_idx %arg7[%add3A_736] : memref<16384xi32, #tpu.memory_space<vmem>>[vector<16xi32>], vector<16xi32>,
        %ge3A_738 = arith.constant 2048 : i32
        %ge3A_739 = vector.broadcast %ge3A_738 : i32 to vector<16xi32>
        %ge3A_740 = arith.cmpi sge, %get3A_664, %ge3A_739 : vector<16xi32>
        %and3A_741 = arith.constant -65536 : i32
        %and3A_742 = vector.broadcast %and3A_741 : i32 to vector<16xi32>
        %and3A_743 = arith.andi %gather3A_737, %and3A_742 : vector<16xi32>
        %shift_left3A_744 = arith.constant 16 : i32
        %shift_left3A_745 = vector.broadcast %shift_left3A_744 : i32 to vector<16xi32>
        %shift_left3A_746 = arith.shli %gather3A_737, %shift_left3A_745 : vector<16xi32>
        %select_n3A_747 = arith.select %ge3A_740, %and3A_743, %shift_left3A_746 : vector<16xi1>, vector<16xi32>
        %bitcast_convert_type3A_748 = tpu.bitcast %select_n3A_747 : vector<16xi32> -> vector<16xf32>
        %and3A_749 = arith.constant 2047 : i32
        %and3A_750 = vector.broadcast %and3A_749 : i32 to vector<16xi32>
        %and3A_751 = arith.andi %get3A_667, %and3A_750 : vector<16xi32>
        %mul3A_752 = arith.constant 2048 : i32
        %mul3A_753 = arith.muli %scan3A_655, %mul3A_752 : i32
        %add3A_754 = vector.broadcast %mul3A_753 : i32 to vector<16xi32>
        %add3A_755 = arith.addi %and3A_751, %add3A_754 : vector<16xi32>
        %gather3A_756 = tpu.vector_load_idx %arg7[%add3A_755] : memref<16384xi32, #tpu.memory_space<vmem>>[vector<16xi32>], vector<16xi32>,
        %ge3A_757 = arith.constant 2048 : i32
        %ge3A_758 = vector.broadcast %ge3A_757 : i32 to vector<16xi32>
        %ge3A_759 = arith.cmpi sge, %get3A_667, %ge3A_758 : vector<16xi32>
        %and3A_760 = arith.constant -65536 : i32
        %and3A_761 = vector.broadcast %and3A_760 : i32 to vector<16xi32>
        %and3A_762 = arith.andi %gather3A_756, %and3A_761 : vector<16xi32>
        %shift_left3A_763 = arith.constant 16 : i32
        %shift_left3A_764 = vector.broadcast %shift_left3A_763 : i32 to vector<16xi32>
        %shift_left3A_765 = arith.shli %gather3A_756, %shift_left3A_764 : vector<16xi32>
        %select_n3A_766 = arith.select %ge3A_759, %and3A_762, %shift_left3A_765 : vector<16xi1>, vector<16xi32>
        %bitcast_convert_type3A_767 = tpu.bitcast %select_n3A_766 : vector<16xi32> -> vector<16xf32>
        %and3A_768 = arith.constant 2047 : i32
        %and3A_769 = vector.broadcast %and3A_768 : i32 to vector<16xi32>
        %and3A_770 = arith.andi %get3A_670, %and3A_769 : vector<16xi32>
        %mul3A_771 = arith.constant 2048 : i32
        %mul3A_772 = arith.muli %scan3A_655, %mul3A_771 : i32
        %add3A_773 = vector.broadcast %mul3A_772 : i32 to vector<16xi32>
        %add3A_774 = arith.addi %and3A_770, %add3A_773 : vector<16xi32>
        %gather3A_775 = tpu.vector_load_idx %arg7[%add3A_774] : memref<16384xi32, #tpu.memory_space<vmem>>[vector<16xi32>], vector<16xi32>,
        %ge3A_776 = arith.constant 2048 : i32
        %ge3A_777 = vector.broadcast %ge3A_776 : i32 to vector<16xi32>
        %ge3A_778 = arith.cmpi sge, %get3A_670, %ge3A_777 : vector<16xi32>
        %and3A_779 = arith.constant -65536 : i32
        %and3A_780 = vector.broadcast %and3A_779 : i32 to vector<16xi32>
        %and3A_781 = arith.andi %gather3A_775, %and3A_780 : vector<16xi32>
        %shift_left3A_782 = arith.constant 16 : i32
        %shift_left3A_783 = vector.broadcast %shift_left3A_782 : i32 to vector<16xi32>
        %shift_left3A_784 = arith.shli %gather3A_775, %shift_left3A_783 : vector<16xi32>
        %select_n3A_785 = arith.select %ge3A_778, %and3A_781, %shift_left3A_784 : vector<16xi1>, vector<16xi32>
        %bitcast_convert_type3A_786 = tpu.bitcast %select_n3A_785 : vector<16xi32> -> vector<16xf32>
        %and3A_787 = arith.constant 2047 : i32
        %and3A_788 = vector.broadcast %and3A_787 : i32 to vector<16xi32>
        %and3A_789 = arith.andi %get3A_673, %and3A_788 : vector<16xi32>
        %mul3A_790 = arith.constant 2048 : i32
        %mul3A_791 = arith.muli %scan3A_655, %mul3A_790 : i32
        %add3A_792 = vector.broadcast %mul3A_791 : i32 to vector<16xi32>
        %add3A_793 = arith.addi %and3A_789, %add3A_792 : vector<16xi32>
        %gather3A_794 = tpu.vector_load_idx %arg7[%add3A_793] : memref<16384xi32, #tpu.memory_space<vmem>>[vector<16xi32>], vector<16xi32>,
        %ge3A_795 = arith.constant 2048 : i32
        %ge3A_796 = vector.broadcast %ge3A_795 : i32 to vector<16xi32>
        %ge3A_797 = arith.cmpi sge, %get3A_673, %ge3A_796 : vector<16xi32>
        %and3A_798 = arith.constant -65536 : i32
        %and3A_799 = vector.broadcast %and3A_798 : i32 to vector<16xi32>
        %and3A_800 = arith.andi %gather3A_794, %and3A_799 : vector<16xi32>
        %shift_left3A_801 = arith.constant 16 : i32
        %shift_left3A_802 = vector.broadcast %shift_left3A_801 : i32 to vector<16xi32>
        %shift_left3A_803 = arith.shli %gather3A_794, %shift_left3A_802 : vector<16xi32>
        %select_n3A_804 = arith.select %ge3A_797, %and3A_800, %shift_left3A_803 : vector<16xi1>, vector<16xi32>
        %bitcast_convert_type3A_805 = tpu.bitcast %select_n3A_804 : vector<16xi32> -> vector<16xf32>
        %jit3A = arith.constant -1.000000e+30 : f32
        %broadcast_in_dim3A_806 = vector.broadcast %jit3A : f32 to vector<16xf32>
        %select_n3A_807 = arith.select %lt3A_5, %bitcast_convert_type3A_805, %broadcast_in_dim3A_806 : vector<16xi1>, vector<16xf32>
        %max3A = arith.maximumf %bitcast_convert_type3A, %bitcast_convert_type3A_729 : vector<16xf32>
        %max3A_808 = arith.maximumf %max3A, %bitcast_convert_type3A_748 : vector<16xf32>
        %max3A_809 = arith.maximumf %max3A_808, %bitcast_convert_type3A_767 : vector<16xf32>
        %max3A_810 = arith.maximumf %max3A_809, %bitcast_convert_type3A_786 : vector<16xf32>
        %max3A_811 = arith.maximumf %max3A_810, %select_n3A_807 : vector<16xf32>
        %reduce_max3A = arith.constant true
        %reduce_max3A_812 = vector.broadcast %reduce_max3A : i1 to vector<16xi1>
        %reduce_max3A_813 = tpu.scan <max>, %max3A_811 masked %reduce_max3A_812 : vector<16xf32>, vector<16xi1> -> vector<16xf32>
        %reduce_max3A_814 = vector.extract %reduce_max3A_813[15] : f32 from vector<16xf32>
        %sub3A = vector.broadcast %reduce_max3A_814 : f32 to vector<16xf32>
        %sub3A_815 = arith.subf %bitcast_convert_type3A, %sub3A : vector<16xf32>
        %exp3A = math.exp %sub3A_815 : vector<16xf32>
        %sub3A_816 = vector.broadcast %reduce_max3A_814 : f32 to vector<16xf32>
        %sub3A_817 = arith.subf %bitcast_convert_type3A_729, %sub3A_816 : vector<16xf32>
        %exp3A_818 = math.exp %sub3A_817 : vector<16xf32>
        %sub3A_819 = vector.broadcast %reduce_max3A_814 : f32 to vector<16xf32>
        %sub3A_820 = arith.subf %bitcast_convert_type3A_748, %sub3A_819 : vector<16xf32>
        %exp3A_821 = math.exp %sub3A_820 : vector<16xf32>
        %sub3A_822 = vector.broadcast %reduce_max3A_814 : f32 to vector<16xf32>
        %sub3A_823 = arith.subf %bitcast_convert_type3A_767, %sub3A_822 : vector<16xf32>
        %exp3A_824 = math.exp %sub3A_823 : vector<16xf32>
        %sub3A_825 = vector.broadcast %reduce_max3A_814 : f32 to vector<16xf32>
        %sub3A_826 = arith.subf %bitcast_convert_type3A_786, %sub3A_825 : vector<16xf32>
        %exp3A_827 = math.exp %sub3A_826 : vector<16xf32>
        %sub3A_828 = vector.broadcast %reduce_max3A_814 : f32 to vector<16xf32>
        %sub3A_829 = arith.subf %select_n3A_807, %sub3A_828 : vector<16xf32>
        %exp3A_830 = math.exp %sub3A_829 : vector<16xf32>
        %add3A_831 = arith.addf %exp3A, %exp3A_818 : vector<16xf32>
        %add3A_832 = arith.addf %add3A_831, %exp3A_821 : vector<16xf32>
        %add3A_833 = arith.addf %add3A_832, %exp3A_824 : vector<16xf32>
        %add3A_834 = arith.addf %add3A_833, %exp3A_827 : vector<16xf32>
        %add3A_835 = arith.addf %add3A_834, %exp3A_830 : vector<16xf32>
        %reduce_sum3A = arith.constant true
        %reduce_sum3A_836 = vector.broadcast %reduce_sum3A : i1 to vector<16xi1>
        %reduce_sum3A_837 = tpu.scan <sum>, %add3A_835 masked %reduce_sum3A_836 : vector<16xf32>, vector<16xi1> -> vector<16xf32>
        %reduce_sum3A_838 = vector.extract %reduce_sum3A_837[15] : f32 from vector<16xf32>
        %broadcast_in_dim3A_839 = arith.constant 9.99999996E-13 : f32
        %broadcast_in_dim3A_840 = vector.broadcast %broadcast_in_dim3A_839 : f32 to vector<16xf32>
        %add3A_841 = vector.broadcast %reduce_sum3A_838 : f32 to vector<16xf32>
        %add3A_842 = arith.addf %broadcast_in_dim3A_840, %add3A_841 : vector<16xf32>
        %broadcast_in_dim3A_843 = arith.constant 1.000000e+00 : f32
        %broadcast_in_dim3A_844 = vector.broadcast %broadcast_in_dim3A_843 : f32 to vector<16xf32>
        %div3A = arith.divf %broadcast_in_dim3A_844, %add3A_842 : vector<16xf32>
        %mul3A_845 = arith.mulf %exp3A, %div3A : vector<16xf32>
        tpu.vector_store_idx %arg9[%add3A_677], %mul3A_845 {add = true} : memref<32768xf32, #tpu.memory_space<vmem>>[vector<16xi32>], vector<16xf32>,
        %mul3A_846 = arith.mulf %exp3A_818, %div3A : vector<16xf32>
        tpu.vector_store_idx %arg9[%add3A_681], %mul3A_846 {add = true} : memref<32768xf32, #tpu.memory_space<vmem>>[vector<16xi32>], vector<16xf32>,
        %mul3A_847 = arith.mulf %exp3A_821, %div3A : vector<16xf32>
        tpu.vector_store_idx %arg9[%add3A_685], %mul3A_847 {add = true} : memref<32768xf32, #tpu.memory_space<vmem>>[vector<16xi32>], vector<16xf32>,
        %mul3A_848 = arith.mulf %exp3A_824, %div3A : vector<16xf32>
        tpu.vector_store_idx %arg9[%add3A_689], %mul3A_848 {add = true} : memref<32768xf32, #tpu.memory_space<vmem>>[vector<16xi32>], vector<16xf32>,
        %mul3A_849 = arith.mulf %exp3A_827, %div3A : vector<16xf32>
        tpu.vector_store_idx %arg9[%add3A_693], %mul3A_849 {add = true} : memref<32768xf32, #tpu.memory_space<vmem>>[vector<16xi32>], vector<16xf32>,
        %mul3A_850 = arith.mulf %exp3A_830, %div3A : vector<16xf32>
        tpu.vector_store_idx %arg9[%add3A_697], %mul3A_850 masked %lt3A_5 {add = true} : memref<32768xf32, #tpu.memory_space<vmem>>[vector<16xi32>], vector<16xf32>, vector<16xi1>
        %scan3A_851 = arith.constant 0 : i32
        scf.yield %scan3A_851 : i32
      }
      %scan3A_333 = arith.constant 8 : i32
      %mul3A_334 = arith.constant 8 : i32
      %mul3A_335 = arith.muli %mul3A_218, %mul3A_334 : i32
      %add3A_336 = arith.addi %mul3A_2, %mul3A_335 : i32
      %add3A_337 = arith.constant 0 : i32
      %add3A_338 = arith.addi %add3A_336, %add3A_337 : i32
      %add3A_339 = arith.constant 1 : i32
      %add3A_340 = arith.addi %add3A_336, %add3A_339 : i32
      %add3A_341 = arith.constant 2 : i32
      %add3A_342 = arith.addi %add3A_336, %add3A_341 : i32
      %add3A_343 = arith.constant 3 : i32
      %add3A_344 = arith.addi %add3A_336, %add3A_343 : i32
      %add3A_345 = arith.constant 4 : i32
      %add3A_346 = arith.addi %add3A_336, %add3A_345 : i32
      %add3A_347 = arith.constant 5 : i32
      %add3A_348 = arith.addi %add3A_336, %add3A_347 : i32
      %add3A_349 = arith.constant 6 : i32
      %add3A_350 = arith.addi %add3A_336, %add3A_349 : i32
      %add3A_351 = arith.constant 7 : i32
      %add3A_352 = arith.addi %add3A_336, %add3A_351 : i32
      %dma_start3A_353 = arith.constant 0 : i32
      %dma_start3A_354 = tpu.memref_slice %arg9[%dma_start3A_353] : memref<32768xf32, #tpu.memory_space<vmem>> -> memref<4096xf32, #tpu.memory_space<vmem>>
      %dma_start3A_355 = arith.constant 0 : i32
      %dma_start3A_356 = tpu.memref_slice %arg4[%add3A_338, %dma_start3A_355] : memref<4096x4096xf32, #tpu.memory_space<hbm>> -> memref<1x4096xf32, #tpu.memory_space<hbm>>
      %dma_start3A_357 = tpu.memref_squeeze %dma_start3A_356 : memref<1x4096xf32, #tpu.memory_space<hbm>> -> memref<4096xf32, #tpu.memory_space<hbm>>
      %dma_start3A_358 = arith.constant 0 : i32
      %dma_start3A_359 = tpu.memref_slice %arg4[%add3A_338, %dma_start3A_358] : memref<4096x4096xf32, #tpu.memory_space<hbm>> -> memref<1x4096xf32, #tpu.memory_space<hbm>>
      %dma_start3A_360 = tpu.memref_squeeze %dma_start3A_359 : memref<1x4096xf32, #tpu.memory_space<hbm>> -> memref<4096xf32, #tpu.memory_space<hbm>>
      %dma_start3A_361 = arith.constant 0 : i32
      %dma_start3A_362 = tpu.memref_slice %arg9[%dma_start3A_361] : memref<32768xf32, #tpu.memory_space<vmem>> -> memref<4096xf32, #tpu.memory_space<vmem>>
      tpu.enqueue_dma source(%dma_start3A_362 : memref<4096xf32, #tpu.memory_space<vmem>>) target(%dma_start3A_360 : memref<4096xf32, #tpu.memory_space<hbm>>) target_semaphore(%arg12 : memref<!tpu.dma_semaphore, #tpu.memory_space<semaphore_mem>>)
      %dma_start3A_363 = arith.constant 4096 : i32
      %dma_start3A_364 = tpu.memref_slice %arg9[%dma_start3A_363] : memref<32768xf32, #tpu.memory_space<vmem>> -> memref<4096xf32, #tpu.memory_space<vmem>>
      %dma_start3A_365 = arith.constant 0 : i32
      %dma_start3A_366 = tpu.memref_slice %arg4[%add3A_340, %dma_start3A_365] : memref<4096x4096xf32, #tpu.memory_space<hbm>> -> memref<1x4096xf32, #tpu.memory_space<hbm>>
      %dma_start3A_367 = tpu.memref_squeeze %dma_start3A_366 : memref<1x4096xf32, #tpu.memory_space<hbm>> -> memref<4096xf32, #tpu.memory_space<hbm>>
      %dma_start3A_368 = arith.constant 0 : i32
      %dma_start3A_369 = tpu.memref_slice %arg4[%add3A_340, %dma_start3A_368] : memref<4096x4096xf32, #tpu.memory_space<hbm>> -> memref<1x4096xf32, #tpu.memory_space<hbm>>
      %dma_start3A_370 = tpu.memref_squeeze %dma_start3A_369 : memref<1x4096xf32, #tpu.memory_space<hbm>> -> memref<4096xf32, #tpu.memory_space<hbm>>
      %dma_start3A_371 = arith.constant 4096 : i32
      %dma_start3A_372 = tpu.memref_slice %arg9[%dma_start3A_371] : memref<32768xf32, #tpu.memory_space<vmem>> -> memref<4096xf32, #tpu.memory_space<vmem>>
      tpu.enqueue_dma source(%dma_start3A_372 : memref<4096xf32, #tpu.memory_space<vmem>>) target(%dma_start3A_370 : memref<4096xf32, #tpu.memory_space<hbm>>) target_semaphore(%arg12 : memref<!tpu.dma_semaphore, #tpu.memory_space<semaphore_mem>>)
      %dma_start3A_373 = arith.constant 8192 : i32
      %dma_start3A_374 = tpu.memref_slice %arg9[%dma_start3A_373] : memref<32768xf32, #tpu.memory_space<vmem>> -> memref<4096xf32, #tpu.memory_space<vmem>>
      %dma_start3A_375 = arith.constant 0 : i32
      %dma_start3A_376 = tpu.memref_slice %arg4[%add3A_342, %dma_start3A_375] : memref<4096x4096xf32, #tpu.memory_space<hbm>> -> memref<1x4096xf32, #tpu.memory_space<hbm>>
      %dma_start3A_377 = tpu.memref_squeeze %dma_start3A_376 : memref<1x4096xf32, #tpu.memory_space<hbm>> -> memref<4096xf32, #tpu.memory_space<hbm>>
      %dma_start3A_378 = arith.constant 0 : i32
      %dma_start3A_379 = tpu.memref_slice %arg4[%add3A_342, %dma_start3A_378] : memref<4096x4096xf32, #tpu.memory_space<hbm>> -> memref<1x4096xf32, #tpu.memory_space<hbm>>
      %dma_start3A_380 = tpu.memref_squeeze %dma_start3A_379 : memref<1x4096xf32, #tpu.memory_space<hbm>> -> memref<4096xf32, #tpu.memory_space<hbm>>
      %dma_start3A_381 = arith.constant 8192 : i32
      %dma_start3A_382 = tpu.memref_slice %arg9[%dma_start3A_381] : memref<32768xf32, #tpu.memory_space<vmem>> -> memref<4096xf32, #tpu.memory_space<vmem>>
      tpu.enqueue_dma source(%dma_start3A_382 : memref<4096xf32, #tpu.memory_space<vmem>>) target(%dma_start3A_380 : memref<4096xf32, #tpu.memory_space<hbm>>) target_semaphore(%arg12 : memref<!tpu.dma_semaphore, #tpu.memory_space<semaphore_mem>>)
      %dma_start3A_383 = arith.constant 12288 : i32
      %dma_start3A_384 = tpu.memref_slice %arg9[%dma_start3A_383] : memref<32768xf32, #tpu.memory_space<vmem>> -> memref<4096xf32, #tpu.memory_space<vmem>>
      %dma_start3A_385 = arith.constant 0 : i32
      %dma_start3A_386 = tpu.memref_slice %arg4[%add3A_344, %dma_start3A_385] : memref<4096x4096xf32, #tpu.memory_space<hbm>> -> memref<1x4096xf32, #tpu.memory_space<hbm>>
      %dma_start3A_387 = tpu.memref_squeeze %dma_start3A_386 : memref<1x4096xf32, #tpu.memory_space<hbm>> -> memref<4096xf32, #tpu.memory_space<hbm>>
      %dma_start3A_388 = arith.constant 0 : i32
      %dma_start3A_389 = tpu.memref_slice %arg4[%add3A_344, %dma_start3A_388] : memref<4096x4096xf32, #tpu.memory_space<hbm>> -> memref<1x4096xf32, #tpu.memory_space<hbm>>
      %dma_start3A_390 = tpu.memref_squeeze %dma_start3A_389 : memref<1x4096xf32, #tpu.memory_space<hbm>> -> memref<4096xf32, #tpu.memory_space<hbm>>
      %dma_start3A_391 = arith.constant 12288 : i32
      %dma_start3A_392 = tpu.memref_slice %arg9[%dma_start3A_391] : memref<32768xf32, #tpu.memory_space<vmem>> -> memref<4096xf32, #tpu.memory_space<vmem>>
      tpu.enqueue_dma source(%dma_start3A_392 : memref<4096xf32, #tpu.memory_space<vmem>>) target(%dma_start3A_390 : memref<4096xf32, #tpu.memory_space<hbm>>) target_semaphore(%arg12 : memref<!tpu.dma_semaphore, #tpu.memory_space<semaphore_mem>>)
      %dma_start3A_393 = arith.constant 16384 : i32
      %dma_start3A_394 = tpu.memref_slice %arg9[%dma_start3A_393] : memref<32768xf32, #tpu.memory_space<vmem>> -> memref<4096xf32, #tpu.memory_space<vmem>>
      %dma_start3A_395 = arith.constant 0 : i32
      %dma_start3A_396 = tpu.memref_slice %arg4[%add3A_346, %dma_start3A_395] : memref<4096x4096xf32, #tpu.memory_space<hbm>> -> memref<1x4096xf32, #tpu.memory_space<hbm>>
      %dma_start3A_397 = tpu.memref_squeeze %dma_start3A_396 : memref<1x4096xf32, #tpu.memory_space<hbm>> -> memref<4096xf32, #tpu.memory_space<hbm>>
      %dma_start3A_398 = arith.constant 0 : i32
      %dma_start3A_399 = tpu.memref_slice %arg4[%add3A_346, %dma_start3A_398] : memref<4096x4096xf32, #tpu.memory_space<hbm>> -> memref<1x4096xf32, #tpu.memory_space<hbm>>
      %dma_start3A_400 = tpu.memref_squeeze %dma_start3A_399 : memref<1x4096xf32, #tpu.memory_space<hbm>> -> memref<4096xf32, #tpu.memory_space<hbm>>
      %dma_start3A_401 = arith.constant 16384 : i32
      %dma_start3A_402 = tpu.memref_slice %arg9[%dma_start3A_401] : memref<32768xf32, #tpu.memory_space<vmem>> -> memref<4096xf32, #tpu.memory_space<vmem>>
      tpu.enqueue_dma source(%dma_start3A_402 : memref<4096xf32, #tpu.memory_space<vmem>>) target(%dma_start3A_400 : memref<4096xf32, #tpu.memory_space<hbm>>) target_semaphore(%arg12 : memref<!tpu.dma_semaphore, #tpu.memory_space<semaphore_mem>>)
      %dma_start3A_403 = arith.constant 20480 : i32
      %dma_start3A_404 = tpu.memref_slice %arg9[%dma_start3A_403] : memref<32768xf32, #tpu.memory_space<vmem>> -> memref<4096xf32, #tpu.memory_space<vmem>>
      %dma_start3A_405 = arith.constant 0 : i32
      %dma_start3A_406 = tpu.memref_slice %arg4[%add3A_348, %dma_start3A_405] : memref<4096x4096xf32, #tpu.memory_space<hbm>> -> memref<1x4096xf32, #tpu.memory_space<hbm>>
      %dma_start3A_407 = tpu.memref_squeeze %dma_start3A_406 : memref<1x4096xf32, #tpu.memory_space<hbm>> -> memref<4096xf32, #tpu.memory_space<hbm>>
      %dma_start3A_408 = arith.constant 0 : i32
      %dma_start3A_409 = tpu.memref_slice %arg4[%add3A_348, %dma_start3A_408] : memref<4096x4096xf32, #tpu.memory_space<hbm>> -> memref<1x4096xf32, #tpu.memory_space<hbm>>
      %dma_start3A_410 = tpu.memref_squeeze %dma_start3A_409 : memref<1x4096xf32, #tpu.memory_space<hbm>> -> memref<4096xf32, #tpu.memory_space<hbm>>
      %dma_start3A_411 = arith.constant 20480 : i32
      %dma_start3A_412 = tpu.memref_slice %arg9[%dma_start3A_411] : memref<32768xf32, #tpu.memory_space<vmem>> -> memref<4096xf32, #tpu.memory_space<vmem>>
      tpu.enqueue_dma source(%dma_start3A_412 : memref<4096xf32, #tpu.memory_space<vmem>>) target(%dma_start3A_410 : memref<4096xf32, #tpu.memory_space<hbm>>) target_semaphore(%arg12 : memref<!tpu.dma_semaphore, #tpu.memory_space<semaphore_mem>>)
      %dma_start3A_413 = arith.constant 24576 : i32
      %dma_start3A_414 = tpu.memref_slice %arg9[%dma_start3A_413] : memref<32768xf32, #tpu.memory_space<vmem>> -> memref<4096xf32, #tpu.memory_space<vmem>>
      %dma_start3A_415 = arith.constant 0 : i32
      %dma_start3A_416 = tpu.memref_slice %arg4[%add3A_350, %dma_start3A_415] : memref<4096x4096xf32, #tpu.memory_space<hbm>> -> memref<1x4096xf32, #tpu.memory_space<hbm>>
      %dma_start3A_417 = tpu.memref_squeeze %dma_start3A_416 : memref<1x4096xf32, #tpu.memory_space<hbm>> -> memref<4096xf32, #tpu.memory_space<hbm>>
      %dma_start3A_418 = arith.constant 0 : i32
      %dma_start3A_419 = tpu.memref_slice %arg4[%add3A_350, %dma_start3A_418] : memref<4096x4096xf32, #tpu.memory_space<hbm>> -> memref<1x4096xf32, #tpu.memory_space<hbm>>
      %dma_start3A_420 = tpu.memref_squeeze %dma_start3A_419 : memref<1x4096xf32, #tpu.memory_space<hbm>> -> memref<4096xf32, #tpu.memory_space<hbm>>
      %dma_start3A_421 = arith.constant 24576 : i32
      %dma_start3A_422 = tpu.memref_slice %arg9[%dma_start3A_421] : memref<32768xf32, #tpu.memory_space<vmem>> -> memref<4096xf32, #tpu.memory_space<vmem>>
      tpu.enqueue_dma source(%dma_start3A_422 : memref<4096xf32, #tpu.memory_space<vmem>>) target(%dma_start3A_420 : memref<4096xf32, #tpu.memory_space<hbm>>) target_semaphore(%arg12 : memref<!tpu.dma_semaphore, #tpu.memory_space<semaphore_mem>>)
      %dma_start3A_423 = arith.constant 28672 : i32
      %dma_start3A_424 = tpu.memref_slice %arg9[%dma_start3A_423] : memref<32768xf32, #tpu.memory_space<vmem>> -> memref<4096xf32, #tpu.memory_space<vmem>>
      %dma_start3A_425 = arith.constant 0 : i32
      %dma_start3A_426 = tpu.memref_slice %arg4[%add3A_352, %dma_start3A_425] : memref<4096x4096xf32, #tpu.memory_space<hbm>> -> memref<1x4096xf32, #tpu.memory_space<hbm>>
      %dma_start3A_427 = tpu.memref_squeeze %dma_start3A_426 : memref<1x4096xf32, #tpu.memory_space<hbm>> -> memref<4096xf32, #tpu.memory_space<hbm>>
      %dma_start3A_428 = arith.constant 0 : i32
      %dma_start3A_429 = tpu.memref_slice %arg4[%add3A_352, %dma_start3A_428] : memref<4096x4096xf32, #tpu.memory_space<hbm>> -> memref<1x4096xf32, #tpu.memory_space<hbm>>
      %dma_start3A_430 = tpu.memref_squeeze %dma_start3A_429 : memref<1x4096xf32, #tpu.memory_space<hbm>> -> memref<4096xf32, #tpu.memory_space<hbm>>
      %dma_start3A_431 = arith.constant 28672 : i32
      %dma_start3A_432 = tpu.memref_slice %arg9[%dma_start3A_431] : memref<32768xf32, #tpu.memory_space<vmem>> -> memref<4096xf32, #tpu.memory_space<vmem>>
      tpu.enqueue_dma source(%dma_start3A_432 : memref<4096xf32, #tpu.memory_space<vmem>>) target(%dma_start3A_430 : memref<4096xf32, #tpu.memory_space<hbm>>) target_semaphore(%arg12 : memref<!tpu.dma_semaphore, #tpu.memory_space<semaphore_mem>>)
      %mul3A_433 = arith.constant 2 : i32
      %mul3A_434 = arith.muli %scan3A_215, %mul3A_433 : i32
      %add3A_435 = arith.constant 1 : i32
      %add3A_436 = arith.addi %mul3A_434, %add3A_435 : i32
      %mul3A_437 = arith.constant 8 : i32
      %mul3A_438 = arith.muli %add3A_436, %mul3A_437 : i32
      %add3A_439 = arith.addi %mul3A_2, %mul3A_438 : i32
      %add3A_440 = arith.constant 0 : i32
      %add3A_441 = arith.addi %add3A_439, %add3A_440 : i32
      %add3A_442 = arith.constant 1 : i32
      %add3A_443 = arith.addi %add3A_439, %add3A_442 : i32
      %add3A_444 = arith.constant 2 : i32
      %add3A_445 = arith.addi %add3A_439, %add3A_444 : i32
      %add3A_446 = arith.constant 3 : i32
      %add3A_447 = arith.addi %add3A_439, %add3A_446 : i32
      %add3A_448 = arith.constant 4 : i32
      %add3A_449 = arith.addi %add3A_439, %add3A_448 : i32
      %add3A_450 = arith.constant 5 : i32
      %add3A_451 = arith.addi %add3A_439, %add3A_450 : i32
      %add3A_452 = arith.constant 6 : i32
      %add3A_453 = arith.addi %add3A_439, %add3A_452 : i32
      %add3A_454 = arith.constant 7 : i32
      %add3A_455 = arith.addi %add3A_439, %add3A_454 : i32
      %dma_wait3A_456 = arith.constant 0 : i32
      %dma_wait3A_457 = tpu.memref_slice %arg8[%dma_wait3A_456] : memref<16384xi32, #tpu.memory_space<vmem>> -> memref<2048xi32, #tpu.memory_space<vmem>>
      %dma_wait3A_458 = arith.constant 0 : i32
      %dma_wait3A_459 = tpu.memref_slice %arg2[%add3A_441, %dma_wait3A_458] : memref<4096x2048xi32, #tpu.memory_space<hbm>> -> memref<1x2048xi32, #tpu.memory_space<hbm>>
      %dma_wait3A_460 = tpu.memref_squeeze %dma_wait3A_459 : memref<1x2048xi32, #tpu.memory_space<hbm>> -> memref<2048xi32, #tpu.memory_space<hbm>>
      %dma_wait3A_461 = arith.constant 0 : i32
      %dma_wait3A_462 = tpu.memref_slice %arg8[%dma_wait3A_461] : memref<16384xi32, #tpu.memory_space<vmem>> -> memref<2048xi32, #tpu.memory_space<vmem>>
      %dma_wait3A_463 = arith.constant 0 : i32
      %dma_wait3A_464 = tpu.memref_slice %arg2[%add3A_441, %dma_wait3A_463] : memref<4096x2048xi32, #tpu.memory_space<hbm>> -> memref<1x2048xi32, #tpu.memory_space<hbm>>
      %dma_wait3A_465 = tpu.memref_squeeze %dma_wait3A_464 : memref<1x2048xi32, #tpu.memory_space<hbm>> -> memref<2048xi32, #tpu.memory_space<hbm>>
      tpu.wait_dma2 semaphore(%arg11 : memref<!tpu.dma_semaphore, #tpu.memory_space<semaphore_mem>>) src(%dma_wait3A_465 : memref<2048xi32, #tpu.memory_space<hbm>>) dst(%dma_wait3A_462 : memref<2048xi32, #tpu.memory_space<vmem>>)
      %dma_wait3A_466 = arith.constant 2048 : i32
      %dma_wait3A_467 = tpu.memref_slice %arg8[%dma_wait3A_466] : memref<16384xi32, #tpu.memory_space<vmem>> -> memref<2048xi32, #tpu.memory_space<vmem>>
      %dma_wait3A_468 = arith.constant 0 : i32
      %dma_wait3A_469 = tpu.memref_slice %arg2[%add3A_443, %dma_wait3A_468] : memref<4096x2048xi32, #tpu.memory_space<hbm>> -> memref<1x2048xi32, #tpu.memory_space<hbm>>
      %dma_wait3A_470 = tpu.memref_squeeze %dma_wait3A_469 : memref<1x2048xi32, #tpu.memory_space<hbm>> -> memref<2048xi32, #tpu.memory_space<hbm>>
      %dma_wait3A_471 = arith.constant 2048 : i32
      %dma_wait3A_472 = tpu.memref_slice %arg8[%dma_wait3A_471] : memref<16384xi32, #tpu.memory_space<vmem>> -> memref<2048xi32, #tpu.memory_space<vmem>>
      %dma_wait3A_473 = arith.constant 0 : i32
      %dma_wait3A_474 = tpu.memref_slice %arg2[%add3A_443, %dma_wait3A_473] : memref<4096x2048xi32, #tpu.memory_space<hbm>> -> memref<1x2048xi32, #tpu.memory_space<hbm>>
      %dma_wait3A_475 = tpu.memref_squeeze %dma_wait3A_474 : memref<1x2048xi32, #tpu.memory_space<hbm>> -> memref<2048xi32, #tpu.memory_space<hbm>>
      tpu.wait_dma2 semaphore(%arg11 : memref<!tpu.dma_semaphore, #tpu.memory_space<semaphore_mem>>) src(%dma_wait3A_475 : memref<2048xi32, #tpu.memory_space<hbm>>) dst(%dma_wait3A_472 : memref<2048xi32, #tpu.memory_space<vmem>>)
      %dma_wait3A_476 = arith.constant 4096 : i32
      %dma_wait3A_477 = tpu.memref_slice %arg8[%dma_wait3A_476] : memref<16384xi32, #tpu.memory_space<vmem>> -> memref<2048xi32, #tpu.memory_space<vmem>>
      %dma_wait3A_478 = arith.constant 0 : i32
      %dma_wait3A_479 = tpu.memref_slice %arg2[%add3A_445, %dma_wait3A_478] : memref<4096x2048xi32, #tpu.memory_space<hbm>> -> memref<1x2048xi32, #tpu.memory_space<hbm>>
      %dma_wait3A_480 = tpu.memref_squeeze %dma_wait3A_479 : memref<1x2048xi32, #tpu.memory_space<hbm>> -> memref<2048xi32, #tpu.memory_space<hbm>>
      %dma_wait3A_481 = arith.constant 4096 : i32
      %dma_wait3A_482 = tpu.memref_slice %arg8[%dma_wait3A_481] : memref<16384xi32, #tpu.memory_space<vmem>> -> memref<2048xi32, #tpu.memory_space<vmem>>
      %dma_wait3A_483 = arith.constant 0 : i32
      %dma_wait3A_484 = tpu.memref_slice %arg2[%add3A_445, %dma_wait3A_483] : memref<4096x2048xi32, #tpu.memory_space<hbm>> -> memref<1x2048xi32, #tpu.memory_space<hbm>>
      %dma_wait3A_485 = tpu.memref_squeeze %dma_wait3A_484 : memref<1x2048xi32, #tpu.memory_space<hbm>> -> memref<2048xi32, #tpu.memory_space<hbm>>
      tpu.wait_dma2 semaphore(%arg11 : memref<!tpu.dma_semaphore, #tpu.memory_space<semaphore_mem>>) src(%dma_wait3A_485 : memref<2048xi32, #tpu.memory_space<hbm>>) dst(%dma_wait3A_482 : memref<2048xi32, #tpu.memory_space<vmem>>)
      %dma_wait3A_486 = arith.constant 6144 : i32
      %dma_wait3A_487 = tpu.memref_slice %arg8[%dma_wait3A_486] : memref<16384xi32, #tpu.memory_space<vmem>> -> memref<2048xi32, #tpu.memory_space<vmem>>
      %dma_wait3A_488 = arith.constant 0 : i32
      %dma_wait3A_489 = tpu.memref_slice %arg2[%add3A_447, %dma_wait3A_488] : memref<4096x2048xi32, #tpu.memory_space<hbm>> -> memref<1x2048xi32, #tpu.memory_space<hbm>>
      %dma_wait3A_490 = tpu.memref_squeeze %dma_wait3A_489 : memref<1x2048xi32, #tpu.memory_space<hbm>> -> memref<2048xi32, #tpu.memory_space<hbm>>
      %dma_wait3A_491 = arith.constant 6144 : i32
      %dma_wait3A_492 = tpu.memref_slice %arg8[%dma_wait3A_491] : memref<16384xi32, #tpu.memory_space<vmem>> -> memref<2048xi32, #tpu.memory_space<vmem>>
      %dma_wait3A_493 = arith.constant 0 : i32
      %dma_wait3A_494 = tpu.memref_slice %arg2[%add3A_447, %dma_wait3A_493] : memref<4096x2048xi32, #tpu.memory_space<hbm>> -> memref<1x2048xi32, #tpu.memory_space<hbm>>
      %dma_wait3A_495 = tpu.memref_squeeze %dma_wait3A_494 : memref<1x2048xi32, #tpu.memory_space<hbm>> -> memref<2048xi32, #tpu.memory_space<hbm>>
      tpu.wait_dma2 semaphore(%arg11 : memref<!tpu.dma_semaphore, #tpu.memory_space<semaphore_mem>>) src(%dma_wait3A_495 : memref<2048xi32, #tpu.memory_space<hbm>>) dst(%dma_wait3A_492 : memref<2048xi32, #tpu.memory_space<vmem>>)
      %dma_wait3A_496 = arith.constant 8192 : i32
      %dma_wait3A_497 = tpu.memref_slice %arg8[%dma_wait3A_496] : memref<16384xi32, #tpu.memory_space<vmem>> -> memref<2048xi32, #tpu.memory_space<vmem>>
      %dma_wait3A_498 = arith.constant 0 : i32
      %dma_wait3A_499 = tpu.memref_slice %arg2[%add3A_449, %dma_wait3A_498] : memref<4096x2048xi32, #tpu.memory_space<hbm>> -> memref<1x2048xi32, #tpu.memory_space<hbm>>
      %dma_wait3A_500 = tpu.memref_squeeze %dma_wait3A_499 : memref<1x2048xi32, #tpu.memory_space<hbm>> -> memref<2048xi32, #tpu.memory_space<hbm>>
      %dma_wait3A_501 = arith.constant 8192 : i32
      %dma_wait3A_502 = tpu.memref_slice %arg8[%dma_wait3A_501] : memref<16384xi32, #tpu.memory_space<vmem>> -> memref<2048xi32, #tpu.memory_space<vmem>>
      %dma_wait3A_503 = arith.constant 0 : i32
      %dma_wait3A_504 = tpu.memref_slice %arg2[%add3A_449, %dma_wait3A_503] : memref<4096x2048xi32, #tpu.memory_space<hbm>> -> memref<1x2048xi32, #tpu.memory_space<hbm>>
      %dma_wait3A_505 = tpu.memref_squeeze %dma_wait3A_504 : memref<1x2048xi32, #tpu.memory_space<hbm>> -> memref<2048xi32, #tpu.memory_space<hbm>>
      tpu.wait_dma2 semaphore(%arg11 : memref<!tpu.dma_semaphore, #tpu.memory_space<semaphore_mem>>) src(%dma_wait3A_505 : memref<2048xi32, #tpu.memory_space<hbm>>) dst(%dma_wait3A_502 : memref<2048xi32, #tpu.memory_space<vmem>>)
      %dma_wait3A_506 = arith.constant 10240 : i32
      %dma_wait3A_507 = tpu.memref_slice %arg8[%dma_wait3A_506] : memref<16384xi32, #tpu.memory_space<vmem>> -> memref<2048xi32, #tpu.memory_space<vmem>>
      %dma_wait3A_508 = arith.constant 0 : i32
      %dma_wait3A_509 = tpu.memref_slice %arg2[%add3A_451, %dma_wait3A_508] : memref<4096x2048xi32, #tpu.memory_space<hbm>> -> memref<1x2048xi32, #tpu.memory_space<hbm>>
      %dma_wait3A_510 = tpu.memref_squeeze %dma_wait3A_509 : memref<1x2048xi32, #tpu.memory_space<hbm>> -> memref<2048xi32, #tpu.memory_space<hbm>>
      %dma_wait3A_511 = arith.constant 10240 : i32
      %dma_wait3A_512 = tpu.memref_slice %arg8[%dma_wait3A_511] : memref<16384xi32, #tpu.memory_space<vmem>> -> memref<2048xi32, #tpu.memory_space<vmem>>
      %dma_wait3A_513 = arith.constant 0 : i32
      %dma_wait3A_514 = tpu.memref_slice %arg2[%add3A_451, %dma_wait3A_513] : memref<4096x2048xi32, #tpu.memory_space<hbm>> -> memref<1x2048xi32, #tpu.memory_space<hbm>>
      %dma_wait3A_515 = tpu.memref_squeeze %dma_wait3A_514 : memref<1x2048xi32, #tpu.memory_space<hbm>> -> memref<2048xi32, #tpu.memory_space<hbm>>
      tpu.wait_dma2 semaphore(%arg11 : memref<!tpu.dma_semaphore, #tpu.memory_space<semaphore_mem>>) src(%dma_wait3A_515 : memref<2048xi32, #tpu.memory_space<hbm>>) dst(%dma_wait3A_512 : memref<2048xi32, #tpu.memory_space<vmem>>)
      %dma_wait3A_516 = arith.constant 12288 : i32
      %dma_wait3A_517 = tpu.memref_slice %arg8[%dma_wait3A_516] : memref<16384xi32, #tpu.memory_space<vmem>> -> memref<2048xi32, #tpu.memory_space<vmem>>
      %dma_wait3A_518 = arith.constant 0 : i32
      %dma_wait3A_519 = tpu.memref_slice %arg2[%add3A_453, %dma_wait3A_518] : memref<4096x2048xi32, #tpu.memory_space<hbm>> -> memref<1x2048xi32, #tpu.memory_space<hbm>>
      %dma_wait3A_520 = tpu.memref_squeeze %dma_wait3A_519 : memref<1x2048xi32, #tpu.memory_space<hbm>> -> memref<2048xi32, #tpu.memory_space<hbm>>
      %dma_wait3A_521 = arith.constant 12288 : i32
      %dma_wait3A_522 = tpu.memref_slice %arg8[%dma_wait3A_521] : memref<16384xi32, #tpu.memory_space<vmem>> -> memref<2048xi32, #tpu.memory_space<vmem>>
      %dma_wait3A_523 = arith.constant 0 : i32
      %dma_wait3A_524 = tpu.memref_slice %arg2[%add3A_453, %dma_wait3A_523] : memref<4096x2048xi32, #tpu.memory_space<hbm>> -> memref<1x2048xi32, #tpu.memory_space<hbm>>
      %dma_wait3A_525 = tpu.memref_squeeze %dma_wait3A_524 : memref<1x2048xi32, #tpu.memory_space<hbm>> -> memref<2048xi32, #tpu.memory_space<hbm>>
      tpu.wait_dma2 semaphore(%arg11 : memref<!tpu.dma_semaphore, #tpu.memory_space<semaphore_mem>>) src(%dma_wait3A_525 : memref<2048xi32, #tpu.memory_space<hbm>>) dst(%dma_wait3A_522 : memref<2048xi32, #tpu.memory_space<vmem>>)
      %dma_wait3A_526 = arith.constant 14336 : i32
      %dma_wait3A_527 = tpu.memref_slice %arg8[%dma_wait3A_526] : memref<16384xi32, #tpu.memory_space<vmem>> -> memref<2048xi32, #tpu.memory_space<vmem>>
      %dma_wait3A_528 = arith.constant 0 : i32
      %dma_wait3A_529 = tpu.memref_slice %arg2[%add3A_455, %dma_wait3A_528] : memref<4096x2048xi32, #tpu.memory_space<hbm>> -> memref<1x2048xi32, #tpu.memory_space<hbm>>
      %dma_wait3A_530 = tpu.memref_squeeze %dma_wait3A_529 : memref<1x2048xi32, #tpu.memory_space<hbm>> -> memref<2048xi32, #tpu.memory_space<hbm>>
      %dma_wait3A_531 = arith.constant 14336 : i32
      %dma_wait3A_532 = tpu.memref_slice %arg8[%dma_wait3A_531] : memref<16384xi32, #tpu.memory_space<vmem>> -> memref<2048xi32, #tpu.memory_space<vmem>>
      %dma_wait3A_533 = arith.constant 0 : i32
      %dma_wait3A_534 = tpu.memref_slice %arg2[%add3A_455, %dma_wait3A_533] : memref<4096x2048xi32, #tpu.memory_space<hbm>> -> memref<1x2048xi32, #tpu.memory_space<hbm>>
      %dma_wait3A_535 = tpu.memref_squeeze %dma_wait3A_534 : memref<1x2048xi32, #tpu.memory_space<hbm>> -> memref<2048xi32, #tpu.memory_space<hbm>>
      tpu.wait_dma2 semaphore(%arg11 : memref<!tpu.dma_semaphore, #tpu.memory_space<semaphore_mem>>) src(%dma_wait3A_535 : memref<2048xi32, #tpu.memory_space<hbm>>) dst(%dma_wait3A_532 : memref<2048xi32, #tpu.memory_space<vmem>>)
      %gt3A_536 = arith.constant 0 : i32
      %gt3A_537 = arith.cmpi sgt, %add3A_436, %gt3A_536 : i32
      %convert_element_type3A_538 = arith.extui %gt3A_537 : i1 to i32
      %cond3A_539 = arith.constant 0 : i32
      %cond3A_540 = arith.cmpi ne, %convert_element_type3A_538, %cond3A_539 : i32
      scf.if %cond3A_540 {
        %sub3A = arith.constant 1 : i32
        %sub3A_655 = arith.subi %add3A_436, %sub3A : i32
        %mul3A_656 = arith.constant 8 : i32
        %mul3A_657 = arith.muli %sub3A_655, %mul3A_656 : i32
        %add3A_658 = arith.addi %mul3A_2, %mul3A_657 : i32
        %add3A_659 = arith.constant 0 : i32
        %add3A_660 = arith.addi %add3A_658, %add3A_659 : i32
        %add3A_661 = arith.constant 1 : i32
        %add3A_662 = arith.addi %add3A_658, %add3A_661 : i32
        %add3A_663 = arith.constant 2 : i32
        %add3A_664 = arith.addi %add3A_658, %add3A_663 : i32
        %add3A_665 = arith.constant 3 : i32
        %add3A_666 = arith.addi %add3A_658, %add3A_665 : i32
        %add3A_667 = arith.constant 4 : i32
        %add3A_668 = arith.addi %add3A_658, %add3A_667 : i32
        %add3A_669 = arith.constant 5 : i32
        %add3A_670 = arith.addi %add3A_658, %add3A_669 : i32
        %add3A_671 = arith.constant 6 : i32
        %add3A_672 = arith.addi %add3A_658, %add3A_671 : i32
        %add3A_673 = arith.constant 7 : i32
        %add3A_674 = arith.addi %add3A_658, %add3A_673 : i32
        %dma_wait3A_675 = arith.constant 0 : i32
        %dma_wait3A_676 = tpu.memref_slice %arg9[%dma_wait3A_675] : memref<32768xf32, #tpu.memory_space<vmem>> -> memref<4096xf32, #tpu.memory_space<vmem>>
        %dma_wait3A_677 = arith.constant 0 : i32
        %dma_wait3A_678 = tpu.memref_slice %arg4[%add3A_660, %dma_wait3A_677] : memref<4096x4096xf32, #tpu.memory_space<hbm>> -> memref<1x4096xf32, #tpu.memory_space<hbm>>
        %dma_wait3A_679 = tpu.memref_squeeze %dma_wait3A_678 : memref<1x4096xf32, #tpu.memory_space<hbm>> -> memref<4096xf32, #tpu.memory_space<hbm>>
        %dma_wait3A_680 = arith.constant 0 : i32
        %dma_wait3A_681 = tpu.memref_slice %arg4[%add3A_660, %dma_wait3A_680] : memref<4096x4096xf32, #tpu.memory_space<hbm>> -> memref<1x4096xf32, #tpu.memory_space<hbm>>
        %dma_wait3A_682 = tpu.memref_squeeze %dma_wait3A_681 : memref<1x4096xf32, #tpu.memory_space<hbm>> -> memref<4096xf32, #tpu.memory_space<hbm>>
        %dma_wait3A_683 = arith.constant 0 : i32
        %dma_wait3A_684 = tpu.memref_slice %arg9[%dma_wait3A_683] : memref<32768xf32, #tpu.memory_space<vmem>> -> memref<4096xf32, #tpu.memory_space<vmem>>
        tpu.wait_dma2 semaphore(%arg12 : memref<!tpu.dma_semaphore, #tpu.memory_space<semaphore_mem>>) src(%dma_wait3A_684 : memref<4096xf32, #tpu.memory_space<vmem>>) dst(%dma_wait3A_682 : memref<4096xf32, #tpu.memory_space<hbm>>)
        %dma_wait3A_685 = arith.constant 4096 : i32
        %dma_wait3A_686 = tpu.memref_slice %arg9[%dma_wait3A_685] : memref<32768xf32, #tpu.memory_space<vmem>> -> memref<4096xf32, #tpu.memory_space<vmem>>
        %dma_wait3A_687 = arith.constant 0 : i32
        %dma_wait3A_688 = tpu.memref_slice %arg4[%add3A_662, %dma_wait3A_687] : memref<4096x4096xf32, #tpu.memory_space<hbm>> -> memref<1x4096xf32, #tpu.memory_space<hbm>>
        %dma_wait3A_689 = tpu.memref_squeeze %dma_wait3A_688 : memref<1x4096xf32, #tpu.memory_space<hbm>> -> memref<4096xf32, #tpu.memory_space<hbm>>
        %dma_wait3A_690 = arith.constant 0 : i32
        %dma_wait3A_691 = tpu.memref_slice %arg4[%add3A_662, %dma_wait3A_690] : memref<4096x4096xf32, #tpu.memory_space<hbm>> -> memref<1x4096xf32, #tpu.memory_space<hbm>>
        %dma_wait3A_692 = tpu.memref_squeeze %dma_wait3A_691 : memref<1x4096xf32, #tpu.memory_space<hbm>> -> memref<4096xf32, #tpu.memory_space<hbm>>
        %dma_wait3A_693 = arith.constant 4096 : i32
        %dma_wait3A_694 = tpu.memref_slice %arg9[%dma_wait3A_693] : memref<32768xf32, #tpu.memory_space<vmem>> -> memref<4096xf32, #tpu.memory_space<vmem>>
        tpu.wait_dma2 semaphore(%arg12 : memref<!tpu.dma_semaphore, #tpu.memory_space<semaphore_mem>>) src(%dma_wait3A_694 : memref<4096xf32, #tpu.memory_space<vmem>>) dst(%dma_wait3A_692 : memref<4096xf32, #tpu.memory_space<hbm>>)
        %dma_wait3A_695 = arith.constant 8192 : i32
        %dma_wait3A_696 = tpu.memref_slice %arg9[%dma_wait3A_695] : memref<32768xf32, #tpu.memory_space<vmem>> -> memref<4096xf32, #tpu.memory_space<vmem>>
        %dma_wait3A_697 = arith.constant 0 : i32
        %dma_wait3A_698 = tpu.memref_slice %arg4[%add3A_664, %dma_wait3A_697] : memref<4096x4096xf32, #tpu.memory_space<hbm>> -> memref<1x4096xf32, #tpu.memory_space<hbm>>
        %dma_wait3A_699 = tpu.memref_squeeze %dma_wait3A_698 : memref<1x4096xf32, #tpu.memory_space<hbm>> -> memref<4096xf32, #tpu.memory_space<hbm>>
        %dma_wait3A_700 = arith.constant 0 : i32
        %dma_wait3A_701 = tpu.memref_slice %arg4[%add3A_664, %dma_wait3A_700] : memref<4096x4096xf32, #tpu.memory_space<hbm>> -> memref<1x4096xf32, #tpu.memory_space<hbm>>
        %dma_wait3A_702 = tpu.memref_squeeze %dma_wait3A_701 : memref<1x4096xf32, #tpu.memory_space<hbm>> -> memref<4096xf32, #tpu.memory_space<hbm>>
        %dma_wait3A_703 = arith.constant 8192 : i32
        %dma_wait3A_704 = tpu.memref_slice %arg9[%dma_wait3A_703] : memref<32768xf32, #tpu.memory_space<vmem>> -> memref<4096xf32, #tpu.memory_space<vmem>>
        tpu.wait_dma2 semaphore(%arg12 : memref<!tpu.dma_semaphore, #tpu.memory_space<semaphore_mem>>) src(%dma_wait3A_704 : memref<4096xf32, #tpu.memory_space<vmem>>) dst(%dma_wait3A_702 : memref<4096xf32, #tpu.memory_space<hbm>>)
        %dma_wait3A_705 = arith.constant 12288 : i32
        %dma_wait3A_706 = tpu.memref_slice %arg9[%dma_wait3A_705] : memref<32768xf32, #tpu.memory_space<vmem>> -> memref<4096xf32, #tpu.memory_space<vmem>>
        %dma_wait3A_707 = arith.constant 0 : i32
        %dma_wait3A_708 = tpu.memref_slice %arg4[%add3A_666, %dma_wait3A_707] : memref<4096x4096xf32, #tpu.memory_space<hbm>> -> memref<1x4096xf32, #tpu.memory_space<hbm>>
        %dma_wait3A_709 = tpu.memref_squeeze %dma_wait3A_708 : memref<1x4096xf32, #tpu.memory_space<hbm>> -> memref<4096xf32, #tpu.memory_space<hbm>>
        %dma_wait3A_710 = arith.constant 0 : i32
        %dma_wait3A_711 = tpu.memref_slice %arg4[%add3A_666, %dma_wait3A_710] : memref<4096x4096xf32, #tpu.memory_space<hbm>> -> memref<1x4096xf32, #tpu.memory_space<hbm>>
        %dma_wait3A_712 = tpu.memref_squeeze %dma_wait3A_711 : memref<1x4096xf32, #tpu.memory_space<hbm>> -> memref<4096xf32, #tpu.memory_space<hbm>>
        %dma_wait3A_713 = arith.constant 12288 : i32
        %dma_wait3A_714 = tpu.memref_slice %arg9[%dma_wait3A_713] : memref<32768xf32, #tpu.memory_space<vmem>> -> memref<4096xf32, #tpu.memory_space<vmem>>
        tpu.wait_dma2 semaphore(%arg12 : memref<!tpu.dma_semaphore, #tpu.memory_space<semaphore_mem>>) src(%dma_wait3A_714 : memref<4096xf32, #tpu.memory_space<vmem>>) dst(%dma_wait3A_712 : memref<4096xf32, #tpu.memory_space<hbm>>)
        %dma_wait3A_715 = arith.constant 16384 : i32
        %dma_wait3A_716 = tpu.memref_slice %arg9[%dma_wait3A_715] : memref<32768xf32, #tpu.memory_space<vmem>> -> memref<4096xf32, #tpu.memory_space<vmem>>
        %dma_wait3A_717 = arith.constant 0 : i32
        %dma_wait3A_718 = tpu.memref_slice %arg4[%add3A_668, %dma_wait3A_717] : memref<4096x4096xf32, #tpu.memory_space<hbm>> -> memref<1x4096xf32, #tpu.memory_space<hbm>>
        %dma_wait3A_719 = tpu.memref_squeeze %dma_wait3A_718 : memref<1x4096xf32, #tpu.memory_space<hbm>> -> memref<4096xf32, #tpu.memory_space<hbm>>
        %dma_wait3A_720 = arith.constant 0 : i32
        %dma_wait3A_721 = tpu.memref_slice %arg4[%add3A_668, %dma_wait3A_720] : memref<4096x4096xf32, #tpu.memory_space<hbm>> -> memref<1x4096xf32, #tpu.memory_space<hbm>>
        %dma_wait3A_722 = tpu.memref_squeeze %dma_wait3A_721 : memref<1x4096xf32, #tpu.memory_space<hbm>> -> memref<4096xf32, #tpu.memory_space<hbm>>
        %dma_wait3A_723 = arith.constant 16384 : i32
        %dma_wait3A_724 = tpu.memref_slice %arg9[%dma_wait3A_723] : memref<32768xf32, #tpu.memory_space<vmem>> -> memref<4096xf32, #tpu.memory_space<vmem>>
        tpu.wait_dma2 semaphore(%arg12 : memref<!tpu.dma_semaphore, #tpu.memory_space<semaphore_mem>>) src(%dma_wait3A_724 : memref<4096xf32, #tpu.memory_space<vmem>>) dst(%dma_wait3A_722 : memref<4096xf32, #tpu.memory_space<hbm>>)
        %dma_wait3A_725 = arith.constant 20480 : i32
        %dma_wait3A_726 = tpu.memref_slice %arg9[%dma_wait3A_725] : memref<32768xf32, #tpu.memory_space<vmem>> -> memref<4096xf32, #tpu.memory_space<vmem>>
        %dma_wait3A_727 = arith.constant 0 : i32
        %dma_wait3A_728 = tpu.memref_slice %arg4[%add3A_670, %dma_wait3A_727] : memref<4096x4096xf32, #tpu.memory_space<hbm>> -> memref<1x4096xf32, #tpu.memory_space<hbm>>
        %dma_wait3A_729 = tpu.memref_squeeze %dma_wait3A_728 : memref<1x4096xf32, #tpu.memory_space<hbm>> -> memref<4096xf32, #tpu.memory_space<hbm>>
        %dma_wait3A_730 = arith.constant 0 : i32
        %dma_wait3A_731 = tpu.memref_slice %arg4[%add3A_670, %dma_wait3A_730] : memref<4096x4096xf32, #tpu.memory_space<hbm>> -> memref<1x4096xf32, #tpu.memory_space<hbm>>
        %dma_wait3A_732 = tpu.memref_squeeze %dma_wait3A_731 : memref<1x4096xf32, #tpu.memory_space<hbm>> -> memref<4096xf32, #tpu.memory_space<hbm>>
        %dma_wait3A_733 = arith.constant 20480 : i32
        %dma_wait3A_734 = tpu.memref_slice %arg9[%dma_wait3A_733] : memref<32768xf32, #tpu.memory_space<vmem>> -> memref<4096xf32, #tpu.memory_space<vmem>>
        tpu.wait_dma2 semaphore(%arg12 : memref<!tpu.dma_semaphore, #tpu.memory_space<semaphore_mem>>) src(%dma_wait3A_734 : memref<4096xf32, #tpu.memory_space<vmem>>) dst(%dma_wait3A_732 : memref<4096xf32, #tpu.memory_space<hbm>>)
        %dma_wait3A_735 = arith.constant 24576 : i32
        %dma_wait3A_736 = tpu.memref_slice %arg9[%dma_wait3A_735] : memref<32768xf32, #tpu.memory_space<vmem>> -> memref<4096xf32, #tpu.memory_space<vmem>>
        %dma_wait3A_737 = arith.constant 0 : i32
        %dma_wait3A_738 = tpu.memref_slice %arg4[%add3A_672, %dma_wait3A_737] : memref<4096x4096xf32, #tpu.memory_space<hbm>> -> memref<1x4096xf32, #tpu.memory_space<hbm>>
        %dma_wait3A_739 = tpu.memref_squeeze %dma_wait3A_738 : memref<1x4096xf32, #tpu.memory_space<hbm>> -> memref<4096xf32, #tpu.memory_space<hbm>>
        %dma_wait3A_740 = arith.constant 0 : i32
        %dma_wait3A_741 = tpu.memref_slice %arg4[%add3A_672, %dma_wait3A_740] : memref<4096x4096xf32, #tpu.memory_space<hbm>> -> memref<1x4096xf32, #tpu.memory_space<hbm>>
        %dma_wait3A_742 = tpu.memref_squeeze %dma_wait3A_741 : memref<1x4096xf32, #tpu.memory_space<hbm>> -> memref<4096xf32, #tpu.memory_space<hbm>>
        %dma_wait3A_743 = arith.constant 24576 : i32
        %dma_wait3A_744 = tpu.memref_slice %arg9[%dma_wait3A_743] : memref<32768xf32, #tpu.memory_space<vmem>> -> memref<4096xf32, #tpu.memory_space<vmem>>
        tpu.wait_dma2 semaphore(%arg12 : memref<!tpu.dma_semaphore, #tpu.memory_space<semaphore_mem>>) src(%dma_wait3A_744 : memref<4096xf32, #tpu.memory_space<vmem>>) dst(%dma_wait3A_742 : memref<4096xf32, #tpu.memory_space<hbm>>)
        %dma_wait3A_745 = arith.constant 28672 : i32
        %dma_wait3A_746 = tpu.memref_slice %arg9[%dma_wait3A_745] : memref<32768xf32, #tpu.memory_space<vmem>> -> memref<4096xf32, #tpu.memory_space<vmem>>
        %dma_wait3A_747 = arith.constant 0 : i32
        %dma_wait3A_748 = tpu.memref_slice %arg4[%add3A_674, %dma_wait3A_747] : memref<4096x4096xf32, #tpu.memory_space<hbm>> -> memref<1x4096xf32, #tpu.memory_space<hbm>>
        %dma_wait3A_749 = tpu.memref_squeeze %dma_wait3A_748 : memref<1x4096xf32, #tpu.memory_space<hbm>> -> memref<4096xf32, #tpu.memory_space<hbm>>
        %dma_wait3A_750 = arith.constant 0 : i32
        %dma_wait3A_751 = tpu.memref_slice %arg4[%add3A_674, %dma_wait3A_750] : memref<4096x4096xf32, #tpu.memory_space<hbm>> -> memref<1x4096xf32, #tpu.memory_space<hbm>>
        %dma_wait3A_752 = tpu.memref_squeeze %dma_wait3A_751 : memref<1x4096xf32, #tpu.memory_space<hbm>> -> memref<4096xf32, #tpu.memory_space<hbm>>
        %dma_wait3A_753 = arith.constant 28672 : i32
        %dma_wait3A_754 = tpu.memref_slice %arg9[%dma_wait3A_753] : memref<32768xf32, #tpu.memory_space<vmem>> -> memref<4096xf32, #tpu.memory_space<vmem>>
        tpu.wait_dma2 semaphore(%arg12 : memref<!tpu.dma_semaphore, #tpu.memory_space<semaphore_mem>>) src(%dma_wait3A_754 : memref<4096xf32, #tpu.memory_space<vmem>>) dst(%dma_wait3A_752 : memref<4096xf32, #tpu.memory_space<hbm>>)
        %scan3A_755 = arith.constant 0 : i32
        %scan3A_756 = arith.constant 0 : i32
        %scan3A_757 = arith.constant 8 : i32
        %scan3A_758 = arith.addi %scan3A_756, %scan3A_757 : i32
        %scan3A_759 = arith.constant 1 : i32
        %scan3A_760 = scf.for %scan3A_762 = %scan3A_756 to %scan3A_758 step %scan3A_759 iter_args(%scan3A_763 = %scan3A_755) -> (i32)  : i32 {
          %get3A = arith.index_cast %scan3A_762 : i32 to index
          %get3A_764 = arith.constant 0 : index
          %get3A_765 = tpu.vector_load %arg5[%get3A, %get3A_764] {strides = array<i32>} : memref<8x96xi32, #tpu.memory_space<vmem>>, vector<16xi32>,
          %mul3A_766 = arith.constant 4096 : i32
          %mul3A_767 = arith.muli %scan3A_762, %mul3A_766 : i32
          %add3A_768 = vector.broadcast %mul3A_767 : i32 to vector<16xi32>
          %add3A_769 = arith.addi %get3A_765, %add3A_768 : vector<16xi32>
          tpu.vector_store_idx %arg9[%add3A_769], %broadcast_in_dim3A_3 : memref<32768xf32, #tpu.memory_space<vmem>>[vector<16xi32>], vector<16xf32>,
          %get3A_770 = arith.index_cast %scan3A_762 : i32 to index
          %get3A_771 = arith.constant 16 : index
          %get3A_772 = tpu.vector_load %arg5[%get3A_770, %get3A_771] {strides = array<i32>} : memref<8x96xi32, #tpu.memory_space<vmem>>, vector<16xi32>,
          %mul3A_773 = arith.constant 4096 : i32
          %mul3A_774 = arith.muli %scan3A_762, %mul3A_773 : i32
          %add3A_775 = vector.broadcast %mul3A_774 : i32 to vector<16xi32>
          %add3A_776 = arith.addi %get3A_772, %add3A_775 : vector<16xi32>
          tpu.vector_store_idx %arg9[%add3A_776], %broadcast_in_dim3A_3 : memref<32768xf32, #tpu.memory_space<vmem>>[vector<16xi32>], vector<16xf32>,
          %get3A_777 = arith.index_cast %scan3A_762 : i32 to index
          %get3A_778 = arith.constant 32 : index
          %get3A_779 = tpu.vector_load %arg5[%get3A_777, %get3A_778] {strides = array<i32>} : memref<8x96xi32, #tpu.memory_space<vmem>>, vector<16xi32>,
          %mul3A_780 = arith.constant 4096 : i32
          %mul3A_781 = arith.muli %scan3A_762, %mul3A_780 : i32
          %add3A_782 = vector.broadcast %mul3A_781 : i32 to vector<16xi32>
          %add3A_783 = arith.addi %get3A_779, %add3A_782 : vector<16xi32>
          tpu.vector_store_idx %arg9[%add3A_783], %broadcast_in_dim3A_3 : memref<32768xf32, #tpu.memory_space<vmem>>[vector<16xi32>], vector<16xf32>,
          %get3A_784 = arith.index_cast %scan3A_762 : i32 to index
          %get3A_785 = arith.constant 48 : index
          %get3A_786 = tpu.vector_load %arg5[%get3A_784, %get3A_785] {strides = array<i32>} : memref<8x96xi32, #tpu.memory_space<vmem>>, vector<16xi32>,
          %mul3A_787 = arith.constant 4096 : i32
          %mul3A_788 = arith.muli %scan3A_762, %mul3A_787 : i32
          %add3A_789 = vector.broadcast %mul3A_788 : i32 to vector<16xi32>
          %add3A_790 = arith.addi %get3A_786, %add3A_789 : vector<16xi32>
          tpu.vector_store_idx %arg9[%add3A_790], %broadcast_in_dim3A_3 : memref<32768xf32, #tpu.memory_space<vmem>>[vector<16xi32>], vector<16xf32>,
          %get3A_791 = arith.index_cast %scan3A_762 : i32 to index
          %get3A_792 = arith.constant 64 : index
          %get3A_793 = tpu.vector_load %arg5[%get3A_791, %get3A_792] {strides = array<i32>} : memref<8x96xi32, #tpu.memory_space<vmem>>, vector<16xi32>,
          %mul3A_794 = arith.constant 4096 : i32
          %mul3A_795 = arith.muli %scan3A_762, %mul3A_794 : i32
          %add3A_796 = vector.broadcast %mul3A_795 : i32 to vector<16xi32>
          %add3A_797 = arith.addi %get3A_793, %add3A_796 : vector<16xi32>
          tpu.vector_store_idx %arg9[%add3A_797], %broadcast_in_dim3A_3 : memref<32768xf32, #tpu.memory_space<vmem>>[vector<16xi32>], vector<16xf32>,
          %get3A_798 = arith.index_cast %scan3A_762 : i32 to index
          %get3A_799 = arith.constant 80 : index
          %get3A_800 = tpu.vector_load %arg5[%get3A_798, %get3A_799] {strides = array<i32>} : memref<8x96xi32, #tpu.memory_space<vmem>>, vector<16xi32>,
          %mul3A_801 = arith.constant 4096 : i32
          %mul3A_802 = arith.muli %scan3A_762, %mul3A_801 : i32
          %add3A_803 = vector.broadcast %mul3A_802 : i32 to vector<16xi32>
          %add3A_804 = arith.addi %get3A_800, %add3A_803 : vector<16xi32>
          tpu.vector_store_idx %arg9[%add3A_804], %broadcast_in_dim3A_3 masked %lt3A_5 : memref<32768xf32, #tpu.memory_space<vmem>>[vector<16xi32>], vector<16xf32>, vector<16xi1>
          %scan3A_805 = arith.constant 0 : i32
          scf.yield %scan3A_805 : i32
        }
        %scan3A_761 = arith.constant 8 : i32
      } else {
      }
      %add3A_541 = arith.constant 1 : i32
      %add3A_542 = arith.addi %add3A_436, %add3A_541 : i32
      %lt3A_543 = arith.constant 16 : i32
      %lt3A_544 = arith.cmpi slt, %add3A_542, %lt3A_543 : i32
      %convert_element_type3A_545 = arith.extui %lt3A_544 : i1 to i32
      %cond3A_546 = arith.constant 0 : i32
      %cond3A_547 = arith.cmpi ne, %convert_element_type3A_545, %cond3A_546 : i32
      scf.if %cond3A_547 {
        %add3A_655 = arith.constant 1 : i32
        %add3A_656 = arith.addi %add3A_436, %add3A_655 : i32
        %mul3A_657 = arith.constant 8 : i32
        %mul3A_658 = arith.muli %add3A_656, %mul3A_657 : i32
        %add3A_659 = arith.addi %mul3A_2, %mul3A_658 : i32
        %add3A_660 = arith.constant 0 : i32
        %add3A_661 = arith.addi %add3A_659, %add3A_660 : i32
        %add3A_662 = arith.constant 1 : i32
        %add3A_663 = arith.addi %add3A_659, %add3A_662 : i32
        %add3A_664 = arith.constant 2 : i32
        %add3A_665 = arith.addi %add3A_659, %add3A_664 : i32
        %add3A_666 = arith.constant 3 : i32
        %add3A_667 = arith.addi %add3A_659, %add3A_666 : i32
        %add3A_668 = arith.constant 4 : i32
        %add3A_669 = arith.addi %add3A_659, %add3A_668 : i32
        %add3A_670 = arith.constant 5 : i32
        %add3A_671 = arith.addi %add3A_659, %add3A_670 : i32
        %add3A_672 = arith.constant 6 : i32
        %add3A_673 = arith.addi %add3A_659, %add3A_672 : i32
        %add3A_674 = arith.constant 7 : i32
        %add3A_675 = arith.addi %add3A_659, %add3A_674 : i32
        %dma_start3A_676 = arith.constant 0 : i32
        %dma_start3A_677 = tpu.memref_slice %arg7[%dma_start3A_676] : memref<16384xi32, #tpu.memory_space<vmem>> -> memref<2048xi32, #tpu.memory_space<vmem>>
        %dma_start3A_678 = arith.constant 0 : i32
        %dma_start3A_679 = tpu.memref_slice %arg2[%add3A_661, %dma_start3A_678] : memref<4096x2048xi32, #tpu.memory_space<hbm>> -> memref<1x2048xi32, #tpu.memory_space<hbm>>
        %dma_start3A_680 = tpu.memref_squeeze %dma_start3A_679 : memref<1x2048xi32, #tpu.memory_space<hbm>> -> memref<2048xi32, #tpu.memory_space<hbm>>
        %dma_start3A_681 = arith.constant 0 : i32
        %dma_start3A_682 = tpu.memref_slice %arg7[%dma_start3A_681] : memref<16384xi32, #tpu.memory_space<vmem>> -> memref<2048xi32, #tpu.memory_space<vmem>>
        %dma_start3A_683 = arith.constant 0 : i32
        %dma_start3A_684 = tpu.memref_slice %arg2[%add3A_661, %dma_start3A_683] : memref<4096x2048xi32, #tpu.memory_space<hbm>> -> memref<1x2048xi32, #tpu.memory_space<hbm>>
        %dma_start3A_685 = tpu.memref_squeeze %dma_start3A_684 : memref<1x2048xi32, #tpu.memory_space<hbm>> -> memref<2048xi32, #tpu.memory_space<hbm>>
        tpu.enqueue_dma source(%dma_start3A_685 : memref<2048xi32, #tpu.memory_space<hbm>>) target(%dma_start3A_682 : memref<2048xi32, #tpu.memory_space<vmem>>) target_semaphore(%arg10 : memref<!tpu.dma_semaphore, #tpu.memory_space<semaphore_mem>>)
        %dma_start3A_686 = arith.constant 2048 : i32
        %dma_start3A_687 = tpu.memref_slice %arg7[%dma_start3A_686] : memref<16384xi32, #tpu.memory_space<vmem>> -> memref<2048xi32, #tpu.memory_space<vmem>>
        %dma_start3A_688 = arith.constant 0 : i32
        %dma_start3A_689 = tpu.memref_slice %arg2[%add3A_663, %dma_start3A_688] : memref<4096x2048xi32, #tpu.memory_space<hbm>> -> memref<1x2048xi32, #tpu.memory_space<hbm>>
        %dma_start3A_690 = tpu.memref_squeeze %dma_start3A_689 : memref<1x2048xi32, #tpu.memory_space<hbm>> -> memref<2048xi32, #tpu.memory_space<hbm>>
        %dma_start3A_691 = arith.constant 2048 : i32
        %dma_start3A_692 = tpu.memref_slice %arg7[%dma_start3A_691] : memref<16384xi32, #tpu.memory_space<vmem>> -> memref<2048xi32, #tpu.memory_space<vmem>>
        %dma_start3A_693 = arith.constant 0 : i32
        %dma_start3A_694 = tpu.memref_slice %arg2[%add3A_663, %dma_start3A_693] : memref<4096x2048xi32, #tpu.memory_space<hbm>> -> memref<1x2048xi32, #tpu.memory_space<hbm>>
        %dma_start3A_695 = tpu.memref_squeeze %dma_start3A_694 : memref<1x2048xi32, #tpu.memory_space<hbm>> -> memref<2048xi32, #tpu.memory_space<hbm>>
        tpu.enqueue_dma source(%dma_start3A_695 : memref<2048xi32, #tpu.memory_space<hbm>>) target(%dma_start3A_692 : memref<2048xi32, #tpu.memory_space<vmem>>) target_semaphore(%arg10 : memref<!tpu.dma_semaphore, #tpu.memory_space<semaphore_mem>>)
        %dma_start3A_696 = arith.constant 4096 : i32
        %dma_start3A_697 = tpu.memref_slice %arg7[%dma_start3A_696] : memref<16384xi32, #tpu.memory_space<vmem>> -> memref<2048xi32, #tpu.memory_space<vmem>>
        %dma_start3A_698 = arith.constant 0 : i32
        %dma_start3A_699 = tpu.memref_slice %arg2[%add3A_665, %dma_start3A_698] : memref<4096x2048xi32, #tpu.memory_space<hbm>> -> memref<1x2048xi32, #tpu.memory_space<hbm>>
        %dma_start3A_700 = tpu.memref_squeeze %dma_start3A_699 : memref<1x2048xi32, #tpu.memory_space<hbm>> -> memref<2048xi32, #tpu.memory_space<hbm>>
        %dma_start3A_701 = arith.constant 4096 : i32
        %dma_start3A_702 = tpu.memref_slice %arg7[%dma_start3A_701] : memref<16384xi32, #tpu.memory_space<vmem>> -> memref<2048xi32, #tpu.memory_space<vmem>>
        %dma_start3A_703 = arith.constant 0 : i32
        %dma_start3A_704 = tpu.memref_slice %arg2[%add3A_665, %dma_start3A_703] : memref<4096x2048xi32, #tpu.memory_space<hbm>> -> memref<1x2048xi32, #tpu.memory_space<hbm>>
        %dma_start3A_705 = tpu.memref_squeeze %dma_start3A_704 : memref<1x2048xi32, #tpu.memory_space<hbm>> -> memref<2048xi32, #tpu.memory_space<hbm>>
        tpu.enqueue_dma source(%dma_start3A_705 : memref<2048xi32, #tpu.memory_space<hbm>>) target(%dma_start3A_702 : memref<2048xi32, #tpu.memory_space<vmem>>) target_semaphore(%arg10 : memref<!tpu.dma_semaphore, #tpu.memory_space<semaphore_mem>>)
        %dma_start3A_706 = arith.constant 6144 : i32
        %dma_start3A_707 = tpu.memref_slice %arg7[%dma_start3A_706] : memref<16384xi32, #tpu.memory_space<vmem>> -> memref<2048xi32, #tpu.memory_space<vmem>>
        %dma_start3A_708 = arith.constant 0 : i32
        %dma_start3A_709 = tpu.memref_slice %arg2[%add3A_667, %dma_start3A_708] : memref<4096x2048xi32, #tpu.memory_space<hbm>> -> memref<1x2048xi32, #tpu.memory_space<hbm>>
        %dma_start3A_710 = tpu.memref_squeeze %dma_start3A_709 : memref<1x2048xi32, #tpu.memory_space<hbm>> -> memref<2048xi32, #tpu.memory_space<hbm>>
        %dma_start3A_711 = arith.constant 6144 : i32
        %dma_start3A_712 = tpu.memref_slice %arg7[%dma_start3A_711] : memref<16384xi32, #tpu.memory_space<vmem>> -> memref<2048xi32, #tpu.memory_space<vmem>>
        %dma_start3A_713 = arith.constant 0 : i32
        %dma_start3A_714 = tpu.memref_slice %arg2[%add3A_667, %dma_start3A_713] : memref<4096x2048xi32, #tpu.memory_space<hbm>> -> memref<1x2048xi32, #tpu.memory_space<hbm>>
        %dma_start3A_715 = tpu.memref_squeeze %dma_start3A_714 : memref<1x2048xi32, #tpu.memory_space<hbm>> -> memref<2048xi32, #tpu.memory_space<hbm>>
        tpu.enqueue_dma source(%dma_start3A_715 : memref<2048xi32, #tpu.memory_space<hbm>>) target(%dma_start3A_712 : memref<2048xi32, #tpu.memory_space<vmem>>) target_semaphore(%arg10 : memref<!tpu.dma_semaphore, #tpu.memory_space<semaphore_mem>>)
        %dma_start3A_716 = arith.constant 8192 : i32
        %dma_start3A_717 = tpu.memref_slice %arg7[%dma_start3A_716] : memref<16384xi32, #tpu.memory_space<vmem>> -> memref<2048xi32, #tpu.memory_space<vmem>>
        %dma_start3A_718 = arith.constant 0 : i32
        %dma_start3A_719 = tpu.memref_slice %arg2[%add3A_669, %dma_start3A_718] : memref<4096x2048xi32, #tpu.memory_space<hbm>> -> memref<1x2048xi32, #tpu.memory_space<hbm>>
        %dma_start3A_720 = tpu.memref_squeeze %dma_start3A_719 : memref<1x2048xi32, #tpu.memory_space<hbm>> -> memref<2048xi32, #tpu.memory_space<hbm>>
        %dma_start3A_721 = arith.constant 8192 : i32
        %dma_start3A_722 = tpu.memref_slice %arg7[%dma_start3A_721] : memref<16384xi32, #tpu.memory_space<vmem>> -> memref<2048xi32, #tpu.memory_space<vmem>>
        %dma_start3A_723 = arith.constant 0 : i32
        %dma_start3A_724 = tpu.memref_slice %arg2[%add3A_669, %dma_start3A_723] : memref<4096x2048xi32, #tpu.memory_space<hbm>> -> memref<1x2048xi32, #tpu.memory_space<hbm>>
        %dma_start3A_725 = tpu.memref_squeeze %dma_start3A_724 : memref<1x2048xi32, #tpu.memory_space<hbm>> -> memref<2048xi32, #tpu.memory_space<hbm>>
        tpu.enqueue_dma source(%dma_start3A_725 : memref<2048xi32, #tpu.memory_space<hbm>>) target(%dma_start3A_722 : memref<2048xi32, #tpu.memory_space<vmem>>) target_semaphore(%arg10 : memref<!tpu.dma_semaphore, #tpu.memory_space<semaphore_mem>>)
        %dma_start3A_726 = arith.constant 10240 : i32
        %dma_start3A_727 = tpu.memref_slice %arg7[%dma_start3A_726] : memref<16384xi32, #tpu.memory_space<vmem>> -> memref<2048xi32, #tpu.memory_space<vmem>>
        %dma_start3A_728 = arith.constant 0 : i32
        %dma_start3A_729 = tpu.memref_slice %arg2[%add3A_671, %dma_start3A_728] : memref<4096x2048xi32, #tpu.memory_space<hbm>> -> memref<1x2048xi32, #tpu.memory_space<hbm>>
        %dma_start3A_730 = tpu.memref_squeeze %dma_start3A_729 : memref<1x2048xi32, #tpu.memory_space<hbm>> -> memref<2048xi32, #tpu.memory_space<hbm>>
        %dma_start3A_731 = arith.constant 10240 : i32
        %dma_start3A_732 = tpu.memref_slice %arg7[%dma_start3A_731] : memref<16384xi32, #tpu.memory_space<vmem>> -> memref<2048xi32, #tpu.memory_space<vmem>>
        %dma_start3A_733 = arith.constant 0 : i32
        %dma_start3A_734 = tpu.memref_slice %arg2[%add3A_671, %dma_start3A_733] : memref<4096x2048xi32, #tpu.memory_space<hbm>> -> memref<1x2048xi32, #tpu.memory_space<hbm>>
        %dma_start3A_735 = tpu.memref_squeeze %dma_start3A_734 : memref<1x2048xi32, #tpu.memory_space<hbm>> -> memref<2048xi32, #tpu.memory_space<hbm>>
        tpu.enqueue_dma source(%dma_start3A_735 : memref<2048xi32, #tpu.memory_space<hbm>>) target(%dma_start3A_732 : memref<2048xi32, #tpu.memory_space<vmem>>) target_semaphore(%arg10 : memref<!tpu.dma_semaphore, #tpu.memory_space<semaphore_mem>>)
        %dma_start3A_736 = arith.constant 12288 : i32
        %dma_start3A_737 = tpu.memref_slice %arg7[%dma_start3A_736] : memref<16384xi32, #tpu.memory_space<vmem>> -> memref<2048xi32, #tpu.memory_space<vmem>>
        %dma_start3A_738 = arith.constant 0 : i32
        %dma_start3A_739 = tpu.memref_slice %arg2[%add3A_673, %dma_start3A_738] : memref<4096x2048xi32, #tpu.memory_space<hbm>> -> memref<1x2048xi32, #tpu.memory_space<hbm>>
        %dma_start3A_740 = tpu.memref_squeeze %dma_start3A_739 : memref<1x2048xi32, #tpu.memory_space<hbm>> -> memref<2048xi32, #tpu.memory_space<hbm>>
        %dma_start3A_741 = arith.constant 12288 : i32
        %dma_start3A_742 = tpu.memref_slice %arg7[%dma_start3A_741] : memref<16384xi32, #tpu.memory_space<vmem>> -> memref<2048xi32, #tpu.memory_space<vmem>>
        %dma_start3A_743 = arith.constant 0 : i32
        %dma_start3A_744 = tpu.memref_slice %arg2[%add3A_673, %dma_start3A_743] : memref<4096x2048xi32, #tpu.memory_space<hbm>> -> memref<1x2048xi32, #tpu.memory_space<hbm>>
        %dma_start3A_745 = tpu.memref_squeeze %dma_start3A_744 : memref<1x2048xi32, #tpu.memory_space<hbm>> -> memref<2048xi32, #tpu.memory_space<hbm>>
        tpu.enqueue_dma source(%dma_start3A_745 : memref<2048xi32, #tpu.memory_space<hbm>>) target(%dma_start3A_742 : memref<2048xi32, #tpu.memory_space<vmem>>) target_semaphore(%arg10 : memref<!tpu.dma_semaphore, #tpu.memory_space<semaphore_mem>>)
        %dma_start3A_746 = arith.constant 14336 : i32
        %dma_start3A_747 = tpu.memref_slice %arg7[%dma_start3A_746] : memref<16384xi32, #tpu.memory_space<vmem>> -> memref<2048xi32, #tpu.memory_space<vmem>>
        %dma_start3A_748 = arith.constant 0 : i32
        %dma_start3A_749 = tpu.memref_slice %arg2[%add3A_675, %dma_start3A_748] : memref<4096x2048xi32, #tpu.memory_space<hbm>> -> memref<1x2048xi32, #tpu.memory_space<hbm>>
        %dma_start3A_750 = tpu.memref_squeeze %dma_start3A_749 : memref<1x2048xi32, #tpu.memory_space<hbm>> -> memref<2048xi32, #tpu.memory_space<hbm>>
        %dma_start3A_751 = arith.constant 14336 : i32
        %dma_start3A_752 = tpu.memref_slice %arg7[%dma_start3A_751] : memref<16384xi32, #tpu.memory_space<vmem>> -> memref<2048xi32, #tpu.memory_space<vmem>>
        %dma_start3A_753 = arith.constant 0 : i32
        %dma_start3A_754 = tpu.memref_slice %arg2[%add3A_675, %dma_start3A_753] : memref<4096x2048xi32, #tpu.memory_space<hbm>> -> memref<1x2048xi32, #tpu.memory_space<hbm>>
        %dma_start3A_755 = tpu.memref_squeeze %dma_start3A_754 : memref<1x2048xi32, #tpu.memory_space<hbm>> -> memref<2048xi32, #tpu.memory_space<hbm>>
        tpu.enqueue_dma source(%dma_start3A_755 : memref<2048xi32, #tpu.memory_space<hbm>>) target(%dma_start3A_752 : memref<2048xi32, #tpu.memory_space<vmem>>) target_semaphore(%arg10 : memref<!tpu.dma_semaphore, #tpu.memory_space<semaphore_mem>>)
        %mul3A_756 = arith.constant 8 : i32
        %mul3A_757 = arith.muli %add3A_656, %mul3A_756 : i32
        %add3A_758 = arith.addi %mul3A_2, %mul3A_757 : i32
        "tpu.region"() ({
          %run_scoped3A = tpu.sem_alloc : memref<!tpu.dma_semaphore, #tpu.memory_space<semaphore_mem>>
          %dma_start3A_759 = arith.constant 0 : i32
          %dma_start3A_760 = tpu.memref_slice %arg3[%add3A_758, %dma_start3A_759] : memref<4096x96xi32, #tpu.memory_space<hbm>> -> memref<8x96xi32, #tpu.memory_space<hbm>>
          %dma_start3A_761 = arith.constant 0 : i32
          %dma_start3A_762 = tpu.memref_slice %arg3[%add3A_758, %dma_start3A_761] : memref<4096x96xi32, #tpu.memory_space<hbm>> -> memref<8x96xi32, #tpu.memory_space<hbm>>
          tpu.enqueue_dma source(%dma_start3A_762 : memref<8x96xi32, #tpu.memory_space<hbm>>) target(%arg5 : memref<8x96xi32, #tpu.memory_space<vmem>>) target_semaphore(%run_scoped3A : memref<!tpu.dma_semaphore, #tpu.memory_space<semaphore_mem>>)
          %dma_wait3A_763 = arith.constant 0 : i32
          %dma_wait3A_764 = tpu.memref_slice %arg3[%add3A_758, %dma_wait3A_763] : memref<4096x96xi32, #tpu.memory_space<hbm>> -> memref<8x96xi32, #tpu.memory_space<hbm>>
          %dma_wait3A_765 = arith.constant 0 : i32
          %dma_wait3A_766 = tpu.memref_slice %arg3[%add3A_758, %dma_wait3A_765] : memref<4096x96xi32, #tpu.memory_space<hbm>> -> memref<8x96xi32, #tpu.memory_space<hbm>>
          tpu.wait_dma2 semaphore(%run_scoped3A : memref<!tpu.dma_semaphore, #tpu.memory_space<semaphore_mem>>) src(%dma_wait3A_766 : memref<8x96xi32, #tpu.memory_space<hbm>>) dst(%arg5 : memref<8x96xi32, #tpu.memory_space<vmem>>)
          tpu.yield
        }) : () -> ()
      } else {
      }
      %scan3A_548 = arith.constant 0 : i32
      %scan3A_549 = arith.constant 0 : i32
      %scan3A_550 = arith.constant 8 : i32
      %scan3A_551 = arith.addi %scan3A_549, %scan3A_550 : i32
      %scan3A_552 = arith.constant 1 : i32
      %scan3A_553 = scf.for %scan3A_655 = %scan3A_549 to %scan3A_551 step %scan3A_552 iter_args(%scan3A_656 = %scan3A_548) -> (i32)  : i32 {
        %get3A = arith.index_cast %scan3A_655 : i32 to index
        %get3A_657 = arith.constant 0 : index
        %get3A_658 = tpu.vector_load %arg6[%get3A, %get3A_657] {strides = array<i32>} : memref<8x96xi32, #tpu.memory_space<vmem>>, vector<16xi32>,
        %get3A_659 = arith.index_cast %scan3A_655 : i32 to index
        %get3A_660 = arith.constant 16 : index
        %get3A_661 = tpu.vector_load %arg6[%get3A_659, %get3A_660] {strides = array<i32>} : memref<8x96xi32, #tpu.memory_space<vmem>>, vector<16xi32>,
        %get3A_662 = arith.index_cast %scan3A_655 : i32 to index
        %get3A_663 = arith.constant 32 : index
        %get3A_664 = tpu.vector_load %arg6[%get3A_662, %get3A_663] {strides = array<i32>} : memref<8x96xi32, #tpu.memory_space<vmem>>, vector<16xi32>,
        %get3A_665 = arith.index_cast %scan3A_655 : i32 to index
        %get3A_666 = arith.constant 48 : index
        %get3A_667 = tpu.vector_load %arg6[%get3A_665, %get3A_666] {strides = array<i32>} : memref<8x96xi32, #tpu.memory_space<vmem>>, vector<16xi32>,
        %get3A_668 = arith.index_cast %scan3A_655 : i32 to index
        %get3A_669 = arith.constant 64 : index
        %get3A_670 = tpu.vector_load %arg6[%get3A_668, %get3A_669] {strides = array<i32>} : memref<8x96xi32, #tpu.memory_space<vmem>>, vector<16xi32>,
        %get3A_671 = arith.index_cast %scan3A_655 : i32 to index
        %get3A_672 = arith.constant 80 : index
        %get3A_673 = tpu.vector_load %arg6[%get3A_671, %get3A_672] {strides = array<i32>} : memref<8x96xi32, #tpu.memory_space<vmem>>, vector<16xi32>,
        %mul3A_674 = arith.constant 4096 : i32
        %mul3A_675 = arith.muli %scan3A_655, %mul3A_674 : i32
        %add3A_676 = vector.broadcast %mul3A_675 : i32 to vector<16xi32>
        %add3A_677 = arith.addi %get3A_658, %add3A_676 : vector<16xi32>
        %mul3A_678 = arith.constant 4096 : i32
        %mul3A_679 = arith.muli %scan3A_655, %mul3A_678 : i32
        %add3A_680 = vector.broadcast %mul3A_679 : i32 to vector<16xi32>
        %add3A_681 = arith.addi %get3A_661, %add3A_680 : vector<16xi32>
        %mul3A_682 = arith.constant 4096 : i32
        %mul3A_683 = arith.muli %scan3A_655, %mul3A_682 : i32
        %add3A_684 = vector.broadcast %mul3A_683 : i32 to vector<16xi32>
        %add3A_685 = arith.addi %get3A_664, %add3A_684 : vector<16xi32>
        %mul3A_686 = arith.constant 4096 : i32
        %mul3A_687 = arith.muli %scan3A_655, %mul3A_686 : i32
        %add3A_688 = vector.broadcast %mul3A_687 : i32 to vector<16xi32>
        %add3A_689 = arith.addi %get3A_667, %add3A_688 : vector<16xi32>
        %mul3A_690 = arith.constant 4096 : i32
        %mul3A_691 = arith.muli %scan3A_655, %mul3A_690 : i32
        %add3A_692 = vector.broadcast %mul3A_691 : i32 to vector<16xi32>
        %add3A_693 = arith.addi %get3A_670, %add3A_692 : vector<16xi32>
        %mul3A_694 = arith.constant 4096 : i32
        %mul3A_695 = arith.muli %scan3A_655, %mul3A_694 : i32
        %add3A_696 = vector.broadcast %mul3A_695 : i32 to vector<16xi32>
        %add3A_697 = arith.addi %get3A_673, %add3A_696 : vector<16xi32>
        %and3A = arith.constant 2047 : i32
        %and3A_698 = vector.broadcast %and3A : i32 to vector<16xi32>
        %and3A_699 = arith.andi %get3A_658, %and3A_698 : vector<16xi32>
        %mul3A_700 = arith.constant 2048 : i32
        %mul3A_701 = arith.muli %scan3A_655, %mul3A_700 : i32
        %add3A_702 = vector.broadcast %mul3A_701 : i32 to vector<16xi32>
        %add3A_703 = arith.addi %and3A_699, %add3A_702 : vector<16xi32>
        %gather3A = tpu.vector_load_idx %arg8[%add3A_703] : memref<16384xi32, #tpu.memory_space<vmem>>[vector<16xi32>], vector<16xi32>,
        %ge3A = arith.constant 2048 : i32
        %ge3A_704 = vector.broadcast %ge3A : i32 to vector<16xi32>
        %ge3A_705 = arith.cmpi sge, %get3A_658, %ge3A_704 : vector<16xi32>
        %and3A_706 = arith.constant -65536 : i32
        %and3A_707 = vector.broadcast %and3A_706 : i32 to vector<16xi32>
        %and3A_708 = arith.andi %gather3A, %and3A_707 : vector<16xi32>
        %shift_left3A = arith.constant 16 : i32
        %shift_left3A_709 = vector.broadcast %shift_left3A : i32 to vector<16xi32>
        %shift_left3A_710 = arith.shli %gather3A, %shift_left3A_709 : vector<16xi32>
        %select_n3A = arith.select %ge3A_705, %and3A_708, %shift_left3A_710 : vector<16xi1>, vector<16xi32>
        %bitcast_convert_type3A = tpu.bitcast %select_n3A : vector<16xi32> -> vector<16xf32>
        %and3A_711 = arith.constant 2047 : i32
        %and3A_712 = vector.broadcast %and3A_711 : i32 to vector<16xi32>
        %and3A_713 = arith.andi %get3A_661, %and3A_712 : vector<16xi32>
        %mul3A_714 = arith.constant 2048 : i32
        %mul3A_715 = arith.muli %scan3A_655, %mul3A_714 : i32
        %add3A_716 = vector.broadcast %mul3A_715 : i32 to vector<16xi32>
        %add3A_717 = arith.addi %and3A_713, %add3A_716 : vector<16xi32>
        %gather3A_718 = tpu.vector_load_idx %arg8[%add3A_717] : memref<16384xi32, #tpu.memory_space<vmem>>[vector<16xi32>], vector<16xi32>,
        %ge3A_719 = arith.constant 2048 : i32
        %ge3A_720 = vector.broadcast %ge3A_719 : i32 to vector<16xi32>
        %ge3A_721 = arith.cmpi sge, %get3A_661, %ge3A_720 : vector<16xi32>
        %and3A_722 = arith.constant -65536 : i32
        %and3A_723 = vector.broadcast %and3A_722 : i32 to vector<16xi32>
        %and3A_724 = arith.andi %gather3A_718, %and3A_723 : vector<16xi32>
        %shift_left3A_725 = arith.constant 16 : i32
        %shift_left3A_726 = vector.broadcast %shift_left3A_725 : i32 to vector<16xi32>
        %shift_left3A_727 = arith.shli %gather3A_718, %shift_left3A_726 : vector<16xi32>
        %select_n3A_728 = arith.select %ge3A_721, %and3A_724, %shift_left3A_727 : vector<16xi1>, vector<16xi32>
        %bitcast_convert_type3A_729 = tpu.bitcast %select_n3A_728 : vector<16xi32> -> vector<16xf32>
        %and3A_730 = arith.constant 2047 : i32
        %and3A_731 = vector.broadcast %and3A_730 : i32 to vector<16xi32>
        %and3A_732 = arith.andi %get3A_664, %and3A_731 : vector<16xi32>
        %mul3A_733 = arith.constant 2048 : i32
        %mul3A_734 = arith.muli %scan3A_655, %mul3A_733 : i32
        %add3A_735 = vector.broadcast %mul3A_734 : i32 to vector<16xi32>
        %add3A_736 = arith.addi %and3A_732, %add3A_735 : vector<16xi32>
        %gather3A_737 = tpu.vector_load_idx %arg8[%add3A_736] : memref<16384xi32, #tpu.memory_space<vmem>>[vector<16xi32>], vector<16xi32>,
        %ge3A_738 = arith.constant 2048 : i32
        %ge3A_739 = vector.broadcast %ge3A_738 : i32 to vector<16xi32>
        %ge3A_740 = arith.cmpi sge, %get3A_664, %ge3A_739 : vector<16xi32>
        %and3A_741 = arith.constant -65536 : i32
        %and3A_742 = vector.broadcast %and3A_741 : i32 to vector<16xi32>
        %and3A_743 = arith.andi %gather3A_737, %and3A_742 : vector<16xi32>
        %shift_left3A_744 = arith.constant 16 : i32
        %shift_left3A_745 = vector.broadcast %shift_left3A_744 : i32 to vector<16xi32>
        %shift_left3A_746 = arith.shli %gather3A_737, %shift_left3A_745 : vector<16xi32>
        %select_n3A_747 = arith.select %ge3A_740, %and3A_743, %shift_left3A_746 : vector<16xi1>, vector<16xi32>
        %bitcast_convert_type3A_748 = tpu.bitcast %select_n3A_747 : vector<16xi32> -> vector<16xf32>
        %and3A_749 = arith.constant 2047 : i32
        %and3A_750 = vector.broadcast %and3A_749 : i32 to vector<16xi32>
        %and3A_751 = arith.andi %get3A_667, %and3A_750 : vector<16xi32>
        %mul3A_752 = arith.constant 2048 : i32
        %mul3A_753 = arith.muli %scan3A_655, %mul3A_752 : i32
        %add3A_754 = vector.broadcast %mul3A_753 : i32 to vector<16xi32>
        %add3A_755 = arith.addi %and3A_751, %add3A_754 : vector<16xi32>
        %gather3A_756 = tpu.vector_load_idx %arg8[%add3A_755] : memref<16384xi32, #tpu.memory_space<vmem>>[vector<16xi32>], vector<16xi32>,
        %ge3A_757 = arith.constant 2048 : i32
        %ge3A_758 = vector.broadcast %ge3A_757 : i32 to vector<16xi32>
        %ge3A_759 = arith.cmpi sge, %get3A_667, %ge3A_758 : vector<16xi32>
        %and3A_760 = arith.constant -65536 : i32
        %and3A_761 = vector.broadcast %and3A_760 : i32 to vector<16xi32>
        %and3A_762 = arith.andi %gather3A_756, %and3A_761 : vector<16xi32>
        %shift_left3A_763 = arith.constant 16 : i32
        %shift_left3A_764 = vector.broadcast %shift_left3A_763 : i32 to vector<16xi32>
        %shift_left3A_765 = arith.shli %gather3A_756, %shift_left3A_764 : vector<16xi32>
        %select_n3A_766 = arith.select %ge3A_759, %and3A_762, %shift_left3A_765 : vector<16xi1>, vector<16xi32>
        %bitcast_convert_type3A_767 = tpu.bitcast %select_n3A_766 : vector<16xi32> -> vector<16xf32>
        %and3A_768 = arith.constant 2047 : i32
        %and3A_769 = vector.broadcast %and3A_768 : i32 to vector<16xi32>
        %and3A_770 = arith.andi %get3A_670, %and3A_769 : vector<16xi32>
        %mul3A_771 = arith.constant 2048 : i32
        %mul3A_772 = arith.muli %scan3A_655, %mul3A_771 : i32
        %add3A_773 = vector.broadcast %mul3A_772 : i32 to vector<16xi32>
        %add3A_774 = arith.addi %and3A_770, %add3A_773 : vector<16xi32>
        %gather3A_775 = tpu.vector_load_idx %arg8[%add3A_774] : memref<16384xi32, #tpu.memory_space<vmem>>[vector<16xi32>], vector<16xi32>,
        %ge3A_776 = arith.constant 2048 : i32
        %ge3A_777 = vector.broadcast %ge3A_776 : i32 to vector<16xi32>
        %ge3A_778 = arith.cmpi sge, %get3A_670, %ge3A_777 : vector<16xi32>
        %and3A_779 = arith.constant -65536 : i32
        %and3A_780 = vector.broadcast %and3A_779 : i32 to vector<16xi32>
        %and3A_781 = arith.andi %gather3A_775, %and3A_780 : vector<16xi32>
        %shift_left3A_782 = arith.constant 16 : i32
        %shift_left3A_783 = vector.broadcast %shift_left3A_782 : i32 to vector<16xi32>
        %shift_left3A_784 = arith.shli %gather3A_775, %shift_left3A_783 : vector<16xi32>
        %select_n3A_785 = arith.select %ge3A_778, %and3A_781, %shift_left3A_784 : vector<16xi1>, vector<16xi32>
        %bitcast_convert_type3A_786 = tpu.bitcast %select_n3A_785 : vector<16xi32> -> vector<16xf32>
        %and3A_787 = arith.constant 2047 : i32
        %and3A_788 = vector.broadcast %and3A_787 : i32 to vector<16xi32>
        %and3A_789 = arith.andi %get3A_673, %and3A_788 : vector<16xi32>
        %mul3A_790 = arith.constant 2048 : i32
        %mul3A_791 = arith.muli %scan3A_655, %mul3A_790 : i32
        %add3A_792 = vector.broadcast %mul3A_791 : i32 to vector<16xi32>
        %add3A_793 = arith.addi %and3A_789, %add3A_792 : vector<16xi32>
        %gather3A_794 = tpu.vector_load_idx %arg8[%add3A_793] : memref<16384xi32, #tpu.memory_space<vmem>>[vector<16xi32>], vector<16xi32>,
        %ge3A_795 = arith.constant 2048 : i32
        %ge3A_796 = vector.broadcast %ge3A_795 : i32 to vector<16xi32>
        %ge3A_797 = arith.cmpi sge, %get3A_673, %ge3A_796 : vector<16xi32>
        %and3A_798 = arith.constant -65536 : i32
        %and3A_799 = vector.broadcast %and3A_798 : i32 to vector<16xi32>
        %and3A_800 = arith.andi %gather3A_794, %and3A_799 : vector<16xi32>
        %shift_left3A_801 = arith.constant 16 : i32
        %shift_left3A_802 = vector.broadcast %shift_left3A_801 : i32 to vector<16xi32>
        %shift_left3A_803 = arith.shli %gather3A_794, %shift_left3A_802 : vector<16xi32>
        %select_n3A_804 = arith.select %ge3A_797, %and3A_800, %shift_left3A_803 : vector<16xi1>, vector<16xi32>
        %bitcast_convert_type3A_805 = tpu.bitcast %select_n3A_804 : vector<16xi32> -> vector<16xf32>
        %jit3A = arith.constant -1.000000e+30 : f32
        %broadcast_in_dim3A_806 = vector.broadcast %jit3A : f32 to vector<16xf32>
        %select_n3A_807 = arith.select %lt3A_5, %bitcast_convert_type3A_805, %broadcast_in_dim3A_806 : vector<16xi1>, vector<16xf32>
        %max3A = arith.maximumf %bitcast_convert_type3A, %bitcast_convert_type3A_729 : vector<16xf32>
        %max3A_808 = arith.maximumf %max3A, %bitcast_convert_type3A_748 : vector<16xf32>
        %max3A_809 = arith.maximumf %max3A_808, %bitcast_convert_type3A_767 : vector<16xf32>
        %max3A_810 = arith.maximumf %max3A_809, %bitcast_convert_type3A_786 : vector<16xf32>
        %max3A_811 = arith.maximumf %max3A_810, %select_n3A_807 : vector<16xf32>
        %reduce_max3A = arith.constant true
        %reduce_max3A_812 = vector.broadcast %reduce_max3A : i1 to vector<16xi1>
        %reduce_max3A_813 = tpu.scan <max>, %max3A_811 masked %reduce_max3A_812 : vector<16xf32>, vector<16xi1> -> vector<16xf32>
        %reduce_max3A_814 = vector.extract %reduce_max3A_813[15] : f32 from vector<16xf32>
        %sub3A = vector.broadcast %reduce_max3A_814 : f32 to vector<16xf32>
        %sub3A_815 = arith.subf %bitcast_convert_type3A, %sub3A : vector<16xf32>
        %exp3A = math.exp %sub3A_815 : vector<16xf32>
        %sub3A_816 = vector.broadcast %reduce_max3A_814 : f32 to vector<16xf32>
        %sub3A_817 = arith.subf %bitcast_convert_type3A_729, %sub3A_816 : vector<16xf32>
        %exp3A_818 = math.exp %sub3A_817 : vector<16xf32>
        %sub3A_819 = vector.broadcast %reduce_max3A_814 : f32 to vector<16xf32>
        %sub3A_820 = arith.subf %bitcast_convert_type3A_748, %sub3A_819 : vector<16xf32>
        %exp3A_821 = math.exp %sub3A_820 : vector<16xf32>
        %sub3A_822 = vector.broadcast %reduce_max3A_814 : f32 to vector<16xf32>
        %sub3A_823 = arith.subf %bitcast_convert_type3A_767, %sub3A_822 : vector<16xf32>
        %exp3A_824 = math.exp %sub3A_823 : vector<16xf32>
        %sub3A_825 = vector.broadcast %reduce_max3A_814 : f32 to vector<16xf32>
        %sub3A_826 = arith.subf %bitcast_convert_type3A_786, %sub3A_825 : vector<16xf32>
        %exp3A_827 = math.exp %sub3A_826 : vector<16xf32>
        %sub3A_828 = vector.broadcast %reduce_max3A_814 : f32 to vector<16xf32>
        %sub3A_829 = arith.subf %select_n3A_807, %sub3A_828 : vector<16xf32>
        %exp3A_830 = math.exp %sub3A_829 : vector<16xf32>
        %add3A_831 = arith.addf %exp3A, %exp3A_818 : vector<16xf32>
        %add3A_832 = arith.addf %add3A_831, %exp3A_821 : vector<16xf32>
        %add3A_833 = arith.addf %add3A_832, %exp3A_824 : vector<16xf32>
        %add3A_834 = arith.addf %add3A_833, %exp3A_827 : vector<16xf32>
        %add3A_835 = arith.addf %add3A_834, %exp3A_830 : vector<16xf32>
        %reduce_sum3A = arith.constant true
        %reduce_sum3A_836 = vector.broadcast %reduce_sum3A : i1 to vector<16xi1>
        %reduce_sum3A_837 = tpu.scan <sum>, %add3A_835 masked %reduce_sum3A_836 : vector<16xf32>, vector<16xi1> -> vector<16xf32>
        %reduce_sum3A_838 = vector.extract %reduce_sum3A_837[15] : f32 from vector<16xf32>
        %broadcast_in_dim3A_839 = arith.constant 9.99999996E-13 : f32
        %broadcast_in_dim3A_840 = vector.broadcast %broadcast_in_dim3A_839 : f32 to vector<16xf32>
        %add3A_841 = vector.broadcast %reduce_sum3A_838 : f32 to vector<16xf32>
        %add3A_842 = arith.addf %broadcast_in_dim3A_840, %add3A_841 : vector<16xf32>
        %broadcast_in_dim3A_843 = arith.constant 1.000000e+00 : f32
        %broadcast_in_dim3A_844 = vector.broadcast %broadcast_in_dim3A_843 : f32 to vector<16xf32>
        %div3A = arith.divf %broadcast_in_dim3A_844, %add3A_842 : vector<16xf32>
        %mul3A_845 = arith.mulf %exp3A, %div3A : vector<16xf32>
        tpu.vector_store_idx %arg9[%add3A_677], %mul3A_845 {add = true} : memref<32768xf32, #tpu.memory_space<vmem>>[vector<16xi32>], vector<16xf32>,
        %mul3A_846 = arith.mulf %exp3A_818, %div3A : vector<16xf32>
        tpu.vector_store_idx %arg9[%add3A_681], %mul3A_846 {add = true} : memref<32768xf32, #tpu.memory_space<vmem>>[vector<16xi32>], vector<16xf32>,
        %mul3A_847 = arith.mulf %exp3A_821, %div3A : vector<16xf32>
        tpu.vector_store_idx %arg9[%add3A_685], %mul3A_847 {add = true} : memref<32768xf32, #tpu.memory_space<vmem>>[vector<16xi32>], vector<16xf32>,
        %mul3A_848 = arith.mulf %exp3A_824, %div3A : vector<16xf32>
        tpu.vector_store_idx %arg9[%add3A_689], %mul3A_848 {add = true} : memref<32768xf32, #tpu.memory_space<vmem>>[vector<16xi32>], vector<16xf32>,
        %mul3A_849 = arith.mulf %exp3A_827, %div3A : vector<16xf32>
        tpu.vector_store_idx %arg9[%add3A_693], %mul3A_849 {add = true} : memref<32768xf32, #tpu.memory_space<vmem>>[vector<16xi32>], vector<16xf32>,
        %mul3A_850 = arith.mulf %exp3A_830, %div3A : vector<16xf32>
        tpu.vector_store_idx %arg9[%add3A_697], %mul3A_850 masked %lt3A_5 {add = true} : memref<32768xf32, #tpu.memory_space<vmem>>[vector<16xi32>], vector<16xf32>, vector<16xi1>
        %scan3A_851 = arith.constant 0 : i32
        scf.yield %scan3A_851 : i32
      }
      %scan3A_554 = arith.constant 8 : i32
      %mul3A_555 = arith.constant 8 : i32
      %mul3A_556 = arith.muli %add3A_436, %mul3A_555 : i32
      %add3A_557 = arith.addi %mul3A_2, %mul3A_556 : i32
      %add3A_558 = arith.constant 0 : i32
      %add3A_559 = arith.addi %add3A_557, %add3A_558 : i32
      %add3A_560 = arith.constant 1 : i32
      %add3A_561 = arith.addi %add3A_557, %add3A_560 : i32
      %add3A_562 = arith.constant 2 : i32
      %add3A_563 = arith.addi %add3A_557, %add3A_562 : i32
      %add3A_564 = arith.constant 3 : i32
      %add3A_565 = arith.addi %add3A_557, %add3A_564 : i32
      %add3A_566 = arith.constant 4 : i32
      %add3A_567 = arith.addi %add3A_557, %add3A_566 : i32
      %add3A_568 = arith.constant 5 : i32
      %add3A_569 = arith.addi %add3A_557, %add3A_568 : i32
      %add3A_570 = arith.constant 6 : i32
      %add3A_571 = arith.addi %add3A_557, %add3A_570 : i32
      %add3A_572 = arith.constant 7 : i32
      %add3A_573 = arith.addi %add3A_557, %add3A_572 : i32
      %dma_start3A_574 = arith.constant 0 : i32
      %dma_start3A_575 = tpu.memref_slice %arg9[%dma_start3A_574] : memref<32768xf32, #tpu.memory_space<vmem>> -> memref<4096xf32, #tpu.memory_space<vmem>>
      %dma_start3A_576 = arith.constant 0 : i32
      %dma_start3A_577 = tpu.memref_slice %arg4[%add3A_559, %dma_start3A_576] : memref<4096x4096xf32, #tpu.memory_space<hbm>> -> memref<1x4096xf32, #tpu.memory_space<hbm>>
      %dma_start3A_578 = tpu.memref_squeeze %dma_start3A_577 : memref<1x4096xf32, #tpu.memory_space<hbm>> -> memref<4096xf32, #tpu.memory_space<hbm>>
      %dma_start3A_579 = arith.constant 0 : i32
      %dma_start3A_580 = tpu.memref_slice %arg4[%add3A_559, %dma_start3A_579] : memref<4096x4096xf32, #tpu.memory_space<hbm>> -> memref<1x4096xf32, #tpu.memory_space<hbm>>
      %dma_start3A_581 = tpu.memref_squeeze %dma_start3A_580 : memref<1x4096xf32, #tpu.memory_space<hbm>> -> memref<4096xf32, #tpu.memory_space<hbm>>
      %dma_start3A_582 = arith.constant 0 : i32
      %dma_start3A_583 = tpu.memref_slice %arg9[%dma_start3A_582] : memref<32768xf32, #tpu.memory_space<vmem>> -> memref<4096xf32, #tpu.memory_space<vmem>>
      tpu.enqueue_dma source(%dma_start3A_583 : memref<4096xf32, #tpu.memory_space<vmem>>) target(%dma_start3A_581 : memref<4096xf32, #tpu.memory_space<hbm>>) target_semaphore(%arg12 : memref<!tpu.dma_semaphore, #tpu.memory_space<semaphore_mem>>)
      %dma_start3A_584 = arith.constant 4096 : i32
      %dma_start3A_585 = tpu.memref_slice %arg9[%dma_start3A_584] : memref<32768xf32, #tpu.memory_space<vmem>> -> memref<4096xf32, #tpu.memory_space<vmem>>
      %dma_start3A_586 = arith.constant 0 : i32
      %dma_start3A_587 = tpu.memref_slice %arg4[%add3A_561, %dma_start3A_586] : memref<4096x4096xf32, #tpu.memory_space<hbm>> -> memref<1x4096xf32, #tpu.memory_space<hbm>>
      %dma_start3A_588 = tpu.memref_squeeze %dma_start3A_587 : memref<1x4096xf32, #tpu.memory_space<hbm>> -> memref<4096xf32, #tpu.memory_space<hbm>>
      %dma_start3A_589 = arith.constant 0 : i32
      %dma_start3A_590 = tpu.memref_slice %arg4[%add3A_561, %dma_start3A_589] : memref<4096x4096xf32, #tpu.memory_space<hbm>> -> memref<1x4096xf32, #tpu.memory_space<hbm>>
      %dma_start3A_591 = tpu.memref_squeeze %dma_start3A_590 : memref<1x4096xf32, #tpu.memory_space<hbm>> -> memref<4096xf32, #tpu.memory_space<hbm>>
      %dma_start3A_592 = arith.constant 4096 : i32
      %dma_start3A_593 = tpu.memref_slice %arg9[%dma_start3A_592] : memref<32768xf32, #tpu.memory_space<vmem>> -> memref<4096xf32, #tpu.memory_space<vmem>>
      tpu.enqueue_dma source(%dma_start3A_593 : memref<4096xf32, #tpu.memory_space<vmem>>) target(%dma_start3A_591 : memref<4096xf32, #tpu.memory_space<hbm>>) target_semaphore(%arg12 : memref<!tpu.dma_semaphore, #tpu.memory_space<semaphore_mem>>)
      %dma_start3A_594 = arith.constant 8192 : i32
      %dma_start3A_595 = tpu.memref_slice %arg9[%dma_start3A_594] : memref<32768xf32, #tpu.memory_space<vmem>> -> memref<4096xf32, #tpu.memory_space<vmem>>
      %dma_start3A_596 = arith.constant 0 : i32
      %dma_start3A_597 = tpu.memref_slice %arg4[%add3A_563, %dma_start3A_596] : memref<4096x4096xf32, #tpu.memory_space<hbm>> -> memref<1x4096xf32, #tpu.memory_space<hbm>>
      %dma_start3A_598 = tpu.memref_squeeze %dma_start3A_597 : memref<1x4096xf32, #tpu.memory_space<hbm>> -> memref<4096xf32, #tpu.memory_space<hbm>>
      %dma_start3A_599 = arith.constant 0 : i32
      %dma_start3A_600 = tpu.memref_slice %arg4[%add3A_563, %dma_start3A_599] : memref<4096x4096xf32, #tpu.memory_space<hbm>> -> memref<1x4096xf32, #tpu.memory_space<hbm>>
      %dma_start3A_601 = tpu.memref_squeeze %dma_start3A_600 : memref<1x4096xf32, #tpu.memory_space<hbm>> -> memref<4096xf32, #tpu.memory_space<hbm>>
      %dma_start3A_602 = arith.constant 8192 : i32
      %dma_start3A_603 = tpu.memref_slice %arg9[%dma_start3A_602] : memref<32768xf32, #tpu.memory_space<vmem>> -> memref<4096xf32, #tpu.memory_space<vmem>>
      tpu.enqueue_dma source(%dma_start3A_603 : memref<4096xf32, #tpu.memory_space<vmem>>) target(%dma_start3A_601 : memref<4096xf32, #tpu.memory_space<hbm>>) target_semaphore(%arg12 : memref<!tpu.dma_semaphore, #tpu.memory_space<semaphore_mem>>)
      %dma_start3A_604 = arith.constant 12288 : i32
      %dma_start3A_605 = tpu.memref_slice %arg9[%dma_start3A_604] : memref<32768xf32, #tpu.memory_space<vmem>> -> memref<4096xf32, #tpu.memory_space<vmem>>
      %dma_start3A_606 = arith.constant 0 : i32
      %dma_start3A_607 = tpu.memref_slice %arg4[%add3A_565, %dma_start3A_606] : memref<4096x4096xf32, #tpu.memory_space<hbm>> -> memref<1x4096xf32, #tpu.memory_space<hbm>>
      %dma_start3A_608 = tpu.memref_squeeze %dma_start3A_607 : memref<1x4096xf32, #tpu.memory_space<hbm>> -> memref<4096xf32, #tpu.memory_space<hbm>>
      %dma_start3A_609 = arith.constant 0 : i32
      %dma_start3A_610 = tpu.memref_slice %arg4[%add3A_565, %dma_start3A_609] : memref<4096x4096xf32, #tpu.memory_space<hbm>> -> memref<1x4096xf32, #tpu.memory_space<hbm>>
      %dma_start3A_611 = tpu.memref_squeeze %dma_start3A_610 : memref<1x4096xf32, #tpu.memory_space<hbm>> -> memref<4096xf32, #tpu.memory_space<hbm>>
      %dma_start3A_612 = arith.constant 12288 : i32
      %dma_start3A_613 = tpu.memref_slice %arg9[%dma_start3A_612] : memref<32768xf32, #tpu.memory_space<vmem>> -> memref<4096xf32, #tpu.memory_space<vmem>>
      tpu.enqueue_dma source(%dma_start3A_613 : memref<4096xf32, #tpu.memory_space<vmem>>) target(%dma_start3A_611 : memref<4096xf32, #tpu.memory_space<hbm>>) target_semaphore(%arg12 : memref<!tpu.dma_semaphore, #tpu.memory_space<semaphore_mem>>)
      %dma_start3A_614 = arith.constant 16384 : i32
      %dma_start3A_615 = tpu.memref_slice %arg9[%dma_start3A_614] : memref<32768xf32, #tpu.memory_space<vmem>> -> memref<4096xf32, #tpu.memory_space<vmem>>
      %dma_start3A_616 = arith.constant 0 : i32
      %dma_start3A_617 = tpu.memref_slice %arg4[%add3A_567, %dma_start3A_616] : memref<4096x4096xf32, #tpu.memory_space<hbm>> -> memref<1x4096xf32, #tpu.memory_space<hbm>>
      %dma_start3A_618 = tpu.memref_squeeze %dma_start3A_617 : memref<1x4096xf32, #tpu.memory_space<hbm>> -> memref<4096xf32, #tpu.memory_space<hbm>>
      %dma_start3A_619 = arith.constant 0 : i32
      %dma_start3A_620 = tpu.memref_slice %arg4[%add3A_567, %dma_start3A_619] : memref<4096x4096xf32, #tpu.memory_space<hbm>> -> memref<1x4096xf32, #tpu.memory_space<hbm>>
      %dma_start3A_621 = tpu.memref_squeeze %dma_start3A_620 : memref<1x4096xf32, #tpu.memory_space<hbm>> -> memref<4096xf32, #tpu.memory_space<hbm>>
      %dma_start3A_622 = arith.constant 16384 : i32
      %dma_start3A_623 = tpu.memref_slice %arg9[%dma_start3A_622] : memref<32768xf32, #tpu.memory_space<vmem>> -> memref<4096xf32, #tpu.memory_space<vmem>>
      tpu.enqueue_dma source(%dma_start3A_623 : memref<4096xf32, #tpu.memory_space<vmem>>) target(%dma_start3A_621 : memref<4096xf32, #tpu.memory_space<hbm>>) target_semaphore(%arg12 : memref<!tpu.dma_semaphore, #tpu.memory_space<semaphore_mem>>)
      %dma_start3A_624 = arith.constant 20480 : i32
      %dma_start3A_625 = tpu.memref_slice %arg9[%dma_start3A_624] : memref<32768xf32, #tpu.memory_space<vmem>> -> memref<4096xf32, #tpu.memory_space<vmem>>
      %dma_start3A_626 = arith.constant 0 : i32
      %dma_start3A_627 = tpu.memref_slice %arg4[%add3A_569, %dma_start3A_626] : memref<4096x4096xf32, #tpu.memory_space<hbm>> -> memref<1x4096xf32, #tpu.memory_space<hbm>>
      %dma_start3A_628 = tpu.memref_squeeze %dma_start3A_627 : memref<1x4096xf32, #tpu.memory_space<hbm>> -> memref<4096xf32, #tpu.memory_space<hbm>>
      %dma_start3A_629 = arith.constant 0 : i32
      %dma_start3A_630 = tpu.memref_slice %arg4[%add3A_569, %dma_start3A_629] : memref<4096x4096xf32, #tpu.memory_space<hbm>> -> memref<1x4096xf32, #tpu.memory_space<hbm>>
      %dma_start3A_631 = tpu.memref_squeeze %dma_start3A_630 : memref<1x4096xf32, #tpu.memory_space<hbm>> -> memref<4096xf32, #tpu.memory_space<hbm>>
      %dma_start3A_632 = arith.constant 20480 : i32
      %dma_start3A_633 = tpu.memref_slice %arg9[%dma_start3A_632] : memref<32768xf32, #tpu.memory_space<vmem>> -> memref<4096xf32, #tpu.memory_space<vmem>>
      tpu.enqueue_dma source(%dma_start3A_633 : memref<4096xf32, #tpu.memory_space<vmem>>) target(%dma_start3A_631 : memref<4096xf32, #tpu.memory_space<hbm>>) target_semaphore(%arg12 : memref<!tpu.dma_semaphore, #tpu.memory_space<semaphore_mem>>)
      %dma_start3A_634 = arith.constant 24576 : i32
      %dma_start3A_635 = tpu.memref_slice %arg9[%dma_start3A_634] : memref<32768xf32, #tpu.memory_space<vmem>> -> memref<4096xf32, #tpu.memory_space<vmem>>
      %dma_start3A_636 = arith.constant 0 : i32
      %dma_start3A_637 = tpu.memref_slice %arg4[%add3A_571, %dma_start3A_636] : memref<4096x4096xf32, #tpu.memory_space<hbm>> -> memref<1x4096xf32, #tpu.memory_space<hbm>>
      %dma_start3A_638 = tpu.memref_squeeze %dma_start3A_637 : memref<1x4096xf32, #tpu.memory_space<hbm>> -> memref<4096xf32, #tpu.memory_space<hbm>>
      %dma_start3A_639 = arith.constant 0 : i32
      %dma_start3A_640 = tpu.memref_slice %arg4[%add3A_571, %dma_start3A_639] : memref<4096x4096xf32, #tpu.memory_space<hbm>> -> memref<1x4096xf32, #tpu.memory_space<hbm>>
      %dma_start3A_641 = tpu.memref_squeeze %dma_start3A_640 : memref<1x4096xf32, #tpu.memory_space<hbm>> -> memref<4096xf32, #tpu.memory_space<hbm>>
      %dma_start3A_642 = arith.constant 24576 : i32
      %dma_start3A_643 = tpu.memref_slice %arg9[%dma_start3A_642] : memref<32768xf32, #tpu.memory_space<vmem>> -> memref<4096xf32, #tpu.memory_space<vmem>>
      tpu.enqueue_dma source(%dma_start3A_643 : memref<4096xf32, #tpu.memory_space<vmem>>) target(%dma_start3A_641 : memref<4096xf32, #tpu.memory_space<hbm>>) target_semaphore(%arg12 : memref<!tpu.dma_semaphore, #tpu.memory_space<semaphore_mem>>)
      %dma_start3A_644 = arith.constant 28672 : i32
      %dma_start3A_645 = tpu.memref_slice %arg9[%dma_start3A_644] : memref<32768xf32, #tpu.memory_space<vmem>> -> memref<4096xf32, #tpu.memory_space<vmem>>
      %dma_start3A_646 = arith.constant 0 : i32
      %dma_start3A_647 = tpu.memref_slice %arg4[%add3A_573, %dma_start3A_646] : memref<4096x4096xf32, #tpu.memory_space<hbm>> -> memref<1x4096xf32, #tpu.memory_space<hbm>>
      %dma_start3A_648 = tpu.memref_squeeze %dma_start3A_647 : memref<1x4096xf32, #tpu.memory_space<hbm>> -> memref<4096xf32, #tpu.memory_space<hbm>>
      %dma_start3A_649 = arith.constant 0 : i32
      %dma_start3A_650 = tpu.memref_slice %arg4[%add3A_573, %dma_start3A_649] : memref<4096x4096xf32, #tpu.memory_space<hbm>> -> memref<1x4096xf32, #tpu.memory_space<hbm>>
      %dma_start3A_651 = tpu.memref_squeeze %dma_start3A_650 : memref<1x4096xf32, #tpu.memory_space<hbm>> -> memref<4096xf32, #tpu.memory_space<hbm>>
      %dma_start3A_652 = arith.constant 28672 : i32
      %dma_start3A_653 = tpu.memref_slice %arg9[%dma_start3A_652] : memref<32768xf32, #tpu.memory_space<vmem>> -> memref<4096xf32, #tpu.memory_space<vmem>>
      tpu.enqueue_dma source(%dma_start3A_653 : memref<4096xf32, #tpu.memory_space<vmem>>) target(%dma_start3A_651 : memref<4096xf32, #tpu.memory_space<hbm>>) target_semaphore(%arg12 : memref<!tpu.dma_semaphore, #tpu.memory_space<semaphore_mem>>)
      %scan3A_654 = arith.constant 0 : i32
      scf.yield %scan3A_654 : i32
    }
    %scan3A_117 = arith.constant 8 : i32
    %add3A_118 = arith.constant 120 : i32
    %add3A_119 = arith.addi %mul3A_2, %add3A_118 : i32
    %add3A_120 = arith.constant 0 : i32
    %add3A_121 = arith.addi %add3A_119, %add3A_120 : i32
    %add3A_122 = arith.constant 1 : i32
    %add3A_123 = arith.addi %add3A_119, %add3A_122 : i32
    %add3A_124 = arith.constant 2 : i32
    %add3A_125 = arith.addi %add3A_119, %add3A_124 : i32
    %add3A_126 = arith.constant 3 : i32
    %add3A_127 = arith.addi %add3A_119, %add3A_126 : i32
    %add3A_128 = arith.constant 4 : i32
    %add3A_129 = arith.addi %add3A_119, %add3A_128 : i32
    %add3A_130 = arith.constant 5 : i32
    %add3A_131 = arith.addi %add3A_119, %add3A_130 : i32
    %add3A_132 = arith.constant 6 : i32
    %add3A_133 = arith.addi %add3A_119, %add3A_132 : i32
    %add3A_134 = arith.constant 7 : i32
    %add3A_135 = arith.addi %add3A_119, %add3A_134 : i32
    %dma_wait3A = arith.constant 0 : i32
    %dma_wait3A_136 = tpu.memref_slice %arg9[%dma_wait3A] : memref<32768xf32, #tpu.memory_space<vmem>> -> memref<4096xf32, #tpu.memory_space<vmem>>
    %dma_wait3A_137 = arith.constant 0 : i32
    %dma_wait3A_138 = tpu.memref_slice %arg4[%add3A_121, %dma_wait3A_137] : memref<4096x4096xf32, #tpu.memory_space<hbm>> -> memref<1x4096xf32, #tpu.memory_space<hbm>>
    %dma_wait3A_139 = tpu.memref_squeeze %dma_wait3A_138 : memref<1x4096xf32, #tpu.memory_space<hbm>> -> memref<4096xf32, #tpu.memory_space<hbm>>
    %dma_wait3A_140 = arith.constant 0 : i32
    %dma_wait3A_141 = tpu.memref_slice %arg4[%add3A_121, %dma_wait3A_140] : memref<4096x4096xf32, #tpu.memory_space<hbm>> -> memref<1x4096xf32, #tpu.memory_space<hbm>>
    %dma_wait3A_142 = tpu.memref_squeeze %dma_wait3A_141 : memref<1x4096xf32, #tpu.memory_space<hbm>> -> memref<4096xf32, #tpu.memory_space<hbm>>
    %dma_wait3A_143 = arith.constant 0 : i32
    %dma_wait3A_144 = tpu.memref_slice %arg9[%dma_wait3A_143] : memref<32768xf32, #tpu.memory_space<vmem>> -> memref<4096xf32, #tpu.memory_space<vmem>>
    tpu.wait_dma2 semaphore(%arg12 : memref<!tpu.dma_semaphore, #tpu.memory_space<semaphore_mem>>) src(%dma_wait3A_144 : memref<4096xf32, #tpu.memory_space<vmem>>) dst(%dma_wait3A_142 : memref<4096xf32, #tpu.memory_space<hbm>>)
    %dma_wait3A_145 = arith.constant 4096 : i32
    %dma_wait3A_146 = tpu.memref_slice %arg9[%dma_wait3A_145] : memref<32768xf32, #tpu.memory_space<vmem>> -> memref<4096xf32, #tpu.memory_space<vmem>>
    %dma_wait3A_147 = arith.constant 0 : i32
    %dma_wait3A_148 = tpu.memref_slice %arg4[%add3A_123, %dma_wait3A_147] : memref<4096x4096xf32, #tpu.memory_space<hbm>> -> memref<1x4096xf32, #tpu.memory_space<hbm>>
    %dma_wait3A_149 = tpu.memref_squeeze %dma_wait3A_148 : memref<1x4096xf32, #tpu.memory_space<hbm>> -> memref<4096xf32, #tpu.memory_space<hbm>>
    %dma_wait3A_150 = arith.constant 0 : i32
    %dma_wait3A_151 = tpu.memref_slice %arg4[%add3A_123, %dma_wait3A_150] : memref<4096x4096xf32, #tpu.memory_space<hbm>> -> memref<1x4096xf32, #tpu.memory_space<hbm>>
    %dma_wait3A_152 = tpu.memref_squeeze %dma_wait3A_151 : memref<1x4096xf32, #tpu.memory_space<hbm>> -> memref<4096xf32, #tpu.memory_space<hbm>>
    %dma_wait3A_153 = arith.constant 4096 : i32
    %dma_wait3A_154 = tpu.memref_slice %arg9[%dma_wait3A_153] : memref<32768xf32, #tpu.memory_space<vmem>> -> memref<4096xf32, #tpu.memory_space<vmem>>
    tpu.wait_dma2 semaphore(%arg12 : memref<!tpu.dma_semaphore, #tpu.memory_space<semaphore_mem>>) src(%dma_wait3A_154 : memref<4096xf32, #tpu.memory_space<vmem>>) dst(%dma_wait3A_152 : memref<4096xf32, #tpu.memory_space<hbm>>)
    %dma_wait3A_155 = arith.constant 8192 : i32
    %dma_wait3A_156 = tpu.memref_slice %arg9[%dma_wait3A_155] : memref<32768xf32, #tpu.memory_space<vmem>> -> memref<4096xf32, #tpu.memory_space<vmem>>
    %dma_wait3A_157 = arith.constant 0 : i32
    %dma_wait3A_158 = tpu.memref_slice %arg4[%add3A_125, %dma_wait3A_157] : memref<4096x4096xf32, #tpu.memory_space<hbm>> -> memref<1x4096xf32, #tpu.memory_space<hbm>>
    %dma_wait3A_159 = tpu.memref_squeeze %dma_wait3A_158 : memref<1x4096xf32, #tpu.memory_space<hbm>> -> memref<4096xf32, #tpu.memory_space<hbm>>
    %dma_wait3A_160 = arith.constant 0 : i32
    %dma_wait3A_161 = tpu.memref_slice %arg4[%add3A_125, %dma_wait3A_160] : memref<4096x4096xf32, #tpu.memory_space<hbm>> -> memref<1x4096xf32, #tpu.memory_space<hbm>>
    %dma_wait3A_162 = tpu.memref_squeeze %dma_wait3A_161 : memref<1x4096xf32, #tpu.memory_space<hbm>> -> memref<4096xf32, #tpu.memory_space<hbm>>
    %dma_wait3A_163 = arith.constant 8192 : i32
    %dma_wait3A_164 = tpu.memref_slice %arg9[%dma_wait3A_163] : memref<32768xf32, #tpu.memory_space<vmem>> -> memref<4096xf32, #tpu.memory_space<vmem>>
    tpu.wait_dma2 semaphore(%arg12 : memref<!tpu.dma_semaphore, #tpu.memory_space<semaphore_mem>>) src(%dma_wait3A_164 : memref<4096xf32, #tpu.memory_space<vmem>>) dst(%dma_wait3A_162 : memref<4096xf32, #tpu.memory_space<hbm>>)
    %dma_wait3A_165 = arith.constant 12288 : i32
    %dma_wait3A_166 = tpu.memref_slice %arg9[%dma_wait3A_165] : memref<32768xf32, #tpu.memory_space<vmem>> -> memref<4096xf32, #tpu.memory_space<vmem>>
    %dma_wait3A_167 = arith.constant 0 : i32
    %dma_wait3A_168 = tpu.memref_slice %arg4[%add3A_127, %dma_wait3A_167] : memref<4096x4096xf32, #tpu.memory_space<hbm>> -> memref<1x4096xf32, #tpu.memory_space<hbm>>
    %dma_wait3A_169 = tpu.memref_squeeze %dma_wait3A_168 : memref<1x4096xf32, #tpu.memory_space<hbm>> -> memref<4096xf32, #tpu.memory_space<hbm>>
    %dma_wait3A_170 = arith.constant 0 : i32
    %dma_wait3A_171 = tpu.memref_slice %arg4[%add3A_127, %dma_wait3A_170] : memref<4096x4096xf32, #tpu.memory_space<hbm>> -> memref<1x4096xf32, #tpu.memory_space<hbm>>
    %dma_wait3A_172 = tpu.memref_squeeze %dma_wait3A_171 : memref<1x4096xf32, #tpu.memory_space<hbm>> -> memref<4096xf32, #tpu.memory_space<hbm>>
    %dma_wait3A_173 = arith.constant 12288 : i32
    %dma_wait3A_174 = tpu.memref_slice %arg9[%dma_wait3A_173] : memref<32768xf32, #tpu.memory_space<vmem>> -> memref<4096xf32, #tpu.memory_space<vmem>>
    tpu.wait_dma2 semaphore(%arg12 : memref<!tpu.dma_semaphore, #tpu.memory_space<semaphore_mem>>) src(%dma_wait3A_174 : memref<4096xf32, #tpu.memory_space<vmem>>) dst(%dma_wait3A_172 : memref<4096xf32, #tpu.memory_space<hbm>>)
    %dma_wait3A_175 = arith.constant 16384 : i32
    %dma_wait3A_176 = tpu.memref_slice %arg9[%dma_wait3A_175] : memref<32768xf32, #tpu.memory_space<vmem>> -> memref<4096xf32, #tpu.memory_space<vmem>>
    %dma_wait3A_177 = arith.constant 0 : i32
    %dma_wait3A_178 = tpu.memref_slice %arg4[%add3A_129, %dma_wait3A_177] : memref<4096x4096xf32, #tpu.memory_space<hbm>> -> memref<1x4096xf32, #tpu.memory_space<hbm>>
    %dma_wait3A_179 = tpu.memref_squeeze %dma_wait3A_178 : memref<1x4096xf32, #tpu.memory_space<hbm>> -> memref<4096xf32, #tpu.memory_space<hbm>>
    %dma_wait3A_180 = arith.constant 0 : i32
    %dma_wait3A_181 = tpu.memref_slice %arg4[%add3A_129, %dma_wait3A_180] : memref<4096x4096xf32, #tpu.memory_space<hbm>> -> memref<1x4096xf32, #tpu.memory_space<hbm>>
    %dma_wait3A_182 = tpu.memref_squeeze %dma_wait3A_181 : memref<1x4096xf32, #tpu.memory_space<hbm>> -> memref<4096xf32, #tpu.memory_space<hbm>>
    %dma_wait3A_183 = arith.constant 16384 : i32
    %dma_wait3A_184 = tpu.memref_slice %arg9[%dma_wait3A_183] : memref<32768xf32, #tpu.memory_space<vmem>> -> memref<4096xf32, #tpu.memory_space<vmem>>
    tpu.wait_dma2 semaphore(%arg12 : memref<!tpu.dma_semaphore, #tpu.memory_space<semaphore_mem>>) src(%dma_wait3A_184 : memref<4096xf32, #tpu.memory_space<vmem>>) dst(%dma_wait3A_182 : memref<4096xf32, #tpu.memory_space<hbm>>)
    %dma_wait3A_185 = arith.constant 20480 : i32
    %dma_wait3A_186 = tpu.memref_slice %arg9[%dma_wait3A_185] : memref<32768xf32, #tpu.memory_space<vmem>> -> memref<4096xf32, #tpu.memory_space<vmem>>
    %dma_wait3A_187 = arith.constant 0 : i32
    %dma_wait3A_188 = tpu.memref_slice %arg4[%add3A_131, %dma_wait3A_187] : memref<4096x4096xf32, #tpu.memory_space<hbm>> -> memref<1x4096xf32, #tpu.memory_space<hbm>>
    %dma_wait3A_189 = tpu.memref_squeeze %dma_wait3A_188 : memref<1x4096xf32, #tpu.memory_space<hbm>> -> memref<4096xf32, #tpu.memory_space<hbm>>
    %dma_wait3A_190 = arith.constant 0 : i32
    %dma_wait3A_191 = tpu.memref_slice %arg4[%add3A_131, %dma_wait3A_190] : memref<4096x4096xf32, #tpu.memory_space<hbm>> -> memref<1x4096xf32, #tpu.memory_space<hbm>>
    %dma_wait3A_192 = tpu.memref_squeeze %dma_wait3A_191 : memref<1x4096xf32, #tpu.memory_space<hbm>> -> memref<4096xf32, #tpu.memory_space<hbm>>
    %dma_wait3A_193 = arith.constant 20480 : i32
    %dma_wait3A_194 = tpu.memref_slice %arg9[%dma_wait3A_193] : memref<32768xf32, #tpu.memory_space<vmem>> -> memref<4096xf32, #tpu.memory_space<vmem>>
    tpu.wait_dma2 semaphore(%arg12 : memref<!tpu.dma_semaphore, #tpu.memory_space<semaphore_mem>>) src(%dma_wait3A_194 : memref<4096xf32, #tpu.memory_space<vmem>>) dst(%dma_wait3A_192 : memref<4096xf32, #tpu.memory_space<hbm>>)
    %dma_wait3A_195 = arith.constant 24576 : i32
    %dma_wait3A_196 = tpu.memref_slice %arg9[%dma_wait3A_195] : memref<32768xf32, #tpu.memory_space<vmem>> -> memref<4096xf32, #tpu.memory_space<vmem>>
    %dma_wait3A_197 = arith.constant 0 : i32
    %dma_wait3A_198 = tpu.memref_slice %arg4[%add3A_133, %dma_wait3A_197] : memref<4096x4096xf32, #tpu.memory_space<hbm>> -> memref<1x4096xf32, #tpu.memory_space<hbm>>
    %dma_wait3A_199 = tpu.memref_squeeze %dma_wait3A_198 : memref<1x4096xf32, #tpu.memory_space<hbm>> -> memref<4096xf32, #tpu.memory_space<hbm>>
    %dma_wait3A_200 = arith.constant 0 : i32
    %dma_wait3A_201 = tpu.memref_slice %arg4[%add3A_133, %dma_wait3A_200] : memref<4096x4096xf32, #tpu.memory_space<hbm>> -> memref<1x4096xf32, #tpu.memory_space<hbm>>
    %dma_wait3A_202 = tpu.memref_squeeze %dma_wait3A_201 : memref<1x4096xf32, #tpu.memory_space<hbm>> -> memref<4096xf32, #tpu.memory_space<hbm>>
    %dma_wait3A_203 = arith.constant 24576 : i32
    %dma_wait3A_204 = tpu.memref_slice %arg9[%dma_wait3A_203] : memref<32768xf32, #tpu.memory_space<vmem>> -> memref<4096xf32, #tpu.memory_space<vmem>>
    tpu.wait_dma2 semaphore(%arg12 : memref<!tpu.dma_semaphore, #tpu.memory_space<semaphore_mem>>) src(%dma_wait3A_204 : memref<4096xf32, #tpu.memory_space<vmem>>) dst(%dma_wait3A_202 : memref<4096xf32, #tpu.memory_space<hbm>>)
    %dma_wait3A_205 = arith.constant 28672 : i32
    %dma_wait3A_206 = tpu.memref_slice %arg9[%dma_wait3A_205] : memref<32768xf32, #tpu.memory_space<vmem>> -> memref<4096xf32, #tpu.memory_space<vmem>>
    %dma_wait3A_207 = arith.constant 0 : i32
    %dma_wait3A_208 = tpu.memref_slice %arg4[%add3A_135, %dma_wait3A_207] : memref<4096x4096xf32, #tpu.memory_space<hbm>> -> memref<1x4096xf32, #tpu.memory_space<hbm>>
    %dma_wait3A_209 = tpu.memref_squeeze %dma_wait3A_208 : memref<1x4096xf32, #tpu.memory_space<hbm>> -> memref<4096xf32, #tpu.memory_space<hbm>>
    %dma_wait3A_210 = arith.constant 0 : i32
    %dma_wait3A_211 = tpu.memref_slice %arg4[%add3A_135, %dma_wait3A_210] : memref<4096x4096xf32, #tpu.memory_space<hbm>> -> memref<1x4096xf32, #tpu.memory_space<hbm>>
    %dma_wait3A_212 = tpu.memref_squeeze %dma_wait3A_211 : memref<1x4096xf32, #tpu.memory_space<hbm>> -> memref<4096xf32, #tpu.memory_space<hbm>>
    %dma_wait3A_213 = arith.constant 28672 : i32
    %dma_wait3A_214 = tpu.memref_slice %arg9[%dma_wait3A_213] : memref<32768xf32, #tpu.memory_space<vmem>> -> memref<4096xf32, #tpu.memory_space<vmem>>
    tpu.wait_dma2 semaphore(%arg12 : memref<!tpu.dma_semaphore, #tpu.memory_space<semaphore_mem>>) src(%dma_wait3A_214 : memref<4096xf32, #tpu.memory_space<vmem>>) dst(%dma_wait3A_212 : memref<4096xf32, #tpu.memory_space<hbm>>)
    return
  }
}

#map = affine_map<(d0, d1) -> (0, 0)>
module attributes {stable_mosaic.version = 14 : i64} {
  func.func @_stage_c(%arg0: i32, %arg1: i32, %arg2: memref<4096x2048xi32, #tpu.memory_space<hbm>>, %arg3: memref<4096x96xi32, #tpu.memory_space<hbm>>, %arg4: memref<4096x4096xf32, #tpu.memory_space<hbm>>, %arg5: memref<8x96xi32, #tpu.memory_space<vmem>>, %arg6: memref<8x96xi32, #tpu.memory_space<vmem>>, %arg7: memref<16384xi32, #tpu.memory_space<vmem>>, %arg8: memref<16384xi32, #tpu.memory_space<vmem>>, %arg9: memref<32768xf32, #tpu.memory_space<vmem>>, %arg10: memref<!tpu.dma_semaphore, #tpu.memory_space<semaphore_mem>>, %arg11: memref<!tpu.dma_semaphore, #tpu.memory_space<semaphore_mem>>, %arg12: memref<!tpu.dma_semaphore, #tpu.memory_space<semaphore_mem>>) attributes {dimension_semantics = [#tpu.dimension_semantics<core_parallel>, #tpu.dimension_semantics<subcore_parallel>], iteration_bounds = array<i64: 2, 16>, scalar_prefetch = 0 : i64, scratch_operands = 8 : i64, tpu.core_type = #tpu.core_type<sc_vector_subcore>, window_params = [{transform_indices = #map}, {transform_indices = #map}, {transform_indices = #map}]} {
    %mul3A = arith.constant 2 : i32
    %mul3A_0 = arith.muli %arg1, %mul3A : i32
    %add3A = arith.addi %mul3A_0, %arg0 : i32
    %mul3A_1 = arith.constant 128 : i32
    %mul3A_2 = arith.muli %add3A, %mul3A_1 : i32
    %broadcast_in_dim3A = arith.constant 0.000000e+00 : f32
    %broadcast_in_dim3A_3 = vector.broadcast %broadcast_in_dim3A : f32 to vector<16xf32>
    %iota3A = tpu.iota {dimensions = array<i32: 0>} : vector<16xi32>
    %lt3A = arith.constant 3 : i32
    %lt3A_4 = vector.broadcast %lt3A : i32 to vector<16xi32>
    %lt3A_5 = arith.cmpi slt, %iota3A, %lt3A_4 : vector<16xi32>
    %scan3A = arith.constant 0 : i32
    %scan3A_6 = arith.constant 0 : i32
    %scan3A_7 = arith.constant 2048 : i32
    %scan3A_8 = arith.addi %scan3A_6, %scan3A_7 : i32
    %scan3A_9 = arith.constant 1 : i32
    %scan3A_10 = scf.for %scan3A_215 = %scan3A_6 to %scan3A_8 step %scan3A_9 iter_args(%scan3A_216 = %scan3A) -> (i32)  : i32 {
      %mul3A_217 = arith.constant 16 : i32
      %mul3A_218 = arith.muli %scan3A_215, %mul3A_217 : i32
      %swap3A = arith.index_cast %mul3A_218 : i32 to index
      %swap3A_219 = tpu.vector_load %arg9[%swap3A] {strides = array<i32>} : memref<32768xf32, #tpu.memory_space<vmem>>, vector<16xf32>,
      tpu.vector_store %arg9[%swap3A], %broadcast_in_dim3A_3 {strides = array<i32>} : memref<32768xf32, #tpu.memory_space<vmem>>, vector<16xf32>,
      %scan3A_220 = arith.constant 0 : i32
      scf.yield %scan3A_220 : i32
    }
    %scan3A_11 = arith.constant 2048 : i32
    %add3A_12 = arith.constant 0 : i32
    %add3A_13 = arith.addi %mul3A_2, %add3A_12 : i32
    %add3A_14 = arith.constant 0 : i32
    %add3A_15 = arith.addi %add3A_13, %add3A_14 : i32
    %add3A_16 = arith.constant 1 : i32
    %add3A_17 = arith.addi %add3A_13, %add3A_16 : i32
    %add3A_18 = arith.constant 2 : i32
    %add3A_19 = arith.addi %add3A_13, %add3A_18 : i32
    %add3A_20 = arith.constant 3 : i32
    %add3A_21 = arith.addi %add3A_13, %add3A_20 : i32
    %add3A_22 = arith.constant 4 : i32
    %add3A_23 = arith.addi %add3A_13, %add3A_22 : i32
    %add3A_24 = arith.constant 5 : i32
    %add3A_25 = arith.addi %add3A_13, %add3A_24 : i32
    %add3A_26 = arith.constant 6 : i32
    %add3A_27 = arith.addi %add3A_13, %add3A_26 : i32
    %add3A_28 = arith.constant 7 : i32
    %add3A_29 = arith.addi %add3A_13, %add3A_28 : i32
    %dma_start3A = arith.constant 0 : i32
    %dma_start3A_30 = tpu.memref_slice %arg7[%dma_start3A] : memref<16384xi32, #tpu.memory_space<vmem>> -> memref<2048xi32, #tpu.memory_space<vmem>>
    %dma_start3A_31 = arith.constant 0 : i32
    %dma_start3A_32 = tpu.memref_slice %arg2[%add3A_15, %dma_start3A_31] : memref<4096x2048xi32, #tpu.memory_space<hbm>> -> memref<1x2048xi32, #tpu.memory_space<hbm>>
    %dma_start3A_33 = tpu.memref_squeeze %dma_start3A_32 : memref<1x2048xi32, #tpu.memory_space<hbm>> -> memref<2048xi32, #tpu.memory_space<hbm>>
    %dma_start3A_34 = arith.constant 0 : i32
    %dma_start3A_35 = tpu.memref_slice %arg7[%dma_start3A_34] : memref<16384xi32, #tpu.memory_space<vmem>> -> memref<2048xi32, #tpu.memory_space<vmem>>
    %dma_start3A_36 = arith.constant 0 : i32
    %dma_start3A_37 = tpu.memref_slice %arg2[%add3A_15, %dma_start3A_36] : memref<4096x2048xi32, #tpu.memory_space<hbm>> -> memref<1x2048xi32, #tpu.memory_space<hbm>>
    %dma_start3A_38 = tpu.memref_squeeze %dma_start3A_37 : memref<1x2048xi32, #tpu.memory_space<hbm>> -> memref<2048xi32, #tpu.memory_space<hbm>>
    tpu.enqueue_dma source(%dma_start3A_38 : memref<2048xi32, #tpu.memory_space<hbm>>) target(%dma_start3A_35 : memref<2048xi32, #tpu.memory_space<vmem>>) target_semaphore(%arg10 : memref<!tpu.dma_semaphore, #tpu.memory_space<semaphore_mem>>)
    %dma_start3A_39 = arith.constant 2048 : i32
    %dma_start3A_40 = tpu.memref_slice %arg7[%dma_start3A_39] : memref<16384xi32, #tpu.memory_space<vmem>> -> memref<2048xi32, #tpu.memory_space<vmem>>
    %dma_start3A_41 = arith.constant 0 : i32
    %dma_start3A_42 = tpu.memref_slice %arg2[%add3A_17, %dma_start3A_41] : memref<4096x2048xi32, #tpu.memory_space<hbm>> -> memref<1x2048xi32, #tpu.memory_space<hbm>>
    %dma_start3A_43 = tpu.memref_squeeze %dma_start3A_42 : memref<1x2048xi32, #tpu.memory_space<hbm>> -> memref<2048xi32, #tpu.memory_space<hbm>>
    %dma_start3A_44 = arith.constant 2048 : i32
    %dma_start3A_45 = tpu.memref_slice %arg7[%dma_start3A_44] : memref<16384xi32, #tpu.memory_space<vmem>> -> memref<2048xi32, #tpu.memory_space<vmem>>
    %dma_start3A_46 = arith.constant 0 : i32
    %dma_start3A_47 = tpu.memref_slice %arg2[%add3A_17, %dma_start3A_46] : memref<4096x2048xi32, #tpu.memory_space<hbm>> -> memref<1x2048xi32, #tpu.memory_space<hbm>>
    %dma_start3A_48 = tpu.memref_squeeze %dma_start3A_47 : memref<1x2048xi32, #tpu.memory_space<hbm>> -> memref<2048xi32, #tpu.memory_space<hbm>>
    tpu.enqueue_dma source(%dma_start3A_48 : memref<2048xi32, #tpu.memory_space<hbm>>) target(%dma_start3A_45 : memref<2048xi32, #tpu.memory_space<vmem>>) target_semaphore(%arg10 : memref<!tpu.dma_semaphore, #tpu.memory_space<semaphore_mem>>)
    %dma_start3A_49 = arith.constant 4096 : i32
    %dma_start3A_50 = tpu.memref_slice %arg7[%dma_start3A_49] : memref<16384xi32, #tpu.memory_space<vmem>> -> memref<2048xi32, #tpu.memory_space<vmem>>
    %dma_start3A_51 = arith.constant 0 : i32
    %dma_start3A_52 = tpu.memref_slice %arg2[%add3A_19, %dma_start3A_51] : memref<4096x2048xi32, #tpu.memory_space<hbm>> -> memref<1x2048xi32, #tpu.memory_space<hbm>>
    %dma_start3A_53 = tpu.memref_squeeze %dma_start3A_52 : memref<1x2048xi32, #tpu.memory_space<hbm>> -> memref<2048xi32, #tpu.memory_space<hbm>>
    %dma_start3A_54 = arith.constant 4096 : i32
    %dma_start3A_55 = tpu.memref_slice %arg7[%dma_start3A_54] : memref<16384xi32, #tpu.memory_space<vmem>> -> memref<2048xi32, #tpu.memory_space<vmem>>
    %dma_start3A_56 = arith.constant 0 : i32
    %dma_start3A_57 = tpu.memref_slice %arg2[%add3A_19, %dma_start3A_56] : memref<4096x2048xi32, #tpu.memory_space<hbm>> -> memref<1x2048xi32, #tpu.memory_space<hbm>>
    %dma_start3A_58 = tpu.memref_squeeze %dma_start3A_57 : memref<1x2048xi32, #tpu.memory_space<hbm>> -> memref<2048xi32, #tpu.memory_space<hbm>>
    tpu.enqueue_dma source(%dma_start3A_58 : memref<2048xi32, #tpu.memory_space<hbm>>) target(%dma_start3A_55 : memref<2048xi32, #tpu.memory_space<vmem>>) target_semaphore(%arg10 : memref<!tpu.dma_semaphore, #tpu.memory_space<semaphore_mem>>)
    %dma_start3A_59 = arith.constant 6144 : i32
    %dma_start3A_60 = tpu.memref_slice %arg7[%dma_start3A_59] : memref<16384xi32, #tpu.memory_space<vmem>> -> memref<2048xi32, #tpu.memory_space<vmem>>
    %dma_start3A_61 = arith.constant 0 : i32
    %dma_start3A_62 = tpu.memref_slice %arg2[%add3A_21, %dma_start3A_61] : memref<4096x2048xi32, #tpu.memory_space<hbm>> -> memref<1x2048xi32, #tpu.memory_space<hbm>>
    %dma_start3A_63 = tpu.memref_squeeze %dma_start3A_62 : memref<1x2048xi32, #tpu.memory_space<hbm>> -> memref<2048xi32, #tpu.memory_space<hbm>>
    %dma_start3A_64 = arith.constant 6144 : i32
    %dma_start3A_65 = tpu.memref_slice %arg7[%dma_start3A_64] : memref<16384xi32, #tpu.memory_space<vmem>> -> memref<2048xi32, #tpu.memory_space<vmem>>
    %dma_start3A_66 = arith.constant 0 : i32
    %dma_start3A_67 = tpu.memref_slice %arg2[%add3A_21, %dma_start3A_66] : memref<4096x2048xi32, #tpu.memory_space<hbm>> -> memref<1x2048xi32, #tpu.memory_space<hbm>>
    %dma_start3A_68 = tpu.memref_squeeze %dma_start3A_67 : memref<1x2048xi32, #tpu.memory_space<hbm>> -> memref<2048xi32, #tpu.memory_space<hbm>>
    tpu.enqueue_dma source(%dma_start3A_68 : memref<2048xi32, #tpu.memory_space<hbm>>) target(%dma_start3A_65 : memref<2048xi32, #tpu.memory_space<vmem>>) target_semaphore(%arg10 : memref<!tpu.dma_semaphore, #tpu.memory_space<semaphore_mem>>)
    %dma_start3A_69 = arith.constant 8192 : i32
    %dma_start3A_70 = tpu.memref_slice %arg7[%dma_start3A_69] : memref<16384xi32, #tpu.memory_space<vmem>> -> memref<2048xi32, #tpu.memory_space<vmem>>
    %dma_start3A_71 = arith.constant 0 : i32
    %dma_start3A_72 = tpu.memref_slice %arg2[%add3A_23, %dma_start3A_71] : memref<4096x2048xi32, #tpu.memory_space<hbm>> -> memref<1x2048xi32, #tpu.memory_space<hbm>>
    %dma_start3A_73 = tpu.memref_squeeze %dma_start3A_72 : memref<1x2048xi32, #tpu.memory_space<hbm>> -> memref<2048xi32, #tpu.memory_space<hbm>>
    %dma_start3A_74 = arith.constant 8192 : i32
    %dma_start3A_75 = tpu.memref_slice %arg7[%dma_start3A_74] : memref<16384xi32, #tpu.memory_space<vmem>> -> memref<2048xi32, #tpu.memory_space<vmem>>
    %dma_start3A_76 = arith.constant 0 : i32
    %dma_start3A_77 = tpu.memref_slice %arg2[%add3A_23, %dma_start3A_76] : memref<4096x2048xi32, #tpu.memory_space<hbm>> -> memref<1x2048xi32, #tpu.memory_space<hbm>>
    %dma_start3A_78 = tpu.memref_squeeze %dma_start3A_77 : memref<1x2048xi32, #tpu.memory_space<hbm>> -> memref<2048xi32, #tpu.memory_space<hbm>>
    tpu.enqueue_dma source(%dma_start3A_78 : memref<2048xi32, #tpu.memory_space<hbm>>) target(%dma_start3A_75 : memref<2048xi32, #tpu.memory_space<vmem>>) target_semaphore(%arg10 : memref<!tpu.dma_semaphore, #tpu.memory_space<semaphore_mem>>)
    %dma_start3A_79 = arith.constant 10240 : i32
    %dma_start3A_80 = tpu.memref_slice %arg7[%dma_start3A_79] : memref<16384xi32, #tpu.memory_space<vmem>> -> memref<2048xi32, #tpu.memory_space<vmem>>
    %dma_start3A_81 = arith.constant 0 : i32
    %dma_start3A_82 = tpu.memref_slice %arg2[%add3A_25, %dma_start3A_81] : memref<4096x2048xi32, #tpu.memory_space<hbm>> -> memref<1x2048xi32, #tpu.memory_space<hbm>>
    %dma_start3A_83 = tpu.memref_squeeze %dma_start3A_82 : memref<1x2048xi32, #tpu.memory_space<hbm>> -> memref<2048xi32, #tpu.memory_space<hbm>>
    %dma_start3A_84 = arith.constant 10240 : i32
    %dma_start3A_85 = tpu.memref_slice %arg7[%dma_start3A_84] : memref<16384xi32, #tpu.memory_space<vmem>> -> memref<2048xi32, #tpu.memory_space<vmem>>
    %dma_start3A_86 = arith.constant 0 : i32
    %dma_start3A_87 = tpu.memref_slice %arg2[%add3A_25, %dma_start3A_86] : memref<4096x2048xi32, #tpu.memory_space<hbm>> -> memref<1x2048xi32, #tpu.memory_space<hbm>>
    %dma_start3A_88 = tpu.memref_squeeze %dma_start3A_87 : memref<1x2048xi32, #tpu.memory_space<hbm>> -> memref<2048xi32, #tpu.memory_space<hbm>>
    tpu.enqueue_dma source(%dma_start3A_88 : memref<2048xi32, #tpu.memory_space<hbm>>) target(%dma_start3A_85 : memref<2048xi32, #tpu.memory_space<vmem>>) target_semaphore(%arg10 : memref<!tpu.dma_semaphore, #tpu.memory_space<semaphore_mem>>)
    %dma_start3A_89 = arith.constant 12288 : i32
    %dma_start3A_90 = tpu.memref_slice %arg7[%dma_start3A_89] : memref<16384xi32, #tpu.memory_space<vmem>> -> memref<2048xi32, #tpu.memory_space<vmem>>
    %dma_start3A_91 = arith.constant 0 : i32
    %dma_start3A_92 = tpu.memref_slice %arg2[%add3A_27, %dma_start3A_91] : memref<4096x2048xi32, #tpu.memory_space<hbm>> -> memref<1x2048xi32, #tpu.memory_space<hbm>>
    %dma_start3A_93 = tpu.memref_squeeze %dma_start3A_92 : memref<1x2048xi32, #tpu.memory_space<hbm>> -> memref<2048xi32, #tpu.memory_space<hbm>>
    %dma_start3A_94 = arith.constant 12288 : i32
    %dma_start3A_95 = tpu.memref_slice %arg7[%dma_start3A_94] : memref<16384xi32, #tpu.memory_space<vmem>> -> memref<2048xi32, #tpu.memory_space<vmem>>
    %dma_start3A_96 = arith.constant 0 : i32
    %dma_start3A_97 = tpu.memref_slice %arg2[%add3A_27, %dma_start3A_96] : memref<4096x2048xi32, #tpu.memory_space<hbm>> -> memref<1x2048xi32, #tpu.memory_space<hbm>>
    %dma_start3A_98 = tpu.memref_squeeze %dma_start3A_97 : memref<1x2048xi32, #tpu.memory_space<hbm>> -> memref<2048xi32, #tpu.memory_space<hbm>>
    tpu.enqueue_dma source(%dma_start3A_98 : memref<2048xi32, #tpu.memory_space<hbm>>) target(%dma_start3A_95 : memref<2048xi32, #tpu.memory_space<vmem>>) target_semaphore(%arg10 : memref<!tpu.dma_semaphore, #tpu.memory_space<semaphore_mem>>)
    %dma_start3A_99 = arith.constant 14336 : i32
    %dma_start3A_100 = tpu.memref_slice %arg7[%dma_start3A_99] : memref<16384xi32, #tpu.memory_space<vmem>> -> memref<2048xi32, #tpu.memory_space<vmem>>
    %dma_start3A_101 = arith.constant 0 : i32
    %dma_start3A_102 = tpu.memref_slice %arg2[%add3A_29, %dma_start3A_101] : memref<4096x2048xi32, #tpu.memory_space<hbm>> -> memref<1x2048xi32, #tpu.memory_space<hbm>>
    %dma_start3A_103 = tpu.memref_squeeze %dma_start3A_102 : memref<1x2048xi32, #tpu.memory_space<hbm>> -> memref<2048xi32, #tpu.memory_space<hbm>>
    %dma_start3A_104 = arith.constant 14336 : i32
    %dma_start3A_105 = tpu.memref_slice %arg7[%dma_start3A_104] : memref<16384xi32, #tpu.memory_space<vmem>> -> memref<2048xi32, #tpu.memory_space<vmem>>
    %dma_start3A_106 = arith.constant 0 : i32
    %dma_start3A_107 = tpu.memref_slice %arg2[%add3A_29, %dma_start3A_106] : memref<4096x2048xi32, #tpu.memory_space<hbm>> -> memref<1x2048xi32, #tpu.memory_space<hbm>>
    %dma_start3A_108 = tpu.memref_squeeze %dma_start3A_107 : memref<1x2048xi32, #tpu.memory_space<hbm>> -> memref<2048xi32, #tpu.memory_space<hbm>>
    tpu.enqueue_dma source(%dma_start3A_108 : memref<2048xi32, #tpu.memory_space<hbm>>) target(%dma_start3A_105 : memref<2048xi32, #tpu.memory_space<vmem>>) target_semaphore(%arg10 : memref<!tpu.dma_semaphore, #tpu.memory_space<semaphore_mem>>)
    %add3A_109 = arith.constant 0 : i32
    %add3A_110 = arith.addi %mul3A_2, %add3A_109 : i32
    "tpu.region"() ({
      %run_scoped3A = tpu.sem_alloc : memref<!tpu.dma_semaphore, #tpu.memory_space<semaphore_mem>>
      %dma_start3A_215 = arith.constant 0 : i32
      %dma_start3A_216 = tpu.memref_slice %arg3[%add3A_110, %dma_start3A_215] : memref<4096x96xi32, #tpu.memory_space<hbm>> -> memref<8x96xi32, #tpu.memory_space<hbm>>
      %dma_start3A_217 = arith.constant 0 : i32
      %dma_start3A_218 = tpu.memref_slice %arg3[%add3A_110, %dma_start3A_217] : memref<4096x96xi32, #tpu.memory_space<hbm>> -> memref<8x96xi32, #tpu.memory_space<hbm>>
      tpu.enqueue_dma source(%dma_start3A_218 : memref<8x96xi32, #tpu.memory_space<hbm>>) target(%arg5 : memref<8x96xi32, #tpu.memory_space<vmem>>) target_semaphore(%run_scoped3A : memref<!tpu.dma_semaphore, #tpu.memory_space<semaphore_mem>>)
      %dma_wait3A_219 = arith.constant 0 : i32
      %dma_wait3A_220 = tpu.memref_slice %arg3[%add3A_110, %dma_wait3A_219] : memref<4096x96xi32, #tpu.memory_space<hbm>> -> memref<8x96xi32, #tpu.memory_space<hbm>>
      %dma_wait3A_221 = arith.constant 0 : i32
      %dma_wait3A_222 = tpu.memref_slice %arg3[%add3A_110, %dma_wait3A_221] : memref<4096x96xi32, #tpu.memory_space<hbm>> -> memref<8x96xi32, #tpu.memory_space<hbm>>
      tpu.wait_dma2 semaphore(%run_scoped3A : memref<!tpu.dma_semaphore, #tpu.memory_space<semaphore_mem>>) src(%dma_wait3A_222 : memref<8x96xi32, #tpu.memory_space<hbm>>) dst(%arg5 : memref<8x96xi32, #tpu.memory_space<vmem>>)
      tpu.yield
    }) : () -> ()
    %scan3A_111 = arith.constant 0 : i32
    %scan3A_112 = arith.constant 0 : i32
    %scan3A_113 = arith.constant 8 : i32
    %scan3A_114 = arith.addi %scan3A_112, %scan3A_113 : i32
    %scan3A_115 = arith.constant 1 : i32
    %scan3A_116 = scf.for %scan3A_215 = %scan3A_112 to %scan3A_114 step %scan3A_115 iter_args(%scan3A_216 = %scan3A_111) -> (i32)  : i32 {
      %mul3A_217 = arith.constant 2 : i32
      %mul3A_218 = arith.muli %scan3A_215, %mul3A_217 : i32
      %mul3A_219 = arith.constant 8 : i32
      %mul3A_220 = arith.muli %mul3A_218, %mul3A_219 : i32
      %add3A_221 = arith.addi %mul3A_2, %mul3A_220 : i32
      %add3A_222 = arith.constant 0 : i32
      %add3A_223 = arith.addi %add3A_221, %add3A_222 : i32
      %add3A_224 = arith.constant 1 : i32
      %add3A_225 = arith.addi %add3A_221, %add3A_224 : i32
      %add3A_226 = arith.constant 2 : i32
      %add3A_227 = arith.addi %add3A_221, %add3A_226 : i32
      %add3A_228 = arith.constant 3 : i32
      %add3A_229 = arith.addi %add3A_221, %add3A_228 : i32
      %add3A_230 = arith.constant 4 : i32
      %add3A_231 = arith.addi %add3A_221, %add3A_230 : i32
      %add3A_232 = arith.constant 5 : i32
      %add3A_233 = arith.addi %add3A_221, %add3A_232 : i32
      %add3A_234 = arith.constant 6 : i32
      %add3A_235 = arith.addi %add3A_221, %add3A_234 : i32
      %add3A_236 = arith.constant 7 : i32
      %add3A_237 = arith.addi %add3A_221, %add3A_236 : i32
      %dma_wait3A_238 = arith.constant 0 : i32
      %dma_wait3A_239 = tpu.memref_slice %arg7[%dma_wait3A_238] : memref<16384xi32, #tpu.memory_space<vmem>> -> memref<2048xi32, #tpu.memory_space<vmem>>
      %dma_wait3A_240 = arith.constant 0 : i32
      %dma_wait3A_241 = tpu.memref_slice %arg2[%add3A_223, %dma_wait3A_240] : memref<4096x2048xi32, #tpu.memory_space<hbm>> -> memref<1x2048xi32, #tpu.memory_space<hbm>>
      %dma_wait3A_242 = tpu.memref_squeeze %dma_wait3A_241 : memref<1x2048xi32, #tpu.memory_space<hbm>> -> memref<2048xi32, #tpu.memory_space<hbm>>
      %dma_wait3A_243 = arith.constant 0 : i32
      %dma_wait3A_244 = tpu.memref_slice %arg7[%dma_wait3A_243] : memref<16384xi32, #tpu.memory_space<vmem>> -> memref<2048xi32, #tpu.memory_space<vmem>>
      %dma_wait3A_245 = arith.constant 0 : i32
      %dma_wait3A_246 = tpu.memref_slice %arg2[%add3A_223, %dma_wait3A_245] : memref<4096x2048xi32, #tpu.memory_space<hbm>> -> memref<1x2048xi32, #tpu.memory_space<hbm>>
      %dma_wait3A_247 = tpu.memref_squeeze %dma_wait3A_246 : memref<1x2048xi32, #tpu.memory_space<hbm>> -> memref<2048xi32, #tpu.memory_space<hbm>>
      tpu.wait_dma2 semaphore(%arg10 : memref<!tpu.dma_semaphore, #tpu.memory_space<semaphore_mem>>) src(%dma_wait3A_247 : memref<2048xi32, #tpu.memory_space<hbm>>) dst(%dma_wait3A_244 : memref<2048xi32, #tpu.memory_space<vmem>>)
      %dma_wait3A_248 = arith.constant 2048 : i32
      %dma_wait3A_249 = tpu.memref_slice %arg7[%dma_wait3A_248] : memref<16384xi32, #tpu.memory_space<vmem>> -> memref<2048xi32, #tpu.memory_space<vmem>>
      %dma_wait3A_250 = arith.constant 0 : i32
      %dma_wait3A_251 = tpu.memref_slice %arg2[%add3A_225, %dma_wait3A_250] : memref<4096x2048xi32, #tpu.memory_space<hbm>> -> memref<1x2048xi32, #tpu.memory_space<hbm>>
      %dma_wait3A_252 = tpu.memref_squeeze %dma_wait3A_251 : memref<1x2048xi32, #tpu.memory_space<hbm>> -> memref<2048xi32, #tpu.memory_space<hbm>>
      %dma_wait3A_253 = arith.constant 2048 : i32
      %dma_wait3A_254 = tpu.memref_slice %arg7[%dma_wait3A_253] : memref<16384xi32, #tpu.memory_space<vmem>> -> memref<2048xi32, #tpu.memory_space<vmem>>
      %dma_wait3A_255 = arith.constant 0 : i32
      %dma_wait3A_256 = tpu.memref_slice %arg2[%add3A_225, %dma_wait3A_255] : memref<4096x2048xi32, #tpu.memory_space<hbm>> -> memref<1x2048xi32, #tpu.memory_space<hbm>>
      %dma_wait3A_257 = tpu.memref_squeeze %dma_wait3A_256 : memref<1x2048xi32, #tpu.memory_space<hbm>> -> memref<2048xi32, #tpu.memory_space<hbm>>
      tpu.wait_dma2 semaphore(%arg10 : memref<!tpu.dma_semaphore, #tpu.memory_space<semaphore_mem>>) src(%dma_wait3A_257 : memref<2048xi32, #tpu.memory_space<hbm>>) dst(%dma_wait3A_254 : memref<2048xi32, #tpu.memory_space<vmem>>)
      %dma_wait3A_258 = arith.constant 4096 : i32
      %dma_wait3A_259 = tpu.memref_slice %arg7[%dma_wait3A_258] : memref<16384xi32, #tpu.memory_space<vmem>> -> memref<2048xi32, #tpu.memory_space<vmem>>
      %dma_wait3A_260 = arith.constant 0 : i32
      %dma_wait3A_261 = tpu.memref_slice %arg2[%add3A_227, %dma_wait3A_260] : memref<4096x2048xi32, #tpu.memory_space<hbm>> -> memref<1x2048xi32, #tpu.memory_space<hbm>>
      %dma_wait3A_262 = tpu.memref_squeeze %dma_wait3A_261 : memref<1x2048xi32, #tpu.memory_space<hbm>> -> memref<2048xi32, #tpu.memory_space<hbm>>
      %dma_wait3A_263 = arith.constant 4096 : i32
      %dma_wait3A_264 = tpu.memref_slice %arg7[%dma_wait3A_263] : memref<16384xi32, #tpu.memory_space<vmem>> -> memref<2048xi32, #tpu.memory_space<vmem>>
      %dma_wait3A_265 = arith.constant 0 : i32
      %dma_wait3A_266 = tpu.memref_slice %arg2[%add3A_227, %dma_wait3A_265] : memref<4096x2048xi32, #tpu.memory_space<hbm>> -> memref<1x2048xi32, #tpu.memory_space<hbm>>
      %dma_wait3A_267 = tpu.memref_squeeze %dma_wait3A_266 : memref<1x2048xi32, #tpu.memory_space<hbm>> -> memref<2048xi32, #tpu.memory_space<hbm>>
      tpu.wait_dma2 semaphore(%arg10 : memref<!tpu.dma_semaphore, #tpu.memory_space<semaphore_mem>>) src(%dma_wait3A_267 : memref<2048xi32, #tpu.memory_space<hbm>>) dst(%dma_wait3A_264 : memref<2048xi32, #tpu.memory_space<vmem>>)
      %dma_wait3A_268 = arith.constant 6144 : i32
      %dma_wait3A_269 = tpu.memref_slice %arg7[%dma_wait3A_268] : memref<16384xi32, #tpu.memory_space<vmem>> -> memref<2048xi32, #tpu.memory_space<vmem>>
      %dma_wait3A_270 = arith.constant 0 : i32
      %dma_wait3A_271 = tpu.memref_slice %arg2[%add3A_229, %dma_wait3A_270] : memref<4096x2048xi32, #tpu.memory_space<hbm>> -> memref<1x2048xi32, #tpu.memory_space<hbm>>
      %dma_wait3A_272 = tpu.memref_squeeze %dma_wait3A_271 : memref<1x2048xi32, #tpu.memory_space<hbm>> -> memref<2048xi32, #tpu.memory_space<hbm>>
      %dma_wait3A_273 = arith.constant 6144 : i32
      %dma_wait3A_274 = tpu.memref_slice %arg7[%dma_wait3A_273] : memref<16384xi32, #tpu.memory_space<vmem>> -> memref<2048xi32, #tpu.memory_space<vmem>>
      %dma_wait3A_275 = arith.constant 0 : i32
      %dma_wait3A_276 = tpu.memref_slice %arg2[%add3A_229, %dma_wait3A_275] : memref<4096x2048xi32, #tpu.memory_space<hbm>> -> memref<1x2048xi32, #tpu.memory_space<hbm>>
      %dma_wait3A_277 = tpu.memref_squeeze %dma_wait3A_276 : memref<1x2048xi32, #tpu.memory_space<hbm>> -> memref<2048xi32, #tpu.memory_space<hbm>>
      tpu.wait_dma2 semaphore(%arg10 : memref<!tpu.dma_semaphore, #tpu.memory_space<semaphore_mem>>) src(%dma_wait3A_277 : memref<2048xi32, #tpu.memory_space<hbm>>) dst(%dma_wait3A_274 : memref<2048xi32, #tpu.memory_space<vmem>>)
      %dma_wait3A_278 = arith.constant 8192 : i32
      %dma_wait3A_279 = tpu.memref_slice %arg7[%dma_wait3A_278] : memref<16384xi32, #tpu.memory_space<vmem>> -> memref<2048xi32, #tpu.memory_space<vmem>>
      %dma_wait3A_280 = arith.constant 0 : i32
      %dma_wait3A_281 = tpu.memref_slice %arg2[%add3A_231, %dma_wait3A_280] : memref<4096x2048xi32, #tpu.memory_space<hbm>> -> memref<1x2048xi32, #tpu.memory_space<hbm>>
      %dma_wait3A_282 = tpu.memref_squeeze %dma_wait3A_281 : memref<1x2048xi32, #tpu.memory_space<hbm>> -> memref<2048xi32, #tpu.memory_space<hbm>>
      %dma_wait3A_283 = arith.constant 8192 : i32
      %dma_wait3A_284 = tpu.memref_slice %arg7[%dma_wait3A_283] : memref<16384xi32, #tpu.memory_space<vmem>> -> memref<2048xi32, #tpu.memory_space<vmem>>
      %dma_wait3A_285 = arith.constant 0 : i32
      %dma_wait3A_286 = tpu.memref_slice %arg2[%add3A_231, %dma_wait3A_285] : memref<4096x2048xi32, #tpu.memory_space<hbm>> -> memref<1x2048xi32, #tpu.memory_space<hbm>>
      %dma_wait3A_287 = tpu.memref_squeeze %dma_wait3A_286 : memref<1x2048xi32, #tpu.memory_space<hbm>> -> memref<2048xi32, #tpu.memory_space<hbm>>
      tpu.wait_dma2 semaphore(%arg10 : memref<!tpu.dma_semaphore, #tpu.memory_space<semaphore_mem>>) src(%dma_wait3A_287 : memref<2048xi32, #tpu.memory_space<hbm>>) dst(%dma_wait3A_284 : memref<2048xi32, #tpu.memory_space<vmem>>)
      %dma_wait3A_288 = arith.constant 10240 : i32
      %dma_wait3A_289 = tpu.memref_slice %arg7[%dma_wait3A_288] : memref<16384xi32, #tpu.memory_space<vmem>> -> memref<2048xi32, #tpu.memory_space<vmem>>
      %dma_wait3A_290 = arith.constant 0 : i32
      %dma_wait3A_291 = tpu.memref_slice %arg2[%add3A_233, %dma_wait3A_290] : memref<4096x2048xi32, #tpu.memory_space<hbm>> -> memref<1x2048xi32, #tpu.memory_space<hbm>>
      %dma_wait3A_292 = tpu.memref_squeeze %dma_wait3A_291 : memref<1x2048xi32, #tpu.memory_space<hbm>> -> memref<2048xi32, #tpu.memory_space<hbm>>
      %dma_wait3A_293 = arith.constant 10240 : i32
      %dma_wait3A_294 = tpu.memref_slice %arg7[%dma_wait3A_293] : memref<16384xi32, #tpu.memory_space<vmem>> -> memref<2048xi32, #tpu.memory_space<vmem>>
      %dma_wait3A_295 = arith.constant 0 : i32
      %dma_wait3A_296 = tpu.memref_slice %arg2[%add3A_233, %dma_wait3A_295] : memref<4096x2048xi32, #tpu.memory_space<hbm>> -> memref<1x2048xi32, #tpu.memory_space<hbm>>
      %dma_wait3A_297 = tpu.memref_squeeze %dma_wait3A_296 : memref<1x2048xi32, #tpu.memory_space<hbm>> -> memref<2048xi32, #tpu.memory_space<hbm>>
      tpu.wait_dma2 semaphore(%arg10 : memref<!tpu.dma_semaphore, #tpu.memory_space<semaphore_mem>>) src(%dma_wait3A_297 : memref<2048xi32, #tpu.memory_space<hbm>>) dst(%dma_wait3A_294 : memref<2048xi32, #tpu.memory_space<vmem>>)
      %dma_wait3A_298 = arith.constant 12288 : i32
      %dma_wait3A_299 = tpu.memref_slice %arg7[%dma_wait3A_298] : memref<16384xi32, #tpu.memory_space<vmem>> -> memref<2048xi32, #tpu.memory_space<vmem>>
      %dma_wait3A_300 = arith.constant 0 : i32
      %dma_wait3A_301 = tpu.memref_slice %arg2[%add3A_235, %dma_wait3A_300] : memref<4096x2048xi32, #tpu.memory_space<hbm>> -> memref<1x2048xi32, #tpu.memory_space<hbm>>
      %dma_wait3A_302 = tpu.memref_squeeze %dma_wait3A_301 : memref<1x2048xi32, #tpu.memory_space<hbm>> -> memref<2048xi32, #tpu.memory_space<hbm>>
      %dma_wait3A_303 = arith.constant 12288 : i32
      %dma_wait3A_304 = tpu.memref_slice %arg7[%dma_wait3A_303] : memref<16384xi32, #tpu.memory_space<vmem>> -> memref<2048xi32, #tpu.memory_space<vmem>>
      %dma_wait3A_305 = arith.constant 0 : i32
      %dma_wait3A_306 = tpu.memref_slice %arg2[%add3A_235, %dma_wait3A_305] : memref<4096x2048xi32, #tpu.memory_space<hbm>> -> memref<1x2048xi32, #tpu.memory_space<hbm>>
      %dma_wait3A_307 = tpu.memref_squeeze %dma_wait3A_306 : memref<1x2048xi32, #tpu.memory_space<hbm>> -> memref<2048xi32, #tpu.memory_space<hbm>>
      tpu.wait_dma2 semaphore(%arg10 : memref<!tpu.dma_semaphore, #tpu.memory_space<semaphore_mem>>) src(%dma_wait3A_307 : memref<2048xi32, #tpu.memory_space<hbm>>) dst(%dma_wait3A_304 : memref<2048xi32, #tpu.memory_space<vmem>>)
      %dma_wait3A_308 = arith.constant 14336 : i32
      %dma_wait3A_309 = tpu.memref_slice %arg7[%dma_wait3A_308] : memref<16384xi32, #tpu.memory_space<vmem>> -> memref<2048xi32, #tpu.memory_space<vmem>>
      %dma_wait3A_310 = arith.constant 0 : i32
      %dma_wait3A_311 = tpu.memref_slice %arg2[%add3A_237, %dma_wait3A_310] : memref<4096x2048xi32, #tpu.memory_space<hbm>> -> memref<1x2048xi32, #tpu.memory_space<hbm>>
      %dma_wait3A_312 = tpu.memref_squeeze %dma_wait3A_311 : memref<1x2048xi32, #tpu.memory_space<hbm>> -> memref<2048xi32, #tpu.memory_space<hbm>>
      %dma_wait3A_313 = arith.constant 14336 : i32
      %dma_wait3A_314 = tpu.memref_slice %arg7[%dma_wait3A_313] : memref<16384xi32, #tpu.memory_space<vmem>> -> memref<2048xi32, #tpu.memory_space<vmem>>
      %dma_wait3A_315 = arith.constant 0 : i32
      %dma_wait3A_316 = tpu.memref_slice %arg2[%add3A_237, %dma_wait3A_315] : memref<4096x2048xi32, #tpu.memory_space<hbm>> -> memref<1x2048xi32, #tpu.memory_space<hbm>>
      %dma_wait3A_317 = tpu.memref_squeeze %dma_wait3A_316 : memref<1x2048xi32, #tpu.memory_space<hbm>> -> memref<2048xi32, #tpu.memory_space<hbm>>
      tpu.wait_dma2 semaphore(%arg10 : memref<!tpu.dma_semaphore, #tpu.memory_space<semaphore_mem>>) src(%dma_wait3A_317 : memref<2048xi32, #tpu.memory_space<hbm>>) dst(%dma_wait3A_314 : memref<2048xi32, #tpu.memory_space<vmem>>)
      %gt3A = arith.constant 0 : i32
      %gt3A_318 = arith.cmpi sgt, %mul3A_218, %gt3A : i32
      %convert_element_type3A = arith.extui %gt3A_318 : i1 to i32
      %cond3A = arith.constant 0 : i32
      %cond3A_319 = arith.cmpi ne, %convert_element_type3A, %cond3A : i32
      scf.if %cond3A_319 {
        %sub3A = arith.constant 1 : i32
        %sub3A_655 = arith.subi %mul3A_218, %sub3A : i32
        %mul3A_656 = arith.constant 8 : i32
        %mul3A_657 = arith.muli %sub3A_655, %mul3A_656 : i32
        %add3A_658 = arith.addi %mul3A_2, %mul3A_657 : i32
        %add3A_659 = arith.constant 0 : i32
        %add3A_660 = arith.addi %add3A_658, %add3A_659 : i32
        %add3A_661 = arith.constant 1 : i32
        %add3A_662 = arith.addi %add3A_658, %add3A_661 : i32
        %add3A_663 = arith.constant 2 : i32
        %add3A_664 = arith.addi %add3A_658, %add3A_663 : i32
        %add3A_665 = arith.constant 3 : i32
        %add3A_666 = arith.addi %add3A_658, %add3A_665 : i32
        %add3A_667 = arith.constant 4 : i32
        %add3A_668 = arith.addi %add3A_658, %add3A_667 : i32
        %add3A_669 = arith.constant 5 : i32
        %add3A_670 = arith.addi %add3A_658, %add3A_669 : i32
        %add3A_671 = arith.constant 6 : i32
        %add3A_672 = arith.addi %add3A_658, %add3A_671 : i32
        %add3A_673 = arith.constant 7 : i32
        %add3A_674 = arith.addi %add3A_658, %add3A_673 : i32
        %dma_wait3A_675 = arith.constant 0 : i32
        %dma_wait3A_676 = tpu.memref_slice %arg9[%dma_wait3A_675] : memref<32768xf32, #tpu.memory_space<vmem>> -> memref<4096xf32, #tpu.memory_space<vmem>>
        %dma_wait3A_677 = arith.constant 0 : i32
        %dma_wait3A_678 = tpu.memref_slice %arg4[%add3A_660, %dma_wait3A_677] : memref<4096x4096xf32, #tpu.memory_space<hbm>> -> memref<1x4096xf32, #tpu.memory_space<hbm>>
        %dma_wait3A_679 = tpu.memref_squeeze %dma_wait3A_678 : memref<1x4096xf32, #tpu.memory_space<hbm>> -> memref<4096xf32, #tpu.memory_space<hbm>>
        %dma_wait3A_680 = arith.constant 0 : i32
        %dma_wait3A_681 = tpu.memref_slice %arg4[%add3A_660, %dma_wait3A_680] : memref<4096x4096xf32, #tpu.memory_space<hbm>> -> memref<1x4096xf32, #tpu.memory_space<hbm>>
        %dma_wait3A_682 = tpu.memref_squeeze %dma_wait3A_681 : memref<1x4096xf32, #tpu.memory_space<hbm>> -> memref<4096xf32, #tpu.memory_space<hbm>>
        %dma_wait3A_683 = arith.constant 0 : i32
        %dma_wait3A_684 = tpu.memref_slice %arg9[%dma_wait3A_683] : memref<32768xf32, #tpu.memory_space<vmem>> -> memref<4096xf32, #tpu.memory_space<vmem>>
        tpu.wait_dma2 semaphore(%arg12 : memref<!tpu.dma_semaphore, #tpu.memory_space<semaphore_mem>>) src(%dma_wait3A_684 : memref<4096xf32, #tpu.memory_space<vmem>>) dst(%dma_wait3A_682 : memref<4096xf32, #tpu.memory_space<hbm>>)
        %dma_wait3A_685 = arith.constant 4096 : i32
        %dma_wait3A_686 = tpu.memref_slice %arg9[%dma_wait3A_685] : memref<32768xf32, #tpu.memory_space<vmem>> -> memref<4096xf32, #tpu.memory_space<vmem>>
        %dma_wait3A_687 = arith.constant 0 : i32
        %dma_wait3A_688 = tpu.memref_slice %arg4[%add3A_662, %dma_wait3A_687] : memref<4096x4096xf32, #tpu.memory_space<hbm>> -> memref<1x4096xf32, #tpu.memory_space<hbm>>
        %dma_wait3A_689 = tpu.memref_squeeze %dma_wait3A_688 : memref<1x4096xf32, #tpu.memory_space<hbm>> -> memref<4096xf32, #tpu.memory_space<hbm>>
        %dma_wait3A_690 = arith.constant 0 : i32
        %dma_wait3A_691 = tpu.memref_slice %arg4[%add3A_662, %dma_wait3A_690] : memref<4096x4096xf32, #tpu.memory_space<hbm>> -> memref<1x4096xf32, #tpu.memory_space<hbm>>
        %dma_wait3A_692 = tpu.memref_squeeze %dma_wait3A_691 : memref<1x4096xf32, #tpu.memory_space<hbm>> -> memref<4096xf32, #tpu.memory_space<hbm>>
        %dma_wait3A_693 = arith.constant 4096 : i32
        %dma_wait3A_694 = tpu.memref_slice %arg9[%dma_wait3A_693] : memref<32768xf32, #tpu.memory_space<vmem>> -> memref<4096xf32, #tpu.memory_space<vmem>>
        tpu.wait_dma2 semaphore(%arg12 : memref<!tpu.dma_semaphore, #tpu.memory_space<semaphore_mem>>) src(%dma_wait3A_694 : memref<4096xf32, #tpu.memory_space<vmem>>) dst(%dma_wait3A_692 : memref<4096xf32, #tpu.memory_space<hbm>>)
        %dma_wait3A_695 = arith.constant 8192 : i32
        %dma_wait3A_696 = tpu.memref_slice %arg9[%dma_wait3A_695] : memref<32768xf32, #tpu.memory_space<vmem>> -> memref<4096xf32, #tpu.memory_space<vmem>>
        %dma_wait3A_697 = arith.constant 0 : i32
        %dma_wait3A_698 = tpu.memref_slice %arg4[%add3A_664, %dma_wait3A_697] : memref<4096x4096xf32, #tpu.memory_space<hbm>> -> memref<1x4096xf32, #tpu.memory_space<hbm>>
        %dma_wait3A_699 = tpu.memref_squeeze %dma_wait3A_698 : memref<1x4096xf32, #tpu.memory_space<hbm>> -> memref<4096xf32, #tpu.memory_space<hbm>>
        %dma_wait3A_700 = arith.constant 0 : i32
        %dma_wait3A_701 = tpu.memref_slice %arg4[%add3A_664, %dma_wait3A_700] : memref<4096x4096xf32, #tpu.memory_space<hbm>> -> memref<1x4096xf32, #tpu.memory_space<hbm>>
        %dma_wait3A_702 = tpu.memref_squeeze %dma_wait3A_701 : memref<1x4096xf32, #tpu.memory_space<hbm>> -> memref<4096xf32, #tpu.memory_space<hbm>>
        %dma_wait3A_703 = arith.constant 8192 : i32
        %dma_wait3A_704 = tpu.memref_slice %arg9[%dma_wait3A_703] : memref<32768xf32, #tpu.memory_space<vmem>> -> memref<4096xf32, #tpu.memory_space<vmem>>
        tpu.wait_dma2 semaphore(%arg12 : memref<!tpu.dma_semaphore, #tpu.memory_space<semaphore_mem>>) src(%dma_wait3A_704 : memref<4096xf32, #tpu.memory_space<vmem>>) dst(%dma_wait3A_702 : memref<4096xf32, #tpu.memory_space<hbm>>)
        %dma_wait3A_705 = arith.constant 12288 : i32
        %dma_wait3A_706 = tpu.memref_slice %arg9[%dma_wait3A_705] : memref<32768xf32, #tpu.memory_space<vmem>> -> memref<4096xf32, #tpu.memory_space<vmem>>
        %dma_wait3A_707 = arith.constant 0 : i32
        %dma_wait3A_708 = tpu.memref_slice %arg4[%add3A_666, %dma_wait3A_707] : memref<4096x4096xf32, #tpu.memory_space<hbm>> -> memref<1x4096xf32, #tpu.memory_space<hbm>>
        %dma_wait3A_709 = tpu.memref_squeeze %dma_wait3A_708 : memref<1x4096xf32, #tpu.memory_space<hbm>> -> memref<4096xf32, #tpu.memory_space<hbm>>
        %dma_wait3A_710 = arith.constant 0 : i32
        %dma_wait3A_711 = tpu.memref_slice %arg4[%add3A_666, %dma_wait3A_710] : memref<4096x4096xf32, #tpu.memory_space<hbm>> -> memref<1x4096xf32, #tpu.memory_space<hbm>>
        %dma_wait3A_712 = tpu.memref_squeeze %dma_wait3A_711 : memref<1x4096xf32, #tpu.memory_space<hbm>> -> memref<4096xf32, #tpu.memory_space<hbm>>
        %dma_wait3A_713 = arith.constant 12288 : i32
        %dma_wait3A_714 = tpu.memref_slice %arg9[%dma_wait3A_713] : memref<32768xf32, #tpu.memory_space<vmem>> -> memref<4096xf32, #tpu.memory_space<vmem>>
        tpu.wait_dma2 semaphore(%arg12 : memref<!tpu.dma_semaphore, #tpu.memory_space<semaphore_mem>>) src(%dma_wait3A_714 : memref<4096xf32, #tpu.memory_space<vmem>>) dst(%dma_wait3A_712 : memref<4096xf32, #tpu.memory_space<hbm>>)
        %dma_wait3A_715 = arith.constant 16384 : i32
        %dma_wait3A_716 = tpu.memref_slice %arg9[%dma_wait3A_715] : memref<32768xf32, #tpu.memory_space<vmem>> -> memref<4096xf32, #tpu.memory_space<vmem>>
        %dma_wait3A_717 = arith.constant 0 : i32
        %dma_wait3A_718 = tpu.memref_slice %arg4[%add3A_668, %dma_wait3A_717] : memref<4096x4096xf32, #tpu.memory_space<hbm>> -> memref<1x4096xf32, #tpu.memory_space<hbm>>
        %dma_wait3A_719 = tpu.memref_squeeze %dma_wait3A_718 : memref<1x4096xf32, #tpu.memory_space<hbm>> -> memref<4096xf32, #tpu.memory_space<hbm>>
        %dma_wait3A_720 = arith.constant 0 : i32
        %dma_wait3A_721 = tpu.memref_slice %arg4[%add3A_668, %dma_wait3A_720] : memref<4096x4096xf32, #tpu.memory_space<hbm>> -> memref<1x4096xf32, #tpu.memory_space<hbm>>
        %dma_wait3A_722 = tpu.memref_squeeze %dma_wait3A_721 : memref<1x4096xf32, #tpu.memory_space<hbm>> -> memref<4096xf32, #tpu.memory_space<hbm>>
        %dma_wait3A_723 = arith.constant 16384 : i32
        %dma_wait3A_724 = tpu.memref_slice %arg9[%dma_wait3A_723] : memref<32768xf32, #tpu.memory_space<vmem>> -> memref<4096xf32, #tpu.memory_space<vmem>>
        tpu.wait_dma2 semaphore(%arg12 : memref<!tpu.dma_semaphore, #tpu.memory_space<semaphore_mem>>) src(%dma_wait3A_724 : memref<4096xf32, #tpu.memory_space<vmem>>) dst(%dma_wait3A_722 : memref<4096xf32, #tpu.memory_space<hbm>>)
        %dma_wait3A_725 = arith.constant 20480 : i32
        %dma_wait3A_726 = tpu.memref_slice %arg9[%dma_wait3A_725] : memref<32768xf32, #tpu.memory_space<vmem>> -> memref<4096xf32, #tpu.memory_space<vmem>>
        %dma_wait3A_727 = arith.constant 0 : i32
        %dma_wait3A_728 = tpu.memref_slice %arg4[%add3A_670, %dma_wait3A_727] : memref<4096x4096xf32, #tpu.memory_space<hbm>> -> memref<1x4096xf32, #tpu.memory_space<hbm>>
        %dma_wait3A_729 = tpu.memref_squeeze %dma_wait3A_728 : memref<1x4096xf32, #tpu.memory_space<hbm>> -> memref<4096xf32, #tpu.memory_space<hbm>>
        %dma_wait3A_730 = arith.constant 0 : i32
        %dma_wait3A_731 = tpu.memref_slice %arg4[%add3A_670, %dma_wait3A_730] : memref<4096x4096xf32, #tpu.memory_space<hbm>> -> memref<1x4096xf32, #tpu.memory_space<hbm>>
        %dma_wait3A_732 = tpu.memref_squeeze %dma_wait3A_731 : memref<1x4096xf32, #tpu.memory_space<hbm>> -> memref<4096xf32, #tpu.memory_space<hbm>>
        %dma_wait3A_733 = arith.constant 20480 : i32
        %dma_wait3A_734 = tpu.memref_slice %arg9[%dma_wait3A_733] : memref<32768xf32, #tpu.memory_space<vmem>> -> memref<4096xf32, #tpu.memory_space<vmem>>
        tpu.wait_dma2 semaphore(%arg12 : memref<!tpu.dma_semaphore, #tpu.memory_space<semaphore_mem>>) src(%dma_wait3A_734 : memref<4096xf32, #tpu.memory_space<vmem>>) dst(%dma_wait3A_732 : memref<4096xf32, #tpu.memory_space<hbm>>)
        %dma_wait3A_735 = arith.constant 24576 : i32
        %dma_wait3A_736 = tpu.memref_slice %arg9[%dma_wait3A_735] : memref<32768xf32, #tpu.memory_space<vmem>> -> memref<4096xf32, #tpu.memory_space<vmem>>
        %dma_wait3A_737 = arith.constant 0 : i32
        %dma_wait3A_738 = tpu.memref_slice %arg4[%add3A_672, %dma_wait3A_737] : memref<4096x4096xf32, #tpu.memory_space<hbm>> -> memref<1x4096xf32, #tpu.memory_space<hbm>>
        %dma_wait3A_739 = tpu.memref_squeeze %dma_wait3A_738 : memref<1x4096xf32, #tpu.memory_space<hbm>> -> memref<4096xf32, #tpu.memory_space<hbm>>
        %dma_wait3A_740 = arith.constant 0 : i32
        %dma_wait3A_741 = tpu.memref_slice %arg4[%add3A_672, %dma_wait3A_740] : memref<4096x4096xf32, #tpu.memory_space<hbm>> -> memref<1x4096xf32, #tpu.memory_space<hbm>>
        %dma_wait3A_742 = tpu.memref_squeeze %dma_wait3A_741 : memref<1x4096xf32, #tpu.memory_space<hbm>> -> memref<4096xf32, #tpu.memory_space<hbm>>
        %dma_wait3A_743 = arith.constant 24576 : i32
        %dma_wait3A_744 = tpu.memref_slice %arg9[%dma_wait3A_743] : memref<32768xf32, #tpu.memory_space<vmem>> -> memref<4096xf32, #tpu.memory_space<vmem>>
        tpu.wait_dma2 semaphore(%arg12 : memref<!tpu.dma_semaphore, #tpu.memory_space<semaphore_mem>>) src(%dma_wait3A_744 : memref<4096xf32, #tpu.memory_space<vmem>>) dst(%dma_wait3A_742 : memref<4096xf32, #tpu.memory_space<hbm>>)
        %dma_wait3A_745 = arith.constant 28672 : i32
        %dma_wait3A_746 = tpu.memref_slice %arg9[%dma_wait3A_745] : memref<32768xf32, #tpu.memory_space<vmem>> -> memref<4096xf32, #tpu.memory_space<vmem>>
        %dma_wait3A_747 = arith.constant 0 : i32
        %dma_wait3A_748 = tpu.memref_slice %arg4[%add3A_674, %dma_wait3A_747] : memref<4096x4096xf32, #tpu.memory_space<hbm>> -> memref<1x4096xf32, #tpu.memory_space<hbm>>
        %dma_wait3A_749 = tpu.memref_squeeze %dma_wait3A_748 : memref<1x4096xf32, #tpu.memory_space<hbm>> -> memref<4096xf32, #tpu.memory_space<hbm>>
        %dma_wait3A_750 = arith.constant 0 : i32
        %dma_wait3A_751 = tpu.memref_slice %arg4[%add3A_674, %dma_wait3A_750] : memref<4096x4096xf32, #tpu.memory_space<hbm>> -> memref<1x4096xf32, #tpu.memory_space<hbm>>
        %dma_wait3A_752 = tpu.memref_squeeze %dma_wait3A_751 : memref<1x4096xf32, #tpu.memory_space<hbm>> -> memref<4096xf32, #tpu.memory_space<hbm>>
        %dma_wait3A_753 = arith.constant 28672 : i32
        %dma_wait3A_754 = tpu.memref_slice %arg9[%dma_wait3A_753] : memref<32768xf32, #tpu.memory_space<vmem>> -> memref<4096xf32, #tpu.memory_space<vmem>>
        tpu.wait_dma2 semaphore(%arg12 : memref<!tpu.dma_semaphore, #tpu.memory_space<semaphore_mem>>) src(%dma_wait3A_754 : memref<4096xf32, #tpu.memory_space<vmem>>) dst(%dma_wait3A_752 : memref<4096xf32, #tpu.memory_space<hbm>>)
        %scan3A_755 = arith.constant 0 : i32
        %scan3A_756 = arith.constant 0 : i32
        %scan3A_757 = arith.constant 8 : i32
        %scan3A_758 = arith.addi %scan3A_756, %scan3A_757 : i32
        %scan3A_759 = arith.constant 1 : i32
        %scan3A_760 = scf.for %scan3A_762 = %scan3A_756 to %scan3A_758 step %scan3A_759 iter_args(%scan3A_763 = %scan3A_755) -> (i32)  : i32 {
          %get3A = arith.index_cast %scan3A_762 : i32 to index
          %get3A_764 = arith.constant 0 : index
          %get3A_765 = tpu.vector_load %arg6[%get3A, %get3A_764] {strides = array<i32>} : memref<8x96xi32, #tpu.memory_space<vmem>>, vector<16xi32>,
          %mul3A_766 = arith.constant 4096 : i32
          %mul3A_767 = arith.muli %scan3A_762, %mul3A_766 : i32
          %add3A_768 = vector.broadcast %mul3A_767 : i32 to vector<16xi32>
          %add3A_769 = arith.addi %get3A_765, %add3A_768 : vector<16xi32>
          tpu.vector_store_idx %arg9[%add3A_769], %broadcast_in_dim3A_3 : memref<32768xf32, #tpu.memory_space<vmem>>[vector<16xi32>], vector<16xf32>,
          %get3A_770 = arith.index_cast %scan3A_762 : i32 to index
          %get3A_771 = arith.constant 16 : index
          %get3A_772 = tpu.vector_load %arg6[%get3A_770, %get3A_771] {strides = array<i32>} : memref<8x96xi32, #tpu.memory_space<vmem>>, vector<16xi32>,
          %mul3A_773 = arith.constant 4096 : i32
          %mul3A_774 = arith.muli %scan3A_762, %mul3A_773 : i32
          %add3A_775 = vector.broadcast %mul3A_774 : i32 to vector<16xi32>
          %add3A_776 = arith.addi %get3A_772, %add3A_775 : vector<16xi32>
          tpu.vector_store_idx %arg9[%add3A_776], %broadcast_in_dim3A_3 : memref<32768xf32, #tpu.memory_space<vmem>>[vector<16xi32>], vector<16xf32>,
          %get3A_777 = arith.index_cast %scan3A_762 : i32 to index
          %get3A_778 = arith.constant 32 : index
          %get3A_779 = tpu.vector_load %arg6[%get3A_777, %get3A_778] {strides = array<i32>} : memref<8x96xi32, #tpu.memory_space<vmem>>, vector<16xi32>,
          %mul3A_780 = arith.constant 4096 : i32
          %mul3A_781 = arith.muli %scan3A_762, %mul3A_780 : i32
          %add3A_782 = vector.broadcast %mul3A_781 : i32 to vector<16xi32>
          %add3A_783 = arith.addi %get3A_779, %add3A_782 : vector<16xi32>
          tpu.vector_store_idx %arg9[%add3A_783], %broadcast_in_dim3A_3 : memref<32768xf32, #tpu.memory_space<vmem>>[vector<16xi32>], vector<16xf32>,
          %get3A_784 = arith.index_cast %scan3A_762 : i32 to index
          %get3A_785 = arith.constant 48 : index
          %get3A_786 = tpu.vector_load %arg6[%get3A_784, %get3A_785] {strides = array<i32>} : memref<8x96xi32, #tpu.memory_space<vmem>>, vector<16xi32>,
          %mul3A_787 = arith.constant 4096 : i32
          %mul3A_788 = arith.muli %scan3A_762, %mul3A_787 : i32
          %add3A_789 = vector.broadcast %mul3A_788 : i32 to vector<16xi32>
          %add3A_790 = arith.addi %get3A_786, %add3A_789 : vector<16xi32>
          tpu.vector_store_idx %arg9[%add3A_790], %broadcast_in_dim3A_3 : memref<32768xf32, #tpu.memory_space<vmem>>[vector<16xi32>], vector<16xf32>,
          %get3A_791 = arith.index_cast %scan3A_762 : i32 to index
          %get3A_792 = arith.constant 64 : index
          %get3A_793 = tpu.vector_load %arg6[%get3A_791, %get3A_792] {strides = array<i32>} : memref<8x96xi32, #tpu.memory_space<vmem>>, vector<16xi32>,
          %mul3A_794 = arith.constant 4096 : i32
          %mul3A_795 = arith.muli %scan3A_762, %mul3A_794 : i32
          %add3A_796 = vector.broadcast %mul3A_795 : i32 to vector<16xi32>
          %add3A_797 = arith.addi %get3A_793, %add3A_796 : vector<16xi32>
          tpu.vector_store_idx %arg9[%add3A_797], %broadcast_in_dim3A_3 : memref<32768xf32, #tpu.memory_space<vmem>>[vector<16xi32>], vector<16xf32>,
          %get3A_798 = arith.index_cast %scan3A_762 : i32 to index
          %get3A_799 = arith.constant 80 : index
          %get3A_800 = tpu.vector_load %arg6[%get3A_798, %get3A_799] {strides = array<i32>} : memref<8x96xi32, #tpu.memory_space<vmem>>, vector<16xi32>,
          %mul3A_801 = arith.constant 4096 : i32
          %mul3A_802 = arith.muli %scan3A_762, %mul3A_801 : i32
          %add3A_803 = vector.broadcast %mul3A_802 : i32 to vector<16xi32>
          %add3A_804 = arith.addi %get3A_800, %add3A_803 : vector<16xi32>
          tpu.vector_store_idx %arg9[%add3A_804], %broadcast_in_dim3A_3 masked %lt3A_5 : memref<32768xf32, #tpu.memory_space<vmem>>[vector<16xi32>], vector<16xf32>, vector<16xi1>
          %scan3A_805 = arith.constant 0 : i32
          scf.yield %scan3A_805 : i32
        }
        %scan3A_761 = arith.constant 8 : i32
      } else {
      }
      %add3A_320 = arith.constant 1 : i32
      %add3A_321 = arith.addi %mul3A_218, %add3A_320 : i32
      %lt3A_322 = arith.constant 16 : i32
      %lt3A_323 = arith.cmpi slt, %add3A_321, %lt3A_322 : i32
      %convert_element_type3A_324 = arith.extui %lt3A_323 : i1 to i32
      %cond3A_325 = arith.constant 0 : i32
      %cond3A_326 = arith.cmpi ne, %convert_element_type3A_324, %cond3A_325 : i32
      scf.if %cond3A_326 {
        %add3A_655 = arith.constant 1 : i32
        %add3A_656 = arith.addi %mul3A_218, %add3A_655 : i32
        %mul3A_657 = arith.constant 8 : i32
        %mul3A_658 = arith.muli %add3A_656, %mul3A_657 : i32
        %add3A_659 = arith.addi %mul3A_2, %mul3A_658 : i32
        %add3A_660 = arith.constant 0 : i32
        %add3A_661 = arith.addi %add3A_659, %add3A_660 : i32
        %add3A_662 = arith.constant 1 : i32
        %add3A_663 = arith.addi %add3A_659, %add3A_662 : i32
        %add3A_664 = arith.constant 2 : i32
        %add3A_665 = arith.addi %add3A_659, %add3A_664 : i32
        %add3A_666 = arith.constant 3 : i32
        %add3A_667 = arith.addi %add3A_659, %add3A_666 : i32
        %add3A_668 = arith.constant 4 : i32
        %add3A_669 = arith.addi %add3A_659, %add3A_668 : i32
        %add3A_670 = arith.constant 5 : i32
        %add3A_671 = arith.addi %add3A_659, %add3A_670 : i32
        %add3A_672 = arith.constant 6 : i32
        %add3A_673 = arith.addi %add3A_659, %add3A_672 : i32
        %add3A_674 = arith.constant 7 : i32
        %add3A_675 = arith.addi %add3A_659, %add3A_674 : i32
        %dma_start3A_676 = arith.constant 0 : i32
        %dma_start3A_677 = tpu.memref_slice %arg8[%dma_start3A_676] : memref<16384xi32, #tpu.memory_space<vmem>> -> memref<2048xi32, #tpu.memory_space<vmem>>
        %dma_start3A_678 = arith.constant 0 : i32
        %dma_start3A_679 = tpu.memref_slice %arg2[%add3A_661, %dma_start3A_678] : memref<4096x2048xi32, #tpu.memory_space<hbm>> -> memref<1x2048xi32, #tpu.memory_space<hbm>>
        %dma_start3A_680 = tpu.memref_squeeze %dma_start3A_679 : memref<1x2048xi32, #tpu.memory_space<hbm>> -> memref<2048xi32, #tpu.memory_space<hbm>>
        %dma_start3A_681 = arith.constant 0 : i32
        %dma_start3A_682 = tpu.memref_slice %arg8[%dma_start3A_681] : memref<16384xi32, #tpu.memory_space<vmem>> -> memref<2048xi32, #tpu.memory_space<vmem>>
        %dma_start3A_683 = arith.constant 0 : i32
        %dma_start3A_684 = tpu.memref_slice %arg2[%add3A_661, %dma_start3A_683] : memref<4096x2048xi32, #tpu.memory_space<hbm>> -> memref<1x2048xi32, #tpu.memory_space<hbm>>
        %dma_start3A_685 = tpu.memref_squeeze %dma_start3A_684 : memref<1x2048xi32, #tpu.memory_space<hbm>> -> memref<2048xi32, #tpu.memory_space<hbm>>
        tpu.enqueue_dma source(%dma_start3A_685 : memref<2048xi32, #tpu.memory_space<hbm>>) target(%dma_start3A_682 : memref<2048xi32, #tpu.memory_space<vmem>>) target_semaphore(%arg11 : memref<!tpu.dma_semaphore, #tpu.memory_space<semaphore_mem>>)
        %dma_start3A_686 = arith.constant 2048 : i32
        %dma_start3A_687 = tpu.memref_slice %arg8[%dma_start3A_686] : memref<16384xi32, #tpu.memory_space<vmem>> -> memref<2048xi32, #tpu.memory_space<vmem>>
        %dma_start3A_688 = arith.constant 0 : i32
        %dma_start3A_689 = tpu.memref_slice %arg2[%add3A_663, %dma_start3A_688] : memref<4096x2048xi32, #tpu.memory_space<hbm>> -> memref<1x2048xi32, #tpu.memory_space<hbm>>
        %dma_start3A_690 = tpu.memref_squeeze %dma_start3A_689 : memref<1x2048xi32, #tpu.memory_space<hbm>> -> memref<2048xi32, #tpu.memory_space<hbm>>
        %dma_start3A_691 = arith.constant 2048 : i32
        %dma_start3A_692 = tpu.memref_slice %arg8[%dma_start3A_691] : memref<16384xi32, #tpu.memory_space<vmem>> -> memref<2048xi32, #tpu.memory_space<vmem>>
        %dma_start3A_693 = arith.constant 0 : i32
        %dma_start3A_694 = tpu.memref_slice %arg2[%add3A_663, %dma_start3A_693] : memref<4096x2048xi32, #tpu.memory_space<hbm>> -> memref<1x2048xi32, #tpu.memory_space<hbm>>
        %dma_start3A_695 = tpu.memref_squeeze %dma_start3A_694 : memref<1x2048xi32, #tpu.memory_space<hbm>> -> memref<2048xi32, #tpu.memory_space<hbm>>
        tpu.enqueue_dma source(%dma_start3A_695 : memref<2048xi32, #tpu.memory_space<hbm>>) target(%dma_start3A_692 : memref<2048xi32, #tpu.memory_space<vmem>>) target_semaphore(%arg11 : memref<!tpu.dma_semaphore, #tpu.memory_space<semaphore_mem>>)
        %dma_start3A_696 = arith.constant 4096 : i32
        %dma_start3A_697 = tpu.memref_slice %arg8[%dma_start3A_696] : memref<16384xi32, #tpu.memory_space<vmem>> -> memref<2048xi32, #tpu.memory_space<vmem>>
        %dma_start3A_698 = arith.constant 0 : i32
        %dma_start3A_699 = tpu.memref_slice %arg2[%add3A_665, %dma_start3A_698] : memref<4096x2048xi32, #tpu.memory_space<hbm>> -> memref<1x2048xi32, #tpu.memory_space<hbm>>
        %dma_start3A_700 = tpu.memref_squeeze %dma_start3A_699 : memref<1x2048xi32, #tpu.memory_space<hbm>> -> memref<2048xi32, #tpu.memory_space<hbm>>
        %dma_start3A_701 = arith.constant 4096 : i32
        %dma_start3A_702 = tpu.memref_slice %arg8[%dma_start3A_701] : memref<16384xi32, #tpu.memory_space<vmem>> -> memref<2048xi32, #tpu.memory_space<vmem>>
        %dma_start3A_703 = arith.constant 0 : i32
        %dma_start3A_704 = tpu.memref_slice %arg2[%add3A_665, %dma_start3A_703] : memref<4096x2048xi32, #tpu.memory_space<hbm>> -> memref<1x2048xi32, #tpu.memory_space<hbm>>
        %dma_start3A_705 = tpu.memref_squeeze %dma_start3A_704 : memref<1x2048xi32, #tpu.memory_space<hbm>> -> memref<2048xi32, #tpu.memory_space<hbm>>
        tpu.enqueue_dma source(%dma_start3A_705 : memref<2048xi32, #tpu.memory_space<hbm>>) target(%dma_start3A_702 : memref<2048xi32, #tpu.memory_space<vmem>>) target_semaphore(%arg11 : memref<!tpu.dma_semaphore, #tpu.memory_space<semaphore_mem>>)
        %dma_start3A_706 = arith.constant 6144 : i32
        %dma_start3A_707 = tpu.memref_slice %arg8[%dma_start3A_706] : memref<16384xi32, #tpu.memory_space<vmem>> -> memref<2048xi32, #tpu.memory_space<vmem>>
        %dma_start3A_708 = arith.constant 0 : i32
        %dma_start3A_709 = tpu.memref_slice %arg2[%add3A_667, %dma_start3A_708] : memref<4096x2048xi32, #tpu.memory_space<hbm>> -> memref<1x2048xi32, #tpu.memory_space<hbm>>
        %dma_start3A_710 = tpu.memref_squeeze %dma_start3A_709 : memref<1x2048xi32, #tpu.memory_space<hbm>> -> memref<2048xi32, #tpu.memory_space<hbm>>
        %dma_start3A_711 = arith.constant 6144 : i32
        %dma_start3A_712 = tpu.memref_slice %arg8[%dma_start3A_711] : memref<16384xi32, #tpu.memory_space<vmem>> -> memref<2048xi32, #tpu.memory_space<vmem>>
        %dma_start3A_713 = arith.constant 0 : i32
        %dma_start3A_714 = tpu.memref_slice %arg2[%add3A_667, %dma_start3A_713] : memref<4096x2048xi32, #tpu.memory_space<hbm>> -> memref<1x2048xi32, #tpu.memory_space<hbm>>
        %dma_start3A_715 = tpu.memref_squeeze %dma_start3A_714 : memref<1x2048xi32, #tpu.memory_space<hbm>> -> memref<2048xi32, #tpu.memory_space<hbm>>
        tpu.enqueue_dma source(%dma_start3A_715 : memref<2048xi32, #tpu.memory_space<hbm>>) target(%dma_start3A_712 : memref<2048xi32, #tpu.memory_space<vmem>>) target_semaphore(%arg11 : memref<!tpu.dma_semaphore, #tpu.memory_space<semaphore_mem>>)
        %dma_start3A_716 = arith.constant 8192 : i32
        %dma_start3A_717 = tpu.memref_slice %arg8[%dma_start3A_716] : memref<16384xi32, #tpu.memory_space<vmem>> -> memref<2048xi32, #tpu.memory_space<vmem>>
        %dma_start3A_718 = arith.constant 0 : i32
        %dma_start3A_719 = tpu.memref_slice %arg2[%add3A_669, %dma_start3A_718] : memref<4096x2048xi32, #tpu.memory_space<hbm>> -> memref<1x2048xi32, #tpu.memory_space<hbm>>
        %dma_start3A_720 = tpu.memref_squeeze %dma_start3A_719 : memref<1x2048xi32, #tpu.memory_space<hbm>> -> memref<2048xi32, #tpu.memory_space<hbm>>
        %dma_start3A_721 = arith.constant 8192 : i32
        %dma_start3A_722 = tpu.memref_slice %arg8[%dma_start3A_721] : memref<16384xi32, #tpu.memory_space<vmem>> -> memref<2048xi32, #tpu.memory_space<vmem>>
        %dma_start3A_723 = arith.constant 0 : i32
        %dma_start3A_724 = tpu.memref_slice %arg2[%add3A_669, %dma_start3A_723] : memref<4096x2048xi32, #tpu.memory_space<hbm>> -> memref<1x2048xi32, #tpu.memory_space<hbm>>
        %dma_start3A_725 = tpu.memref_squeeze %dma_start3A_724 : memref<1x2048xi32, #tpu.memory_space<hbm>> -> memref<2048xi32, #tpu.memory_space<hbm>>
        tpu.enqueue_dma source(%dma_start3A_725 : memref<2048xi32, #tpu.memory_space<hbm>>) target(%dma_start3A_722 : memref<2048xi32, #tpu.memory_space<vmem>>) target_semaphore(%arg11 : memref<!tpu.dma_semaphore, #tpu.memory_space<semaphore_mem>>)
        %dma_start3A_726 = arith.constant 10240 : i32
        %dma_start3A_727 = tpu.memref_slice %arg8[%dma_start3A_726] : memref<16384xi32, #tpu.memory_space<vmem>> -> memref<2048xi32, #tpu.memory_space<vmem>>
        %dma_start3A_728 = arith.constant 0 : i32
        %dma_start3A_729 = tpu.memref_slice %arg2[%add3A_671, %dma_start3A_728] : memref<4096x2048xi32, #tpu.memory_space<hbm>> -> memref<1x2048xi32, #tpu.memory_space<hbm>>
        %dma_start3A_730 = tpu.memref_squeeze %dma_start3A_729 : memref<1x2048xi32, #tpu.memory_space<hbm>> -> memref<2048xi32, #tpu.memory_space<hbm>>
        %dma_start3A_731 = arith.constant 10240 : i32
        %dma_start3A_732 = tpu.memref_slice %arg8[%dma_start3A_731] : memref<16384xi32, #tpu.memory_space<vmem>> -> memref<2048xi32, #tpu.memory_space<vmem>>
        %dma_start3A_733 = arith.constant 0 : i32
        %dma_start3A_734 = tpu.memref_slice %arg2[%add3A_671, %dma_start3A_733] : memref<4096x2048xi32, #tpu.memory_space<hbm>> -> memref<1x2048xi32, #tpu.memory_space<hbm>>
        %dma_start3A_735 = tpu.memref_squeeze %dma_start3A_734 : memref<1x2048xi32, #tpu.memory_space<hbm>> -> memref<2048xi32, #tpu.memory_space<hbm>>
        tpu.enqueue_dma source(%dma_start3A_735 : memref<2048xi32, #tpu.memory_space<hbm>>) target(%dma_start3A_732 : memref<2048xi32, #tpu.memory_space<vmem>>) target_semaphore(%arg11 : memref<!tpu.dma_semaphore, #tpu.memory_space<semaphore_mem>>)
        %dma_start3A_736 = arith.constant 12288 : i32
        %dma_start3A_737 = tpu.memref_slice %arg8[%dma_start3A_736] : memref<16384xi32, #tpu.memory_space<vmem>> -> memref<2048xi32, #tpu.memory_space<vmem>>
        %dma_start3A_738 = arith.constant 0 : i32
        %dma_start3A_739 = tpu.memref_slice %arg2[%add3A_673, %dma_start3A_738] : memref<4096x2048xi32, #tpu.memory_space<hbm>> -> memref<1x2048xi32, #tpu.memory_space<hbm>>
        %dma_start3A_740 = tpu.memref_squeeze %dma_start3A_739 : memref<1x2048xi32, #tpu.memory_space<hbm>> -> memref<2048xi32, #tpu.memory_space<hbm>>
        %dma_start3A_741 = arith.constant 12288 : i32
        %dma_start3A_742 = tpu.memref_slice %arg8[%dma_start3A_741] : memref<16384xi32, #tpu.memory_space<vmem>> -> memref<2048xi32, #tpu.memory_space<vmem>>
        %dma_start3A_743 = arith.constant 0 : i32
        %dma_start3A_744 = tpu.memref_slice %arg2[%add3A_673, %dma_start3A_743] : memref<4096x2048xi32, #tpu.memory_space<hbm>> -> memref<1x2048xi32, #tpu.memory_space<hbm>>
        %dma_start3A_745 = tpu.memref_squeeze %dma_start3A_744 : memref<1x2048xi32, #tpu.memory_space<hbm>> -> memref<2048xi32, #tpu.memory_space<hbm>>
        tpu.enqueue_dma source(%dma_start3A_745 : memref<2048xi32, #tpu.memory_space<hbm>>) target(%dma_start3A_742 : memref<2048xi32, #tpu.memory_space<vmem>>) target_semaphore(%arg11 : memref<!tpu.dma_semaphore, #tpu.memory_space<semaphore_mem>>)
        %dma_start3A_746 = arith.constant 14336 : i32
        %dma_start3A_747 = tpu.memref_slice %arg8[%dma_start3A_746] : memref<16384xi32, #tpu.memory_space<vmem>> -> memref<2048xi32, #tpu.memory_space<vmem>>
        %dma_start3A_748 = arith.constant 0 : i32
        %dma_start3A_749 = tpu.memref_slice %arg2[%add3A_675, %dma_start3A_748] : memref<4096x2048xi32, #tpu.memory_space<hbm>> -> memref<1x2048xi32, #tpu.memory_space<hbm>>
        %dma_start3A_750 = tpu.memref_squeeze %dma_start3A_749 : memref<1x2048xi32, #tpu.memory_space<hbm>> -> memref<2048xi32, #tpu.memory_space<hbm>>
        %dma_start3A_751 = arith.constant 14336 : i32
        %dma_start3A_752 = tpu.memref_slice %arg8[%dma_start3A_751] : memref<16384xi32, #tpu.memory_space<vmem>> -> memref<2048xi32, #tpu.memory_space<vmem>>
        %dma_start3A_753 = arith.constant 0 : i32
        %dma_start3A_754 = tpu.memref_slice %arg2[%add3A_675, %dma_start3A_753] : memref<4096x2048xi32, #tpu.memory_space<hbm>> -> memref<1x2048xi32, #tpu.memory_space<hbm>>
        %dma_start3A_755 = tpu.memref_squeeze %dma_start3A_754 : memref<1x2048xi32, #tpu.memory_space<hbm>> -> memref<2048xi32, #tpu.memory_space<hbm>>
        tpu.enqueue_dma source(%dma_start3A_755 : memref<2048xi32, #tpu.memory_space<hbm>>) target(%dma_start3A_752 : memref<2048xi32, #tpu.memory_space<vmem>>) target_semaphore(%arg11 : memref<!tpu.dma_semaphore, #tpu.memory_space<semaphore_mem>>)
        %mul3A_756 = arith.constant 8 : i32
        %mul3A_757 = arith.muli %add3A_656, %mul3A_756 : i32
        %add3A_758 = arith.addi %mul3A_2, %mul3A_757 : i32
        "tpu.region"() ({
          %run_scoped3A = tpu.sem_alloc : memref<!tpu.dma_semaphore, #tpu.memory_space<semaphore_mem>>
          %dma_start3A_759 = arith.constant 0 : i32
          %dma_start3A_760 = tpu.memref_slice %arg3[%add3A_758, %dma_start3A_759] : memref<4096x96xi32, #tpu.memory_space<hbm>> -> memref<8x96xi32, #tpu.memory_space<hbm>>
          %dma_start3A_761 = arith.constant 0 : i32
          %dma_start3A_762 = tpu.memref_slice %arg3[%add3A_758, %dma_start3A_761] : memref<4096x96xi32, #tpu.memory_space<hbm>> -> memref<8x96xi32, #tpu.memory_space<hbm>>
          tpu.enqueue_dma source(%dma_start3A_762 : memref<8x96xi32, #tpu.memory_space<hbm>>) target(%arg6 : memref<8x96xi32, #tpu.memory_space<vmem>>) target_semaphore(%run_scoped3A : memref<!tpu.dma_semaphore, #tpu.memory_space<semaphore_mem>>)
          %dma_wait3A_763 = arith.constant 0 : i32
          %dma_wait3A_764 = tpu.memref_slice %arg3[%add3A_758, %dma_wait3A_763] : memref<4096x96xi32, #tpu.memory_space<hbm>> -> memref<8x96xi32, #tpu.memory_space<hbm>>
          %dma_wait3A_765 = arith.constant 0 : i32
          %dma_wait3A_766 = tpu.memref_slice %arg3[%add3A_758, %dma_wait3A_765] : memref<4096x96xi32, #tpu.memory_space<hbm>> -> memref<8x96xi32, #tpu.memory_space<hbm>>
          tpu.wait_dma2 semaphore(%run_scoped3A : memref<!tpu.dma_semaphore, #tpu.memory_space<semaphore_mem>>) src(%dma_wait3A_766 : memref<8x96xi32, #tpu.memory_space<hbm>>) dst(%arg6 : memref<8x96xi32, #tpu.memory_space<vmem>>)
          tpu.yield
        }) : () -> ()
      } else {
      }
      %scan3A_327 = arith.constant 0 : i32
      %scan3A_328 = arith.constant 0 : i32
      %scan3A_329 = arith.constant 8 : i32
      %scan3A_330 = arith.addi %scan3A_328, %scan3A_329 : i32
      %scan3A_331 = arith.constant 1 : i32
      %scan3A_332 = scf.for %scan3A_655 = %scan3A_328 to %scan3A_330 step %scan3A_331 iter_args(%scan3A_656 = %scan3A_327) -> (i32)  : i32 {
        %get3A = arith.index_cast %scan3A_655 : i32 to index
        %get3A_657 = arith.constant 0 : index
        %get3A_658 = tpu.vector_load %arg5[%get3A, %get3A_657] {strides = array<i32>} : memref<8x96xi32, #tpu.memory_space<vmem>>, vector<16xi32>,
        %get3A_659 = arith.index_cast %scan3A_655 : i32 to index
        %get3A_660 = arith.constant 16 : index
        %get3A_661 = tpu.vector_load %arg5[%get3A_659, %get3A_660] {strides = array<i32>} : memref<8x96xi32, #tpu.memory_space<vmem>>, vector<16xi32>,
        %get3A_662 = arith.index_cast %scan3A_655 : i32 to index
        %get3A_663 = arith.constant 32 : index
        %get3A_664 = tpu.vector_load %arg5[%get3A_662, %get3A_663] {strides = array<i32>} : memref<8x96xi32, #tpu.memory_space<vmem>>, vector<16xi32>,
        %get3A_665 = arith.index_cast %scan3A_655 : i32 to index
        %get3A_666 = arith.constant 48 : index
        %get3A_667 = tpu.vector_load %arg5[%get3A_665, %get3A_666] {strides = array<i32>} : memref<8x96xi32, #tpu.memory_space<vmem>>, vector<16xi32>,
        %get3A_668 = arith.index_cast %scan3A_655 : i32 to index
        %get3A_669 = arith.constant 64 : index
        %get3A_670 = tpu.vector_load %arg5[%get3A_668, %get3A_669] {strides = array<i32>} : memref<8x96xi32, #tpu.memory_space<vmem>>, vector<16xi32>,
        %get3A_671 = arith.index_cast %scan3A_655 : i32 to index
        %get3A_672 = arith.constant 80 : index
        %get3A_673 = tpu.vector_load %arg5[%get3A_671, %get3A_672] {strides = array<i32>} : memref<8x96xi32, #tpu.memory_space<vmem>>, vector<16xi32>,
        %mul3A_674 = arith.constant 4096 : i32
        %mul3A_675 = arith.muli %scan3A_655, %mul3A_674 : i32
        %add3A_676 = vector.broadcast %mul3A_675 : i32 to vector<16xi32>
        %add3A_677 = arith.addi %get3A_658, %add3A_676 : vector<16xi32>
        %mul3A_678 = arith.constant 4096 : i32
        %mul3A_679 = arith.muli %scan3A_655, %mul3A_678 : i32
        %add3A_680 = vector.broadcast %mul3A_679 : i32 to vector<16xi32>
        %add3A_681 = arith.addi %get3A_661, %add3A_680 : vector<16xi32>
        %mul3A_682 = arith.constant 4096 : i32
        %mul3A_683 = arith.muli %scan3A_655, %mul3A_682 : i32
        %add3A_684 = vector.broadcast %mul3A_683 : i32 to vector<16xi32>
        %add3A_685 = arith.addi %get3A_664, %add3A_684 : vector<16xi32>
        %mul3A_686 = arith.constant 4096 : i32
        %mul3A_687 = arith.muli %scan3A_655, %mul3A_686 : i32
        %add3A_688 = vector.broadcast %mul3A_687 : i32 to vector<16xi32>
        %add3A_689 = arith.addi %get3A_667, %add3A_688 : vector<16xi32>
        %mul3A_690 = arith.constant 4096 : i32
        %mul3A_691 = arith.muli %scan3A_655, %mul3A_690 : i32
        %add3A_692 = vector.broadcast %mul3A_691 : i32 to vector<16xi32>
        %add3A_693 = arith.addi %get3A_670, %add3A_692 : vector<16xi32>
        %mul3A_694 = arith.constant 4096 : i32
        %mul3A_695 = arith.muli %scan3A_655, %mul3A_694 : i32
        %add3A_696 = vector.broadcast %mul3A_695 : i32 to vector<16xi32>
        %add3A_697 = arith.addi %get3A_673, %add3A_696 : vector<16xi32>
        %and3A = arith.constant 2047 : i32
        %and3A_698 = vector.broadcast %and3A : i32 to vector<16xi32>
        %and3A_699 = arith.andi %get3A_658, %and3A_698 : vector<16xi32>
        %mul3A_700 = arith.constant 2048 : i32
        %mul3A_701 = arith.muli %scan3A_655, %mul3A_700 : i32
        %add3A_702 = vector.broadcast %mul3A_701 : i32 to vector<16xi32>
        %add3A_703 = arith.addi %and3A_699, %add3A_702 : vector<16xi32>
        %gather3A = tpu.vector_load_idx %arg7[%add3A_703] : memref<16384xi32, #tpu.memory_space<vmem>>[vector<16xi32>], vector<16xi32>,
        %ge3A = arith.constant 2048 : i32
        %ge3A_704 = vector.broadcast %ge3A : i32 to vector<16xi32>
        %ge3A_705 = arith.cmpi sge, %get3A_658, %ge3A_704 : vector<16xi32>
        %and3A_706 = arith.constant -65536 : i32
        %and3A_707 = vector.broadcast %and3A_706 : i32 to vector<16xi32>
        %and3A_708 = arith.andi %gather3A, %and3A_707 : vector<16xi32>
        %shift_left3A = arith.constant 16 : i32
        %shift_left3A_709 = vector.broadcast %shift_left3A : i32 to vector<16xi32>
        %shift_left3A_710 = arith.shli %gather3A, %shift_left3A_709 : vector<16xi32>
        %select_n3A = arith.select %ge3A_705, %and3A_708, %shift_left3A_710 : vector<16xi1>, vector<16xi32>
        %bitcast_convert_type3A = tpu.bitcast %select_n3A : vector<16xi32> -> vector<16xf32>
        %and3A_711 = arith.constant 2047 : i32
        %and3A_712 = vector.broadcast %and3A_711 : i32 to vector<16xi32>
        %and3A_713 = arith.andi %get3A_661, %and3A_712 : vector<16xi32>
        %mul3A_714 = arith.constant 2048 : i32
        %mul3A_715 = arith.muli %scan3A_655, %mul3A_714 : i32
        %add3A_716 = vector.broadcast %mul3A_715 : i32 to vector<16xi32>
        %add3A_717 = arith.addi %and3A_713, %add3A_716 : vector<16xi32>
        %gather3A_718 = tpu.vector_load_idx %arg7[%add3A_717] : memref<16384xi32, #tpu.memory_space<vmem>>[vector<16xi32>], vector<16xi32>,
        %ge3A_719 = arith.constant 2048 : i32
        %ge3A_720 = vector.broadcast %ge3A_719 : i32 to vector<16xi32>
        %ge3A_721 = arith.cmpi sge, %get3A_661, %ge3A_720 : vector<16xi32>
        %and3A_722 = arith.constant -65536 : i32
        %and3A_723 = vector.broadcast %and3A_722 : i32 to vector<16xi32>
        %and3A_724 = arith.andi %gather3A_718, %and3A_723 : vector<16xi32>
        %shift_left3A_725 = arith.constant 16 : i32
        %shift_left3A_726 = vector.broadcast %shift_left3A_725 : i32 to vector<16xi32>
        %shift_left3A_727 = arith.shli %gather3A_718, %shift_left3A_726 : vector<16xi32>
        %select_n3A_728 = arith.select %ge3A_721, %and3A_724, %shift_left3A_727 : vector<16xi1>, vector<16xi32>
        %bitcast_convert_type3A_729 = tpu.bitcast %select_n3A_728 : vector<16xi32> -> vector<16xf32>
        %and3A_730 = arith.constant 2047 : i32
        %and3A_731 = vector.broadcast %and3A_730 : i32 to vector<16xi32>
        %and3A_732 = arith.andi %get3A_664, %and3A_731 : vector<16xi32>
        %mul3A_733 = arith.constant 2048 : i32
        %mul3A_734 = arith.muli %scan3A_655, %mul3A_733 : i32
        %add3A_735 = vector.broadcast %mul3A_734 : i32 to vector<16xi32>
        %add3A_736 = arith.addi %and3A_732, %add3A_735 : vector<16xi32>
        %gather3A_737 = tpu.vector_load_idx %arg7[%add3A_736] : memref<16384xi32, #tpu.memory_space<vmem>>[vector<16xi32>], vector<16xi32>,
        %ge3A_738 = arith.constant 2048 : i32
        %ge3A_739 = vector.broadcast %ge3A_738 : i32 to vector<16xi32>
        %ge3A_740 = arith.cmpi sge, %get3A_664, %ge3A_739 : vector<16xi32>
        %and3A_741 = arith.constant -65536 : i32
        %and3A_742 = vector.broadcast %and3A_741 : i32 to vector<16xi32>
        %and3A_743 = arith.andi %gather3A_737, %and3A_742 : vector<16xi32>
        %shift_left3A_744 = arith.constant 16 : i32
        %shift_left3A_745 = vector.broadcast %shift_left3A_744 : i32 to vector<16xi32>
        %shift_left3A_746 = arith.shli %gather3A_737, %shift_left3A_745 : vector<16xi32>
        %select_n3A_747 = arith.select %ge3A_740, %and3A_743, %shift_left3A_746 : vector<16xi1>, vector<16xi32>
        %bitcast_convert_type3A_748 = tpu.bitcast %select_n3A_747 : vector<16xi32> -> vector<16xf32>
        %and3A_749 = arith.constant 2047 : i32
        %and3A_750 = vector.broadcast %and3A_749 : i32 to vector<16xi32>
        %and3A_751 = arith.andi %get3A_667, %and3A_750 : vector<16xi32>
        %mul3A_752 = arith.constant 2048 : i32
        %mul3A_753 = arith.muli %scan3A_655, %mul3A_752 : i32
        %add3A_754 = vector.broadcast %mul3A_753 : i32 to vector<16xi32>
        %add3A_755 = arith.addi %and3A_751, %add3A_754 : vector<16xi32>
        %gather3A_756 = tpu.vector_load_idx %arg7[%add3A_755] : memref<16384xi32, #tpu.memory_space<vmem>>[vector<16xi32>], vector<16xi32>,
        %ge3A_757 = arith.constant 2048 : i32
        %ge3A_758 = vector.broadcast %ge3A_757 : i32 to vector<16xi32>
        %ge3A_759 = arith.cmpi sge, %get3A_667, %ge3A_758 : vector<16xi32>
        %and3A_760 = arith.constant -65536 : i32
        %and3A_761 = vector.broadcast %and3A_760 : i32 to vector<16xi32>
        %and3A_762 = arith.andi %gather3A_756, %and3A_761 : vector<16xi32>
        %shift_left3A_763 = arith.constant 16 : i32
        %shift_left3A_764 = vector.broadcast %shift_left3A_763 : i32 to vector<16xi32>
        %shift_left3A_765 = arith.shli %gather3A_756, %shift_left3A_764 : vector<16xi32>
        %select_n3A_766 = arith.select %ge3A_759, %and3A_762, %shift_left3A_765 : vector<16xi1>, vector<16xi32>
        %bitcast_convert_type3A_767 = tpu.bitcast %select_n3A_766 : vector<16xi32> -> vector<16xf32>
        %and3A_768 = arith.constant 2047 : i32
        %and3A_769 = vector.broadcast %and3A_768 : i32 to vector<16xi32>
        %and3A_770 = arith.andi %get3A_670, %and3A_769 : vector<16xi32>
        %mul3A_771 = arith.constant 2048 : i32
        %mul3A_772 = arith.muli %scan3A_655, %mul3A_771 : i32
        %add3A_773 = vector.broadcast %mul3A_772 : i32 to vector<16xi32>
        %add3A_774 = arith.addi %and3A_770, %add3A_773 : vector<16xi32>
        %gather3A_775 = tpu.vector_load_idx %arg7[%add3A_774] : memref<16384xi32, #tpu.memory_space<vmem>>[vector<16xi32>], vector<16xi32>,
        %ge3A_776 = arith.constant 2048 : i32
        %ge3A_777 = vector.broadcast %ge3A_776 : i32 to vector<16xi32>
        %ge3A_778 = arith.cmpi sge, %get3A_670, %ge3A_777 : vector<16xi32>
        %and3A_779 = arith.constant -65536 : i32
        %and3A_780 = vector.broadcast %and3A_779 : i32 to vector<16xi32>
        %and3A_781 = arith.andi %gather3A_775, %and3A_780 : vector<16xi32>
        %shift_left3A_782 = arith.constant 16 : i32
        %shift_left3A_783 = vector.broadcast %shift_left3A_782 : i32 to vector<16xi32>
        %shift_left3A_784 = arith.shli %gather3A_775, %shift_left3A_783 : vector<16xi32>
        %select_n3A_785 = arith.select %ge3A_778, %and3A_781, %shift_left3A_784 : vector<16xi1>, vector<16xi32>
        %bitcast_convert_type3A_786 = tpu.bitcast %select_n3A_785 : vector<16xi32> -> vector<16xf32>
        %and3A_787 = arith.constant 2047 : i32
        %and3A_788 = vector.broadcast %and3A_787 : i32 to vector<16xi32>
        %and3A_789 = arith.andi %get3A_673, %and3A_788 : vector<16xi32>
        %mul3A_790 = arith.constant 2048 : i32
        %mul3A_791 = arith.muli %scan3A_655, %mul3A_790 : i32
        %add3A_792 = vector.broadcast %mul3A_791 : i32 to vector<16xi32>
        %add3A_793 = arith.addi %and3A_789, %add3A_792 : vector<16xi32>
        %gather3A_794 = tpu.vector_load_idx %arg7[%add3A_793] : memref<16384xi32, #tpu.memory_space<vmem>>[vector<16xi32>], vector<16xi32>,
        %ge3A_795 = arith.constant 2048 : i32
        %ge3A_796 = vector.broadcast %ge3A_795 : i32 to vector<16xi32>
        %ge3A_797 = arith.cmpi sge, %get3A_673, %ge3A_796 : vector<16xi32>
        %and3A_798 = arith.constant -65536 : i32
        %and3A_799 = vector.broadcast %and3A_798 : i32 to vector<16xi32>
        %and3A_800 = arith.andi %gather3A_794, %and3A_799 : vector<16xi32>
        %shift_left3A_801 = arith.constant 16 : i32
        %shift_left3A_802 = vector.broadcast %shift_left3A_801 : i32 to vector<16xi32>
        %shift_left3A_803 = arith.shli %gather3A_794, %shift_left3A_802 : vector<16xi32>
        %select_n3A_804 = arith.select %ge3A_797, %and3A_800, %shift_left3A_803 : vector<16xi1>, vector<16xi32>
        %bitcast_convert_type3A_805 = tpu.bitcast %select_n3A_804 : vector<16xi32> -> vector<16xf32>
        %jit3A = arith.constant -1.000000e+30 : f32
        %broadcast_in_dim3A_806 = vector.broadcast %jit3A : f32 to vector<16xf32>
        %select_n3A_807 = arith.select %lt3A_5, %bitcast_convert_type3A_805, %broadcast_in_dim3A_806 : vector<16xi1>, vector<16xf32>
        %max3A = arith.maximumf %bitcast_convert_type3A, %bitcast_convert_type3A_729 : vector<16xf32>
        %max3A_808 = arith.maximumf %max3A, %bitcast_convert_type3A_748 : vector<16xf32>
        %max3A_809 = arith.maximumf %max3A_808, %bitcast_convert_type3A_767 : vector<16xf32>
        %max3A_810 = arith.maximumf %max3A_809, %bitcast_convert_type3A_786 : vector<16xf32>
        %max3A_811 = arith.maximumf %max3A_810, %select_n3A_807 : vector<16xf32>
        %reduce_max3A = arith.constant true
        %reduce_max3A_812 = vector.broadcast %reduce_max3A : i1 to vector<16xi1>
        %reduce_max3A_813 = tpu.scan <max>, %max3A_811 masked %reduce_max3A_812 : vector<16xf32>, vector<16xi1> -> vector<16xf32>
        %reduce_max3A_814 = vector.extract %reduce_max3A_813[15] : f32 from vector<16xf32>
        %sub3A = vector.broadcast %reduce_max3A_814 : f32 to vector<16xf32>
        %sub3A_815 = arith.subf %bitcast_convert_type3A, %sub3A : vector<16xf32>
        %exp3A = math.exp %sub3A_815 : vector<16xf32>
        %sub3A_816 = vector.broadcast %reduce_max3A_814 : f32 to vector<16xf32>
        %sub3A_817 = arith.subf %bitcast_convert_type3A_729, %sub3A_816 : vector<16xf32>
        %exp3A_818 = math.exp %sub3A_817 : vector<16xf32>
        %sub3A_819 = vector.broadcast %reduce_max3A_814 : f32 to vector<16xf32>
        %sub3A_820 = arith.subf %bitcast_convert_type3A_748, %sub3A_819 : vector<16xf32>
        %exp3A_821 = math.exp %sub3A_820 : vector<16xf32>
        %sub3A_822 = vector.broadcast %reduce_max3A_814 : f32 to vector<16xf32>
        %sub3A_823 = arith.subf %bitcast_convert_type3A_767, %sub3A_822 : vector<16xf32>
        %exp3A_824 = math.exp %sub3A_823 : vector<16xf32>
        %sub3A_825 = vector.broadcast %reduce_max3A_814 : f32 to vector<16xf32>
        %sub3A_826 = arith.subf %bitcast_convert_type3A_786, %sub3A_825 : vector<16xf32>
        %exp3A_827 = math.exp %sub3A_826 : vector<16xf32>
        %sub3A_828 = vector.broadcast %reduce_max3A_814 : f32 to vector<16xf32>
        %sub3A_829 = arith.subf %select_n3A_807, %sub3A_828 : vector<16xf32>
        %exp3A_830 = math.exp %sub3A_829 : vector<16xf32>
        %add3A_831 = arith.addf %exp3A, %exp3A_818 : vector<16xf32>
        %add3A_832 = arith.addf %add3A_831, %exp3A_821 : vector<16xf32>
        %add3A_833 = arith.addf %add3A_832, %exp3A_824 : vector<16xf32>
        %add3A_834 = arith.addf %add3A_833, %exp3A_827 : vector<16xf32>
        %add3A_835 = arith.addf %add3A_834, %exp3A_830 : vector<16xf32>
        %reduce_sum3A = arith.constant true
        %reduce_sum3A_836 = vector.broadcast %reduce_sum3A : i1 to vector<16xi1>
        %reduce_sum3A_837 = tpu.scan <sum>, %add3A_835 masked %reduce_sum3A_836 : vector<16xf32>, vector<16xi1> -> vector<16xf32>
        %reduce_sum3A_838 = vector.extract %reduce_sum3A_837[15] : f32 from vector<16xf32>
        %broadcast_in_dim3A_839 = arith.constant 9.99999996E-13 : f32
        %broadcast_in_dim3A_840 = vector.broadcast %broadcast_in_dim3A_839 : f32 to vector<16xf32>
        %add3A_841 = vector.broadcast %reduce_sum3A_838 : f32 to vector<16xf32>
        %add3A_842 = arith.addf %broadcast_in_dim3A_840, %add3A_841 : vector<16xf32>
        %broadcast_in_dim3A_843 = arith.constant 1.000000e+00 : f32
        %broadcast_in_dim3A_844 = vector.broadcast %broadcast_in_dim3A_843 : f32 to vector<16xf32>
        %div3A = arith.divf %broadcast_in_dim3A_844, %add3A_842 : vector<16xf32>
        %mul3A_845 = arith.mulf %exp3A, %div3A : vector<16xf32>
        tpu.vector_store_idx %arg9[%add3A_677], %mul3A_845 {add = true} : memref<32768xf32, #tpu.memory_space<vmem>>[vector<16xi32>], vector<16xf32>,
        %mul3A_846 = arith.mulf %exp3A_818, %div3A : vector<16xf32>
        tpu.vector_store_idx %arg9[%add3A_681], %mul3A_846 {add = true} : memref<32768xf32, #tpu.memory_space<vmem>>[vector<16xi32>], vector<16xf32>,
        %mul3A_847 = arith.mulf %exp3A_821, %div3A : vector<16xf32>
        tpu.vector_store_idx %arg9[%add3A_685], %mul3A_847 {add = true} : memref<32768xf32, #tpu.memory_space<vmem>>[vector<16xi32>], vector<16xf32>,
        %mul3A_848 = arith.mulf %exp3A_824, %div3A : vector<16xf32>
        tpu.vector_store_idx %arg9[%add3A_689], %mul3A_848 {add = true} : memref<32768xf32, #tpu.memory_space<vmem>>[vector<16xi32>], vector<16xf32>,
        %mul3A_849 = arith.mulf %exp3A_827, %div3A : vector<16xf32>
        tpu.vector_store_idx %arg9[%add3A_693], %mul3A_849 {add = true} : memref<32768xf32, #tpu.memory_space<vmem>>[vector<16xi32>], vector<16xf32>,
        %mul3A_850 = arith.mulf %exp3A_830, %div3A : vector<16xf32>
        tpu.vector_store_idx %arg9[%add3A_697], %mul3A_850 masked %lt3A_5 {add = true} : memref<32768xf32, #tpu.memory_space<vmem>>[vector<16xi32>], vector<16xf32>, vector<16xi1>
        %scan3A_851 = arith.constant 0 : i32
        scf.yield %scan3A_851 : i32
      }
      %scan3A_333 = arith.constant 8 : i32
      %mul3A_334 = arith.constant 8 : i32
      %mul3A_335 = arith.muli %mul3A_218, %mul3A_334 : i32
      %add3A_336 = arith.addi %mul3A_2, %mul3A_335 : i32
      %add3A_337 = arith.constant 0 : i32
      %add3A_338 = arith.addi %add3A_336, %add3A_337 : i32
      %add3A_339 = arith.constant 1 : i32
      %add3A_340 = arith.addi %add3A_336, %add3A_339 : i32
      %add3A_341 = arith.constant 2 : i32
      %add3A_342 = arith.addi %add3A_336, %add3A_341 : i32
      %add3A_343 = arith.constant 3 : i32
      %add3A_344 = arith.addi %add3A_336, %add3A_343 : i32
      %add3A_345 = arith.constant 4 : i32
      %add3A_346 = arith.addi %add3A_336, %add3A_345 : i32
      %add3A_347 = arith.constant 5 : i32
      %add3A_348 = arith.addi %add3A_336, %add3A_347 : i32
      %add3A_349 = arith.constant 6 : i32
      %add3A_350 = arith.addi %add3A_336, %add3A_349 : i32
      %add3A_351 = arith.constant 7 : i32
      %add3A_352 = arith.addi %add3A_336, %add3A_351 : i32
      %dma_start3A_353 = arith.constant 0 : i32
      %dma_start3A_354 = tpu.memref_slice %arg9[%dma_start3A_353] : memref<32768xf32, #tpu.memory_space<vmem>> -> memref<4096xf32, #tpu.memory_space<vmem>>
      %dma_start3A_355 = arith.constant 0 : i32
      %dma_start3A_356 = tpu.memref_slice %arg4[%add3A_338, %dma_start3A_355] : memref<4096x4096xf32, #tpu.memory_space<hbm>> -> memref<1x4096xf32, #tpu.memory_space<hbm>>
      %dma_start3A_357 = tpu.memref_squeeze %dma_start3A_356 : memref<1x4096xf32, #tpu.memory_space<hbm>> -> memref<4096xf32, #tpu.memory_space<hbm>>
      %dma_start3A_358 = arith.constant 0 : i32
      %dma_start3A_359 = tpu.memref_slice %arg4[%add3A_338, %dma_start3A_358] : memref<4096x4096xf32, #tpu.memory_space<hbm>> -> memref<1x4096xf32, #tpu.memory_space<hbm>>
      %dma_start3A_360 = tpu.memref_squeeze %dma_start3A_359 : memref<1x4096xf32, #tpu.memory_space<hbm>> -> memref<4096xf32, #tpu.memory_space<hbm>>
      %dma_start3A_361 = arith.constant 0 : i32
      %dma_start3A_362 = tpu.memref_slice %arg9[%dma_start3A_361] : memref<32768xf32, #tpu.memory_space<vmem>> -> memref<4096xf32, #tpu.memory_space<vmem>>
      tpu.enqueue_dma source(%dma_start3A_362 : memref<4096xf32, #tpu.memory_space<vmem>>) target(%dma_start3A_360 : memref<4096xf32, #tpu.memory_space<hbm>>) target_semaphore(%arg12 : memref<!tpu.dma_semaphore, #tpu.memory_space<semaphore_mem>>)
      %dma_start3A_363 = arith.constant 4096 : i32
      %dma_start3A_364 = tpu.memref_slice %arg9[%dma_start3A_363] : memref<32768xf32, #tpu.memory_space<vmem>> -> memref<4096xf32, #tpu.memory_space<vmem>>
      %dma_start3A_365 = arith.constant 0 : i32
      %dma_start3A_366 = tpu.memref_slice %arg4[%add3A_340, %dma_start3A_365] : memref<4096x4096xf32, #tpu.memory_space<hbm>> -> memref<1x4096xf32, #tpu.memory_space<hbm>>
      %dma_start3A_367 = tpu.memref_squeeze %dma_start3A_366 : memref<1x4096xf32, #tpu.memory_space<hbm>> -> memref<4096xf32, #tpu.memory_space<hbm>>
      %dma_start3A_368 = arith.constant 0 : i32
      %dma_start3A_369 = tpu.memref_slice %arg4[%add3A_340, %dma_start3A_368] : memref<4096x4096xf32, #tpu.memory_space<hbm>> -> memref<1x4096xf32, #tpu.memory_space<hbm>>
      %dma_start3A_370 = tpu.memref_squeeze %dma_start3A_369 : memref<1x4096xf32, #tpu.memory_space<hbm>> -> memref<4096xf32, #tpu.memory_space<hbm>>
      %dma_start3A_371 = arith.constant 4096 : i32
      %dma_start3A_372 = tpu.memref_slice %arg9[%dma_start3A_371] : memref<32768xf32, #tpu.memory_space<vmem>> -> memref<4096xf32, #tpu.memory_space<vmem>>
      tpu.enqueue_dma source(%dma_start3A_372 : memref<4096xf32, #tpu.memory_space<vmem>>) target(%dma_start3A_370 : memref<4096xf32, #tpu.memory_space<hbm>>) target_semaphore(%arg12 : memref<!tpu.dma_semaphore, #tpu.memory_space<semaphore_mem>>)
      %dma_start3A_373 = arith.constant 8192 : i32
      %dma_start3A_374 = tpu.memref_slice %arg9[%dma_start3A_373] : memref<32768xf32, #tpu.memory_space<vmem>> -> memref<4096xf32, #tpu.memory_space<vmem>>
      %dma_start3A_375 = arith.constant 0 : i32
      %dma_start3A_376 = tpu.memref_slice %arg4[%add3A_342, %dma_start3A_375] : memref<4096x4096xf32, #tpu.memory_space<hbm>> -> memref<1x4096xf32, #tpu.memory_space<hbm>>
      %dma_start3A_377 = tpu.memref_squeeze %dma_start3A_376 : memref<1x4096xf32, #tpu.memory_space<hbm>> -> memref<4096xf32, #tpu.memory_space<hbm>>
      %dma_start3A_378 = arith.constant 0 : i32
      %dma_start3A_379 = tpu.memref_slice %arg4[%add3A_342, %dma_start3A_378] : memref<4096x4096xf32, #tpu.memory_space<hbm>> -> memref<1x4096xf32, #tpu.memory_space<hbm>>
      %dma_start3A_380 = tpu.memref_squeeze %dma_start3A_379 : memref<1x4096xf32, #tpu.memory_space<hbm>> -> memref<4096xf32, #tpu.memory_space<hbm>>
      %dma_start3A_381 = arith.constant 8192 : i32
      %dma_start3A_382 = tpu.memref_slice %arg9[%dma_start3A_381] : memref<32768xf32, #tpu.memory_space<vmem>> -> memref<4096xf32, #tpu.memory_space<vmem>>
      tpu.enqueue_dma source(%dma_start3A_382 : memref<4096xf32, #tpu.memory_space<vmem>>) target(%dma_start3A_380 : memref<4096xf32, #tpu.memory_space<hbm>>) target_semaphore(%arg12 : memref<!tpu.dma_semaphore, #tpu.memory_space<semaphore_mem>>)
      %dma_start3A_383 = arith.constant 12288 : i32
      %dma_start3A_384 = tpu.memref_slice %arg9[%dma_start3A_383] : memref<32768xf32, #tpu.memory_space<vmem>> -> memref<4096xf32, #tpu.memory_space<vmem>>
      %dma_start3A_385 = arith.constant 0 : i32
      %dma_start3A_386 = tpu.memref_slice %arg4[%add3A_344, %dma_start3A_385] : memref<4096x4096xf32, #tpu.memory_space<hbm>> -> memref<1x4096xf32, #tpu.memory_space<hbm>>
      %dma_start3A_387 = tpu.memref_squeeze %dma_start3A_386 : memref<1x4096xf32, #tpu.memory_space<hbm>> -> memref<4096xf32, #tpu.memory_space<hbm>>
      %dma_start3A_388 = arith.constant 0 : i32
      %dma_start3A_389 = tpu.memref_slice %arg4[%add3A_344, %dma_start3A_388] : memref<4096x4096xf32, #tpu.memory_space<hbm>> -> memref<1x4096xf32, #tpu.memory_space<hbm>>
      %dma_start3A_390 = tpu.memref_squeeze %dma_start3A_389 : memref<1x4096xf32, #tpu.memory_space<hbm>> -> memref<4096xf32, #tpu.memory_space<hbm>>
      %dma_start3A_391 = arith.constant 12288 : i32
      %dma_start3A_392 = tpu.memref_slice %arg9[%dma_start3A_391] : memref<32768xf32, #tpu.memory_space<vmem>> -> memref<4096xf32, #tpu.memory_space<vmem>>
      tpu.enqueue_dma source(%dma_start3A_392 : memref<4096xf32, #tpu.memory_space<vmem>>) target(%dma_start3A_390 : memref<4096xf32, #tpu.memory_space<hbm>>) target_semaphore(%arg12 : memref<!tpu.dma_semaphore, #tpu.memory_space<semaphore_mem>>)
      %dma_start3A_393 = arith.constant 16384 : i32
      %dma_start3A_394 = tpu.memref_slice %arg9[%dma_start3A_393] : memref<32768xf32, #tpu.memory_space<vmem>> -> memref<4096xf32, #tpu.memory_space<vmem>>
      %dma_start3A_395 = arith.constant 0 : i32
      %dma_start3A_396 = tpu.memref_slice %arg4[%add3A_346, %dma_start3A_395] : memref<4096x4096xf32, #tpu.memory_space<hbm>> -> memref<1x4096xf32, #tpu.memory_space<hbm>>
      %dma_start3A_397 = tpu.memref_squeeze %dma_start3A_396 : memref<1x4096xf32, #tpu.memory_space<hbm>> -> memref<4096xf32, #tpu.memory_space<hbm>>
      %dma_start3A_398 = arith.constant 0 : i32
      %dma_start3A_399 = tpu.memref_slice %arg4[%add3A_346, %dma_start3A_398] : memref<4096x4096xf32, #tpu.memory_space<hbm>> -> memref<1x4096xf32, #tpu.memory_space<hbm>>
      %dma_start3A_400 = tpu.memref_squeeze %dma_start3A_399 : memref<1x4096xf32, #tpu.memory_space<hbm>> -> memref<4096xf32, #tpu.memory_space<hbm>>
      %dma_start3A_401 = arith.constant 16384 : i32
      %dma_start3A_402 = tpu.memref_slice %arg9[%dma_start3A_401] : memref<32768xf32, #tpu.memory_space<vmem>> -> memref<4096xf32, #tpu.memory_space<vmem>>
      tpu.enqueue_dma source(%dma_start3A_402 : memref<4096xf32, #tpu.memory_space<vmem>>) target(%dma_start3A_400 : memref<4096xf32, #tpu.memory_space<hbm>>) target_semaphore(%arg12 : memref<!tpu.dma_semaphore, #tpu.memory_space<semaphore_mem>>)
      %dma_start3A_403 = arith.constant 20480 : i32
      %dma_start3A_404 = tpu.memref_slice %arg9[%dma_start3A_403] : memref<32768xf32, #tpu.memory_space<vmem>> -> memref<4096xf32, #tpu.memory_space<vmem>>
      %dma_start3A_405 = arith.constant 0 : i32
      %dma_start3A_406 = tpu.memref_slice %arg4[%add3A_348, %dma_start3A_405] : memref<4096x4096xf32, #tpu.memory_space<hbm>> -> memref<1x4096xf32, #tpu.memory_space<hbm>>
      %dma_start3A_407 = tpu.memref_squeeze %dma_start3A_406 : memref<1x4096xf32, #tpu.memory_space<hbm>> -> memref<4096xf32, #tpu.memory_space<hbm>>
      %dma_start3A_408 = arith.constant 0 : i32
      %dma_start3A_409 = tpu.memref_slice %arg4[%add3A_348, %dma_start3A_408] : memref<4096x4096xf32, #tpu.memory_space<hbm>> -> memref<1x4096xf32, #tpu.memory_space<hbm>>
      %dma_start3A_410 = tpu.memref_squeeze %dma_start3A_409 : memref<1x4096xf32, #tpu.memory_space<hbm>> -> memref<4096xf32, #tpu.memory_space<hbm>>
      %dma_start3A_411 = arith.constant 20480 : i32
      %dma_start3A_412 = tpu.memref_slice %arg9[%dma_start3A_411] : memref<32768xf32, #tpu.memory_space<vmem>> -> memref<4096xf32, #tpu.memory_space<vmem>>
      tpu.enqueue_dma source(%dma_start3A_412 : memref<4096xf32, #tpu.memory_space<vmem>>) target(%dma_start3A_410 : memref<4096xf32, #tpu.memory_space<hbm>>) target_semaphore(%arg12 : memref<!tpu.dma_semaphore, #tpu.memory_space<semaphore_mem>>)
      %dma_start3A_413 = arith.constant 24576 : i32
      %dma_start3A_414 = tpu.memref_slice %arg9[%dma_start3A_413] : memref<32768xf32, #tpu.memory_space<vmem>> -> memref<4096xf32, #tpu.memory_space<vmem>>
      %dma_start3A_415 = arith.constant 0 : i32
      %dma_start3A_416 = tpu.memref_slice %arg4[%add3A_350, %dma_start3A_415] : memref<4096x4096xf32, #tpu.memory_space<hbm>> -> memref<1x4096xf32, #tpu.memory_space<hbm>>
      %dma_start3A_417 = tpu.memref_squeeze %dma_start3A_416 : memref<1x4096xf32, #tpu.memory_space<hbm>> -> memref<4096xf32, #tpu.memory_space<hbm>>
      %dma_start3A_418 = arith.constant 0 : i32
      %dma_start3A_419 = tpu.memref_slice %arg4[%add3A_350, %dma_start3A_418] : memref<4096x4096xf32, #tpu.memory_space<hbm>> -> memref<1x4096xf32, #tpu.memory_space<hbm>>
      %dma_start3A_420 = tpu.memref_squeeze %dma_start3A_419 : memref<1x4096xf32, #tpu.memory_space<hbm>> -> memref<4096xf32, #tpu.memory_space<hbm>>
      %dma_start3A_421 = arith.constant 24576 : i32
      %dma_start3A_422 = tpu.memref_slice %arg9[%dma_start3A_421] : memref<32768xf32, #tpu.memory_space<vmem>> -> memref<4096xf32, #tpu.memory_space<vmem>>
      tpu.enqueue_dma source(%dma_start3A_422 : memref<4096xf32, #tpu.memory_space<vmem>>) target(%dma_start3A_420 : memref<4096xf32, #tpu.memory_space<hbm>>) target_semaphore(%arg12 : memref<!tpu.dma_semaphore, #tpu.memory_space<semaphore_mem>>)
      %dma_start3A_423 = arith.constant 28672 : i32
      %dma_start3A_424 = tpu.memref_slice %arg9[%dma_start3A_423] : memref<32768xf32, #tpu.memory_space<vmem>> -> memref<4096xf32, #tpu.memory_space<vmem>>
      %dma_start3A_425 = arith.constant 0 : i32
      %dma_start3A_426 = tpu.memref_slice %arg4[%add3A_352, %dma_start3A_425] : memref<4096x4096xf32, #tpu.memory_space<hbm>> -> memref<1x4096xf32, #tpu.memory_space<hbm>>
      %dma_start3A_427 = tpu.memref_squeeze %dma_start3A_426 : memref<1x4096xf32, #tpu.memory_space<hbm>> -> memref<4096xf32, #tpu.memory_space<hbm>>
      %dma_start3A_428 = arith.constant 0 : i32
      %dma_start3A_429 = tpu.memref_slice %arg4[%add3A_352, %dma_start3A_428] : memref<4096x4096xf32, #tpu.memory_space<hbm>> -> memref<1x4096xf32, #tpu.memory_space<hbm>>
      %dma_start3A_430 = tpu.memref_squeeze %dma_start3A_429 : memref<1x4096xf32, #tpu.memory_space<hbm>> -> memref<4096xf32, #tpu.memory_space<hbm>>
      %dma_start3A_431 = arith.constant 28672 : i32
      %dma_start3A_432 = tpu.memref_slice %arg9[%dma_start3A_431] : memref<32768xf32, #tpu.memory_space<vmem>> -> memref<4096xf32, #tpu.memory_space<vmem>>
      tpu.enqueue_dma source(%dma_start3A_432 : memref<4096xf32, #tpu.memory_space<vmem>>) target(%dma_start3A_430 : memref<4096xf32, #tpu.memory_space<hbm>>) target_semaphore(%arg12 : memref<!tpu.dma_semaphore, #tpu.memory_space<semaphore_mem>>)
      %mul3A_433 = arith.constant 2 : i32
      %mul3A_434 = arith.muli %scan3A_215, %mul3A_433 : i32
      %add3A_435 = arith.constant 1 : i32
      %add3A_436 = arith.addi %mul3A_434, %add3A_435 : i32
      %mul3A_437 = arith.constant 8 : i32
      %mul3A_438 = arith.muli %add3A_436, %mul3A_437 : i32
      %add3A_439 = arith.addi %mul3A_2, %mul3A_438 : i32
      %add3A_440 = arith.constant 0 : i32
      %add3A_441 = arith.addi %add3A_439, %add3A_440 : i32
      %add3A_442 = arith.constant 1 : i32
      %add3A_443 = arith.addi %add3A_439, %add3A_442 : i32
      %add3A_444 = arith.constant 2 : i32
      %add3A_445 = arith.addi %add3A_439, %add3A_444 : i32
      %add3A_446 = arith.constant 3 : i32
      %add3A_447 = arith.addi %add3A_439, %add3A_446 : i32
      %add3A_448 = arith.constant 4 : i32
      %add3A_449 = arith.addi %add3A_439, %add3A_448 : i32
      %add3A_450 = arith.constant 5 : i32
      %add3A_451 = arith.addi %add3A_439, %add3A_450 : i32
      %add3A_452 = arith.constant 6 : i32
      %add3A_453 = arith.addi %add3A_439, %add3A_452 : i32
      %add3A_454 = arith.constant 7 : i32
      %add3A_455 = arith.addi %add3A_439, %add3A_454 : i32
      %dma_wait3A_456 = arith.constant 0 : i32
      %dma_wait3A_457 = tpu.memref_slice %arg8[%dma_wait3A_456] : memref<16384xi32, #tpu.memory_space<vmem>> -> memref<2048xi32, #tpu.memory_space<vmem>>
      %dma_wait3A_458 = arith.constant 0 : i32
      %dma_wait3A_459 = tpu.memref_slice %arg2[%add3A_441, %dma_wait3A_458] : memref<4096x2048xi32, #tpu.memory_space<hbm>> -> memref<1x2048xi32, #tpu.memory_space<hbm>>
      %dma_wait3A_460 = tpu.memref_squeeze %dma_wait3A_459 : memref<1x2048xi32, #tpu.memory_space<hbm>> -> memref<2048xi32, #tpu.memory_space<hbm>>
      %dma_wait3A_461 = arith.constant 0 : i32
      %dma_wait3A_462 = tpu.memref_slice %arg8[%dma_wait3A_461] : memref<16384xi32, #tpu.memory_space<vmem>> -> memref<2048xi32, #tpu.memory_space<vmem>>
      %dma_wait3A_463 = arith.constant 0 : i32
      %dma_wait3A_464 = tpu.memref_slice %arg2[%add3A_441, %dma_wait3A_463] : memref<4096x2048xi32, #tpu.memory_space<hbm>> -> memref<1x2048xi32, #tpu.memory_space<hbm>>
      %dma_wait3A_465 = tpu.memref_squeeze %dma_wait3A_464 : memref<1x2048xi32, #tpu.memory_space<hbm>> -> memref<2048xi32, #tpu.memory_space<hbm>>
      tpu.wait_dma2 semaphore(%arg11 : memref<!tpu.dma_semaphore, #tpu.memory_space<semaphore_mem>>) src(%dma_wait3A_465 : memref<2048xi32, #tpu.memory_space<hbm>>) dst(%dma_wait3A_462 : memref<2048xi32, #tpu.memory_space<vmem>>)
      %dma_wait3A_466 = arith.constant 2048 : i32
      %dma_wait3A_467 = tpu.memref_slice %arg8[%dma_wait3A_466] : memref<16384xi32, #tpu.memory_space<vmem>> -> memref<2048xi32, #tpu.memory_space<vmem>>
      %dma_wait3A_468 = arith.constant 0 : i32
      %dma_wait3A_469 = tpu.memref_slice %arg2[%add3A_443, %dma_wait3A_468] : memref<4096x2048xi32, #tpu.memory_space<hbm>> -> memref<1x2048xi32, #tpu.memory_space<hbm>>
      %dma_wait3A_470 = tpu.memref_squeeze %dma_wait3A_469 : memref<1x2048xi32, #tpu.memory_space<hbm>> -> memref<2048xi32, #tpu.memory_space<hbm>>
      %dma_wait3A_471 = arith.constant 2048 : i32
      %dma_wait3A_472 = tpu.memref_slice %arg8[%dma_wait3A_471] : memref<16384xi32, #tpu.memory_space<vmem>> -> memref<2048xi32, #tpu.memory_space<vmem>>
      %dma_wait3A_473 = arith.constant 0 : i32
      %dma_wait3A_474 = tpu.memref_slice %arg2[%add3A_443, %dma_wait3A_473] : memref<4096x2048xi32, #tpu.memory_space<hbm>> -> memref<1x2048xi32, #tpu.memory_space<hbm>>
      %dma_wait3A_475 = tpu.memref_squeeze %dma_wait3A_474 : memref<1x2048xi32, #tpu.memory_space<hbm>> -> memref<2048xi32, #tpu.memory_space<hbm>>
      tpu.wait_dma2 semaphore(%arg11 : memref<!tpu.dma_semaphore, #tpu.memory_space<semaphore_mem>>) src(%dma_wait3A_475 : memref<2048xi32, #tpu.memory_space<hbm>>) dst(%dma_wait3A_472 : memref<2048xi32, #tpu.memory_space<vmem>>)
      %dma_wait3A_476 = arith.constant 4096 : i32
      %dma_wait3A_477 = tpu.memref_slice %arg8[%dma_wait3A_476] : memref<16384xi32, #tpu.memory_space<vmem>> -> memref<2048xi32, #tpu.memory_space<vmem>>
      %dma_wait3A_478 = arith.constant 0 : i32
      %dma_wait3A_479 = tpu.memref_slice %arg2[%add3A_445, %dma_wait3A_478] : memref<4096x2048xi32, #tpu.memory_space<hbm>> -> memref<1x2048xi32, #tpu.memory_space<hbm>>
      %dma_wait3A_480 = tpu.memref_squeeze %dma_wait3A_479 : memref<1x2048xi32, #tpu.memory_space<hbm>> -> memref<2048xi32, #tpu.memory_space<hbm>>
      %dma_wait3A_481 = arith.constant 4096 : i32
      %dma_wait3A_482 = tpu.memref_slice %arg8[%dma_wait3A_481] : memref<16384xi32, #tpu.memory_space<vmem>> -> memref<2048xi32, #tpu.memory_space<vmem>>
      %dma_wait3A_483 = arith.constant 0 : i32
      %dma_wait3A_484 = tpu.memref_slice %arg2[%add3A_445, %dma_wait3A_483] : memref<4096x2048xi32, #tpu.memory_space<hbm>> -> memref<1x2048xi32, #tpu.memory_space<hbm>>
      %dma_wait3A_485 = tpu.memref_squeeze %dma_wait3A_484 : memref<1x2048xi32, #tpu.memory_space<hbm>> -> memref<2048xi32, #tpu.memory_space<hbm>>
      tpu.wait_dma2 semaphore(%arg11 : memref<!tpu.dma_semaphore, #tpu.memory_space<semaphore_mem>>) src(%dma_wait3A_485 : memref<2048xi32, #tpu.memory_space<hbm>>) dst(%dma_wait3A_482 : memref<2048xi32, #tpu.memory_space<vmem>>)
      %dma_wait3A_486 = arith.constant 6144 : i32
      %dma_wait3A_487 = tpu.memref_slice %arg8[%dma_wait3A_486] : memref<16384xi32, #tpu.memory_space<vmem>> -> memref<2048xi32, #tpu.memory_space<vmem>>
      %dma_wait3A_488 = arith.constant 0 : i32
      %dma_wait3A_489 = tpu.memref_slice %arg2[%add3A_447, %dma_wait3A_488] : memref<4096x2048xi32, #tpu.memory_space<hbm>> -> memref<1x2048xi32, #tpu.memory_space<hbm>>
      %dma_wait3A_490 = tpu.memref_squeeze %dma_wait3A_489 : memref<1x2048xi32, #tpu.memory_space<hbm>> -> memref<2048xi32, #tpu.memory_space<hbm>>
      %dma_wait3A_491 = arith.constant 6144 : i32
      %dma_wait3A_492 = tpu.memref_slice %arg8[%dma_wait3A_491] : memref<16384xi32, #tpu.memory_space<vmem>> -> memref<2048xi32, #tpu.memory_space<vmem>>
      %dma_wait3A_493 = arith.constant 0 : i32
      %dma_wait3A_494 = tpu.memref_slice %arg2[%add3A_447, %dma_wait3A_493] : memref<4096x2048xi32, #tpu.memory_space<hbm>> -> memref<1x2048xi32, #tpu.memory_space<hbm>>
      %dma_wait3A_495 = tpu.memref_squeeze %dma_wait3A_494 : memref<1x2048xi32, #tpu.memory_space<hbm>> -> memref<2048xi32, #tpu.memory_space<hbm>>
      tpu.wait_dma2 semaphore(%arg11 : memref<!tpu.dma_semaphore, #tpu.memory_space<semaphore_mem>>) src(%dma_wait3A_495 : memref<2048xi32, #tpu.memory_space<hbm>>) dst(%dma_wait3A_492 : memref<2048xi32, #tpu.memory_space<vmem>>)
      %dma_wait3A_496 = arith.constant 8192 : i32
      %dma_wait3A_497 = tpu.memref_slice %arg8[%dma_wait3A_496] : memref<16384xi32, #tpu.memory_space<vmem>> -> memref<2048xi32, #tpu.memory_space<vmem>>
      %dma_wait3A_498 = arith.constant 0 : i32
      %dma_wait3A_499 = tpu.memref_slice %arg2[%add3A_449, %dma_wait3A_498] : memref<4096x2048xi32, #tpu.memory_space<hbm>> -> memref<1x2048xi32, #tpu.memory_space<hbm>>
      %dma_wait3A_500 = tpu.memref_squeeze %dma_wait3A_499 : memref<1x2048xi32, #tpu.memory_space<hbm>> -> memref<2048xi32, #tpu.memory_space<hbm>>
      %dma_wait3A_501 = arith.constant 8192 : i32
      %dma_wait3A_502 = tpu.memref_slice %arg8[%dma_wait3A_501] : memref<16384xi32, #tpu.memory_space<vmem>> -> memref<2048xi32, #tpu.memory_space<vmem>>
      %dma_wait3A_503 = arith.constant 0 : i32
      %dma_wait3A_504 = tpu.memref_slice %arg2[%add3A_449, %dma_wait3A_503] : memref<4096x2048xi32, #tpu.memory_space<hbm>> -> memref<1x2048xi32, #tpu.memory_space<hbm>>
      %dma_wait3A_505 = tpu.memref_squeeze %dma_wait3A_504 : memref<1x2048xi32, #tpu.memory_space<hbm>> -> memref<2048xi32, #tpu.memory_space<hbm>>
      tpu.wait_dma2 semaphore(%arg11 : memref<!tpu.dma_semaphore, #tpu.memory_space<semaphore_mem>>) src(%dma_wait3A_505 : memref<2048xi32, #tpu.memory_space<hbm>>) dst(%dma_wait3A_502 : memref<2048xi32, #tpu.memory_space<vmem>>)
      %dma_wait3A_506 = arith.constant 10240 : i32
      %dma_wait3A_507 = tpu.memref_slice %arg8[%dma_wait3A_506] : memref<16384xi32, #tpu.memory_space<vmem>> -> memref<2048xi32, #tpu.memory_space<vmem>>
      %dma_wait3A_508 = arith.constant 0 : i32
      %dma_wait3A_509 = tpu.memref_slice %arg2[%add3A_451, %dma_wait3A_508] : memref<4096x2048xi32, #tpu.memory_space<hbm>> -> memref<1x2048xi32, #tpu.memory_space<hbm>>
      %dma_wait3A_510 = tpu.memref_squeeze %dma_wait3A_509 : memref<1x2048xi32, #tpu.memory_space<hbm>> -> memref<2048xi32, #tpu.memory_space<hbm>>
      %dma_wait3A_511 = arith.constant 10240 : i32
      %dma_wait3A_512 = tpu.memref_slice %arg8[%dma_wait3A_511] : memref<16384xi32, #tpu.memory_space<vmem>> -> memref<2048xi32, #tpu.memory_space<vmem>>
      %dma_wait3A_513 = arith.constant 0 : i32
      %dma_wait3A_514 = tpu.memref_slice %arg2[%add3A_451, %dma_wait3A_513] : memref<4096x2048xi32, #tpu.memory_space<hbm>> -> memref<1x2048xi32, #tpu.memory_space<hbm>>
      %dma_wait3A_515 = tpu.memref_squeeze %dma_wait3A_514 : memref<1x2048xi32, #tpu.memory_space<hbm>> -> memref<2048xi32, #tpu.memory_space<hbm>>
      tpu.wait_dma2 semaphore(%arg11 : memref<!tpu.dma_semaphore, #tpu.memory_space<semaphore_mem>>) src(%dma_wait3A_515 : memref<2048xi32, #tpu.memory_space<hbm>>) dst(%dma_wait3A_512 : memref<2048xi32, #tpu.memory_space<vmem>>)
      %dma_wait3A_516 = arith.constant 12288 : i32
      %dma_wait3A_517 = tpu.memref_slice %arg8[%dma_wait3A_516] : memref<16384xi32, #tpu.memory_space<vmem>> -> memref<2048xi32, #tpu.memory_space<vmem>>
      %dma_wait3A_518 = arith.constant 0 : i32
      %dma_wait3A_519 = tpu.memref_slice %arg2[%add3A_453, %dma_wait3A_518] : memref<4096x2048xi32, #tpu.memory_space<hbm>> -> memref<1x2048xi32, #tpu.memory_space<hbm>>
      %dma_wait3A_520 = tpu.memref_squeeze %dma_wait3A_519 : memref<1x2048xi32, #tpu.memory_space<hbm>> -> memref<2048xi32, #tpu.memory_space<hbm>>
      %dma_wait3A_521 = arith.constant 12288 : i32
      %dma_wait3A_522 = tpu.memref_slice %arg8[%dma_wait3A_521] : memref<16384xi32, #tpu.memory_space<vmem>> -> memref<2048xi32, #tpu.memory_space<vmem>>
      %dma_wait3A_523 = arith.constant 0 : i32
      %dma_wait3A_524 = tpu.memref_slice %arg2[%add3A_453, %dma_wait3A_523] : memref<4096x2048xi32, #tpu.memory_space<hbm>> -> memref<1x2048xi32, #tpu.memory_space<hbm>>
      %dma_wait3A_525 = tpu.memref_squeeze %dma_wait3A_524 : memref<1x2048xi32, #tpu.memory_space<hbm>> -> memref<2048xi32, #tpu.memory_space<hbm>>
      tpu.wait_dma2 semaphore(%arg11 : memref<!tpu.dma_semaphore, #tpu.memory_space<semaphore_mem>>) src(%dma_wait3A_525 : memref<2048xi32, #tpu.memory_space<hbm>>) dst(%dma_wait3A_522 : memref<2048xi32, #tpu.memory_space<vmem>>)
      %dma_wait3A_526 = arith.constant 14336 : i32
      %dma_wait3A_527 = tpu.memref_slice %arg8[%dma_wait3A_526] : memref<16384xi32, #tpu.memory_space<vmem>> -> memref<2048xi32, #tpu.memory_space<vmem>>
      %dma_wait3A_528 = arith.constant 0 : i32
      %dma_wait3A_529 = tpu.memref_slice %arg2[%add3A_455, %dma_wait3A_528] : memref<4096x2048xi32, #tpu.memory_space<hbm>> -> memref<1x2048xi32, #tpu.memory_space<hbm>>
      %dma_wait3A_530 = tpu.memref_squeeze %dma_wait3A_529 : memref<1x2048xi32, #tpu.memory_space<hbm>> -> memref<2048xi32, #tpu.memory_space<hbm>>
      %dma_wait3A_531 = arith.constant 14336 : i32
      %dma_wait3A_532 = tpu.memref_slice %arg8[%dma_wait3A_531] : memref<16384xi32, #tpu.memory_space<vmem>> -> memref<2048xi32, #tpu.memory_space<vmem>>
      %dma_wait3A_533 = arith.constant 0 : i32
      %dma_wait3A_534 = tpu.memref_slice %arg2[%add3A_455, %dma_wait3A_533] : memref<4096x2048xi32, #tpu.memory_space<hbm>> -> memref<1x2048xi32, #tpu.memory_space<hbm>>
      %dma_wait3A_535 = tpu.memref_squeeze %dma_wait3A_534 : memref<1x2048xi32, #tpu.memory_space<hbm>> -> memref<2048xi32, #tpu.memory_space<hbm>>
      tpu.wait_dma2 semaphore(%arg11 : memref<!tpu.dma_semaphore, #tpu.memory_space<semaphore_mem>>) src(%dma_wait3A_535 : memref<2048xi32, #tpu.memory_space<hbm>>) dst(%dma_wait3A_532 : memref<2048xi32, #tpu.memory_space<vmem>>)
      %gt3A_536 = arith.constant 0 : i32
      %gt3A_537 = arith.cmpi sgt, %add3A_436, %gt3A_536 : i32
      %convert_element_type3A_538 = arith.extui %gt3A_537 : i1 to i32
      %cond3A_539 = arith.constant 0 : i32
      %cond3A_540 = arith.cmpi ne, %convert_element_type3A_538, %cond3A_539 : i32
      scf.if %cond3A_540 {
        %sub3A = arith.constant 1 : i32
        %sub3A_655 = arith.subi %add3A_436, %sub3A : i32
        %mul3A_656 = arith.constant 8 : i32
        %mul3A_657 = arith.muli %sub3A_655, %mul3A_656 : i32
        %add3A_658 = arith.addi %mul3A_2, %mul3A_657 : i32
        %add3A_659 = arith.constant 0 : i32
        %add3A_660 = arith.addi %add3A_658, %add3A_659 : i32
        %add3A_661 = arith.constant 1 : i32
        %add3A_662 = arith.addi %add3A_658, %add3A_661 : i32
        %add3A_663 = arith.constant 2 : i32
        %add3A_664 = arith.addi %add3A_658, %add3A_663 : i32
        %add3A_665 = arith.constant 3 : i32
        %add3A_666 = arith.addi %add3A_658, %add3A_665 : i32
        %add3A_667 = arith.constant 4 : i32
        %add3A_668 = arith.addi %add3A_658, %add3A_667 : i32
        %add3A_669 = arith.constant 5 : i32
        %add3A_670 = arith.addi %add3A_658, %add3A_669 : i32
        %add3A_671 = arith.constant 6 : i32
        %add3A_672 = arith.addi %add3A_658, %add3A_671 : i32
        %add3A_673 = arith.constant 7 : i32
        %add3A_674 = arith.addi %add3A_658, %add3A_673 : i32
        %dma_wait3A_675 = arith.constant 0 : i32
        %dma_wait3A_676 = tpu.memref_slice %arg9[%dma_wait3A_675] : memref<32768xf32, #tpu.memory_space<vmem>> -> memref<4096xf32, #tpu.memory_space<vmem>>
        %dma_wait3A_677 = arith.constant 0 : i32
        %dma_wait3A_678 = tpu.memref_slice %arg4[%add3A_660, %dma_wait3A_677] : memref<4096x4096xf32, #tpu.memory_space<hbm>> -> memref<1x4096xf32, #tpu.memory_space<hbm>>
        %dma_wait3A_679 = tpu.memref_squeeze %dma_wait3A_678 : memref<1x4096xf32, #tpu.memory_space<hbm>> -> memref<4096xf32, #tpu.memory_space<hbm>>
        %dma_wait3A_680 = arith.constant 0 : i32
        %dma_wait3A_681 = tpu.memref_slice %arg4[%add3A_660, %dma_wait3A_680] : memref<4096x4096xf32, #tpu.memory_space<hbm>> -> memref<1x4096xf32, #tpu.memory_space<hbm>>
        %dma_wait3A_682 = tpu.memref_squeeze %dma_wait3A_681 : memref<1x4096xf32, #tpu.memory_space<hbm>> -> memref<4096xf32, #tpu.memory_space<hbm>>
        %dma_wait3A_683 = arith.constant 0 : i32
        %dma_wait3A_684 = tpu.memref_slice %arg9[%dma_wait3A_683] : memref<32768xf32, #tpu.memory_space<vmem>> -> memref<4096xf32, #tpu.memory_space<vmem>>
        tpu.wait_dma2 semaphore(%arg12 : memref<!tpu.dma_semaphore, #tpu.memory_space<semaphore_mem>>) src(%dma_wait3A_684 : memref<4096xf32, #tpu.memory_space<vmem>>) dst(%dma_wait3A_682 : memref<4096xf32, #tpu.memory_space<hbm>>)
        %dma_wait3A_685 = arith.constant 4096 : i32
        %dma_wait3A_686 = tpu.memref_slice %arg9[%dma_wait3A_685] : memref<32768xf32, #tpu.memory_space<vmem>> -> memref<4096xf32, #tpu.memory_space<vmem>>
        %dma_wait3A_687 = arith.constant 0 : i32
        %dma_wait3A_688 = tpu.memref_slice %arg4[%add3A_662, %dma_wait3A_687] : memref<4096x4096xf32, #tpu.memory_space<hbm>> -> memref<1x4096xf32, #tpu.memory_space<hbm>>
        %dma_wait3A_689 = tpu.memref_squeeze %dma_wait3A_688 : memref<1x4096xf32, #tpu.memory_space<hbm>> -> memref<4096xf32, #tpu.memory_space<hbm>>
        %dma_wait3A_690 = arith.constant 0 : i32
        %dma_wait3A_691 = tpu.memref_slice %arg4[%add3A_662, %dma_wait3A_690] : memref<4096x4096xf32, #tpu.memory_space<hbm>> -> memref<1x4096xf32, #tpu.memory_space<hbm>>
        %dma_wait3A_692 = tpu.memref_squeeze %dma_wait3A_691 : memref<1x4096xf32, #tpu.memory_space<hbm>> -> memref<4096xf32, #tpu.memory_space<hbm>>
        %dma_wait3A_693 = arith.constant 4096 : i32
        %dma_wait3A_694 = tpu.memref_slice %arg9[%dma_wait3A_693] : memref<32768xf32, #tpu.memory_space<vmem>> -> memref<4096xf32, #tpu.memory_space<vmem>>
        tpu.wait_dma2 semaphore(%arg12 : memref<!tpu.dma_semaphore, #tpu.memory_space<semaphore_mem>>) src(%dma_wait3A_694 : memref<4096xf32, #tpu.memory_space<vmem>>) dst(%dma_wait3A_692 : memref<4096xf32, #tpu.memory_space<hbm>>)
        %dma_wait3A_695 = arith.constant 8192 : i32
        %dma_wait3A_696 = tpu.memref_slice %arg9[%dma_wait3A_695] : memref<32768xf32, #tpu.memory_space<vmem>> -> memref<4096xf32, #tpu.memory_space<vmem>>
        %dma_wait3A_697 = arith.constant 0 : i32
        %dma_wait3A_698 = tpu.memref_slice %arg4[%add3A_664, %dma_wait3A_697] : memref<4096x4096xf32, #tpu.memory_space<hbm>> -> memref<1x4096xf32, #tpu.memory_space<hbm>>
        %dma_wait3A_699 = tpu.memref_squeeze %dma_wait3A_698 : memref<1x4096xf32, #tpu.memory_space<hbm>> -> memref<4096xf32, #tpu.memory_space<hbm>>
        %dma_wait3A_700 = arith.constant 0 : i32
        %dma_wait3A_701 = tpu.memref_slice %arg4[%add3A_664, %dma_wait3A_700] : memref<4096x4096xf32, #tpu.memory_space<hbm>> -> memref<1x4096xf32, #tpu.memory_space<hbm>>
        %dma_wait3A_702 = tpu.memref_squeeze %dma_wait3A_701 : memref<1x4096xf32, #tpu.memory_space<hbm>> -> memref<4096xf32, #tpu.memory_space<hbm>>
        %dma_wait3A_703 = arith.constant 8192 : i32
        %dma_wait3A_704 = tpu.memref_slice %arg9[%dma_wait3A_703] : memref<32768xf32, #tpu.memory_space<vmem>> -> memref<4096xf32, #tpu.memory_space<vmem>>
        tpu.wait_dma2 semaphore(%arg12 : memref<!tpu.dma_semaphore, #tpu.memory_space<semaphore_mem>>) src(%dma_wait3A_704 : memref<4096xf32, #tpu.memory_space<vmem>>) dst(%dma_wait3A_702 : memref<4096xf32, #tpu.memory_space<hbm>>)
        %dma_wait3A_705 = arith.constant 12288 : i32
        %dma_wait3A_706 = tpu.memref_slice %arg9[%dma_wait3A_705] : memref<32768xf32, #tpu.memory_space<vmem>> -> memref<4096xf32, #tpu.memory_space<vmem>>
        %dma_wait3A_707 = arith.constant 0 : i32
        %dma_wait3A_708 = tpu.memref_slice %arg4[%add3A_666, %dma_wait3A_707] : memref<4096x4096xf32, #tpu.memory_space<hbm>> -> memref<1x4096xf32, #tpu.memory_space<hbm>>
        %dma_wait3A_709 = tpu.memref_squeeze %dma_wait3A_708 : memref<1x4096xf32, #tpu.memory_space<hbm>> -> memref<4096xf32, #tpu.memory_space<hbm>>
        %dma_wait3A_710 = arith.constant 0 : i32
        %dma_wait3A_711 = tpu.memref_slice %arg4[%add3A_666, %dma_wait3A_710] : memref<4096x4096xf32, #tpu.memory_space<hbm>> -> memref<1x4096xf32, #tpu.memory_space<hbm>>
        %dma_wait3A_712 = tpu.memref_squeeze %dma_wait3A_711 : memref<1x4096xf32, #tpu.memory_space<hbm>> -> memref<4096xf32, #tpu.memory_space<hbm>>
        %dma_wait3A_713 = arith.constant 12288 : i32
        %dma_wait3A_714 = tpu.memref_slice %arg9[%dma_wait3A_713] : memref<32768xf32, #tpu.memory_space<vmem>> -> memref<4096xf32, #tpu.memory_space<vmem>>
        tpu.wait_dma2 semaphore(%arg12 : memref<!tpu.dma_semaphore, #tpu.memory_space<semaphore_mem>>) src(%dma_wait3A_714 : memref<4096xf32, #tpu.memory_space<vmem>>) dst(%dma_wait3A_712 : memref<4096xf32, #tpu.memory_space<hbm>>)
        %dma_wait3A_715 = arith.constant 16384 : i32
        %dma_wait3A_716 = tpu.memref_slice %arg9[%dma_wait3A_715] : memref<32768xf32, #tpu.memory_space<vmem>> -> memref<4096xf32, #tpu.memory_space<vmem>>
        %dma_wait3A_717 = arith.constant 0 : i32
        %dma_wait3A_718 = tpu.memref_slice %arg4[%add3A_668, %dma_wait3A_717] : memref<4096x4096xf32, #tpu.memory_space<hbm>> -> memref<1x4096xf32, #tpu.memory_space<hbm>>
        %dma_wait3A_719 = tpu.memref_squeeze %dma_wait3A_718 : memref<1x4096xf32, #tpu.memory_space<hbm>> -> memref<4096xf32, #tpu.memory_space<hbm>>
        %dma_wait3A_720 = arith.constant 0 : i32
        %dma_wait3A_721 = tpu.memref_slice %arg4[%add3A_668, %dma_wait3A_720] : memref<4096x4096xf32, #tpu.memory_space<hbm>> -> memref<1x4096xf32, #tpu.memory_space<hbm>>
        %dma_wait3A_722 = tpu.memref_squeeze %dma_wait3A_721 : memref<1x4096xf32, #tpu.memory_space<hbm>> -> memref<4096xf32, #tpu.memory_space<hbm>>
        %dma_wait3A_723 = arith.constant 16384 : i32
        %dma_wait3A_724 = tpu.memref_slice %arg9[%dma_wait3A_723] : memref<32768xf32, #tpu.memory_space<vmem>> -> memref<4096xf32, #tpu.memory_space<vmem>>
        tpu.wait_dma2 semaphore(%arg12 : memref<!tpu.dma_semaphore, #tpu.memory_space<semaphore_mem>>) src(%dma_wait3A_724 : memref<4096xf32, #tpu.memory_space<vmem>>) dst(%dma_wait3A_722 : memref<4096xf32, #tpu.memory_space<hbm>>)
        %dma_wait3A_725 = arith.constant 20480 : i32
        %dma_wait3A_726 = tpu.memref_slice %arg9[%dma_wait3A_725] : memref<32768xf32, #tpu.memory_space<vmem>> -> memref<4096xf32, #tpu.memory_space<vmem>>
        %dma_wait3A_727 = arith.constant 0 : i32
        %dma_wait3A_728 = tpu.memref_slice %arg4[%add3A_670, %dma_wait3A_727] : memref<4096x4096xf32, #tpu.memory_space<hbm>> -> memref<1x4096xf32, #tpu.memory_space<hbm>>
        %dma_wait3A_729 = tpu.memref_squeeze %dma_wait3A_728 : memref<1x4096xf32, #tpu.memory_space<hbm>> -> memref<4096xf32, #tpu.memory_space<hbm>>
        %dma_wait3A_730 = arith.constant 0 : i32
        %dma_wait3A_731 = tpu.memref_slice %arg4[%add3A_670, %dma_wait3A_730] : memref<4096x4096xf32, #tpu.memory_space<hbm>> -> memref<1x4096xf32, #tpu.memory_space<hbm>>
        %dma_wait3A_732 = tpu.memref_squeeze %dma_wait3A_731 : memref<1x4096xf32, #tpu.memory_space<hbm>> -> memref<4096xf32, #tpu.memory_space<hbm>>
        %dma_wait3A_733 = arith.constant 20480 : i32
        %dma_wait3A_734 = tpu.memref_slice %arg9[%dma_wait3A_733] : memref<32768xf32, #tpu.memory_space<vmem>> -> memref<4096xf32, #tpu.memory_space<vmem>>
        tpu.wait_dma2 semaphore(%arg12 : memref<!tpu.dma_semaphore, #tpu.memory_space<semaphore_mem>>) src(%dma_wait3A_734 : memref<4096xf32, #tpu.memory_space<vmem>>) dst(%dma_wait3A_732 : memref<4096xf32, #tpu.memory_space<hbm>>)
        %dma_wait3A_735 = arith.constant 24576 : i32
        %dma_wait3A_736 = tpu.memref_slice %arg9[%dma_wait3A_735] : memref<32768xf32, #tpu.memory_space<vmem>> -> memref<4096xf32, #tpu.memory_space<vmem>>
        %dma_wait3A_737 = arith.constant 0 : i32
        %dma_wait3A_738 = tpu.memref_slice %arg4[%add3A_672, %dma_wait3A_737] : memref<4096x4096xf32, #tpu.memory_space<hbm>> -> memref<1x4096xf32, #tpu.memory_space<hbm>>
        %dma_wait3A_739 = tpu.memref_squeeze %dma_wait3A_738 : memref<1x4096xf32, #tpu.memory_space<hbm>> -> memref<4096xf32, #tpu.memory_space<hbm>>
        %dma_wait3A_740 = arith.constant 0 : i32
        %dma_wait3A_741 = tpu.memref_slice %arg4[%add3A_672, %dma_wait3A_740] : memref<4096x4096xf32, #tpu.memory_space<hbm>> -> memref<1x4096xf32, #tpu.memory_space<hbm>>
        %dma_wait3A_742 = tpu.memref_squeeze %dma_wait3A_741 : memref<1x4096xf32, #tpu.memory_space<hbm>> -> memref<4096xf32, #tpu.memory_space<hbm>>
        %dma_wait3A_743 = arith.constant 24576 : i32
        %dma_wait3A_744 = tpu.memref_slice %arg9[%dma_wait3A_743] : memref<32768xf32, #tpu.memory_space<vmem>> -> memref<4096xf32, #tpu.memory_space<vmem>>
        tpu.wait_dma2 semaphore(%arg12 : memref<!tpu.dma_semaphore, #tpu.memory_space<semaphore_mem>>) src(%dma_wait3A_744 : memref<4096xf32, #tpu.memory_space<vmem>>) dst(%dma_wait3A_742 : memref<4096xf32, #tpu.memory_space<hbm>>)
        %dma_wait3A_745 = arith.constant 28672 : i32
        %dma_wait3A_746 = tpu.memref_slice %arg9[%dma_wait3A_745] : memref<32768xf32, #tpu.memory_space<vmem>> -> memref<4096xf32, #tpu.memory_space<vmem>>
        %dma_wait3A_747 = arith.constant 0 : i32
        %dma_wait3A_748 = tpu.memref_slice %arg4[%add3A_674, %dma_wait3A_747] : memref<4096x4096xf32, #tpu.memory_space<hbm>> -> memref<1x4096xf32, #tpu.memory_space<hbm>>
        %dma_wait3A_749 = tpu.memref_squeeze %dma_wait3A_748 : memref<1x4096xf32, #tpu.memory_space<hbm>> -> memref<4096xf32, #tpu.memory_space<hbm>>
        %dma_wait3A_750 = arith.constant 0 : i32
        %dma_wait3A_751 = tpu.memref_slice %arg4[%add3A_674, %dma_wait3A_750] : memref<4096x4096xf32, #tpu.memory_space<hbm>> -> memref<1x4096xf32, #tpu.memory_space<hbm>>
        %dma_wait3A_752 = tpu.memref_squeeze %dma_wait3A_751 : memref<1x4096xf32, #tpu.memory_space<hbm>> -> memref<4096xf32, #tpu.memory_space<hbm>>
        %dma_wait3A_753 = arith.constant 28672 : i32
        %dma_wait3A_754 = tpu.memref_slice %arg9[%dma_wait3A_753] : memref<32768xf32, #tpu.memory_space<vmem>> -> memref<4096xf32, #tpu.memory_space<vmem>>
        tpu.wait_dma2 semaphore(%arg12 : memref<!tpu.dma_semaphore, #tpu.memory_space<semaphore_mem>>) src(%dma_wait3A_754 : memref<4096xf32, #tpu.memory_space<vmem>>) dst(%dma_wait3A_752 : memref<4096xf32, #tpu.memory_space<hbm>>)
        %scan3A_755 = arith.constant 0 : i32
        %scan3A_756 = arith.constant 0 : i32
        %scan3A_757 = arith.constant 8 : i32
        %scan3A_758 = arith.addi %scan3A_756, %scan3A_757 : i32
        %scan3A_759 = arith.constant 1 : i32
        %scan3A_760 = scf.for %scan3A_762 = %scan3A_756 to %scan3A_758 step %scan3A_759 iter_args(%scan3A_763 = %scan3A_755) -> (i32)  : i32 {
          %get3A = arith.index_cast %scan3A_762 : i32 to index
          %get3A_764 = arith.constant 0 : index
          %get3A_765 = tpu.vector_load %arg5[%get3A, %get3A_764] {strides = array<i32>} : memref<8x96xi32, #tpu.memory_space<vmem>>, vector<16xi32>,
          %mul3A_766 = arith.constant 4096 : i32
          %mul3A_767 = arith.muli %scan3A_762, %mul3A_766 : i32
          %add3A_768 = vector.broadcast %mul3A_767 : i32 to vector<16xi32>
          %add3A_769 = arith.addi %get3A_765, %add3A_768 : vector<16xi32>
          tpu.vector_store_idx %arg9[%add3A_769], %broadcast_in_dim3A_3 : memref<32768xf32, #tpu.memory_space<vmem>>[vector<16xi32>], vector<16xf32>,
          %get3A_770 = arith.index_cast %scan3A_762 : i32 to index
          %get3A_771 = arith.constant 16 : index
          %get3A_772 = tpu.vector_load %arg5[%get3A_770, %get3A_771] {strides = array<i32>} : memref<8x96xi32, #tpu.memory_space<vmem>>, vector<16xi32>,
          %mul3A_773 = arith.constant 4096 : i32
          %mul3A_774 = arith.muli %scan3A_762, %mul3A_773 : i32
          %add3A_775 = vector.broadcast %mul3A_774 : i32 to vector<16xi32>
          %add3A_776 = arith.addi %get3A_772, %add3A_775 : vector<16xi32>
          tpu.vector_store_idx %arg9[%add3A_776], %broadcast_in_dim3A_3 : memref<32768xf32, #tpu.memory_space<vmem>>[vector<16xi32>], vector<16xf32>,
          %get3A_777 = arith.index_cast %scan3A_762 : i32 to index
          %get3A_778 = arith.constant 32 : index
          %get3A_779 = tpu.vector_load %arg5[%get3A_777, %get3A_778] {strides = array<i32>} : memref<8x96xi32, #tpu.memory_space<vmem>>, vector<16xi32>,
          %mul3A_780 = arith.constant 4096 : i32
          %mul3A_781 = arith.muli %scan3A_762, %mul3A_780 : i32
          %add3A_782 = vector.broadcast %mul3A_781 : i32 to vector<16xi32>
          %add3A_783 = arith.addi %get3A_779, %add3A_782 : vector<16xi32>
          tpu.vector_store_idx %arg9[%add3A_783], %broadcast_in_dim3A_3 : memref<32768xf32, #tpu.memory_space<vmem>>[vector<16xi32>], vector<16xf32>,
          %get3A_784 = arith.index_cast %scan3A_762 : i32 to index
          %get3A_785 = arith.constant 48 : index
          %get3A_786 = tpu.vector_load %arg5[%get3A_784, %get3A_785] {strides = array<i32>} : memref<8x96xi32, #tpu.memory_space<vmem>>, vector<16xi32>,
          %mul3A_787 = arith.constant 4096 : i32
          %mul3A_788 = arith.muli %scan3A_762, %mul3A_787 : i32
          %add3A_789 = vector.broadcast %mul3A_788 : i32 to vector<16xi32>
          %add3A_790 = arith.addi %get3A_786, %add3A_789 : vector<16xi32>
          tpu.vector_store_idx %arg9[%add3A_790], %broadcast_in_dim3A_3 : memref<32768xf32, #tpu.memory_space<vmem>>[vector<16xi32>], vector<16xf32>,
          %get3A_791 = arith.index_cast %scan3A_762 : i32 to index
          %get3A_792 = arith.constant 64 : index
          %get3A_793 = tpu.vector_load %arg5[%get3A_791, %get3A_792] {strides = array<i32>} : memref<8x96xi32, #tpu.memory_space<vmem>>, vector<16xi32>,
          %mul3A_794 = arith.constant 4096 : i32
          %mul3A_795 = arith.muli %scan3A_762, %mul3A_794 : i32
          %add3A_796 = vector.broadcast %mul3A_795 : i32 to vector<16xi32>
          %add3A_797 = arith.addi %get3A_793, %add3A_796 : vector<16xi32>
          tpu.vector_store_idx %arg9[%add3A_797], %broadcast_in_dim3A_3 : memref<32768xf32, #tpu.memory_space<vmem>>[vector<16xi32>], vector<16xf32>,
          %get3A_798 = arith.index_cast %scan3A_762 : i32 to index
          %get3A_799 = arith.constant 80 : index
          %get3A_800 = tpu.vector_load %arg5[%get3A_798, %get3A_799] {strides = array<i32>} : memref<8x96xi32, #tpu.memory_space<vmem>>, vector<16xi32>,
          %mul3A_801 = arith.constant 4096 : i32
          %mul3A_802 = arith.muli %scan3A_762, %mul3A_801 : i32
          %add3A_803 = vector.broadcast %mul3A_802 : i32 to vector<16xi32>
          %add3A_804 = arith.addi %get3A_800, %add3A_803 : vector<16xi32>
          tpu.vector_store_idx %arg9[%add3A_804], %broadcast_in_dim3A_3 masked %lt3A_5 : memref<32768xf32, #tpu.memory_space<vmem>>[vector<16xi32>], vector<16xf32>, vector<16xi1>
          %scan3A_805 = arith.constant 0 : i32
          scf.yield %scan3A_805 : i32
        }
        %scan3A_761 = arith.constant 8 : i32
      } else {
      }
      %add3A_541 = arith.constant 1 : i32
      %add3A_542 = arith.addi %add3A_436, %add3A_541 : i32
      %lt3A_543 = arith.constant 16 : i32
      %lt3A_544 = arith.cmpi slt, %add3A_542, %lt3A_543 : i32
      %convert_element_type3A_545 = arith.extui %lt3A_544 : i1 to i32
      %cond3A_546 = arith.constant 0 : i32
      %cond3A_547 = arith.cmpi ne, %convert_element_type3A_545, %cond3A_546 : i32
      scf.if %cond3A_547 {
        %add3A_655 = arith.constant 1 : i32
        %add3A_656 = arith.addi %add3A_436, %add3A_655 : i32
        %mul3A_657 = arith.constant 8 : i32
        %mul3A_658 = arith.muli %add3A_656, %mul3A_657 : i32
        %add3A_659 = arith.addi %mul3A_2, %mul3A_658 : i32
        %add3A_660 = arith.constant 0 : i32
        %add3A_661 = arith.addi %add3A_659, %add3A_660 : i32
        %add3A_662 = arith.constant 1 : i32
        %add3A_663 = arith.addi %add3A_659, %add3A_662 : i32
        %add3A_664 = arith.constant 2 : i32
        %add3A_665 = arith.addi %add3A_659, %add3A_664 : i32
        %add3A_666 = arith.constant 3 : i32
        %add3A_667 = arith.addi %add3A_659, %add3A_666 : i32
        %add3A_668 = arith.constant 4 : i32
        %add3A_669 = arith.addi %add3A_659, %add3A_668 : i32
        %add3A_670 = arith.constant 5 : i32
        %add3A_671 = arith.addi %add3A_659, %add3A_670 : i32
        %add3A_672 = arith.constant 6 : i32
        %add3A_673 = arith.addi %add3A_659, %add3A_672 : i32
        %add3A_674 = arith.constant 7 : i32
        %add3A_675 = arith.addi %add3A_659, %add3A_674 : i32
        %dma_start3A_676 = arith.constant 0 : i32
        %dma_start3A_677 = tpu.memref_slice %arg7[%dma_start3A_676] : memref<16384xi32, #tpu.memory_space<vmem>> -> memref<2048xi32, #tpu.memory_space<vmem>>
        %dma_start3A_678 = arith.constant 0 : i32
        %dma_start3A_679 = tpu.memref_slice %arg2[%add3A_661, %dma_start3A_678] : memref<4096x2048xi32, #tpu.memory_space<hbm>> -> memref<1x2048xi32, #tpu.memory_space<hbm>>
        %dma_start3A_680 = tpu.memref_squeeze %dma_start3A_679 : memref<1x2048xi32, #tpu.memory_space<hbm>> -> memref<2048xi32, #tpu.memory_space<hbm>>
        %dma_start3A_681 = arith.constant 0 : i32
        %dma_start3A_682 = tpu.memref_slice %arg7[%dma_start3A_681] : memref<16384xi32, #tpu.memory_space<vmem>> -> memref<2048xi32, #tpu.memory_space<vmem>>
        %dma_start3A_683 = arith.constant 0 : i32
        %dma_start3A_684 = tpu.memref_slice %arg2[%add3A_661, %dma_start3A_683] : memref<4096x2048xi32, #tpu.memory_space<hbm>> -> memref<1x2048xi32, #tpu.memory_space<hbm>>
        %dma_start3A_685 = tpu.memref_squeeze %dma_start3A_684 : memref<1x2048xi32, #tpu.memory_space<hbm>> -> memref<2048xi32, #tpu.memory_space<hbm>>
        tpu.enqueue_dma source(%dma_start3A_685 : memref<2048xi32, #tpu.memory_space<hbm>>) target(%dma_start3A_682 : memref<2048xi32, #tpu.memory_space<vmem>>) target_semaphore(%arg10 : memref<!tpu.dma_semaphore, #tpu.memory_space<semaphore_mem>>)
        %dma_start3A_686 = arith.constant 2048 : i32
        %dma_start3A_687 = tpu.memref_slice %arg7[%dma_start3A_686] : memref<16384xi32, #tpu.memory_space<vmem>> -> memref<2048xi32, #tpu.memory_space<vmem>>
        %dma_start3A_688 = arith.constant 0 : i32
        %dma_start3A_689 = tpu.memref_slice %arg2[%add3A_663, %dma_start3A_688] : memref<4096x2048xi32, #tpu.memory_space<hbm>> -> memref<1x2048xi32, #tpu.memory_space<hbm>>
        %dma_start3A_690 = tpu.memref_squeeze %dma_start3A_689 : memref<1x2048xi32, #tpu.memory_space<hbm>> -> memref<2048xi32, #tpu.memory_space<hbm>>
        %dma_start3A_691 = arith.constant 2048 : i32
        %dma_start3A_692 = tpu.memref_slice %arg7[%dma_start3A_691] : memref<16384xi32, #tpu.memory_space<vmem>> -> memref<2048xi32, #tpu.memory_space<vmem>>
        %dma_start3A_693 = arith.constant 0 : i32
        %dma_start3A_694 = tpu.memref_slice %arg2[%add3A_663, %dma_start3A_693] : memref<4096x2048xi32, #tpu.memory_space<hbm>> -> memref<1x2048xi32, #tpu.memory_space<hbm>>
        %dma_start3A_695 = tpu.memref_squeeze %dma_start3A_694 : memref<1x2048xi32, #tpu.memory_space<hbm>> -> memref<2048xi32, #tpu.memory_space<hbm>>
        tpu.enqueue_dma source(%dma_start3A_695 : memref<2048xi32, #tpu.memory_space<hbm>>) target(%dma_start3A_692 : memref<2048xi32, #tpu.memory_space<vmem>>) target_semaphore(%arg10 : memref<!tpu.dma_semaphore, #tpu.memory_space<semaphore_mem>>)
        %dma_start3A_696 = arith.constant 4096 : i32
        %dma_start3A_697 = tpu.memref_slice %arg7[%dma_start3A_696] : memref<16384xi32, #tpu.memory_space<vmem>> -> memref<2048xi32, #tpu.memory_space<vmem>>
        %dma_start3A_698 = arith.constant 0 : i32
        %dma_start3A_699 = tpu.memref_slice %arg2[%add3A_665, %dma_start3A_698] : memref<4096x2048xi32, #tpu.memory_space<hbm>> -> memref<1x2048xi32, #tpu.memory_space<hbm>>
        %dma_start3A_700 = tpu.memref_squeeze %dma_start3A_699 : memref<1x2048xi32, #tpu.memory_space<hbm>> -> memref<2048xi32, #tpu.memory_space<hbm>>
        %dma_start3A_701 = arith.constant 4096 : i32
        %dma_start3A_702 = tpu.memref_slice %arg7[%dma_start3A_701] : memref<16384xi32, #tpu.memory_space<vmem>> -> memref<2048xi32, #tpu.memory_space<vmem>>
        %dma_start3A_703 = arith.constant 0 : i32
        %dma_start3A_704 = tpu.memref_slice %arg2[%add3A_665, %dma_start3A_703] : memref<4096x2048xi32, #tpu.memory_space<hbm>> -> memref<1x2048xi32, #tpu.memory_space<hbm>>
        %dma_start3A_705 = tpu.memref_squeeze %dma_start3A_704 : memref<1x2048xi32, #tpu.memory_space<hbm>> -> memref<2048xi32, #tpu.memory_space<hbm>>
        tpu.enqueue_dma source(%dma_start3A_705 : memref<2048xi32, #tpu.memory_space<hbm>>) target(%dma_start3A_702 : memref<2048xi32, #tpu.memory_space<vmem>>) target_semaphore(%arg10 : memref<!tpu.dma_semaphore, #tpu.memory_space<semaphore_mem>>)
        %dma_start3A_706 = arith.constant 6144 : i32
        %dma_start3A_707 = tpu.memref_slice %arg7[%dma_start3A_706] : memref<16384xi32, #tpu.memory_space<vmem>> -> memref<2048xi32, #tpu.memory_space<vmem>>
        %dma_start3A_708 = arith.constant 0 : i32
        %dma_start3A_709 = tpu.memref_slice %arg2[%add3A_667, %dma_start3A_708] : memref<4096x2048xi32, #tpu.memory_space<hbm>> -> memref<1x2048xi32, #tpu.memory_space<hbm>>
        %dma_start3A_710 = tpu.memref_squeeze %dma_start3A_709 : memref<1x2048xi32, #tpu.memory_space<hbm>> -> memref<2048xi32, #tpu.memory_space<hbm>>
        %dma_start3A_711 = arith.constant 6144 : i32
        %dma_start3A_712 = tpu.memref_slice %arg7[%dma_start3A_711] : memref<16384xi32, #tpu.memory_space<vmem>> -> memref<2048xi32, #tpu.memory_space<vmem>>
        %dma_start3A_713 = arith.constant 0 : i32
        %dma_start3A_714 = tpu.memref_slice %arg2[%add3A_667, %dma_start3A_713] : memref<4096x2048xi32, #tpu.memory_space<hbm>> -> memref<1x2048xi32, #tpu.memory_space<hbm>>
        %dma_start3A_715 = tpu.memref_squeeze %dma_start3A_714 : memref<1x2048xi32, #tpu.memory_space<hbm>> -> memref<2048xi32, #tpu.memory_space<hbm>>
        tpu.enqueue_dma source(%dma_start3A_715 : memref<2048xi32, #tpu.memory_space<hbm>>) target(%dma_start3A_712 : memref<2048xi32, #tpu.memory_space<vmem>>) target_semaphore(%arg10 : memref<!tpu.dma_semaphore, #tpu.memory_space<semaphore_mem>>)
        %dma_start3A_716 = arith.constant 8192 : i32
        %dma_start3A_717 = tpu.memref_slice %arg7[%dma_start3A_716] : memref<16384xi32, #tpu.memory_space<vmem>> -> memref<2048xi32, #tpu.memory_space<vmem>>
        %dma_start3A_718 = arith.constant 0 : i32
        %dma_start3A_719 = tpu.memref_slice %arg2[%add3A_669, %dma_start3A_718] : memref<4096x2048xi32, #tpu.memory_space<hbm>> -> memref<1x2048xi32, #tpu.memory_space<hbm>>
        %dma_start3A_720 = tpu.memref_squeeze %dma_start3A_719 : memref<1x2048xi32, #tpu.memory_space<hbm>> -> memref<2048xi32, #tpu.memory_space<hbm>>
        %dma_start3A_721 = arith.constant 8192 : i32
        %dma_start3A_722 = tpu.memref_slice %arg7[%dma_start3A_721] : memref<16384xi32, #tpu.memory_space<vmem>> -> memref<2048xi32, #tpu.memory_space<vmem>>
        %dma_start3A_723 = arith.constant 0 : i32
        %dma_start3A_724 = tpu.memref_slice %arg2[%add3A_669, %dma_start3A_723] : memref<4096x2048xi32, #tpu.memory_space<hbm>> -> memref<1x2048xi32, #tpu.memory_space<hbm>>
        %dma_start3A_725 = tpu.memref_squeeze %dma_start3A_724 : memref<1x2048xi32, #tpu.memory_space<hbm>> -> memref<2048xi32, #tpu.memory_space<hbm>>
        tpu.enqueue_dma source(%dma_start3A_725 : memref<2048xi32, #tpu.memory_space<hbm>>) target(%dma_start3A_722 : memref<2048xi32, #tpu.memory_space<vmem>>) target_semaphore(%arg10 : memref<!tpu.dma_semaphore, #tpu.memory_space<semaphore_mem>>)
        %dma_start3A_726 = arith.constant 10240 : i32
        %dma_start3A_727 = tpu.memref_slice %arg7[%dma_start3A_726] : memref<16384xi32, #tpu.memory_space<vmem>> -> memref<2048xi32, #tpu.memory_space<vmem>>
        %dma_start3A_728 = arith.constant 0 : i32
        %dma_start3A_729 = tpu.memref_slice %arg2[%add3A_671, %dma_start3A_728] : memref<4096x2048xi32, #tpu.memory_space<hbm>> -> memref<1x2048xi32, #tpu.memory_space<hbm>>
        %dma_start3A_730 = tpu.memref_squeeze %dma_start3A_729 : memref<1x2048xi32, #tpu.memory_space<hbm>> -> memref<2048xi32, #tpu.memory_space<hbm>>
        %dma_start3A_731 = arith.constant 10240 : i32
        %dma_start3A_732 = tpu.memref_slice %arg7[%dma_start3A_731] : memref<16384xi32, #tpu.memory_space<vmem>> -> memref<2048xi32, #tpu.memory_space<vmem>>
        %dma_start3A_733 = arith.constant 0 : i32
        %dma_start3A_734 = tpu.memref_slice %arg2[%add3A_671, %dma_start3A_733] : memref<4096x2048xi32, #tpu.memory_space<hbm>> -> memref<1x2048xi32, #tpu.memory_space<hbm>>
        %dma_start3A_735 = tpu.memref_squeeze %dma_start3A_734 : memref<1x2048xi32, #tpu.memory_space<hbm>> -> memref<2048xi32, #tpu.memory_space<hbm>>
        tpu.enqueue_dma source(%dma_start3A_735 : memref<2048xi32, #tpu.memory_space<hbm>>) target(%dma_start3A_732 : memref<2048xi32, #tpu.memory_space<vmem>>) target_semaphore(%arg10 : memref<!tpu.dma_semaphore, #tpu.memory_space<semaphore_mem>>)
        %dma_start3A_736 = arith.constant 12288 : i32
        %dma_start3A_737 = tpu.memref_slice %arg7[%dma_start3A_736] : memref<16384xi32, #tpu.memory_space<vmem>> -> memref<2048xi32, #tpu.memory_space<vmem>>
        %dma_start3A_738 = arith.constant 0 : i32
        %dma_start3A_739 = tpu.memref_slice %arg2[%add3A_673, %dma_start3A_738] : memref<4096x2048xi32, #tpu.memory_space<hbm>> -> memref<1x2048xi32, #tpu.memory_space<hbm>>
        %dma_start3A_740 = tpu.memref_squeeze %dma_start3A_739 : memref<1x2048xi32, #tpu.memory_space<hbm>> -> memref<2048xi32, #tpu.memory_space<hbm>>
        %dma_start3A_741 = arith.constant 12288 : i32
        %dma_start3A_742 = tpu.memref_slice %arg7[%dma_start3A_741] : memref<16384xi32, #tpu.memory_space<vmem>> -> memref<2048xi32, #tpu.memory_space<vmem>>
        %dma_start3A_743 = arith.constant 0 : i32
        %dma_start3A_744 = tpu.memref_slice %arg2[%add3A_673, %dma_start3A_743] : memref<4096x2048xi32, #tpu.memory_space<hbm>> -> memref<1x2048xi32, #tpu.memory_space<hbm>>
        %dma_start3A_745 = tpu.memref_squeeze %dma_start3A_744 : memref<1x2048xi32, #tpu.memory_space<hbm>> -> memref<2048xi32, #tpu.memory_space<hbm>>
        tpu.enqueue_dma source(%dma_start3A_745 : memref<2048xi32, #tpu.memory_space<hbm>>) target(%dma_start3A_742 : memref<2048xi32, #tpu.memory_space<vmem>>) target_semaphore(%arg10 : memref<!tpu.dma_semaphore, #tpu.memory_space<semaphore_mem>>)
        %dma_start3A_746 = arith.constant 14336 : i32
        %dma_start3A_747 = tpu.memref_slice %arg7[%dma_start3A_746] : memref<16384xi32, #tpu.memory_space<vmem>> -> memref<2048xi32, #tpu.memory_space<vmem>>
        %dma_start3A_748 = arith.constant 0 : i32
        %dma_start3A_749 = tpu.memref_slice %arg2[%add3A_675, %dma_start3A_748] : memref<4096x2048xi32, #tpu.memory_space<hbm>> -> memref<1x2048xi32, #tpu.memory_space<hbm>>
        %dma_start3A_750 = tpu.memref_squeeze %dma_start3A_749 : memref<1x2048xi32, #tpu.memory_space<hbm>> -> memref<2048xi32, #tpu.memory_space<hbm>>
        %dma_start3A_751 = arith.constant 14336 : i32
        %dma_start3A_752 = tpu.memref_slice %arg7[%dma_start3A_751] : memref<16384xi32, #tpu.memory_space<vmem>> -> memref<2048xi32, #tpu.memory_space<vmem>>
        %dma_start3A_753 = arith.constant 0 : i32
        %dma_start3A_754 = tpu.memref_slice %arg2[%add3A_675, %dma_start3A_753] : memref<4096x2048xi32, #tpu.memory_space<hbm>> -> memref<1x2048xi32, #tpu.memory_space<hbm>>
        %dma_start3A_755 = tpu.memref_squeeze %dma_start3A_754 : memref<1x2048xi32, #tpu.memory_space<hbm>> -> memref<2048xi32, #tpu.memory_space<hbm>>
        tpu.enqueue_dma source(%dma_start3A_755 : memref<2048xi32, #tpu.memory_space<hbm>>) target(%dma_start3A_752 : memref<2048xi32, #tpu.memory_space<vmem>>) target_semaphore(%arg10 : memref<!tpu.dma_semaphore, #tpu.memory_space<semaphore_mem>>)
        %mul3A_756 = arith.constant 8 : i32
        %mul3A_757 = arith.muli %add3A_656, %mul3A_756 : i32
        %add3A_758 = arith.addi %mul3A_2, %mul3A_757 : i32
        "tpu.region"() ({
          %run_scoped3A = tpu.sem_alloc : memref<!tpu.dma_semaphore, #tpu.memory_space<semaphore_mem>>
          %dma_start3A_759 = arith.constant 0 : i32
          %dma_start3A_760 = tpu.memref_slice %arg3[%add3A_758, %dma_start3A_759] : memref<4096x96xi32, #tpu.memory_space<hbm>> -> memref<8x96xi32, #tpu.memory_space<hbm>>
          %dma_start3A_761 = arith.constant 0 : i32
          %dma_start3A_762 = tpu.memref_slice %arg3[%add3A_758, %dma_start3A_761] : memref<4096x96xi32, #tpu.memory_space<hbm>> -> memref<8x96xi32, #tpu.memory_space<hbm>>
          tpu.enqueue_dma source(%dma_start3A_762 : memref<8x96xi32, #tpu.memory_space<hbm>>) target(%arg5 : memref<8x96xi32, #tpu.memory_space<vmem>>) target_semaphore(%run_scoped3A : memref<!tpu.dma_semaphore, #tpu.memory_space<semaphore_mem>>)
          %dma_wait3A_763 = arith.constant 0 : i32
          %dma_wait3A_764 = tpu.memref_slice %arg3[%add3A_758, %dma_wait3A_763] : memref<4096x96xi32, #tpu.memory_space<hbm>> -> memref<8x96xi32, #tpu.memory_space<hbm>>
          %dma_wait3A_765 = arith.constant 0 : i32
          %dma_wait3A_766 = tpu.memref_slice %arg3[%add3A_758, %dma_wait3A_765] : memref<4096x96xi32, #tpu.memory_space<hbm>> -> memref<8x96xi32, #tpu.memory_space<hbm>>
          tpu.wait_dma2 semaphore(%run_scoped3A : memref<!tpu.dma_semaphore, #tpu.memory_space<semaphore_mem>>) src(%dma_wait3A_766 : memref<8x96xi32, #tpu.memory_space<hbm>>) dst(%arg5 : memref<8x96xi32, #tpu.memory_space<vmem>>)
          tpu.yield
        }) : () -> ()
      } else {
      }
      %scan3A_548 = arith.constant 0 : i32
      %scan3A_549 = arith.constant 0 : i32
      %scan3A_550 = arith.constant 8 : i32
      %scan3A_551 = arith.addi %scan3A_549, %scan3A_550 : i32
      %scan3A_552 = arith.constant 1 : i32
      %scan3A_553 = scf.for %scan3A_655 = %scan3A_549 to %scan3A_551 step %scan3A_552 iter_args(%scan3A_656 = %scan3A_548) -> (i32)  : i32 {
        %get3A = arith.index_cast %scan3A_655 : i32 to index
        %get3A_657 = arith.constant 0 : index
        %get3A_658 = tpu.vector_load %arg6[%get3A, %get3A_657] {strides = array<i32>} : memref<8x96xi32, #tpu.memory_space<vmem>>, vector<16xi32>,
        %get3A_659 = arith.index_cast %scan3A_655 : i32 to index
        %get3A_660 = arith.constant 16 : index
        %get3A_661 = tpu.vector_load %arg6[%get3A_659, %get3A_660] {strides = array<i32>} : memref<8x96xi32, #tpu.memory_space<vmem>>, vector<16xi32>,
        %get3A_662 = arith.index_cast %scan3A_655 : i32 to index
        %get3A_663 = arith.constant 32 : index
        %get3A_664 = tpu.vector_load %arg6[%get3A_662, %get3A_663] {strides = array<i32>} : memref<8x96xi32, #tpu.memory_space<vmem>>, vector<16xi32>,
        %get3A_665 = arith.index_cast %scan3A_655 : i32 to index
        %get3A_666 = arith.constant 48 : index
        %get3A_667 = tpu.vector_load %arg6[%get3A_665, %get3A_666] {strides = array<i32>} : memref<8x96xi32, #tpu.memory_space<vmem>>, vector<16xi32>,
        %get3A_668 = arith.index_cast %scan3A_655 : i32 to index
        %get3A_669 = arith.constant 64 : index
        %get3A_670 = tpu.vector_load %arg6[%get3A_668, %get3A_669] {strides = array<i32>} : memref<8x96xi32, #tpu.memory_space<vmem>>, vector<16xi32>,
        %get3A_671 = arith.index_cast %scan3A_655 : i32 to index
        %get3A_672 = arith.constant 80 : index
        %get3A_673 = tpu.vector_load %arg6[%get3A_671, %get3A_672] {strides = array<i32>} : memref<8x96xi32, #tpu.memory_space<vmem>>, vector<16xi32>,
        %mul3A_674 = arith.constant 4096 : i32
        %mul3A_675 = arith.muli %scan3A_655, %mul3A_674 : i32
        %add3A_676 = vector.broadcast %mul3A_675 : i32 to vector<16xi32>
        %add3A_677 = arith.addi %get3A_658, %add3A_676 : vector<16xi32>
        %mul3A_678 = arith.constant 4096 : i32
        %mul3A_679 = arith.muli %scan3A_655, %mul3A_678 : i32
        %add3A_680 = vector.broadcast %mul3A_679 : i32 to vector<16xi32>
        %add3A_681 = arith.addi %get3A_661, %add3A_680 : vector<16xi32>
        %mul3A_682 = arith.constant 4096 : i32
        %mul3A_683 = arith.muli %scan3A_655, %mul3A_682 : i32
        %add3A_684 = vector.broadcast %mul3A_683 : i32 to vector<16xi32>
        %add3A_685 = arith.addi %get3A_664, %add3A_684 : vector<16xi32>
        %mul3A_686 = arith.constant 4096 : i32
        %mul3A_687 = arith.muli %scan3A_655, %mul3A_686 : i32
        %add3A_688 = vector.broadcast %mul3A_687 : i32 to vector<16xi32>
        %add3A_689 = arith.addi %get3A_667, %add3A_688 : vector<16xi32>
        %mul3A_690 = arith.constant 4096 : i32
        %mul3A_691 = arith.muli %scan3A_655, %mul3A_690 : i32
        %add3A_692 = vector.broadcast %mul3A_691 : i32 to vector<16xi32>
        %add3A_693 = arith.addi %get3A_670, %add3A_692 : vector<16xi32>
        %mul3A_694 = arith.constant 4096 : i32
        %mul3A_695 = arith.muli %scan3A_655, %mul3A_694 : i32
        %add3A_696 = vector.broadcast %mul3A_695 : i32 to vector<16xi32>
        %add3A_697 = arith.addi %get3A_673, %add3A_696 : vector<16xi32>
        %and3A = arith.constant 2047 : i32
        %and3A_698 = vector.broadcast %and3A : i32 to vector<16xi32>
        %and3A_699 = arith.andi %get3A_658, %and3A_698 : vector<16xi32>
        %mul3A_700 = arith.constant 2048 : i32
        %mul3A_701 = arith.muli %scan3A_655, %mul3A_700 : i32
        %add3A_702 = vector.broadcast %mul3A_701 : i32 to vector<16xi32>
        %add3A_703 = arith.addi %and3A_699, %add3A_702 : vector<16xi32>
        %gather3A = tpu.vector_load_idx %arg8[%add3A_703] : memref<16384xi32, #tpu.memory_space<vmem>>[vector<16xi32>], vector<16xi32>,
        %ge3A = arith.constant 2048 : i32
        %ge3A_704 = vector.broadcast %ge3A : i32 to vector<16xi32>
        %ge3A_705 = arith.cmpi sge, %get3A_658, %ge3A_704 : vector<16xi32>
        %and3A_706 = arith.constant -65536 : i32
        %and3A_707 = vector.broadcast %and3A_706 : i32 to vector<16xi32>
        %and3A_708 = arith.andi %gather3A, %and3A_707 : vector<16xi32>
        %shift_left3A = arith.constant 16 : i32
        %shift_left3A_709 = vector.broadcast %shift_left3A : i32 to vector<16xi32>
        %shift_left3A_710 = arith.shli %gather3A, %shift_left3A_709 : vector<16xi32>
        %select_n3A = arith.select %ge3A_705, %and3A_708, %shift_left3A_710 : vector<16xi1>, vector<16xi32>
        %bitcast_convert_type3A = tpu.bitcast %select_n3A : vector<16xi32> -> vector<16xf32>
        %and3A_711 = arith.constant 2047 : i32
        %and3A_712 = vector.broadcast %and3A_711 : i32 to vector<16xi32>
        %and3A_713 = arith.andi %get3A_661, %and3A_712 : vector<16xi32>
        %mul3A_714 = arith.constant 2048 : i32
        %mul3A_715 = arith.muli %scan3A_655, %mul3A_714 : i32
        %add3A_716 = vector.broadcast %mul3A_715 : i32 to vector<16xi32>
        %add3A_717 = arith.addi %and3A_713, %add3A_716 : vector<16xi32>
        %gather3A_718 = tpu.vector_load_idx %arg8[%add3A_717] : memref<16384xi32, #tpu.memory_space<vmem>>[vector<16xi32>], vector<16xi32>,
        %ge3A_719 = arith.constant 2048 : i32
        %ge3A_720 = vector.broadcast %ge3A_719 : i32 to vector<16xi32>
        %ge3A_721 = arith.cmpi sge, %get3A_661, %ge3A_720 : vector<16xi32>
        %and3A_722 = arith.constant -65536 : i32
        %and3A_723 = vector.broadcast %and3A_722 : i32 to vector<16xi32>
        %and3A_724 = arith.andi %gather3A_718, %and3A_723 : vector<16xi32>
        %shift_left3A_725 = arith.constant 16 : i32
        %shift_left3A_726 = vector.broadcast %shift_left3A_725 : i32 to vector<16xi32>
        %shift_left3A_727 = arith.shli %gather3A_718, %shift_left3A_726 : vector<16xi32>
        %select_n3A_728 = arith.select %ge3A_721, %and3A_724, %shift_left3A_727 : vector<16xi1>, vector<16xi32>
        %bitcast_convert_type3A_729 = tpu.bitcast %select_n3A_728 : vector<16xi32> -> vector<16xf32>
        %and3A_730 = arith.constant 2047 : i32
        %and3A_731 = vector.broadcast %and3A_730 : i32 to vector<16xi32>
        %and3A_732 = arith.andi %get3A_664, %and3A_731 : vector<16xi32>
        %mul3A_733 = arith.constant 2048 : i32
        %mul3A_734 = arith.muli %scan3A_655, %mul3A_733 : i32
        %add3A_735 = vector.broadcast %mul3A_734 : i32 to vector<16xi32>
        %add3A_736 = arith.addi %and3A_732, %add3A_735 : vector<16xi32>
        %gather3A_737 = tpu.vector_load_idx %arg8[%add3A_736] : memref<16384xi32, #tpu.memory_space<vmem>>[vector<16xi32>], vector<16xi32>,
        %ge3A_738 = arith.constant 2048 : i32
        %ge3A_739 = vector.broadcast %ge3A_738 : i32 to vector<16xi32>
        %ge3A_740 = arith.cmpi sge, %get3A_664, %ge3A_739 : vector<16xi32>
        %and3A_741 = arith.constant -65536 : i32
        %and3A_742 = vector.broadcast %and3A_741 : i32 to vector<16xi32>
        %and3A_743 = arith.andi %gather3A_737, %and3A_742 : vector<16xi32>
        %shift_left3A_744 = arith.constant 16 : i32
        %shift_left3A_745 = vector.broadcast %shift_left3A_744 : i32 to vector<16xi32>
        %shift_left3A_746 = arith.shli %gather3A_737, %shift_left3A_745 : vector<16xi32>
        %select_n3A_747 = arith.select %ge3A_740, %and3A_743, %shift_left3A_746 : vector<16xi1>, vector<16xi32>
        %bitcast_convert_type3A_748 = tpu.bitcast %select_n3A_747 : vector<16xi32> -> vector<16xf32>
        %and3A_749 = arith.constant 2047 : i32
        %and3A_750 = vector.broadcast %and3A_749 : i32 to vector<16xi32>
        %and3A_751 = arith.andi %get3A_667, %and3A_750 : vector<16xi32>
        %mul3A_752 = arith.constant 2048 : i32
        %mul3A_753 = arith.muli %scan3A_655, %mul3A_752 : i32
        %add3A_754 = vector.broadcast %mul3A_753 : i32 to vector<16xi32>
        %add3A_755 = arith.addi %and3A_751, %add3A_754 : vector<16xi32>
        %gather3A_756 = tpu.vector_load_idx %arg8[%add3A_755] : memref<16384xi32, #tpu.memory_space<vmem>>[vector<16xi32>], vector<16xi32>,
        %ge3A_757 = arith.constant 2048 : i32
        %ge3A_758 = vector.broadcast %ge3A_757 : i32 to vector<16xi32>
        %ge3A_759 = arith.cmpi sge, %get3A_667, %ge3A_758 : vector<16xi32>
        %and3A_760 = arith.constant -65536 : i32
        %and3A_761 = vector.broadcast %and3A_760 : i32 to vector<16xi32>
        %and3A_762 = arith.andi %gather3A_756, %and3A_761 : vector<16xi32>
        %shift_left3A_763 = arith.constant 16 : i32
        %shift_left3A_764 = vector.broadcast %shift_left3A_763 : i32 to vector<16xi32>
        %shift_left3A_765 = arith.shli %gather3A_756, %shift_left3A_764 : vector<16xi32>
        %select_n3A_766 = arith.select %ge3A_759, %and3A_762, %shift_left3A_765 : vector<16xi1>, vector<16xi32>
        %bitcast_convert_type3A_767 = tpu.bitcast %select_n3A_766 : vector<16xi32> -> vector<16xf32>
        %and3A_768 = arith.constant 2047 : i32
        %and3A_769 = vector.broadcast %and3A_768 : i32 to vector<16xi32>
        %and3A_770 = arith.andi %get3A_670, %and3A_769 : vector<16xi32>
        %mul3A_771 = arith.constant 2048 : i32
        %mul3A_772 = arith.muli %scan3A_655, %mul3A_771 : i32
        %add3A_773 = vector.broadcast %mul3A_772 : i32 to vector<16xi32>
        %add3A_774 = arith.addi %and3A_770, %add3A_773 : vector<16xi32>
        %gather3A_775 = tpu.vector_load_idx %arg8[%add3A_774] : memref<16384xi32, #tpu.memory_space<vmem>>[vector<16xi32>], vector<16xi32>,
        %ge3A_776 = arith.constant 2048 : i32
        %ge3A_777 = vector.broadcast %ge3A_776 : i32 to vector<16xi32>
        %ge3A_778 = arith.cmpi sge, %get3A_670, %ge3A_777 : vector<16xi32>
        %and3A_779 = arith.constant -65536 : i32
        %and3A_780 = vector.broadcast %and3A_779 : i32 to vector<16xi32>
        %and3A_781 = arith.andi %gather3A_775, %and3A_780 : vector<16xi32>
        %shift_left3A_782 = arith.constant 16 : i32
        %shift_left3A_783 = vector.broadcast %shift_left3A_782 : i32 to vector<16xi32>
        %shift_left3A_784 = arith.shli %gather3A_775, %shift_left3A_783 : vector<16xi32>
        %select_n3A_785 = arith.select %ge3A_778, %and3A_781, %shift_left3A_784 : vector<16xi1>, vector<16xi32>
        %bitcast_convert_type3A_786 = tpu.bitcast %select_n3A_785 : vector<16xi32> -> vector<16xf32>
        %and3A_787 = arith.constant 2047 : i32
        %and3A_788 = vector.broadcast %and3A_787 : i32 to vector<16xi32>
        %and3A_789 = arith.andi %get3A_673, %and3A_788 : vector<16xi32>
        %mul3A_790 = arith.constant 2048 : i32
        %mul3A_791 = arith.muli %scan3A_655, %mul3A_790 : i32
        %add3A_792 = vector.broadcast %mul3A_791 : i32 to vector<16xi32>
        %add3A_793 = arith.addi %and3A_789, %add3A_792 : vector<16xi32>
        %gather3A_794 = tpu.vector_load_idx %arg8[%add3A_793] : memref<16384xi32, #tpu.memory_space<vmem>>[vector<16xi32>], vector<16xi32>,
        %ge3A_795 = arith.constant 2048 : i32
        %ge3A_796 = vector.broadcast %ge3A_795 : i32 to vector<16xi32>
        %ge3A_797 = arith.cmpi sge, %get3A_673, %ge3A_796 : vector<16xi32>
        %and3A_798 = arith.constant -65536 : i32
        %and3A_799 = vector.broadcast %and3A_798 : i32 to vector<16xi32>
        %and3A_800 = arith.andi %gather3A_794, %and3A_799 : vector<16xi32>
        %shift_left3A_801 = arith.constant 16 : i32
        %shift_left3A_802 = vector.broadcast %shift_left3A_801 : i32 to vector<16xi32>
        %shift_left3A_803 = arith.shli %gather3A_794, %shift_left3A_802 : vector<16xi32>
        %select_n3A_804 = arith.select %ge3A_797, %and3A_800, %shift_left3A_803 : vector<16xi1>, vector<16xi32>
        %bitcast_convert_type3A_805 = tpu.bitcast %select_n3A_804 : vector<16xi32> -> vector<16xf32>
        %jit3A = arith.constant -1.000000e+30 : f32
        %broadcast_in_dim3A_806 = vector.broadcast %jit3A : f32 to vector<16xf32>
        %select_n3A_807 = arith.select %lt3A_5, %bitcast_convert_type3A_805, %broadcast_in_dim3A_806 : vector<16xi1>, vector<16xf32>
        %max3A = arith.maximumf %bitcast_convert_type3A, %bitcast_convert_type3A_729 : vector<16xf32>
        %max3A_808 = arith.maximumf %max3A, %bitcast_convert_type3A_748 : vector<16xf32>
        %max3A_809 = arith.maximumf %max3A_808, %bitcast_convert_type3A_767 : vector<16xf32>
        %max3A_810 = arith.maximumf %max3A_809, %bitcast_convert_type3A_786 : vector<16xf32>
        %max3A_811 = arith.maximumf %max3A_810, %select_n3A_807 : vector<16xf32>
        %reduce_max3A = arith.constant true
        %reduce_max3A_812 = vector.broadcast %reduce_max3A : i1 to vector<16xi1>
        %reduce_max3A_813 = tpu.scan <max>, %max3A_811 masked %reduce_max3A_812 : vector<16xf32>, vector<16xi1> -> vector<16xf32>
        %reduce_max3A_814 = vector.extract %reduce_max3A_813[15] : f32 from vector<16xf32>
        %sub3A = vector.broadcast %reduce_max3A_814 : f32 to vector<16xf32>
        %sub3A_815 = arith.subf %bitcast_convert_type3A, %sub3A : vector<16xf32>
        %exp3A = math.exp %sub3A_815 : vector<16xf32>
        %sub3A_816 = vector.broadcast %reduce_max3A_814 : f32 to vector<16xf32>
        %sub3A_817 = arith.subf %bitcast_convert_type3A_729, %sub3A_816 : vector<16xf32>
        %exp3A_818 = math.exp %sub3A_817 : vector<16xf32>
        %sub3A_819 = vector.broadcast %reduce_max3A_814 : f32 to vector<16xf32>
        %sub3A_820 = arith.subf %bitcast_convert_type3A_748, %sub3A_819 : vector<16xf32>
        %exp3A_821 = math.exp %sub3A_820 : vector<16xf32>
        %sub3A_822 = vector.broadcast %reduce_max3A_814 : f32 to vector<16xf32>
        %sub3A_823 = arith.subf %bitcast_convert_type3A_767, %sub3A_822 : vector<16xf32>
        %exp3A_824 = math.exp %sub3A_823 : vector<16xf32>
        %sub3A_825 = vector.broadcast %reduce_max3A_814 : f32 to vector<16xf32>
        %sub3A_826 = arith.subf %bitcast_convert_type3A_786, %sub3A_825 : vector<16xf32>
        %exp3A_827 = math.exp %sub3A_826 : vector<16xf32>
        %sub3A_828 = vector.broadcast %reduce_max3A_814 : f32 to vector<16xf32>
        %sub3A_829 = arith.subf %select_n3A_807, %sub3A_828 : vector<16xf32>
        %exp3A_830 = math.exp %sub3A_829 : vector<16xf32>
        %add3A_831 = arith.addf %exp3A, %exp3A_818 : vector<16xf32>
        %add3A_832 = arith.addf %add3A_831, %exp3A_821 : vector<16xf32>
        %add3A_833 = arith.addf %add3A_832, %exp3A_824 : vector<16xf32>
        %add3A_834 = arith.addf %add3A_833, %exp3A_827 : vector<16xf32>
        %add3A_835 = arith.addf %add3A_834, %exp3A_830 : vector<16xf32>
        %reduce_sum3A = arith.constant true
        %reduce_sum3A_836 = vector.broadcast %reduce_sum3A : i1 to vector<16xi1>
        %reduce_sum3A_837 = tpu.scan <sum>, %add3A_835 masked %reduce_sum3A_836 : vector<16xf32>, vector<16xi1> -> vector<16xf32>
        %reduce_sum3A_838 = vector.extract %reduce_sum3A_837[15] : f32 from vector<16xf32>
        %broadcast_in_dim3A_839 = arith.constant 9.99999996E-13 : f32
        %broadcast_in_dim3A_840 = vector.broadcast %broadcast_in_dim3A_839 : f32 to vector<16xf32>
        %add3A_841 = vector.broadcast %reduce_sum3A_838 : f32 to vector<16xf32>
        %add3A_842 = arith.addf %broadcast_in_dim3A_840, %add3A_841 : vector<16xf32>
        %broadcast_in_dim3A_843 = arith.constant 1.000000e+00 : f32
        %broadcast_in_dim3A_844 = vector.broadcast %broadcast_in_dim3A_843 : f32 to vector<16xf32>
        %div3A = arith.divf %broadcast_in_dim3A_844, %add3A_842 : vector<16xf32>
        %mul3A_845 = arith.mulf %exp3A, %div3A : vector<16xf32>
        tpu.vector_store_idx %arg9[%add3A_677], %mul3A_845 {add = true} : memref<32768xf32, #tpu.memory_space<vmem>>[vector<16xi32>], vector<16xf32>,
        %mul3A_846 = arith.mulf %exp3A_818, %div3A : vector<16xf32>
        tpu.vector_store_idx %arg9[%add3A_681], %mul3A_846 {add = true} : memref<32768xf32, #tpu.memory_space<vmem>>[vector<16xi32>], vector<16xf32>,
        %mul3A_847 = arith.mulf %exp3A_821, %div3A : vector<16xf32>
        tpu.vector_store_idx %arg9[%add3A_685], %mul3A_847 {add = true} : memref<32768xf32, #tpu.memory_space<vmem>>[vector<16xi32>], vector<16xf32>,
        %mul3A_848 = arith.mulf %exp3A_824, %div3A : vector<16xf32>
        tpu.vector_store_idx %arg9[%add3A_689], %mul3A_848 {add = true} : memref<32768xf32, #tpu.memory_space<vmem>>[vector<16xi32>], vector<16xf32>,
        %mul3A_849 = arith.mulf %exp3A_827, %div3A : vector<16xf32>
        tpu.vector_store_idx %arg9[%add3A_693], %mul3A_849 {add = true} : memref<32768xf32, #tpu.memory_space<vmem>>[vector<16xi32>], vector<16xf32>,
        %mul3A_850 = arith.mulf %exp3A_830, %div3A : vector<16xf32>
        tpu.vector_store_idx %arg9[%add3A_697], %mul3A_850 masked %lt3A_5 {add = true} : memref<32768xf32, #tpu.memory_space<vmem>>[vector<16xi32>], vector<16xf32>, vector<16xi1>
        %scan3A_851 = arith.constant 0 : i32
        scf.yield %scan3A_851 : i32
      }
      %scan3A_554 = arith.constant 8 : i32
      %mul3A_555 = arith.constant 8 : i32
      %mul3A_556 = arith.muli %add3A_436, %mul3A_555 : i32
      %add3A_557 = arith.addi %mul3A_2, %mul3A_556 : i32
      %add3A_558 = arith.constant 0 : i32
      %add3A_559 = arith.addi %add3A_557, %add3A_558 : i32
      %add3A_560 = arith.constant 1 : i32
      %add3A_561 = arith.addi %add3A_557, %add3A_560 : i32
      %add3A_562 = arith.constant 2 : i32
      %add3A_563 = arith.addi %add3A_557, %add3A_562 : i32
      %add3A_564 = arith.constant 3 : i32
      %add3A_565 = arith.addi %add3A_557, %add3A_564 : i32
      %add3A_566 = arith.constant 4 : i32
      %add3A_567 = arith.addi %add3A_557, %add3A_566 : i32
      %add3A_568 = arith.constant 5 : i32
      %add3A_569 = arith.addi %add3A_557, %add3A_568 : i32
      %add3A_570 = arith.constant 6 : i32
      %add3A_571 = arith.addi %add3A_557, %add3A_570 : i32
      %add3A_572 = arith.constant 7 : i32
      %add3A_573 = arith.addi %add3A_557, %add3A_572 : i32
      %dma_start3A_574 = arith.constant 0 : i32
      %dma_start3A_575 = tpu.memref_slice %arg9[%dma_start3A_574] : memref<32768xf32, #tpu.memory_space<vmem>> -> memref<4096xf32, #tpu.memory_space<vmem>>
      %dma_start3A_576 = arith.constant 0 : i32
      %dma_start3A_577 = tpu.memref_slice %arg4[%add3A_559, %dma_start3A_576] : memref<4096x4096xf32, #tpu.memory_space<hbm>> -> memref<1x4096xf32, #tpu.memory_space<hbm>>
      %dma_start3A_578 = tpu.memref_squeeze %dma_start3A_577 : memref<1x4096xf32, #tpu.memory_space<hbm>> -> memref<4096xf32, #tpu.memory_space<hbm>>
      %dma_start3A_579 = arith.constant 0 : i32
      %dma_start3A_580 = tpu.memref_slice %arg4[%add3A_559, %dma_start3A_579] : memref<4096x4096xf32, #tpu.memory_space<hbm>> -> memref<1x4096xf32, #tpu.memory_space<hbm>>
      %dma_start3A_581 = tpu.memref_squeeze %dma_start3A_580 : memref<1x4096xf32, #tpu.memory_space<hbm>> -> memref<4096xf32, #tpu.memory_space<hbm>>
      %dma_start3A_582 = arith.constant 0 : i32
      %dma_start3A_583 = tpu.memref_slice %arg9[%dma_start3A_582] : memref<32768xf32, #tpu.memory_space<vmem>> -> memref<4096xf32, #tpu.memory_space<vmem>>
      tpu.enqueue_dma source(%dma_start3A_583 : memref<4096xf32, #tpu.memory_space<vmem>>) target(%dma_start3A_581 : memref<4096xf32, #tpu.memory_space<hbm>>) target_semaphore(%arg12 : memref<!tpu.dma_semaphore, #tpu.memory_space<semaphore_mem>>)
      %dma_start3A_584 = arith.constant 4096 : i32
      %dma_start3A_585 = tpu.memref_slice %arg9[%dma_start3A_584] : memref<32768xf32, #tpu.memory_space<vmem>> -> memref<4096xf32, #tpu.memory_space<vmem>>
      %dma_start3A_586 = arith.constant 0 : i32
      %dma_start3A_587 = tpu.memref_slice %arg4[%add3A_561, %dma_start3A_586] : memref<4096x4096xf32, #tpu.memory_space<hbm>> -> memref<1x4096xf32, #tpu.memory_space<hbm>>
      %dma_start3A_588 = tpu.memref_squeeze %dma_start3A_587 : memref<1x4096xf32, #tpu.memory_space<hbm>> -> memref<4096xf32, #tpu.memory_space<hbm>>
      %dma_start3A_589 = arith.constant 0 : i32
      %dma_start3A_590 = tpu.memref_slice %arg4[%add3A_561, %dma_start3A_589] : memref<4096x4096xf32, #tpu.memory_space<hbm>> -> memref<1x4096xf32, #tpu.memory_space<hbm>>
      %dma_start3A_591 = tpu.memref_squeeze %dma_start3A_590 : memref<1x4096xf32, #tpu.memory_space<hbm>> -> memref<4096xf32, #tpu.memory_space<hbm>>
      %dma_start3A_592 = arith.constant 4096 : i32
      %dma_start3A_593 = tpu.memref_slice %arg9[%dma_start3A_592] : memref<32768xf32, #tpu.memory_space<vmem>> -> memref<4096xf32, #tpu.memory_space<vmem>>
      tpu.enqueue_dma source(%dma_start3A_593 : memref<4096xf32, #tpu.memory_space<vmem>>) target(%dma_start3A_591 : memref<4096xf32, #tpu.memory_space<hbm>>) target_semaphore(%arg12 : memref<!tpu.dma_semaphore, #tpu.memory_space<semaphore_mem>>)
      %dma_start3A_594 = arith.constant 8192 : i32
      %dma_start3A_595 = tpu.memref_slice %arg9[%dma_start3A_594] : memref<32768xf32, #tpu.memory_space<vmem>> -> memref<4096xf32, #tpu.memory_space<vmem>>
      %dma_start3A_596 = arith.constant 0 : i32
      %dma_start3A_597 = tpu.memref_slice %arg4[%add3A_563, %dma_start3A_596] : memref<4096x4096xf32, #tpu.memory_space<hbm>> -> memref<1x4096xf32, #tpu.memory_space<hbm>>
      %dma_start3A_598 = tpu.memref_squeeze %dma_start3A_597 : memref<1x4096xf32, #tpu.memory_space<hbm>> -> memref<4096xf32, #tpu.memory_space<hbm>>
      %dma_start3A_599 = arith.constant 0 : i32
      %dma_start3A_600 = tpu.memref_slice %arg4[%add3A_563, %dma_start3A_599] : memref<4096x4096xf32, #tpu.memory_space<hbm>> -> memref<1x4096xf32, #tpu.memory_space<hbm>>
      %dma_start3A_601 = tpu.memref_squeeze %dma_start3A_600 : memref<1x4096xf32, #tpu.memory_space<hbm>> -> memref<4096xf32, #tpu.memory_space<hbm>>
      %dma_start3A_602 = arith.constant 8192 : i32
      %dma_start3A_603 = tpu.memref_slice %arg9[%dma_start3A_602] : memref<32768xf32, #tpu.memory_space<vmem>> -> memref<4096xf32, #tpu.memory_space<vmem>>
      tpu.enqueue_dma source(%dma_start3A_603 : memref<4096xf32, #tpu.memory_space<vmem>>) target(%dma_start3A_601 : memref<4096xf32, #tpu.memory_space<hbm>>) target_semaphore(%arg12 : memref<!tpu.dma_semaphore, #tpu.memory_space<semaphore_mem>>)
      %dma_start3A_604 = arith.constant 12288 : i32
      %dma_start3A_605 = tpu.memref_slice %arg9[%dma_start3A_604] : memref<32768xf32, #tpu.memory_space<vmem>> -> memref<4096xf32, #tpu.memory_space<vmem>>
      %dma_start3A_606 = arith.constant 0 : i32
      %dma_start3A_607 = tpu.memref_slice %arg4[%add3A_565, %dma_start3A_606] : memref<4096x4096xf32, #tpu.memory_space<hbm>> -> memref<1x4096xf32, #tpu.memory_space<hbm>>
      %dma_start3A_608 = tpu.memref_squeeze %dma_start3A_607 : memref<1x4096xf32, #tpu.memory_space<hbm>> -> memref<4096xf32, #tpu.memory_space<hbm>>
      %dma_start3A_609 = arith.constant 0 : i32
      %dma_start3A_610 = tpu.memref_slice %arg4[%add3A_565, %dma_start3A_609] : memref<4096x4096xf32, #tpu.memory_space<hbm>> -> memref<1x4096xf32, #tpu.memory_space<hbm>>
      %dma_start3A_611 = tpu.memref_squeeze %dma_start3A_610 : memref<1x4096xf32, #tpu.memory_space<hbm>> -> memref<4096xf32, #tpu.memory_space<hbm>>
      %dma_start3A_612 = arith.constant 12288 : i32
      %dma_start3A_613 = tpu.memref_slice %arg9[%dma_start3A_612] : memref<32768xf32, #tpu.memory_space<vmem>> -> memref<4096xf32, #tpu.memory_space<vmem>>
      tpu.enqueue_dma source(%dma_start3A_613 : memref<4096xf32, #tpu.memory_space<vmem>>) target(%dma_start3A_611 : memref<4096xf32, #tpu.memory_space<hbm>>) target_semaphore(%arg12 : memref<!tpu.dma_semaphore, #tpu.memory_space<semaphore_mem>>)
      %dma_start3A_614 = arith.constant 16384 : i32
      %dma_start3A_615 = tpu.memref_slice %arg9[%dma_start3A_614] : memref<32768xf32, #tpu.memory_space<vmem>> -> memref<4096xf32, #tpu.memory_space<vmem>>
      %dma_start3A_616 = arith.constant 0 : i32
      %dma_start3A_617 = tpu.memref_slice %arg4[%add3A_567, %dma_start3A_616] : memref<4096x4096xf32, #tpu.memory_space<hbm>> -> memref<1x4096xf32, #tpu.memory_space<hbm>>
      %dma_start3A_618 = tpu.memref_squeeze %dma_start3A_617 : memref<1x4096xf32, #tpu.memory_space<hbm>> -> memref<4096xf32, #tpu.memory_space<hbm>>
      %dma_start3A_619 = arith.constant 0 : i32
      %dma_start3A_620 = tpu.memref_slice %arg4[%add3A_567, %dma_start3A_619] : memref<4096x4096xf32, #tpu.memory_space<hbm>> -> memref<1x4096xf32, #tpu.memory_space<hbm>>
      %dma_start3A_621 = tpu.memref_squeeze %dma_start3A_620 : memref<1x4096xf32, #tpu.memory_space<hbm>> -> memref<4096xf32, #tpu.memory_space<hbm>>
      %dma_start3A_622 = arith.constant 16384 : i32
      %dma_start3A_623 = tpu.memref_slice %arg9[%dma_start3A_622] : memref<32768xf32, #tpu.memory_space<vmem>> -> memref<4096xf32, #tpu.memory_space<vmem>>
      tpu.enqueue_dma source(%dma_start3A_623 : memref<4096xf32, #tpu.memory_space<vmem>>) target(%dma_start3A_621 : memref<4096xf32, #tpu.memory_space<hbm>>) target_semaphore(%arg12 : memref<!tpu.dma_semaphore, #tpu.memory_space<semaphore_mem>>)
      %dma_start3A_624 = arith.constant 20480 : i32
      %dma_start3A_625 = tpu.memref_slice %arg9[%dma_start3A_624] : memref<32768xf32, #tpu.memory_space<vmem>> -> memref<4096xf32, #tpu.memory_space<vmem>>
      %dma_start3A_626 = arith.constant 0 : i32
      %dma_start3A_627 = tpu.memref_slice %arg4[%add3A_569, %dma_start3A_626] : memref<4096x4096xf32, #tpu.memory_space<hbm>> -> memref<1x4096xf32, #tpu.memory_space<hbm>>
      %dma_start3A_628 = tpu.memref_squeeze %dma_start3A_627 : memref<1x4096xf32, #tpu.memory_space<hbm>> -> memref<4096xf32, #tpu.memory_space<hbm>>
      %dma_start3A_629 = arith.constant 0 : i32
      %dma_start3A_630 = tpu.memref_slice %arg4[%add3A_569, %dma_start3A_629] : memref<4096x4096xf32, #tpu.memory_space<hbm>> -> memref<1x4096xf32, #tpu.memory_space<hbm>>
      %dma_start3A_631 = tpu.memref_squeeze %dma_start3A_630 : memref<1x4096xf32, #tpu.memory_space<hbm>> -> memref<4096xf32, #tpu.memory_space<hbm>>
      %dma_start3A_632 = arith.constant 20480 : i32
      %dma_start3A_633 = tpu.memref_slice %arg9[%dma_start3A_632] : memref<32768xf32, #tpu.memory_space<vmem>> -> memref<4096xf32, #tpu.memory_space<vmem>>
      tpu.enqueue_dma source(%dma_start3A_633 : memref<4096xf32, #tpu.memory_space<vmem>>) target(%dma_start3A_631 : memref<4096xf32, #tpu.memory_space<hbm>>) target_semaphore(%arg12 : memref<!tpu.dma_semaphore, #tpu.memory_space<semaphore_mem>>)
      %dma_start3A_634 = arith.constant 24576 : i32
      %dma_start3A_635 = tpu.memref_slice %arg9[%dma_start3A_634] : memref<32768xf32, #tpu.memory_space<vmem>> -> memref<4096xf32, #tpu.memory_space<vmem>>
      %dma_start3A_636 = arith.constant 0 : i32
      %dma_start3A_637 = tpu.memref_slice %arg4[%add3A_571, %dma_start3A_636] : memref<4096x4096xf32, #tpu.memory_space<hbm>> -> memref<1x4096xf32, #tpu.memory_space<hbm>>
      %dma_start3A_638 = tpu.memref_squeeze %dma_start3A_637 : memref<1x4096xf32, #tpu.memory_space<hbm>> -> memref<4096xf32, #tpu.memory_space<hbm>>
      %dma_start3A_639 = arith.constant 0 : i32
      %dma_start3A_640 = tpu.memref_slice %arg4[%add3A_571, %dma_start3A_639] : memref<4096x4096xf32, #tpu.memory_space<hbm>> -> memref<1x4096xf32, #tpu.memory_space<hbm>>
      %dma_start3A_641 = tpu.memref_squeeze %dma_start3A_640 : memref<1x4096xf32, #tpu.memory_space<hbm>> -> memref<4096xf32, #tpu.memory_space<hbm>>
      %dma_start3A_642 = arith.constant 24576 : i32
      %dma_start3A_643 = tpu.memref_slice %arg9[%dma_start3A_642] : memref<32768xf32, #tpu.memory_space<vmem>> -> memref<4096xf32, #tpu.memory_space<vmem>>
      tpu.enqueue_dma source(%dma_start3A_643 : memref<4096xf32, #tpu.memory_space<vmem>>) target(%dma_start3A_641 : memref<4096xf32, #tpu.memory_space<hbm>>) target_semaphore(%arg12 : memref<!tpu.dma_semaphore, #tpu.memory_space<semaphore_mem>>)
      %dma_start3A_644 = arith.constant 28672 : i32
      %dma_start3A_645 = tpu.memref_slice %arg9[%dma_start3A_644] : memref<32768xf32, #tpu.memory_space<vmem>> -> memref<4096xf32, #tpu.memory_space<vmem>>
      %dma_start3A_646 = arith.constant 0 : i32
      %dma_start3A_647 = tpu.memref_slice %arg4[%add3A_573, %dma_start3A_646] : memref<4096x4096xf32, #tpu.memory_space<hbm>> -> memref<1x4096xf32, #tpu.memory_space<hbm>>
      %dma_start3A_648 = tpu.memref_squeeze %dma_start3A_647 : memref<1x4096xf32, #tpu.memory_space<hbm>> -> memref<4096xf32, #tpu.memory_space<hbm>>
      %dma_start3A_649 = arith.constant 0 : i32
      %dma_start3A_650 = tpu.memref_slice %arg4[%add3A_573, %dma_start3A_649] : memref<4096x4096xf32, #tpu.memory_space<hbm>> -> memref<1x4096xf32, #tpu.memory_space<hbm>>
      %dma_start3A_651 = tpu.memref_squeeze %dma_start3A_650 : memref<1x4096xf32, #tpu.memory_space<hbm>> -> memref<4096xf32, #tpu.memory_space<hbm>>
      %dma_start3A_652 = arith.constant 28672 : i32
      %dma_start3A_653 = tpu.memref_slice %arg9[%dma_start3A_652] : memref<32768xf32, #tpu.memory_space<vmem>> -> memref<4096xf32, #tpu.memory_space<vmem>>
      tpu.enqueue_dma source(%dma_start3A_653 : memref<4096xf32, #tpu.memory_space<vmem>>) target(%dma_start3A_651 : memref<4096xf32, #tpu.memory_space<hbm>>) target_semaphore(%arg12 : memref<!tpu.dma_semaphore, #tpu.memory_space<semaphore_mem>>)
      %scan3A_654 = arith.constant 0 : i32
      scf.yield %scan3A_654 : i32
    }
    %scan3A_117 = arith.constant 8 : i32
    %add3A_118 = arith.constant 120 : i32
    %add3A_119 = arith.addi %mul3A_2, %add3A_118 : i32
    %add3A_120 = arith.constant 0 : i32
    %add3A_121 = arith.addi %add3A_119, %add3A_120 : i32
    %add3A_122 = arith.constant 1 : i32
    %add3A_123 = arith.addi %add3A_119, %add3A_122 : i32
    %add3A_124 = arith.constant 2 : i32
    %add3A_125 = arith.addi %add3A_119, %add3A_124 : i32
    %add3A_126 = arith.constant 3 : i32
    %add3A_127 = arith.addi %add3A_119, %add3A_126 : i32
    %add3A_128 = arith.constant 4 : i32
    %add3A_129 = arith.addi %add3A_119, %add3A_128 : i32
    %add3A_130 = arith.constant 5 : i32
    %add3A_131 = arith.addi %add3A_119, %add3A_130 : i32
    %add3A_132 = arith.constant 6 : i32
    %add3A_133 = arith.addi %add3A_119, %add3A_132 : i32
    %add3A_134 = arith.constant 7 : i32
    %add3A_135 = arith.addi %add3A_119, %add3A_134 : i32
    %dma_wait3A = arith.constant 0 : i32
    %dma_wait3A_136 = tpu.memref_slice %arg9[%dma_wait3A] : memref<32768xf32, #tpu.memory_space<vmem>> -> memref<4096xf32, #tpu.memory_space<vmem>>
    %dma_wait3A_137 = arith.constant 0 : i32
    %dma_wait3A_138 = tpu.memref_slice %arg4[%add3A_121, %dma_wait3A_137] : memref<4096x4096xf32, #tpu.memory_space<hbm>> -> memref<1x4096xf32, #tpu.memory_space<hbm>>
    %dma_wait3A_139 = tpu.memref_squeeze %dma_wait3A_138 : memref<1x4096xf32, #tpu.memory_space<hbm>> -> memref<4096xf32, #tpu.memory_space<hbm>>
    %dma_wait3A_140 = arith.constant 0 : i32
    %dma_wait3A_141 = tpu.memref_slice %arg4[%add3A_121, %dma_wait3A_140] : memref<4096x4096xf32, #tpu.memory_space<hbm>> -> memref<1x4096xf32, #tpu.memory_space<hbm>>
    %dma_wait3A_142 = tpu.memref_squeeze %dma_wait3A_141 : memref<1x4096xf32, #tpu.memory_space<hbm>> -> memref<4096xf32, #tpu.memory_space<hbm>>
    %dma_wait3A_143 = arith.constant 0 : i32
    %dma_wait3A_144 = tpu.memref_slice %arg9[%dma_wait3A_143] : memref<32768xf32, #tpu.memory_space<vmem>> -> memref<4096xf32, #tpu.memory_space<vmem>>
    tpu.wait_dma2 semaphore(%arg12 : memref<!tpu.dma_semaphore, #tpu.memory_space<semaphore_mem>>) src(%dma_wait3A_144 : memref<4096xf32, #tpu.memory_space<vmem>>) dst(%dma_wait3A_142 : memref<4096xf32, #tpu.memory_space<hbm>>)
    %dma_wait3A_145 = arith.constant 4096 : i32
    %dma_wait3A_146 = tpu.memref_slice %arg9[%dma_wait3A_145] : memref<32768xf32, #tpu.memory_space<vmem>> -> memref<4096xf32, #tpu.memory_space<vmem>>
    %dma_wait3A_147 = arith.constant 0 : i32
    %dma_wait3A_148 = tpu.memref_slice %arg4[%add3A_123, %dma_wait3A_147] : memref<4096x4096xf32, #tpu.memory_space<hbm>> -> memref<1x4096xf32, #tpu.memory_space<hbm>>
    %dma_wait3A_149 = tpu.memref_squeeze %dma_wait3A_148 : memref<1x4096xf32, #tpu.memory_space<hbm>> -> memref<4096xf32, #tpu.memory_space<hbm>>
    %dma_wait3A_150 = arith.constant 0 : i32
    %dma_wait3A_151 = tpu.memref_slice %arg4[%add3A_123, %dma_wait3A_150] : memref<4096x4096xf32, #tpu.memory_space<hbm>> -> memref<1x4096xf32, #tpu.memory_space<hbm>>
    %dma_wait3A_152 = tpu.memref_squeeze %dma_wait3A_151 : memref<1x4096xf32, #tpu.memory_space<hbm>> -> memref<4096xf32, #tpu.memory_space<hbm>>
    %dma_wait3A_153 = arith.constant 4096 : i32
    %dma_wait3A_154 = tpu.memref_slice %arg9[%dma_wait3A_153] : memref<32768xf32, #tpu.memory_space<vmem>> -> memref<4096xf32, #tpu.memory_space<vmem>>
    tpu.wait_dma2 semaphore(%arg12 : memref<!tpu.dma_semaphore, #tpu.memory_space<semaphore_mem>>) src(%dma_wait3A_154 : memref<4096xf32, #tpu.memory_space<vmem>>) dst(%dma_wait3A_152 : memref<4096xf32, #tpu.memory_space<hbm>>)
    %dma_wait3A_155 = arith.constant 8192 : i32
    %dma_wait3A_156 = tpu.memref_slice %arg9[%dma_wait3A_155] : memref<32768xf32, #tpu.memory_space<vmem>> -> memref<4096xf32, #tpu.memory_space<vmem>>
    %dma_wait3A_157 = arith.constant 0 : i32
    %dma_wait3A_158 = tpu.memref_slice %arg4[%add3A_125, %dma_wait3A_157] : memref<4096x4096xf32, #tpu.memory_space<hbm>> -> memref<1x4096xf32, #tpu.memory_space<hbm>>
    %dma_wait3A_159 = tpu.memref_squeeze %dma_wait3A_158 : memref<1x4096xf32, #tpu.memory_space<hbm>> -> memref<4096xf32, #tpu.memory_space<hbm>>
    %dma_wait3A_160 = arith.constant 0 : i32
    %dma_wait3A_161 = tpu.memref_slice %arg4[%add3A_125, %dma_wait3A_160] : memref<4096x4096xf32, #tpu.memory_space<hbm>> -> memref<1x4096xf32, #tpu.memory_space<hbm>>
    %dma_wait3A_162 = tpu.memref_squeeze %dma_wait3A_161 : memref<1x4096xf32, #tpu.memory_space<hbm>> -> memref<4096xf32, #tpu.memory_space<hbm>>
    %dma_wait3A_163 = arith.constant 8192 : i32
    %dma_wait3A_164 = tpu.memref_slice %arg9[%dma_wait3A_163] : memref<32768xf32, #tpu.memory_space<vmem>> -> memref<4096xf32, #tpu.memory_space<vmem>>
    tpu.wait_dma2 semaphore(%arg12 : memref<!tpu.dma_semaphore, #tpu.memory_space<semaphore_mem>>) src(%dma_wait3A_164 : memref<4096xf32, #tpu.memory_space<vmem>>) dst(%dma_wait3A_162 : memref<4096xf32, #tpu.memory_space<hbm>>)
    %dma_wait3A_165 = arith.constant 12288 : i32
    %dma_wait3A_166 = tpu.memref_slice %arg9[%dma_wait3A_165] : memref<32768xf32, #tpu.memory_space<vmem>> -> memref<4096xf32, #tpu.memory_space<vmem>>
    %dma_wait3A_167 = arith.constant 0 : i32
    %dma_wait3A_168 = tpu.memref_slice %arg4[%add3A_127, %dma_wait3A_167] : memref<4096x4096xf32, #tpu.memory_space<hbm>> -> memref<1x4096xf32, #tpu.memory_space<hbm>>
    %dma_wait3A_169 = tpu.memref_squeeze %dma_wait3A_168 : memref<1x4096xf32, #tpu.memory_space<hbm>> -> memref<4096xf32, #tpu.memory_space<hbm>>
    %dma_wait3A_170 = arith.constant 0 : i32
    %dma_wait3A_171 = tpu.memref_slice %arg4[%add3A_127, %dma_wait3A_170] : memref<4096x4096xf32, #tpu.memory_space<hbm>> -> memref<1x4096xf32, #tpu.memory_space<hbm>>
    %dma_wait3A_172 = tpu.memref_squeeze %dma_wait3A_171 : memref<1x4096xf32, #tpu.memory_space<hbm>> -> memref<4096xf32, #tpu.memory_space<hbm>>
    %dma_wait3A_173 = arith.constant 12288 : i32
    %dma_wait3A_174 = tpu.memref_slice %arg9[%dma_wait3A_173] : memref<32768xf32, #tpu.memory_space<vmem>> -> memref<4096xf32, #tpu.memory_space<vmem>>
    tpu.wait_dma2 semaphore(%arg12 : memref<!tpu.dma_semaphore, #tpu.memory_space<semaphore_mem>>) src(%dma_wait3A_174 : memref<4096xf32, #tpu.memory_space<vmem>>) dst(%dma_wait3A_172 : memref<4096xf32, #tpu.memory_space<hbm>>)
    %dma_wait3A_175 = arith.constant 16384 : i32
    %dma_wait3A_176 = tpu.memref_slice %arg9[%dma_wait3A_175] : memref<32768xf32, #tpu.memory_space<vmem>> -> memref<4096xf32, #tpu.memory_space<vmem>>
    %dma_wait3A_177 = arith.constant 0 : i32
    %dma_wait3A_178 = tpu.memref_slice %arg4[%add3A_129, %dma_wait3A_177] : memref<4096x4096xf32, #tpu.memory_space<hbm>> -> memref<1x4096xf32, #tpu.memory_space<hbm>>
    %dma_wait3A_179 = tpu.memref_squeeze %dma_wait3A_178 : memref<1x4096xf32, #tpu.memory_space<hbm>> -> memref<4096xf32, #tpu.memory_space<hbm>>
    %dma_wait3A_180 = arith.constant 0 : i32
    %dma_wait3A_181 = tpu.memref_slice %arg4[%add3A_129, %dma_wait3A_180] : memref<4096x4096xf32, #tpu.memory_space<hbm>> -> memref<1x4096xf32, #tpu.memory_space<hbm>>
    %dma_wait3A_182 = tpu.memref_squeeze %dma_wait3A_181 : memref<1x4096xf32, #tpu.memory_space<hbm>> -> memref<4096xf32, #tpu.memory_space<hbm>>
    %dma_wait3A_183 = arith.constant 16384 : i32
    %dma_wait3A_184 = tpu.memref_slice %arg9[%dma_wait3A_183] : memref<32768xf32, #tpu.memory_space<vmem>> -> memref<4096xf32, #tpu.memory_space<vmem>>
    tpu.wait_dma2 semaphore(%arg12 : memref<!tpu.dma_semaphore, #tpu.memory_space<semaphore_mem>>) src(%dma_wait3A_184 : memref<4096xf32, #tpu.memory_space<vmem>>) dst(%dma_wait3A_182 : memref<4096xf32, #tpu.memory_space<hbm>>)
    %dma_wait3A_185 = arith.constant 20480 : i32
    %dma_wait3A_186 = tpu.memref_slice %arg9[%dma_wait3A_185] : memref<32768xf32, #tpu.memory_space<vmem>> -> memref<4096xf32, #tpu.memory_space<vmem>>
    %dma_wait3A_187 = arith.constant 0 : i32
    %dma_wait3A_188 = tpu.memref_slice %arg4[%add3A_131, %dma_wait3A_187] : memref<4096x4096xf32, #tpu.memory_space<hbm>> -> memref<1x4096xf32, #tpu.memory_space<hbm>>
    %dma_wait3A_189 = tpu.memref_squeeze %dma_wait3A_188 : memref<1x4096xf32, #tpu.memory_space<hbm>> -> memref<4096xf32, #tpu.memory_space<hbm>>
    %dma_wait3A_190 = arith.constant 0 : i32
    %dma_wait3A_191 = tpu.memref_slice %arg4[%add3A_131, %dma_wait3A_190] : memref<4096x4096xf32, #tpu.memory_space<hbm>> -> memref<1x4096xf32, #tpu.memory_space<hbm>>
    %dma_wait3A_192 = tpu.memref_squeeze %dma_wait3A_191 : memref<1x4096xf32, #tpu.memory_space<hbm>> -> memref<4096xf32, #tpu.memory_space<hbm>>
    %dma_wait3A_193 = arith.constant 20480 : i32
    %dma_wait3A_194 = tpu.memref_slice %arg9[%dma_wait3A_193] : memref<32768xf32, #tpu.memory_space<vmem>> -> memref<4096xf32, #tpu.memory_space<vmem>>
    tpu.wait_dma2 semaphore(%arg12 : memref<!tpu.dma_semaphore, #tpu.memory_space<semaphore_mem>>) src(%dma_wait3A_194 : memref<4096xf32, #tpu.memory_space<vmem>>) dst(%dma_wait3A_192 : memref<4096xf32, #tpu.memory_space<hbm>>)
    %dma_wait3A_195 = arith.constant 24576 : i32
    %dma_wait3A_196 = tpu.memref_slice %arg9[%dma_wait3A_195] : memref<32768xf32, #tpu.memory_space<vmem>> -> memref<4096xf32, #tpu.memory_space<vmem>>
    %dma_wait3A_197 = arith.constant 0 : i32
    %dma_wait3A_198 = tpu.memref_slice %arg4[%add3A_133, %dma_wait3A_197] : memref<4096x4096xf32, #tpu.memory_space<hbm>> -> memref<1x4096xf32, #tpu.memory_space<hbm>>
    %dma_wait3A_199 = tpu.memref_squeeze %dma_wait3A_198 : memref<1x4096xf32, #tpu.memory_space<hbm>> -> memref<4096xf32, #tpu.memory_space<hbm>>
    %dma_wait3A_200 = arith.constant 0 : i32
    %dma_wait3A_201 = tpu.memref_slice %arg4[%add3A_133, %dma_wait3A_200] : memref<4096x4096xf32, #tpu.memory_space<hbm>> -> memref<1x4096xf32, #tpu.memory_space<hbm>>
    %dma_wait3A_202 = tpu.memref_squeeze %dma_wait3A_201 : memref<1x4096xf32, #tpu.memory_space<hbm>> -> memref<4096xf32, #tpu.memory_space<hbm>>
    %dma_wait3A_203 = arith.constant 24576 : i32
    %dma_wait3A_204 = tpu.memref_slice %arg9[%dma_wait3A_203] : memref<32768xf32, #tpu.memory_space<vmem>> -> memref<4096xf32, #tpu.memory_space<vmem>>
    tpu.wait_dma2 semaphore(%arg12 : memref<!tpu.dma_semaphore, #tpu.memory_space<semaphore_mem>>) src(%dma_wait3A_204 : memref<4096xf32, #tpu.memory_space<vmem>>) dst(%dma_wait3A_202 : memref<4096xf32, #tpu.memory_space<hbm>>)
    %dma_wait3A_205 = arith.constant 28672 : i32
    %dma_wait3A_206 = tpu.memref_slice %arg9[%dma_wait3A_205] : memref<32768xf32, #tpu.memory_space<vmem>> -> memref<4096xf32, #tpu.memory_space<vmem>>
    %dma_wait3A_207 = arith.constant 0 : i32
    %dma_wait3A_208 = tpu.memref_slice %arg4[%add3A_135, %dma_wait3A_207] : memref<4096x4096xf32, #tpu.memory_space<hbm>> -> memref<1x4096xf32, #tpu.memory_space<hbm>>
    %dma_wait3A_209 = tpu.memref_squeeze %dma_wait3A_208 : memref<1x4096xf32, #tpu.memory_space<hbm>> -> memref<4096xf32, #tpu.memory_space<hbm>>
    %dma_wait3A_210 = arith.constant 0 : i32
    %dma_wait3A_211 = tpu.memref_slice %arg4[%add3A_135, %dma_wait3A_210] : memref<4096x4096xf32, #tpu.memory_space<hbm>> -> memref<1x4096xf32, #tpu.memory_space<hbm>>
    %dma_wait3A_212 = tpu.memref_squeeze %dma_wait3A_211 : memref<1x4096xf32, #tpu.memory_space<hbm>> -> memref<4096xf32, #tpu.memory_space<hbm>>
    %dma_wait3A_213 = arith.constant 28672 : i32
    %dma_wait3A_214 = tpu.memref_slice %arg9[%dma_wait3A_213] : memref<32768xf32, #tpu.memory_space<vmem>> -> memref<4096xf32, #tpu.memory_space<vmem>>
    tpu.wait_dma2 semaphore(%arg12 : memref<!tpu.dma_semaphore, #tpu.memory_space<semaphore_mem>>) src(%dma_wait3A_214 : memref<4096xf32, #tpu.memory_space<vmem>>) dst(%dma_wait3A_212 : memref<4096xf32, #tpu.memory_space<hbm>>)
    return
  }
}

module attributes {stable_mosaic.version = 14 : i64} {
  func.func @_proj_body(%arg0: i32, %arg1: memref<1x4096x128xf32, #tpu.memory_space<vmem>>, %arg2: memref<128x128xf32, #tpu.memory_space<vmem>>, %arg3: memref<1x128xf32, #tpu.memory_space<vmem>>, %arg4: memref<128x132xf32, #tpu.memory_space<vmem>>, %arg5: memref<1x132xf32, #tpu.memory_space<vmem>>, %arg6: memref<128x132xf32, #tpu.memory_space<vmem>>, %arg7: memref<1x132xf32, #tpu.memory_space<vmem>>, %arg8: memref<1x4096x128xf32, #tpu.memory_space<vmem>>, %arg9: memref<1x4096x132xf32, #tpu.memory_space<vmem>>, %arg10: memref<1x4096x132xf32, #tpu.memory_space<vmem>>) attributes {dimension_semantics = [#tpu.dimension_semantics<arbitrary>], iteration_bounds = array<i64: 2>, scalar_prefetch = 0 : i64, scratch_operands = 0 : i64, tpu.core_type = #tpu.core_type<tc>, window_params = [{transform_indices = @transform_0, window_bounds = array<i64: 1, 4096, 128>}, {pipeline_mode = #tpu.pipeline_mode<synchronous>, transform_indices = @transform_1, window_bounds = array<i64: 128, 128>}, {pipeline_mode = #tpu.pipeline_mode<synchronous>, transform_indices = @transform_2, window_bounds = array<i64: 1, 128>}, {pipeline_mode = #tpu.pipeline_mode<synchronous>, transform_indices = @transform_3, window_bounds = array<i64: 128, 132>}, {pipeline_mode = #tpu.pipeline_mode<synchronous>, transform_indices = @transform_4, window_bounds = array<i64: 1, 132>}, {pipeline_mode = #tpu.pipeline_mode<synchronous>, transform_indices = @transform_5, window_bounds = array<i64: 128, 132>}, {pipeline_mode = #tpu.pipeline_mode<synchronous>, transform_indices = @transform_6, window_bounds = array<i64: 1, 132>}, {transform_indices = @transform_7, window_bounds = array<i64: 1, 4096, 128>}, {transform_indices = @transform_8, window_bounds = array<i64: 1, 4096, 132>}, {transform_indices = @transform_9, window_bounds = array<i64: 1, 4096, 132>}]} {
    %get3A = arith.constant 0 : index
    %get3A_0 = arith.constant 0 : index
    %get3A_1 = arith.constant 0 : index
    %get3A_2 = vector.load %arg1[%get3A, %get3A_0, %get3A_1] : memref<1x4096x128xf32, #tpu.memory_space<vmem>>, vector<1x4096x128xf32>
    %get3A_3 = vector.shape_cast %get3A_2 : vector<1x4096x128xf32> to vector<4096x128xf32>
    %get3A_4 = arith.constant 0 : index
    %get3A_5 = arith.constant 0 : index
    %get3A_6 = vector.load %arg2[%get3A_4, %get3A_5] : memref<128x128xf32, #tpu.memory_space<vmem>>, vector<128x128xf32>
    %dot_general3A = arith.constant dense<0.000000e+00> : vector<4096x128xf32>
    %dot_general3A_7 = tpu.matmul %get3A_3, %get3A_6, %dot_general3A {dimension_numbers = #tpu.dot_dimension_numbers<[1], [0], [0], [1], [0, 0, 1, 1], [], []>, transpose_lhs_hint = false} : vector<4096x128xf32>, vector<128x128xf32>, vector<4096x128xf32> -> vector<4096x128xf32>
    %get3A_8 = arith.constant 0 : index
    %get3A_9 = arith.constant 0 : index
    %get3A_10 = vector.load %arg3[%get3A_8, %get3A_9] : memref<1x128xf32, #tpu.memory_space<vmem>>, vector<1x128xf32>
    %add3A = vector.broadcast %get3A_10 : vector<1x128xf32> to vector<4096x128xf32>
    %add3A_11 = arith.addf %dot_general3A_7, %add3A : vector<4096x128xf32>
    %slice3A = vector.extract_strided_slice %get3A_3 {offsets = [0, 3], sizes = [4096, 1], strides = [1, 1]} : vector<4096x128xf32> to vector<4096x1xf32>
    %gt3A = arith.constant 0.000000e+00 : f32
    %gt3A_12 = vector.broadcast %gt3A : f32 to vector<4096x1xf32>
    %gt3A_13 = arith.cmpf ogt, %slice3A, %gt3A_12 : vector<4096x1xf32>
    %convert_element_type3A = arith.extui %gt3A_13 : vector<4096x1xi1> to vector<4096x1xi32>
    %convert_element_type3A_14 = arith.sitofp %convert_element_type3A : vector<4096x1xi32> to vector<4096x1xf32>
    %mul3A = vector.broadcast %convert_element_type3A_14 : vector<4096x1xf32> to vector<4096x128xf32>
    %mul3A_15 = arith.mulf %add3A_11, %mul3A : vector<4096x128xf32>
    %swap3A = arith.constant 0 : index
    %swap3A_16 = arith.constant 0 : index
    %swap3A_17 = arith.constant 0 : index
    %swap3A_18 = vector.load %arg8[%swap3A, %swap3A_16, %swap3A_17] : memref<1x4096x128xf32, #tpu.memory_space<vmem>>, vector<1x4096x128xf32>
    %swap3A_19 = vector.shape_cast %swap3A_18 : vector<1x4096x128xf32> to vector<4096x128xf32>
    %swap3A_20 = vector.shape_cast %mul3A_15 : vector<4096x128xf32> to vector<1x4096x128xf32>
    tpu.vector_store %arg8[%swap3A, %swap3A_16, %swap3A_17], %swap3A_20 {strides = array<i32>} : memref<1x4096x128xf32, #tpu.memory_space<vmem>>, vector<1x4096x128xf32>,
    %get3A_21 = arith.constant 0 : index
    %get3A_22 = arith.constant 0 : index
    %get3A_23 = vector.load %arg4[%get3A_21, %get3A_22] : memref<128x132xf32, #tpu.memory_space<vmem>>, vector<128x132xf32>
    %dot_general3A_24 = arith.constant dense<0.000000e+00> : vector<4096x132xf32>
    %dot_general3A_25 = tpu.matmul %add3A_11, %get3A_23, %dot_general3A_24 {dimension_numbers = #tpu.dot_dimension_numbers<[1], [0], [0], [1], [0, 0, 1, 1], [], []>, transpose_lhs_hint = false} : vector<4096x128xf32>, vector<128x132xf32>, vector<4096x132xf32> -> vector<4096x132xf32>
    %get3A_26 = arith.constant 0 : index
    %get3A_27 = arith.constant 0 : index
    %get3A_28 = vector.load %arg5[%get3A_26, %get3A_27] : memref<1x132xf32, #tpu.memory_space<vmem>>, vector<1x132xf32>
    %add3A_29 = vector.broadcast %get3A_28 : vector<1x132xf32> to vector<4096x132xf32>
    %add3A_30 = arith.addf %dot_general3A_25, %add3A_29 : vector<4096x132xf32>
    %swap3A_31 = arith.constant 0 : index
    %swap3A_32 = arith.constant 0 : index
    %swap3A_33 = arith.constant 0 : index
    %swap3A_34 = vector.load %arg9[%swap3A_31, %swap3A_32, %swap3A_33] : memref<1x4096x132xf32, #tpu.memory_space<vmem>>, vector<1x4096x132xf32>
    %swap3A_35 = vector.shape_cast %swap3A_34 : vector<1x4096x132xf32> to vector<4096x132xf32>
    %swap3A_36 = vector.shape_cast %add3A_30 : vector<4096x132xf32> to vector<1x4096x132xf32>
    tpu.vector_store %arg9[%swap3A_31, %swap3A_32, %swap3A_33], %swap3A_36 {strides = array<i32>} : memref<1x4096x132xf32, #tpu.memory_space<vmem>>, vector<1x4096x132xf32>,
    %get3A_37 = arith.constant 0 : index
    %get3A_38 = arith.constant 0 : index
    %get3A_39 = vector.load %arg6[%get3A_37, %get3A_38] : memref<128x132xf32, #tpu.memory_space<vmem>>, vector<128x132xf32>
    %dot_general3A_40 = arith.constant dense<0.000000e+00> : vector<4096x132xf32>
    %dot_general3A_41 = tpu.matmul %add3A_11, %get3A_39, %dot_general3A_40 {dimension_numbers = #tpu.dot_dimension_numbers<[1], [0], [0], [1], [0, 0, 1, 1], [], []>, transpose_lhs_hint = false} : vector<4096x128xf32>, vector<128x132xf32>, vector<4096x132xf32> -> vector<4096x132xf32>
    %get3A_42 = arith.constant 0 : index
    %get3A_43 = arith.constant 0 : index
    %get3A_44 = vector.load %arg7[%get3A_42, %get3A_43] : memref<1x132xf32, #tpu.memory_space<vmem>>, vector<1x132xf32>
    %add3A_45 = vector.broadcast %get3A_44 : vector<1x132xf32> to vector<4096x132xf32>
    %add3A_46 = arith.addf %dot_general3A_41, %add3A_45 : vector<4096x132xf32>
    %swap3A_47 = arith.constant 0 : index
    %swap3A_48 = arith.constant 0 : index
    %swap3A_49 = arith.constant 0 : index
    %swap3A_50 = vector.load %arg10[%swap3A_47, %swap3A_48, %swap3A_49] : memref<1x4096x132xf32, #tpu.memory_space<vmem>>, vector<1x4096x132xf32>
    %swap3A_51 = vector.shape_cast %swap3A_50 : vector<1x4096x132xf32> to vector<4096x132xf32>
    %swap3A_52 = vector.shape_cast %add3A_46 : vector<4096x132xf32> to vector<1x4096x132xf32>
    tpu.vector_store %arg10[%swap3A_47, %swap3A_48, %swap3A_49], %swap3A_52 {strides = array<i32>} : memref<1x4096x132xf32, #tpu.memory_space<vmem>>, vector<1x4096x132xf32>,
    return
  }
  func.func @transform_0(%arg0: i32) -> (i32, i32, i32) {
    %c0_i32 = arith.constant 0 : i32
    %c0_i32_0 = arith.constant 0 : i32
    %c0_i32_1 = arith.constant 0 : i32
    return %arg0, %c0_i32, %c0_i32_0 : i32, i32, i32
  }
  func.func @transform_1(%arg0: i32) -> (i32, i32) {
    %c0_i32 = arith.constant 0 : i32
    %c0_i32_0 = arith.constant 0 : i32
    %c0_i32_1 = arith.constant 0 : i32
    return %c0_i32, %c0_i32_0 : i32, i32
  }
  func.func @transform_2(%arg0: i32) -> (i32, i32) {
    %c0_i32 = arith.constant 0 : i32
    %c0_i32_0 = arith.constant 0 : i32
    %c0_i32_1 = arith.constant 0 : i32
    return %c0_i32, %c0_i32_0 : i32, i32
  }
  func.func @transform_3(%arg0: i32) -> (i32, i32) {
    %c0_i32 = arith.constant 0 : i32
    %c0_i32_0 = arith.constant 0 : i32
    %c0_i32_1 = arith.constant 0 : i32
    return %c0_i32, %c0_i32_0 : i32, i32
  }
  func.func @transform_4(%arg0: i32) -> (i32, i32) {
    %c0_i32 = arith.constant 0 : i32
    %c0_i32_0 = arith.constant 0 : i32
    %c0_i32_1 = arith.constant 0 : i32
    return %c0_i32, %c0_i32_0 : i32, i32
  }
  func.func @transform_5(%arg0: i32) -> (i32, i32) {
    %c0_i32 = arith.constant 0 : i32
    %c0_i32_0 = arith.constant 0 : i32
    %c0_i32_1 = arith.constant 0 : i32
    return %c0_i32, %c0_i32_0 : i32, i32
  }
  func.func @transform_6(%arg0: i32) -> (i32, i32) {
    %c0_i32 = arith.constant 0 : i32
    %c0_i32_0 = arith.constant 0 : i32
    %c0_i32_1 = arith.constant 0 : i32
    return %c0_i32, %c0_i32_0 : i32, i32
  }
  func.func @transform_7(%arg0: i32) -> (i32, i32, i32) {
    %c0_i32 = arith.constant 0 : i32
    %c0_i32_0 = arith.constant 0 : i32
    %c0_i32_1 = arith.constant 0 : i32
    return %arg0, %c0_i32, %c0_i32_0 : i32, i32, i32
  }
  func.func @transform_8(%arg0: i32) -> (i32, i32, i32) {
    %c0_i32 = arith.constant 0 : i32
    %c0_i32_0 = arith.constant 0 : i32
    %c0_i32_1 = arith.constant 0 : i32
    return %arg0, %c0_i32, %c0_i32_0 : i32, i32, i32
  }
  func.func @transform_9(%arg0: i32) -> (i32, i32, i32) {
    %c0_i32 = arith.constant 0 : i32
    %c0_i32_0 = arith.constant 0 : i32
    %c0_i32_1 = arith.constant 0 : i32
    return %arg0, %c0_i32, %c0_i32_0 : i32, i32, i32
  }
}

module attributes {stable_mosaic.version = 14 : i64} {
  func.func @_logits_body(%arg0: i32, %arg1: memref<256x132xf32, #tpu.memory_space<vmem>>, %arg2: memref<4096x132xf32, #tpu.memory_space<vmem>>, %arg3: memref<256x2048xi32, #tpu.memory_space<vmem>>) attributes {dimension_semantics = [#tpu.dimension_semantics<arbitrary>], iteration_bounds = array<i64: 16>, scalar_prefetch = 0 : i64, scratch_operands = 0 : i64, tpu.core_type = #tpu.core_type<tc>, window_params = [{transform_indices = @transform_0, window_bounds = array<i64: 256, 132>}, {pipeline_mode = #tpu.pipeline_mode<synchronous>, transform_indices = @transform_1, window_bounds = array<i64: 4096, 132>}, {transform_indices = @transform_2, window_bounds = array<i64: 256, 2048>}]} {
    %get3A = arith.constant 0 : index
    %get3A_0 = arith.constant 0 : index
    %get3A_1 = vector.load %arg1[%get3A, %get3A_0] : memref<256x132xf32, #tpu.memory_space<vmem>>, vector<256x132xf32>
    %convert_element_type3A = arith.truncf %get3A_1 : vector<256x132xf32> to vector<256x132xbf16>
    %get3A_2 = arith.constant 0 : index
    %get3A_3 = arith.constant 0 : index
    %get3A_4 = vector.load %arg2[%get3A_2, %get3A_3] : memref<4096x132xf32, #tpu.memory_space<vmem>>, vector<4096x132xf32>
    %convert_element_type3A_5 = arith.truncf %get3A_4 : vector<4096x132xf32> to vector<4096x132xbf16>
    %dot_general3A = arith.constant dense<0.000000e+00> : vector<256x4096xf32>
    %dot_general3A_6 = tpu.matmul %convert_element_type3A, %convert_element_type3A_5, %dot_general3A {dimension_numbers = #tpu.dot_dimension_numbers<[1], [1], [0], [0], [0, 0, 1, 0], [], []>, transpose_lhs_hint = false} : vector<256x132xbf16>, vector<4096x132xbf16>, vector<256x4096xf32> -> vector<256x4096xf32>
    %slice3A = vector.extract_strided_slice %dot_general3A_6 {offsets = [0, 0], sizes = [256, 2048], strides = [1, 1]} : vector<256x4096xf32> to vector<256x2048xf32>
    %convert_element_type3A_7 = arith.truncf %slice3A : vector<256x2048xf32> to vector<256x2048xbf16>
    %bitcast_convert_type3A = tpu.bitcast %convert_element_type3A_7 : vector<256x2048xbf16> -> vector<256x2048xi16>
    %convert_element_type3A_8 = arith.extui %bitcast_convert_type3A : vector<256x2048xi16> to vector<256x2048xi32>
    %slice3A_9 = vector.extract_strided_slice %dot_general3A_6 {offsets = [0, 2048], sizes = [256, 2048], strides = [1, 1]} : vector<256x4096xf32> to vector<256x2048xf32>
    %convert_element_type3A_10 = arith.truncf %slice3A_9 : vector<256x2048xf32> to vector<256x2048xbf16>
    %bitcast_convert_type3A_11 = tpu.bitcast %convert_element_type3A_10 : vector<256x2048xbf16> -> vector<256x2048xi16>
    %convert_element_type3A_12 = arith.extui %bitcast_convert_type3A_11 : vector<256x2048xi16> to vector<256x2048xi32>
    %shift_left3A = arith.constant 16 : i32
    %shift_left3A_13 = vector.broadcast %shift_left3A : i32 to vector<256x2048xi32>
    %shift_left3A_14 = arith.shli %convert_element_type3A_12, %shift_left3A_13 : vector<256x2048xi32>
    %or3A = arith.ori %shift_left3A_14, %convert_element_type3A_8 : vector<256x2048xi32>
    %swap3A = arith.constant 0 : index
    %swap3A_15 = arith.constant 0 : index
    %swap3A_16 = vector.load %arg3[%swap3A, %swap3A_15] : memref<256x2048xi32, #tpu.memory_space<vmem>>, vector<256x2048xi32>
    tpu.vector_store %arg3[%swap3A, %swap3A_15], %or3A {strides = array<i32>} : memref<256x2048xi32, #tpu.memory_space<vmem>>, vector<256x2048xi32>,
    return
  }
  func.func @transform_0(%arg0: i32) -> (i32, i32) {
    %c0_i32 = arith.constant 0 : i32
    %c0_i32_0 = arith.constant 0 : i32
    return %arg0, %c0_i32 : i32, i32
  }
  func.func @transform_1(%arg0: i32) -> (i32, i32) {
    %c0_i32 = arith.constant 0 : i32
    %c0_i32_0 = arith.constant 0 : i32
    %c0_i32_1 = arith.constant 0 : i32
    return %c0_i32, %c0_i32_0 : i32, i32
  }
  func.func @transform_2(%arg0: i32) -> (i32, i32) {
    %c0_i32 = arith.constant 0 : i32
    %c0_i32_0 = arith.constant 0 : i32
    return %arg0, %c0_i32 : i32, i32
  }
}

module attributes {stable_mosaic.version = 14 : i64} {
  func.func @_out_body(%arg0: i32, %arg1: memref<4096x256xf32, #tpu.memory_space<vmem>>, %arg2: memref<4096x128xf32, #tpu.memory_space<vmem>>, %arg3: memref<256x128xf32, #tpu.memory_space<vmem>>) attributes {dimension_semantics = [#tpu.dimension_semantics<arbitrary>], iteration_bounds = array<i64: 16>, scalar_prefetch = 0 : i64, scratch_operands = 0 : i64, tpu.core_type = #tpu.core_type<tc>, window_params = [{transform_indices = @transform_0, window_bounds = array<i64: 4096, 256>}, {pipeline_mode = #tpu.pipeline_mode<synchronous>, transform_indices = @transform_1, window_bounds = array<i64: 4096, 128>}, {transform_indices = @transform_2, window_bounds = array<i64: 256, 128>}]} {
    %get3A = arith.constant 0 : index
    %get3A_0 = arith.constant 0 : index
    %get3A_1 = vector.load %arg1[%get3A, %get3A_0] : memref<4096x256xf32, #tpu.memory_space<vmem>>, vector<4096x256xf32>
    %get3A_2 = arith.constant 0 : index
    %get3A_3 = arith.constant 0 : index
    %get3A_4 = vector.load %arg2[%get3A_2, %get3A_3] : memref<4096x128xf32, #tpu.memory_space<vmem>>, vector<4096x128xf32>
    %dot_general3A = arith.constant dense<0.000000e+00> : vector<256x128xf32>
    %dot_general3A_5 = tpu.matmul %get3A_1, %get3A_4, %dot_general3A {dimension_numbers = #tpu.dot_dimension_numbers<[0], [0], [1], [1], [0, 1, 1, 1], [], []>, transpose_lhs_hint = false} : vector<4096x256xf32>, vector<4096x128xf32>, vector<256x128xf32> -> vector<256x128xf32>
    %swap3A = arith.constant 0 : index
    %swap3A_6 = arith.constant 0 : index
    %swap3A_7 = vector.load %arg3[%swap3A, %swap3A_6] : memref<256x128xf32, #tpu.memory_space<vmem>>, vector<256x128xf32>
    tpu.vector_store %arg3[%swap3A, %swap3A_6], %dot_general3A_5 {strides = array<i32>} : memref<256x128xf32, #tpu.memory_space<vmem>>, vector<256x128xf32>,
    return
  }
  func.func @transform_0(%arg0: i32) -> (i32, i32) {
    %c0_i32 = arith.constant 0 : i32
    %c0_i32_0 = arith.constant 0 : i32
    return %c0_i32, %arg0 : i32, i32
  }
  func.func @transform_1(%arg0: i32) -> (i32, i32) {
    %c0_i32 = arith.constant 0 : i32
    %c0_i32_0 = arith.constant 0 : i32
    %c0_i32_1 = arith.constant 0 : i32
    return %c0_i32, %c0_i32_0 : i32, i32
  }
  func.func @transform_2(%arg0: i32) -> (i32, i32) {
    %c0_i32 = arith.constant 0 : i32
    %c0_i32_0 = arith.constant 0 : i32
    return %arg0, %c0_i32 : i32, i32
  }
}

</mosaic_0001>

<sc_bundles>
// kernel: kernel.12.cloned.1.call-start
scs
__scs_entry_jumppad:
0x0: {  	(pc) =	sbr.rel $0x88, $3  }
0x1: {  	(tag) =	ssettag $0x0;
	lr =	simm.s32 $0x1  }
0x2: {  	[smem:$0x3F97] =	sst lr;
	_ =	strace $0xD0000000  }
0x3: {  	_ = 	snop  }
0x4: {  	_ = 	snop  }
0x5: {  	_ = 	snop  }
0x6: {  	_ = 	snop  }
0x7: {  	_ = 	snop  }
__scs_overlays_trampoline_lowered:
0x8: {  	[smem:$0x3FA6] =	sst s0  }
0x9: {  	[smem:$0x3FA7] =	sst s1  }
0xa: {  	[smem:$0x3FA8] =	sst s2  }
0xb: {  	[smem:$0x3FA9] =	sst s3  }
0xc: {  	[smem:$0x3FAA] =	sst s4  }
0xd: {  	[smem:$0x3FAB] =	sst s5  }
0xe: {  	[smem:$0x3FAC] =	sst s6  }
0xf: {  	[smem:$0x3FAD] =	sst s7  }
0x10: {  	[smem:$0x3FAE] =	sst s8  }
0x11: {  	[smem:$0x3FAF] =	sst s9;
	s0 =	simm.s32 @!p0 $0x0  }
0x12: {  	s1 =	sld [smem:$0x3F95];
	s0 =	simm.s32 @p0 $0x1  }
0x13: {  	[smem:$0x3FB0] =	sst s0;
	s0 =	simm.s32 @!p1 $0x0  }
0x14: {  	s2 =	sld [smem:$0x3F94];
	s0 =	simm.s32 @p1 $0x1  }
0x15: {  	[smem:$0x3FB1] =	sst s0;
	s0 =	simm.s32 @!p2 $0x0  }
0x16: {  	s3 =	sld [smem:$0x3FDB];
	s0 =	simm.s32 @p2 $0x1  }
0x17: {  	s4 =	simm.s32 $0x1BF5;
	[smem:$0x3FB3] =	sst s0  }
0x18: {  	s0 =	sld [smem:$0x3F96];
	_ =	swait.ge [sflag:s4], $0x0  }
0x19: {  	s7 =	sld [smem:$0x3F97]  }
0x1a: {  	s8 =	sadd.s32 $0xFFFFE003, lr  }
0x1b: {  	s9 =	sadd.s32 $0xFFFFFEF7, lr;
	s5 =	simm.s32 $0xFFFFFFFF;
	p2 =	slt.u32 s8, $0xFFFFF086  }
0x1c: {  	p1 =	slt.u32 s9, $0xF7A;
	s5 =	simm.s32 @!p2 $0x0  }
0x1d: {  	s5 =	simm.s32 @p1 $0x1;
	p0 =	seq.s32 s7, s2  }
0x1e: {  	s7 =	smul.u32 @!p0 $0xF7A, s2;
	p2 =	seq.s32 @!p0 s5, $0x0  }
0x1f: {  	s9 =	smul.u32 $0xF7A, s1;
	s8 =	simm.s32 @!p0 $0x1BF5;
	p2 =	por !p2, p0  }
0x20: {  	[sflag:s8] =	ssyncset.s32 @!p0 $0xFFFFF086;
	s6 =	sadd.s32 @!p0 s3, s7;
	s7 =	simm.s32 @!p0 $0x108  }
0x21: {  	s3 =	sadd.s32 s3, s9;
	s6 =	sadd.s32 @!p0 $0x88, s6;
	s7 =	simm.s32 @p2 $0x1082  }
0x22: {  	[simem:s7], [sflag:s8] =	dma.local @!p0 [hbm:s6], $0xF7A  }
0x23: {  	s9 =	sor.u32 $0xD0000000, s2;
	s6 =	simm.s32 $0x108;
	_ =	swait.ge @!p0 [sflag:s8], $0x0  }
0x24: {  	s3 =	sadd.s32 $0x88, s3;
	s6 =	simm.s32 @!p1 $0x1082;
	[sflag:s4] =	ssyncset.s32 $0xFFFFF086  }
0x25: {  	[simem:s6], [sflag:s4] =	dma.local [hbm:s3], $0xF7A  }
0x26: {  	[smem:$0x3F97] =	sst s1;
	(tag) =	ssettag s2;
	_ =	strace s9  }
0x27: {  	s1 =	sld [smem:$0x3FA7]  }
0x28: {  	s2 =	sld [smem:$0x3FA8]  }
0x29: {  	s4 =	sld [smem:$0x3FAA]  }
0x2a: {  	p0 =	seq.s32 s5, $0x0;
	s5 =	sld [smem:$0x3FAB]  }
0x2b: {  	s6 =	sld [smem:$0x3FAC]  }
0x2c: {  	s7 =	sld [smem:$0x3FAD]  }
0x2d: {  	s3 =	simm.s32 $0x108;
	s8 =	sld [smem:$0x3FAE]  }
0x2e: {  	s3 =	simm.s32 @!p0 $0x1082;
	s9 =	sld [smem:$0x3FAF]  }
0x2f: {  	lr =	sadd.s32 s0, s3;
	s0 =	sld [smem:$0x3FA6]  }
0x30: {  	s3 =	sld [smem:$0x3FA9]  }
0x31: {  	[smem:$0x3FB2] =	sst s10  }
0x32: {  	s10 =	sld [smem:$0x3FB0];
	_ =	sdelay $0x3  }
0x33: {  	p0 =	seq.s32 s10, $0x1;
	s10 =	sld [smem:$0x3FB2];
	_ =	sdelay $0x3  }
0x34: {  	[smem:$0x3FB2] =	sst s10  }
0x35: {  	s10 =	sld [smem:$0x3FB1];
	_ =	sdelay $0x3  }
0x36: {  	p1 =	seq.s32 s10, $0x1;
	s10 =	sld [smem:$0x3FB2];
	_ =	sdelay $0x3  }
0x37: {  	[smem:$0x3FB2] =	sst s10  }
0x38: {  	s10 =	sld [smem:$0x3FB3]  }
0x39: {  	_ = 	snop;
	(pc) =	sbr.ind lr, $3  }
0x3a: {  	_ = 	snop  }
0x3b: {  	_ = 	snop  }
0x3c: {  	p2 =	seq.s32 s10, $0x1;
	s10 =	sld [smem:$0x3FB2]  }
0x3d: {  	_ =	shalt  }
0x3e: {  	_ =	shalt  }
0x3f: {  	_ =	shalt  }
0x40: {  	_ =	shalt  }
0x41: {  	_ =	shalt  }
0x42: {  	_ =	shalt  }
0x43: {  	_ =	shalt  }
0x44: {  	_ =	shalt  }
0x45: {  	_ =	shalt  }
0x46: {  	_ =	shalt  }
0x47: {  	_ =	shalt  }
0x48: {  	_ =	shalt  }
0x49: {  	_ =	shalt  }
0x4a: {  	_ =	shalt  }
0x4b: {  	_ =	shalt  }
0x4c: {  	_ =	shalt  }
0x4d: {  	_ =	shalt  }
0x4e: {  	_ =	shalt  }
0x4f: {  	_ =	shalt  }
0x50: {  	_ =	shalt  }
0x51: {  	_ =	shalt  }
0x52: {  	_ =	shalt  }
0x53: {  	_ =	shalt  }
0x54: {  	_ =	shalt  }
0x55: {  	_ =	shalt  }
0x56: {  	_ =	shalt  }
0x57: {  	_ =	shalt  }
0x58: {  	_ =	shalt  }
0x59: {  	_ =	shalt  }
0x5a: {  	_ =	shalt  }
0x5b: {  	_ =	shalt  }
0x5c: {  	_ =	shalt  }
0x5d: {  	_ =	shalt  }
0x5e: {  	_ =	shalt  }
0x5f: {  	_ =	shalt  }
0x60: {  	_ =	shalt  }
0x61: {  	_ =	shalt  }
0x62: {  	_ =	shalt  }
0x63: {  	_ =	shalt  }
0x64: {  	_ =	shalt  }
0x65: {  	_ =	shalt  }
0x66: {  	_ =	shalt  }
0x67: {  	_ =	shalt  }
0x68: {  	_ =	shalt  }
0x69: {  	_ =	shalt  }
0x6a: {  	_ =	shalt  }
0x6b: {  	_ =	shalt  }
0x6c: {  	_ =	shalt  }
0x6d: {  	_ =	shalt  }
0x6e: {  	_ =	shalt  }
0x6f: {  	_ =	shalt  }
0x70: {  	_ =	shalt  }
0x71: {  	_ =	shalt  }
0x72: {  	_ =	shalt  }
0x73: {  	_ =	shalt  }
0x74: {  	_ =	shalt  }
0x75: {  	_ =	shalt  }
0x76: {  	_ =	shalt  }
0x77: {  	_ =	shalt  }
0x78: {  	_ =	shalt  }
0x79: {  	_ =	shalt  }
0x7a: {  	_ =	shalt  }
0x7b: {  	_ =	shalt  }
0x7c: {  	_ =	shalt  }
0x7d: {  	_ =	shalt  }
0x7e: {  	_ =	shalt  }
0x7f: {  	_ =	shalt  }
0x80: {  	_ =	shalt  }
0x81: {  	_ =	shalt  }
0x82: {  	_ =	shalt  }
0x83: {  	_ =	shalt  }
0x84: {  	_ =	shalt  }
0x85: {  	_ =	shalt  }
0x86: {  	_ =	shalt  }
0x87: {  	_ =	shalt  }
.Lfunc_end0:
.L_simem_size_0:
called_computation.1_lowered:
.L_overlay_start_0:
0x88: {  	s2 =	sld [smem:$0x3FD9]  }
0x89: {  	s3 =	sld [smem:$0x3FFE];
	_ =	sdelay $0x1  }
0x8a: {  	s1 =	srdreg.scid  }
0x8b: {  	s0 =	sand.u32 $0x1, s1  }
0x8c: {  	s17 =	sshll.u32 s0, $0xA;
	s2 =	sadd.s32 s3, s2  }
0x8d: {  	s2 =	sadd.s32 s2, s17  }
0x8e: {  	[smem:$0x3FBE] =	sst s2  }
0x8f: {  	_ = 	snop  }
0x90: {  	(tm) =	ssettm $0x1  }
0x91: {  	s18 =	sld [smem:$0x3FFB];
	_ =	sdelay $0x3  }
0x92: {  	_ =	strace s18  }
0x93: {  	s2 =	sld [smem:$0x3FFC];
	_ =	sdelay $0x3  }
0x94: {  	_ =	strace s2  }
0x95: {  	s2 =	sld [smem:$0x3FFD];
	_ =	sdelay $0x3  }
0x96: {  	_ =	strace s2  }
0x97: {  	_ =	strace $0x8FFFFFFF  }
0x98: {  	s19 =	sld [smem:$0x3FDB];
	_ =	sdelay $0x1  }
0x99: {  	s20 =	simm.s32 $_scs_section_size  }
0x9a: {  	s4 =	simm.s32 $_size__tile_overlayer_lowered;
	s5 =	simm.s32 $_tile_overlayer_lowered  }
0x9b: {  	s6 =	simm.s32 $0x1BFF;
	s21 =	sshll.u32 s5, $0x1;
	s3 =	sadd.s32 s20, s19  }
0x9c: {  	s22 =	simm.s32 $0x0;
	s4 =	sshll.u32 s4, $0x1;
	s5 =	sadd.s32 s21, s3  }
0x9d: {  	[timem:s22], [sflag:s6] =	dma.local [hbm:s5], s4  }
0x9e: {  	_ =	swait.ge [sflag:s6], s4  }
0x9f: {  	s4 =	ssub.s32 $0x0, s4;
	[sflag:s6] =	ssyncset.done $0x0  }
0xa0: {  	[sflag:s6] =	ssyncadd.s32 s4;
	_ =	sdelay $0x1  }
0xa1: {  	s23 =	simm.s32 $0x1B8B  }
0xa2: {  	_ =	swait.ge [sflag:s23], $0x1  }
0xa3: {  	[sflag:s23] =	ssyncset.done $0x0  }
0xa4: {  	[sflag:s23] =	ssyncadd.s32 $0xFFFFFFFF  }
0xa5: {  	s4 =	sld [smem:$0x0]  }
0xa6: {  	s5 =	sand.u32 $0xFFFFFFFE, s1  }
0xa7: {  	p0 =	sne.s32 s1, s5  }
0xa8: {  	s5 =	sshll.u32 @p0 s5, $0xE  }
0xa9: {  	s5 =	sadd.s32 @p0 $0x11B8D, s5;
	s6 =	sshll.u32 @p0 s4, $0x11  }
0xaa: {  	s5 =	sor.u32 @p0 s6, s5  }
0xab: {  	[sflag:s5] =	ssyncadd.remote.s32 @p0 $0x1;
	_ =	sdelay $0x1  }
0xac: {  	s5 =	simm.s32 @p0 $0x1B8D  }
0xad: {  	_ =	swait.eq @p0 [sflag:s5], $0x1  }
0xae: {  	[sflag:s5] =	ssyncadd.s32 @p0 $0xFFFFFFFF  }
0xaf: {  	s6 =	sshll.u32 @!p0 s1, $0xE  }
0xb0: {  	s6 =	sor.u32 @!p0 $0x4000, s6;
	s5 =	simm.s32 @!p0 $0x1B8D  }
0xb1: {  	s4 =	sshll.u32 @!p0 s4, $0x11;
	s6 =	sadd.s32 @!p0 $0x11B8D, s6;
	_ =	swait.eq @!p0 [sflag:s5], $0x1  }
0xb2: {  	s4 =	sor.u32 @!p0 s4, s6;
	[sflag:s5] =	ssyncadd.s32 @!p0 $0xFFFFFFFF  }
0xb3: {  	s25 =	simm.s32 $0x1B8E;
	s24 =	sld [smem:$0x3FFE];
	[sflag:s4] =	ssyncadd.remote.s32 @!p0 $0x1  }
0xb4: {  	s26 =	simm.s32 $execute0_lowered;
	[smem:$0x3FD2] =	sst s25  }
0xb5: {  	s5 =	sshll.u32 s26, $0x1;
	_ =	strace $0x80000049;
	[dreg:$0x1] =	wrdreg $0xFFFFFFFF  }
0xb6: {  	s28 =	simm.s32 $_size_execute0_lowered;
	s3 =	sadd.s32 s3, s5;
	[dreg:$0x0] =	wrdreg $0x0  }
0xb7: {  	s5 =	sshll.u32 s28, $0x1;
	[dreg:$0x2] =	wrdreg s3  }
0xb8: {  	[dreg:$0x3] =	wrdreg s5  }
0xb9: {  	[dreg:$0x4] =	wrdreg $0xC0  }
0xba: {  	_ =	task [dreg:s22], $0x5FFFF  }
0xbb: {  	[dreg:$0x1] =	wrdreg $0xFFFFFFFF  }
0xbc: {  	[dreg:$0x0] =	wrdreg $0x60  }
0xbd: {  	[dreg:$0x2] =	wrdreg s24  }
0xbe: {  	[dreg:$0x3] =	wrdreg $0xA  }
0xbf: {  	_ =	task.clear_ibuf [dreg:s22], $0x4FFFF;
	_ =	strace $0x90000049  }
0xc0: {  	s29 =	simm.s32 $0xA;
	_ =	strace $0x8000004B  }
0xc1: {  	_ =	swait.ge [sflag:s29], $0x1  }
0xc2: {  	[sflag:s29] =	ssyncadd.s32 $0xFFFFFFFF  }
0xc3: {  	_ =	strace $0x9000004B  }
0xc4: {  	_ =	sfence  }
0xc5: {  	s30 =	sld [smem:$0x0];
	_ =	sdelay $0x2  }
0xc6: {  	s31 =	sshll.u32 s1, $0xD;
	s1 =	sshrl.u32 s1, $0x2  }
0xc7: {  	s4 =	sand.u32 $0x4000, s31;
	s1 =	sadd.s32 s1, s30  }
0xc8: {  	s0 =	sor.u32 s4, s0;
	s1 =	sshll.u32 s1, $0x11  }
0xc9: {  	s0 =	sor.u32 s1, s0  }
0xca: {  	s0 =	sadd.s32 $0x8F2B, s0  }
0xcb: {  	[sflag:s0] =	ssyncadd.remote.s32 $0x1  }
0xcc: {  	_ =	sfence.sel $0xFFFF  }
0xcd: {  	[dreg:$0x0] =	wrdreg $0xFFFFFFFF;
	(pc) =	sbr.abs _section_cstart, $3  }
0xce: {  	[dreg:$0x1] =	wrdreg $0xFFFFFFFF  }
0xcf: {  	_ =	task.clear_ibuf [dreg:s22], $0x2FFFF;
	_ =	strace $0x9FFFFFFF  }
0xd0: {  	(tm) =	ssettm $0x7FFFFFFF  }
0xd1: {  	_ =	shalt  }
tec
execute0_lowered:
.L_overlay_start_1:
0x0: {  	(tag) =	ssettag $0x1  }
0x1: {  	s0 =	rddreg [dreg:$0x0];
	s5 =	simm.s32 $0x0  }
0x2: {  	s28 =	simm.s32 $0x8800;
	[smem:$0x7FF] =	sst s5  }
0x3: {  	s1 =	srdreg.scid;
	s13 =	sadd.s32 $0x322600, s0;
	s6 =	sadd.s32 $0x312600, s0  }
0x4: {  	s3 =	stileid.u32;
	s18 =	sadd.s32 $0x422600, s0;
	s24 =	sadd.s32 $0x322610, s0  }
0x5: {  	s31 =	simm.s32 $0x2;
	s7 =	sadd.s32 $0x322620, s0;
	s26 =	sadd.s32 $0x322630, s0  }
0x6: {  	s1 =	sand.u32 $0x1, s1;
	s8 =	sadd.s32 $0x322650, s0;
	s10 =	sadd.s32 $0x322660, s0  }
0x7: {  	s3 =	sshll.u32 s3, $0x8;
	s11 =	sadd.s32 $0x322670, s0;
	s21 =	sadd.s32 $0x422610, s0  }
0x8: {  	s29 =	sadd.s32 $0x422660, s0;
	_ =	strace $0x8000004A;
	[dreg:$0x4] =	wrdreg s18  }
0x9: {  	s30 =	sadd.s32 $0x422670, s0;
	s2 =	ssub.s32 $0x2, s1;
	[dreg:$0x9] =	wrdreg s24  }
0xa: {  	s1 =	sshll.u32 s1, $0x7;
	[dreg:$0xd] =	wrdreg s7;
	s15 =	smov.u32 s26  }
0xb: {  	s12 =	smov.u32 s8;
	s20 =	smov.u32 s10;
	s3 =	sor.u32 s1, s3  }
0xc: {  	s14 =	smov.u32 s11;
	s4 =	sshrl.u32 s2, $0x1;
	s22 =	sshll.u32 s3, $0x8  }
0xd: {  	s1 =	simm.s32 $0x3;
	[dreg:$0x3] =	wrdreg s3;
	s23 =	sadd.s32 s13, s22  }
0xe: {  	s19 =	ssub.s32 s2, s4;
	s4 =	sadd.s32 s22, s24;
	[dreg:$0x5] =	wrdreg s23  }
0xf: {  	s16 =	sshll.u32 s3, $0x4;
	s25 =	sadd.s32 s22, s7;
	[dreg:$0x6] =	wrdreg s4  }
0x10: {  	s7 =	sadd.s32 $0x322640, s0;
	s9 =	sadd.s32 s22, s8;
	[dreg:$0x7] =	wrdreg s25  }
0x11: {  	s2 =	sadd.s32 s22, s11;
	s24 =	sadd.s32 $0x422630, s0;
	[dreg:$0xb] =	wrdreg s9  }
0x12: {  	s17 =	smax.u32 s19, $0x1;
	s19 =	sor.u32 $0x8, s3;
	[dreg:$0xe] =	wrdreg s2  }
0x13: {  	s11 =	simm.s32 $0x800;
	s4 =	sadd.s32 s22, s26;
	[dreg:$0x10] =	wrdreg s17  }
0x14: {  	s18 =	smov.u32 s7;
	s23 =	sadd.s32 $0x422620, s0;
	[dreg:$0x11] =	wrdreg s19  }
0x15: {  	s25 =	sadd.s32 $0x422640, s0;
	s2 =	sadd.s32 s6, s16;
	[dreg:$0x8] =	wrdreg s4  }
0x16: {  	s26 =	sadd.s32 $0x422650, s0;
	s4 =	sadd.s32 s22, s7;
	[dreg:$0xf] =	wrdreg s2  }
0x17: {  	s16 =	simm.s32 $0x1;
	[dreg:$0xa] =	wrdreg s4;
	s4 =	sadd.s32 s22, s10  }
0x18: {  	s17 =	simm.s32 $0x4800;
	s22 =	sor.u32 $0x10, s3;
	[dreg:$0xc] =	wrdreg s4  }
0x19: {  	v0 =	vimm.f32 $0.0e+00;
	vm0 =	vmmov $0x7;
	s7 =	simm.s32 $0x80;
	s10 =	simm.s32 $0x400;
	[dreg:$0x12] =	wrdreg s22  }
.LBB2_1:
0x1a: {  	[dreg:$0x2] =	wrdreg s5;
	s0 =	simm.s32 $0x40;
	s2 =	simm.s32 $0x0  }
.LBB2_2:
0x1b: {  	p0 =	sne.s32 s0, $0x1FFC0;
	[tilespmem:s2+$0x8800] =	vst v0;
	s2 =	smov.u32 s0;
	s0 =	sadd.s32 $0x40, s0  }
.Ltmp0:
0x1c: {  	(pc) =	sbr.rel @p0 .LBB2_2-.Ltmp0, $2  }
0x1d: {  	_ =	sdelay $0x2  }
0x1e: {  	s2 =	sshra.s32 s2, $0x2  }
0x1f: {  	[tilespmem:s2+$0x8800] =	vst v0;
	s0 =	rddreg [dreg:$0x5]  }
0x20: {  	[tilespmem:s11], [sflag:$0x1] =	stream.strided.gather [hbm4b:s0+s7], $0x800, s10, s7, $0x38;
	[tilespmem:$0x10800] =	vst v63  }
0x21: {  	s19 =	rddreg [dreg:$0x6];
	s22 =	simm.s32 $0x1000  }
0x22: {  	[tilespmem:s22], [sflag:$0x1] =	stream.strided.gather [hbm4b:s19+s7], $0x800, s10, s7, $0x38;
	[tilespmem:$0x10800] =	vst v63  }
0x23: {  	s2 =	rddreg [dreg:$0x7];
	s3 =	simm.s32 $0x1800  }
0x24: {  	[tilespmem:s3], [sflag:$0x1] =	stream.strided.gather [hbm4b:s2+s7], $0x800, s10, s7, $0x38;
	[tilespmem:$0x10800] =	vst v63  }
0x25: {  	s4 =	rddreg [dreg:$0x8];
	s5 =	simm.s32 $0x2000  }
0x26: {  	[tilespmem:s5], [sflag:$0x1] =	stream.strided.gather [hbm4b:s4+s7], $0x800, s10, s7, $0x38;
	[tilespmem:$0x10800] =	vst v63  }
0x27: {  	s8 =	rddreg [dreg:$0xa];
	s9 =	simm.s32 $0x2800  }
0x28: {  	[tilespmem:s9], [sflag:$0x1] =	stream.strided.gather [hbm4b:s8+s7], $0x800, s10, s7, $0x38;
	[tilespmem:$0x10800] =	vst v63  }
0x29: {  	s19 =	rddreg [dreg:$0xb];
	s22 =	simm.s32 $0x3000  }
0x2a: {  	[tilespmem:s22], [sflag:$0x1] =	stream.strided.gather [hbm4b:s19+s7], $0x800, s10, s7, $0x38;
	[tilespmem:$0x10800] =	vst v63  }
0x2b: {  	s3 =	rddreg [dreg:$0xc];
	s4 =	simm.s32 $0x3800  }
0x2c: {  	[tilespmem:s4], [sflag:$0x1] =	stream.strided.gather [hbm4b:s3+s7], $0x800, s10, s7, $0x38;
	[tilespmem:$0x10800] =	vst v63  }
0x2d: {  	s5 =	rddreg [dreg:$0xe];
	s8 =	simm.s32 $0x4000  }
0x2e: {  	[tilespmem:s8], [sflag:$0x1] =	stream.strided.gather [hbm4b:s5+s7], $0x800, s10, s7, $0x38;
	[tilespmem:$0x10800] =	vst v63  }
0x2f: {  	s9 =	rddreg [dreg:$0xf];
	s19 =	simm.s32 $0x0;
	s22 =	simm.s32 $0x4  }
0x30: {  	[tilespmem:s19], [sflag:$0x4] =	stream.linear.gather [hbm4b:s9+s19], $0x400, $0x38;
	[tilespmem:$0x10800] =	vst v63  }
0x31: {  	_ =	swait.ge [sflag:s22], $0x400  }
0x32: {  	[sflag:s22] =	ssyncset.done $0x0  }
0x33: {  	[sflag:s22] =	ssyncadd.s32 $0xFFFFFC00  }
.LBB2_4:
0x34: {  	_ =	swait.ge [sflag:s16], $0x800  }
0x35: {  	[sflag:s16] =	ssyncset.done $0x0  }
0x36: {  	[sflag:s16] =	ssyncadd.s32 $0xFFFFF800  }
0x37: {  	_ =	swait.ge [sflag:s16], $0x800  }
0x38: {  	[sflag:s16] =	ssyncset.done $0x0  }
0x39: {  	[sflag:s16] =	ssyncadd.s32 $0xFFFFF800  }
0x3a: {  	_ =	swait.ge [sflag:s16], $0x800  }
0x3b: {  	[sflag:s16] =	ssyncset.done $0x0  }
0x3c: {  	[sflag:s16] =	ssyncadd.s32 $0xFFFFF800  }
0x3d: {  	_ =	swait.ge [sflag:s16], $0x800  }
0x3e: {  	[sflag:s16] =	ssyncset.done $0x0  }
0x3f: {  	[sflag:s16] =	ssyncadd.s32 $0xFFFFF800  }
0x40: {  	_ =	swait.ge [sflag:s16], $0x800  }
0x41: {  	[sflag:s16] =	ssyncset.done $0x0  }
0x42: {  	[sflag:s16] =	ssyncadd.s32 $0xFFFFF800  }
0x43: {  	_ =	swait.ge [sflag:s16], $0x800  }
0x44: {  	[sflag:s16] =	ssyncset.done $0x0  }
0x45: {  	[sflag:s16] =	ssyncadd.s32 $0xFFFFF800  }
0x46: {  	p0 =	seq.s32 s19, $0x0;
	_ =	swait.ge [sflag:s16], $0x800  }
.Ltmp1:
0x47: {  	[sflag:s16] =	ssyncset.done $0x0;
	(pc) =	sbr.rel @p0 .LBB2_7-.Ltmp1, $4  }
0x48: {  	[sflag:s16] =	ssyncadd.s32 $0xFFFFF800  }
0x49: {  	_ =	swait.ge [sflag:s16], $0x800  }
0x4a: {  	[sflag:s16] =	ssyncset.done $0x0  }
0x4b: {  	[sflag:s16] =	ssyncadd.s32 $0xFFFFF800  }
0x4c: {  	_ =	swait.ge [sflag:s1], $0x1000  }
0x4d: {  	[sflag:s1] =	ssyncset.done $0x0  }
0x4e: {  	[sflag:s1] =	ssyncadd.s32 $0xFFFFF000  }
0x4f: {  	_ =	swait.ge [sflag:s1], $0x1000  }
0x50: {  	[sflag:s1] =	ssyncset.done $0x0  }
0x51: {  	[sflag:s1] =	ssyncadd.s32 $0xFFFFF000  }
0x52: {  	_ =	swait.ge [sflag:s1], $0x1000  }
0x53: {  	[sflag:s1] =	ssyncset.done $0x0  }
0x54: {  	[sflag:s1] =	ssyncadd.s32 $0xFFFFF000  }
0x55: {  	_ =	swait.ge [sflag:s1], $0x1000  }
0x56: {  	[sflag:s1] =	ssyncset.done $0x0  }
0x57: {  	[sflag:s1] =	ssyncadd.s32 $0xFFFFF000  }
0x58: {  	_ =	swait.ge [sflag:s1], $0x1000  }
0x59: {  	[sflag:s1] =	ssyncset.done $0x0  }
0x5a: {  	[sflag:s1] =	ssyncadd.s32 $0xFFFFF000  }
0x5b: {  	_ =	swait.ge [sflag:s1], $0x1000  }
0x5c: {  	[sflag:s1] =	ssyncset.done $0x0  }
0x5d: {  	[sflag:s1] =	ssyncadd.s32 $0xFFFFF000  }
0x5e: {  	_ =	swait.ge [sflag:s1], $0x1000  }
0x5f: {  	[sflag:s1] =	ssyncset.done $0x0  }
0x60: {  	[sflag:s1] =	ssyncadd.s32 $0xFFFFF000  }
0x61: {  	_ =	swait.ge [sflag:s1], $0x1000  }
0x62: {  	[sflag:s1] =	ssyncset.done $0x0  }
0x63: {  	s0 =	simm.s32 $0x0;
	s2 =	simm.s32 $0x430;
	[sflag:s1] =	ssyncadd.s32 $0xFFFFF000  }
.LBB2_6:
0x64: {  	v1 =	vld [tilespmem:s2+$0xFFFFFFD0];
	_ =	sdelay $0x4  }
0x65: {  	v1 =	vadd.s32 s0, v1;
	_ =	sdelay $0x4  }
0x66: {  	[tilespmem:v1+s28+$0x0] =	vst.idx.msk $0xffff, v0  }
0x67: {  	v1 =	vld [tilespmem:s2+$0xFFFFFFE0];
	_ =	sdelay $0x4  }
0x68: {  	v1 =	vadd.s32 s0, v1;
	_ =	sdelay $0x4  }
0x69: {  	[tilespmem:v1+s28+$0x0] =	vst.idx.msk $0xffff, v0  }
0x6a: {  	v1 =	vld [tilespmem:s2+$0xFFFFFFF0];
	_ =	sdelay $0x4  }
0x6b: {  	v1 =	vadd.s32 s0, v1;
	_ =	sdelay $0x4  }
0x6c: {  	[tilespmem:v1+s28+$0x0] =	vst.idx.msk $0xffff, v0  }
0x6d: {  	v1 =	vld [tilespmem:s2+$0x0];
	_ =	sdelay $0x4  }
0x6e: {  	v1 =	vadd.s32 s0, v1;
	_ =	sdelay $0x4  }
0x6f: {  	[tilespmem:v1+s28+$0x0] =	vst.idx.msk $0xffff, v0  }
0x70: {  	v1 =	vld [tilespmem:s2+$0x10];
	_ =	sdelay $0x4  }
0x71: {  	v1 =	vadd.s32 s0, v1;
	_ =	sdelay $0x4  }
0x72: {  	[tilespmem:v1+s28+$0x0] =	vst.idx.msk $0xffff, v0  }
0x73: {  	v1 =	vld [tilespmem:s2+$0x20];
	_ =	sdelay $0x4  }
0x74: {  	p0 =	sne.s32 s0, $0x7000;
	v1 =	vadd.s32 s0, v1  }
.Ltmp2:
0x75: {  	_ = 	snop;
	(pc) =	sbr.rel @p0 .LBB2_6-.Ltmp2, $2  }
0x76: {  	_ =	sdelay $0x2  }
0x77: {  	s2 =	sadd.s32 $0x80, s2;
	s0 =	sadd.s32 $0x1000, s0;
	[tilespmem:v1+s28+$0x0] =	vst.idx.msk $0x7, v0  }
.LBB2_7:
0x78: {  	s5 =	sshll.u32 s19, $0x4;
	s0 =	rddreg [dreg:$0x11]  }
0x79: {  	s22 =	sadd.s32 s0, s5  }
0x7a: {  	s0 =	sshll.u32 s22, $0x8  }
0x7b: {  	s8 =	smov.u32 s13;
	s2 =	sadd.s32 s13, s0;
	s13 =	rddreg [dreg:$0x9]  }
0x7c: {  	[tilespmem:s17], [sflag:$0x2] =	stream.strided.gather [hbm4b:s2+s7], $0x800, s10, s7, $0x38;
	[tilespmem:$0x10800] =	vst v63  }
0x7d: {  	s3 =	simm.s32 $0x5000;
	s2 =	sadd.s32 s0, s13  }
0x7e: {  	[tilespmem:s3], [sflag:$0x2] =	stream.strided.gather [hbm4b:s2+s7], $0x800, s10, s7, $0x38;
	[tilespmem:$0x10800] =	vst v63  }
0x7f: {  	s3 =	rddreg [dreg:$0xd]  }
0x80: {  	s4 =	simm.s32 $0x5800;
	s2 =	sadd.s32 s0, s3  }
0x81: {  	[tilespmem:s4], [sflag:$0x2] =	stream.strided.gather [hbm4b:s2+s7], $0x800, s10, s7, $0x38;
	[tilespmem:$0x10800] =	vst v63  }
0x82: {  	s9 =	sadd.s32 s0, s15;
	s13 =	simm.s32 $0x6000  }
0x83: {  	[tilespmem:s13], [sflag:$0x2] =	stream.strided.gather [hbm4b:s9+s7], $0x800, s10, s7, $0x38;
	[tilespmem:$0x10800] =	vst v63  }
0x84: {  	s3 =	sadd.s32 s0, s18;
	s4 =	simm.s32 $0x6800  }
0x85: {  	[tilespmem:s4], [sflag:$0x2] =	stream.strided.gather [hbm4b:s3+s7], $0x800, s10, s7, $0x38;
	[tilespmem:$0x10800] =	vst v63  }
0x86: {  	s9 =	sadd.s32 s0, s12;
	s13 =	simm.s32 $0x7000  }
0x87: {  	[tilespmem:s13], [sflag:$0x2] =	stream.strided.gather [hbm4b:s9+s7], $0x800, s10, s7, $0x38;
	[tilespmem:$0x10800] =	vst v63  }
0x88: {  	s4 =	sadd.s32 s0, s20;
	s0 =	sadd.s32 s0, s14;
	s9 =	simm.s32 $0x7800  }
0x89: {  	[tilespmem:s9], [sflag:$0x2] =	stream.strided.gather [hbm4b:s4+s7], $0x800, s10, s7, $0x38;
	[tilespmem:$0x10800] =	vst v63  }
0x8a: {  	s3 =	sshll.u32 s22, $0x4;
	s13 =	simm.s32 $0x8000;
	s9 =	smov.u32 s6  }
0x8b: {  	[tilespmem:s13], [sflag:$0x2] =	stream.strided.gather [hbm4b:s0+s7], $0x800, s10, s7, $0x38;
	[tilespmem:$0x10800] =	vst v63  }
0x8c: {  	s4 =	sadd.s32 s6, s3;
	s6 =	simm.s32 $0x4;
	s0 =	simm.s32 $0x0  }
0x8d: {  	[tilespmem:s10], [sflag:$0x4] =	stream.linear.gather [hbm4b:s4+s0], $0x400, $0x38;
	[tilespmem:$0x10800] =	vst v63  }
0x8e: {  	_ =	swait.ge [sflag:s6], $0x400  }
0x8f: {  	[sflag:s6] =	ssyncset.done $0x0  }
0x90: {  	s2 =	simm.s32 $0x30;
	[sflag:s6] =	ssyncadd.s32 $0xFFFFFC00  }
0x91: {  	v2 =	vld [tilespmem:s2+$0xFFFFFFF0]  }
0x92: {  	v5 =	vld [tilespmem:s2+$0xFFFFFFD0]  }
0x93: {  	v6 =	vld [tilespmem:s2+$0xFFFFFFE0]  }
0x94: {  	v4 =	vld [tilespmem:s2+$0x0]  }
0x95: {  	v1 =	vld [tilespmem:s2+$0x20]  }
0x96: {  	v3 =	vld [tilespmem:s2+$0x10];
	v7 =	vand.u32 $0x7FF, v2  }
0x97: {  	v8 =	vand.u32 $0x7FF, v5;
	v7 =	vor.u32 s0, v7  }
0x98: {  	v9 =	vand.u32 $0x7FF, v6;
	v8 =	vor.u32 s0, v8  }
0x99: {  	v11 =	vand.u32 $0x7FF, v4;
	v9 =	vor.u32 s0, v9  }
0x9a: {  	v10 =	vand.u32 $0x7FF, v1;
	v11 =	vor.u32 s0, v11  }
0x9b: {  	v12 =	vand.u32 $0x7FF, v3;
	v10 =	vor.u32 s0, v10  }
0x9c: {  	v12 =	vor.u32 s0, v12;
	v7 =	vld.idx.msk [tilespmem:v7+s11+$0x0], $0xffff  }
0x9d: {  	v8 =	vld.idx.msk [tilespmem:v8+s11+$0x0], $0xffff  }
0x9e: {  	v9 =	vld.idx.msk [tilespmem:v9+s11+$0x0], $0xffff  }
0x9f: {  	v11 =	vld.idx.msk [tilespmem:v11+s11+$0x0], $0xffff  }
0xa0: {  	vm1 =	vgt.s32 v1, $0x7FF;
	vm2 =	vgt.s32 v5, $0x7FF;
	vm3 =	vgt.s32 v4, $0x7FF;
	v10 =	vld.idx.msk [tilespmem:v10+s11+$0x0], $0xffff  }
0xa1: {  	vm4 =	vgt.s32 v2, $0x7FF;
	vm5 =	vgt.s32 v6, $0x7FF;
	vm15 =	vgt.s32 v3, $0x7FF;
	v12 =	vld.idx.msk [tilespmem:v12+s11+$0x0], $0xffff  }
0xa2: {  	v13 =	vand.u32 $0xFFFF0000, v7;
	v7 =	vshll.u32 v7, $0x10;
	v14 =	vand.u32 $0xFFFF0000, v8  }
0xa3: {  	v8 =	vshll.u32 v8, $0x10;
	v7 =	vsel vm4, v13, v7;
	v13 =	vand.u32 $0xFFFF0000, v9  }
0xa4: {  	v9 =	vshll.u32 v9, $0x10;
	v8 =	vsel vm2, v14, v8;
	v14 =	vand.u32 $0xFFFF0000, v11  }
0xa5: {  	v11 =	vshll.u32 v11, $0x10;
	v9 =	vsel vm5, v13, v9;
	v13 =	vand.u32 $0xFFFF0000, v10  }
0xa6: {  	v11 =	vsel vm3, v14, v11;
	v14 =	vand.u32 $0xFFFF0000, v12;
	v15 =	vmax.f32 v8, v9  }
0xa7: {  	v12 =	vshll.u32 v12, $0x10;
	v10 =	vshll.u32 v10, $0x10;
	v15 =	vmax.f32 v15, v7  }
0xa8: {  	v12 =	vsel vm15, v14, v12;
	v10 =	vsel vm1, v13, v10;
	v13 =	vmax.f32 v15, v11  }
0xa9: {  	v10 =	vnsel vm0, $0xF149F2CA, v10;
	v13 =	vmax.f32 v13, v12  }
0xaa: {  	v13 =	vmax.f32 v13, v10  }
0xab: {  	(xrf0) =	vmax.scan.msk.f32 $0xffff, v13;
	_ =	sdelay $0x5  }
0xac: {  	v13, _, _ =	vpop (xrf0)  }
0xad: {  	v13 =	vbroadcast v13, $0xF;
	_ =	sdelay $0x1  }
0xae: {  	v8 =	vsub.f32 v8, v13  }
0xaf: {  	v9 =	vsub.f32 v9, v13  }
0xb0: {  	v8 =	vmul.f32 $1.442695020e+00, v8  }
0xb1: {  	v9 =	vmul.f32 $1.442695020e+00, v9  }
0xb2: {  	v7 =	vsub.f32 v7, v13;
	(erf) = vpow2.f32 v8  }
0xb3: {  	(erf) = vpow2.f32 v9  }
0xb4: {  	v7 =	vmul.f32 $1.442695020e+00, v7;
	v8 =	vsub.f32 v11, v13  }
0xb5: {  	v9 =	vsub.f32 v12, v13  }
0xb6: {  	v8 =	vmul.f32 $1.442695020e+00, v8;
	(erf) = vpow2.f32 v7  }
0xb7: {  	v9 =	vmul.f32 $1.442695020e+00, v9  }
0xb8: {  	(erf) = vpow2.f32 v8  }
0xb9: {  	v7 =	vsub.f32 v10, v13;
	_ =	sdelay $0x1  }
0xba: {  	v7 =	vmul.f32 $1.442695020e+00, v7;
	(erf) = vpow2.f32 v9;
	v9 =	vpop (erf)  }
0xbb: {  	v12 =	vpop (erf)  }
0xbc: {  	(erf) = vpow2.f32 v7;
	v8 =	vadd.f32 v12, v9;
	_ =	sdelay $0x1  }
0xbd: {  	v7 =	vpop (erf)  }
0xbe: {  	v10 =	vadd.f32 v8, v7  }
0xbf: {  	v8 =	vpop (erf)  }
0xc0: {  	v11 =	vadd.f32 v10, v8;
	_ =	sdelay $0x1  }
0xc1: {  	v10 =	vpop (erf)  }
0xc2: {  	v13 =	vadd.f32 v11, v10  }
0xc3: {  	v11 =	vpop (erf)  }
0xc4: {  	v13 =	vadd.f32 v13, v11;
	_ =	sdelay $0x1  }
0xc5: {  	(xrf2) =	vadd.scan.msk.f32 $0xffff, v13;
	_ =	sdelay $0x9  }
0xc6: {  	v13, _, _ =	vpop (xrf2)  }
0xc7: {  	v13 =	vadd.f32 $9.999999960e-13, v13;
	_ =	sdelay $0x1  }
0xc8: {  	v13 =	vbroadcast v13, $0xF  }
0xc9: {  	s13 =	rddreg [dreg:$0x3]  }
0xca: {  	s3 =	simm.s32 $0x0;
	s4 =	simm.s32 $0x1000;
	s13 =	sor.u32 s13, s5;
	(erf) = vrcp.f32 v13  }
.LBB2_8:
0xcb: {  	_ =	sdelay $0x1  }
0xcc: {  	p0 =	sne.s32 s4, $0x7000;
	s0 =	sadd.s32 $0x800, s0;
	s2 =	sadd.s32 $0x80, s2  }
0xcd: {  	s6 =	smov.u32 s4;
	s4 =	sadd.s32 $0x1000, s4;
	_ =	sdelay $0x2  }
0xce: {  	v5 =	vadd.s32 s3, v5  }
0xcf: {  	v6 =	vadd.s32 s3, v6  }
0xd0: {  	v2 =	vadd.s32 s3, v2;
	v13 =	vpop (erf)  }
0xd1: {  	v4 =	vadd.s32 s3, v4;
	v9 =	vmul.f32 v13, v9;
	v12 =	vmul.f32 v13, v12  }
0xd2: {  	v3 =	vadd.s32 s3, v3  }
0xd3: {  	v1 =	vadd.s32 s3, v1;
	s3 =	smov.u32 s6;
	[tilespmem:v5+s28+$0x0] =	vst.idx.add.f32.msk $0xffff, v9;
	v5 =	vmul.f32 v13, v7  }
0xd4: {  	[tilespmem:v6+s28+$0x0] =	vst.idx.add.f32.msk $0xffff, v12;
	v6 =	vmul.f32 v13, v8  }
0xd5: {  	[tilespmem:v2+s28+$0x0] =	vst.idx.add.f32.msk $0xffff, v5;
	v2 =	vmul.f32 v13, v10  }
0xd6: {  	[tilespmem:v4+s28+$0x0] =	vst.idx.add.f32.msk $0xffff, v6;
	v4 =	vmul.f32 v13, v11  }
0xd7: {  	[tilespmem:v3+s28+$0x0] =	vst.idx.add.f32.msk $0xffff, v2  }
0xd8: {  	[tilespmem:v1+s28+$0x0] =	vst.idx.add.f32.msk $0x7, v4  }
0xd9: {  	v2 =	vld [tilespmem:s2+$0xFFFFFFF0]  }
0xda: {  	v5 =	vld [tilespmem:s2+$0xFFFFFFD0]  }
0xdb: {  	v6 =	vld [tilespmem:s2+$0xFFFFFFE0]  }
0xdc: {  	v1 =	vld [tilespmem:s2+$0x20]  }
0xdd: {  	v4 =	vld [tilespmem:s2+$0x0]  }
0xde: {  	v3 =	vld [tilespmem:s2+$0x10];
	v7 =	vand.u32 $0x7FF, v2  }
0xdf: {  	v8 =	vand.u32 $0x7FF, v5;
	v7 =	vor.u32 s0, v7  }
0xe0: {  	v8 =	vor.u32 s0, v8;
	v9 =	vand.u32 $0x7FF, v6  }
0xe1: {  	v9 =	vor.u32 s0, v9;
	v10 =	vand.u32 $0x7FF, v1  }
0xe2: {  	v11 =	vand.u32 $0x7FF, v4;
	v10 =	vor.u32 s0, v10  }
0xe3: {  	v11 =	vor.u32 s0, v11;
	v12 =	vand.u32 $0x7FF, v3  }
0xe4: {  	v7 =	vld.idx.msk [tilespmem:v7+s11+$0x0], $0xffff;
	v12 =	vor.u32 s0, v12  }
0xe5: {  	v8 =	vld.idx.msk [tilespmem:v8+s11+$0x0], $0xffff  }
0xe6: {  	v9 =	vld.idx.msk [tilespmem:v9+s11+$0x0], $0xffff  }
0xe7: {  	v10 =	vld.idx.msk [tilespmem:v10+s11+$0x0], $0xffff  }
0xe8: {  	vm1 =	vgt.s32 v1, $0x7FF;
	v11 =	vld.idx.msk [tilespmem:v11+s11+$0x0], $0xffff  }
0xe9: {  	vm2 =	vgt.s32 v5, $0x7FF;
	vm3 =	vgt.s32 v4, $0x7FF;
	vm4 =	vgt.s32 v3, $0x7FF;
	v12 =	vld.idx.msk [tilespmem:v12+s11+$0x0], $0xffff  }
0xea: {  	vm5 =	vgt.s32 v2, $0x7FF;
	v13 =	vand.u32 $0xFFFF0000, v7;
	v7 =	vshll.u32 v7, $0x10  }
0xeb: {  	vm6 =	vgt.s32 v6, $0x7FF;
	v14 =	vand.u32 $0xFFFF0000, v8;
	v7 =	vsel vm5, v13, v7  }
0xec: {  	v8 =	vshll.u32 v8, $0x10;
	v13 =	vand.u32 $0xFFFF0000, v9;
	v9 =	vshll.u32 v9, $0x10  }
0xed: {  	v8 =	vsel vm2, v14, v8;
	v9 =	vsel vm6, v13, v9;
	v13 =	vand.u32 $0xFFFF0000, v10  }
0xee: {  	v14 =	vand.u32 $0xFFFF0000, v11;
	v11 =	vshll.u32 v11, $0x10;
	v15 =	vmax.f32 v8, v9  }
0xef: {  	v11 =	vsel vm3, v14, v11;
	v14 =	vand.u32 $0xFFFF0000, v12;
	v12 =	vshll.u32 v12, $0x10  }
0xf0: {  	v10 =	vshll.u32 v10, $0x10;
	v12 =	vsel vm4, v14, v12;
	v14 =	vmax.f32 v15, v7  }
0xf1: {  	v10 =	vsel vm1, v13, v10;
	v13 =	vmax.f32 v14, v11  }
0xf2: {  	v10 =	vnsel vm0, $0xF149F2CA, v10;
	v13 =	vmax.f32 v13, v12  }
0xf3: {  	v13 =	vmax.f32 v13, v10  }
0xf4: {  	(xrf0) =	vmax.scan.msk.f32 $0xffff, v13;
	_ =	sdelay $0x5  }
0xf5: {  	v13, _, _ =	vpop (xrf0)  }
0xf6: {  	v13 =	vbroadcast v13, $0xF;
	_ =	sdelay $0x1  }
0xf7: {  	v8 =	vsub.f32 v8, v13;
	v9 =	vsub.f32 v9, v13  }
0xf8: {  	v7 =	vsub.f32 v7, v13;
	v11 =	vsub.f32 v11, v13  }
0xf9: {  	v12 =	vsub.f32 v12, v13;
	v8 =	vmul.f32 $1.442695020e+00, v8;
	v9 =	vmul.f32 $1.442695020e+00, v9  }
0xfa: {  	v10 =	vsub.f32 v10, v13;
	v7 =	vmul.f32 $1.442695020e+00, v7;
	v11 =	vmul.f32 $1.442695020e+00, v11  }
0xfb: {  	v12 =	vmul.f32 $1.442695020e+00, v12;
	(erf) = vpow2.f32 v8  }
0xfc: {  	v8 =	vmul.f32 $1.442695020e+00, v10;
	(erf) = vpow2.f32 v9;
	_ =	sdelay $0x1  }
0xfd: {  	(erf) = vpow2.f32 v7;
	_ =	sdelay $0x1  }
0xfe: {  	(erf) = vpow2.f32 v11;
	_ =	sdelay $0x1  }
0xff: {  	(erf) = vpow2.f32 v12;
	_ =	sdelay $0x1  }
0x100: {  	v9 =	vpop (erf);
	(erf) = vpow2.f32 v8  }
0x101: {  	v12 =	vpop (erf)  }
0x102: {  	v11 =	vadd.f32 v12, v9  }
0x103: {  	v7 =	vpop (erf)  }
0x104: {  	v13 =	vadd.f32 v11, v7  }
0x105: {  	v8 =	vpop (erf)  }
0x106: {  	v14 =	vadd.f32 v13, v8  }
0x107: {  	v10 =	vpop (erf)  }
0x108: {  	v13 =	vadd.f32 v14, v10  }
0x109: {  	v11 =	vpop (erf)  }
0x10a: {  	v13 =	vadd.f32 v13, v11;
	_ =	sdelay $0x1  }
0x10b: {  	(xrf2) =	vadd.scan.msk.f32 $0xffff, v13;
	_ =	sdelay $0x9  }
0x10c: {  	v13, _, _ =	vpop (xrf2)  }
.Ltmp3:
0x10d: {  	v13 =	vadd.f32 $9.999999960e-13, v13;
	(pc) =	sbr.rel @p0 .LBB2_8-.Ltmp3, $3  }
0x10e: {  	_ = 	snop  }
0x10f: {  	v13 =	vbroadcast v13, $0xF;
	_ =	sdelay $0x1  }
0x110: {  	(erf) = vrcp.f32 v13  }
0x111: {  	_ =	sdelay $0x5  }
0x112: {  	v5 =	vadd.s32 s3, v5  }
0x113: {  	v6 =	vadd.s32 s3, v6  }
0x114: {  	v2 =	vadd.s32 s3, v2;
	v13 =	vpop (erf)  }
0x115: {  	v4 =	vadd.s32 s3, v4;
	v9 =	vmul.f32 v13, v9  }
0x116: {  	v3 =	vadd.s32 s3, v3;
	v12 =	vmul.f32 v13, v12  }
0x117: {  	v1 =	vadd.s32 s3, v1;
	v61 =	vmul.f32 v13, v7;
	[tilespmem:v5+s28+$0x0] =	vst.idx.add.f32.msk $0xffff, v9  }
0x118: {  	v62 =	vmul.f32 v13, v8;
	[tilespmem:v6+s28+$0x0] =	vst.idx.add.f32.msk $0xffff, v12  }
0x119: {  	[tilespmem:v2+s28+$0x0] =	vst.idx.add.f32.msk $0xffff, v61;
	v2 =	vmul.f32 v13, v10  }
0x11a: {  	v63 =	vmul.f32 v13, v11;
	[tilespmem:v4+s28+$0x0] =	vst.idx.add.f32.msk $0xffff, v62  }
0x11b: {  	s0 =	sshll.u32 s13, $0x9;
	s2 =	rddreg [dreg:$0x4];
	[tilespmem:v3+s28+$0x0] =	vst.idx.add.f32.msk $0xffff, v2  }
0x11c: {  	s2 =	sadd.s32 s2, s0;
	[tilespmem:v1+s28+$0x0] =	vst.idx.add.f32.msk $0x7, v63  }
0x11d: {  	[hbm4b:s2+s7] =	stream.strided.scatter [tilespmem:s28], [sflag:$0x3], $0x1000, s10, s7, $0x38;
	[tilespmem:$0x10800] =	vst v63  }
0x11e: {  	s13 =	simm.s32 $0x9800;
	s6 =	sadd.s32 s0, s21  }
0x11f: {  	[hbm4b:s6+s7] =	stream.strided.scatter [tilespmem:s13], [sflag:$0x3], $0x1000, s10, s7, $0x38;
	[tilespmem:$0x10800] =	vst v63  }
0x120: {  	s4 =	simm.s32 $0xA800;
	s3 =	sadd.s32 s0, s23  }
0x121: {  	[hbm4b:s3+s7] =	stream.strided.scatter [tilespmem:s4], [sflag:$0x3], $0x1000, s10, s7, $0x38;
	[tilespmem:$0x10800] =	vst v63  }
0x122: {  	s6 =	sadd.s32 s0, s24;
	s13 =	simm.s32 $0xB800  }
0x123: {  	[hbm4b:s6+s7] =	stream.strided.scatter [tilespmem:s13], [sflag:$0x3], $0x1000, s10, s7, $0x38;
	[tilespmem:$0x10800] =	vst v63  }
0x124: {  	s3 =	sadd.s32 s0, s25;
	s4 =	simm.s32 $0xC800  }
0x125: {  	[hbm4b:s3+s7] =	stream.strided.scatter [tilespmem:s4], [sflag:$0x3], $0x1000, s10, s7, $0x38;
	[tilespmem:$0x10800] =	vst v63  }
0x126: {  	s6 =	sadd.s32 s0, s26;
	s13 =	simm.s32 $0xD800  }
0x127: {  	[hbm4b:s6+s7] =	stream.strided.scatter [tilespmem:s13], [sflag:$0x3], $0x1000, s10, s7, $0x38;
	[tilespmem:$0x10800] =	vst v63  }
0x128: {  	s4 =	sadd.s32 s0, s29;
	s6 =	simm.s32 $0xE800  }
0x129: {  	[hbm4b:s4+s7] =	stream.strided.scatter [tilespmem:s6], [sflag:$0x3], $0x1000, s10, s7, $0x38;
	[tilespmem:$0x10800] =	vst v63  }
0x12a: {  	s0 =	sadd.s32 s0, s30;
	s13 =	simm.s32 $0xF800  }
0x12b: {  	[hbm4b:s0+s7] =	stream.strided.scatter [tilespmem:s13], [sflag:$0x3], $0x1000, s10, s7, $0x38;
	[tilespmem:$0x10800] =	vst v63  }
0x12c: {  	_ =	swait.ge [sflag:s31], $0x800  }
0x12d: {  	[sflag:s31] =	ssyncset.done $0x0  }
0x12e: {  	[sflag:s31] =	ssyncadd.s32 $0xFFFFF800  }
0x12f: {  	_ =	swait.ge [sflag:s31], $0x800  }
0x130: {  	[sflag:s31] =	ssyncset.done $0x0  }
0x131: {  	[sflag:s31] =	ssyncadd.s32 $0xFFFFF800  }
0x132: {  	_ =	swait.ge [sflag:s31], $0x800  }
0x133: {  	[sflag:s31] =	ssyncset.done $0x0  }
0x134: {  	[sflag:s31] =	ssyncadd.s32 $0xFFFFF800  }
0x135: {  	_ =	swait.ge [sflag:s31], $0x800  }
0x136: {  	[sflag:s31] =	ssyncset.done $0x0  }
0x137: {  	[sflag:s31] =	ssyncadd.s32 $0xFFFFF800  }
0x138: {  	_ =	swait.ge [sflag:s31], $0x800  }
0x139: {  	[sflag:s31] =	ssyncset.done $0x0  }
0x13a: {  	[sflag:s31] =	ssyncadd.s32 $0xFFFFF800  }
0x13b: {  	_ =	swait.ge [sflag:s31], $0x800  }
0x13c: {  	[sflag:s31] =	ssyncset.done $0x0  }
0x13d: {  	[sflag:s31] =	ssyncadd.s32 $0xFFFFF800  }
0x13e: {  	_ =	swait.ge [sflag:s31], $0x800  }
0x13f: {  	[sflag:s31] =	ssyncset.done $0x0  }
0x140: {  	[sflag:s31] =	ssyncadd.s32 $0xFFFFF800  }
0x141: {  	_ =	swait.ge [sflag:s31], $0x800  }
0x142: {  	[sflag:s31] =	ssyncset.done $0x0  }
0x143: {  	[sflag:s31] =	ssyncadd.s32 $0xFFFFF800  }
0x144: {  	_ =	swait.ge [sflag:s1], $0x1000  }
0x145: {  	[sflag:s1] =	ssyncset.done $0x0  }
0x146: {  	[sflag:s1] =	ssyncadd.s32 $0xFFFFF000  }
0x147: {  	_ =	swait.ge [sflag:s1], $0x1000  }
0x148: {  	[sflag:s1] =	ssyncset.done $0x0  }
0x149: {  	[sflag:s1] =	ssyncadd.s32 $0xFFFFF000  }
0x14a: {  	_ =	swait.ge [sflag:s1], $0x1000  }
0x14b: {  	[sflag:s1] =	ssyncset.done $0x0  }
0x14c: {  	[sflag:s1] =	ssyncadd.s32 $0xFFFFF000  }
0x14d: {  	_ =	swait.ge [sflag:s1], $0x1000  }
0x14e: {  	[sflag:s1] =	ssyncset.done $0x0  }
0x14f: {  	[sflag:s1] =	ssyncadd.s32 $0xFFFFF000  }
0x150: {  	_ =	swait.ge [sflag:s1], $0x1000  }
0x151: {  	[sflag:s1] =	ssyncset.done $0x0  }
0x152: {  	[sflag:s1] =	ssyncadd.s32 $0xFFFFF000  }
0x153: {  	_ =	swait.ge [sflag:s1], $0x1000  }
0x154: {  	[sflag:s1] =	ssyncset.done $0x0  }
0x155: {  	[sflag:s1] =	ssyncadd.s32 $0xFFFFF000  }
0x156: {  	_ =	swait.ge [sflag:s1], $0x1000  }
0x157: {  	[sflag:s1] =	ssyncset.done $0x0  }
0x158: {  	[sflag:s1] =	ssyncadd.s32 $0xFFFFF000  }
0x159: {  	_ =	swait.ge [sflag:s1], $0x1000  }
0x15a: {  	[sflag:s1] =	ssyncset.done $0x0  }
0x15b: {  	s2 =	simm.s32 $0x30;
	s0 =	simm.s32 $0x0;
	[sflag:s1] =	ssyncadd.s32 $0xFFFFF000  }
.LBB2_10:
0x15c: {  	v1 =	vld [tilespmem:s2+$0xFFFFFFD0];
	_ =	sdelay $0x4  }
0x15d: {  	v1 =	vadd.s32 s0, v1;
	_ =	sdelay $0x4  }
0x15e: {  	[tilespmem:v1+s28+$0x0] =	vst.idx.msk $0xffff, v0  }
0x15f: {  	v1 =	vld [tilespmem:s2+$0xFFFFFFE0];
	_ =	sdelay $0x4  }
0x160: {  	v1 =	vadd.s32 s0, v1;
	_ =	sdelay $0x4  }
0x161: {  	[tilespmem:v1+s28+$0x0] =	vst.idx.msk $0xffff, v0  }
0x162: {  	v1 =	vld [tilespmem:s2+$0xFFFFFFF0];
	_ =	sdelay $0x4  }
0x163: {  	v1 =	vadd.s32 s0, v1;
	_ =	sdelay $0x4  }
0x164: {  	[tilespmem:v1+s28+$0x0] =	vst.idx.msk $0xffff, v0  }
0x165: {  	v1 =	vld [tilespmem:s2+$0x0];
	_ =	sdelay $0x4  }
0x166: {  	v1 =	vadd.s32 s0, v1;
	_ =	sdelay $0x4  }
0x167: {  	[tilespmem:v1+s28+$0x0] =	vst.idx.msk $0xffff, v0  }
0x168: {  	v1 =	vld [tilespmem:s2+$0x10];
	_ =	sdelay $0x4  }
0x169: {  	v1 =	vadd.s32 s0, v1;
	_ =	sdelay $0x4  }
0x16a: {  	[tilespmem:v1+s28+$0x0] =	vst.idx.msk $0xffff, v0  }
0x16b: {  	v1 =	vld [tilespmem:s2+$0x20];
	_ =	sdelay $0x4  }
0x16c: {  	p0 =	sne.s32 s0, $0x7000;
	v1 =	vadd.s32 s0, v1  }
.Ltmp4:
0x16d: {  	_ = 	snop;
	(pc) =	sbr.rel @p0 .LBB2_10-.Ltmp4, $2  }
0x16e: {  	_ =	sdelay $0x2  }
0x16f: {  	s2 =	sadd.s32 $0x80, s2;
	s0 =	sadd.s32 $0x1000, s0;
	[tilespmem:v1+s28+$0x0] =	vst.idx.msk $0x7, v0  }
0x170: {  	p0 =	seq.s32 s19, $0x7;
	s0 =	rddreg [dreg:$0x12]  }
0x171: {  	s0 =	sadd.s32 @!p0 s5, s0  }
0x172: {  	s4 =	simm.s32 @!p0 $0x80;
	s2 =	sshll.u32 @!p0 s0, $0x8  }
0x173: {  	s5 =	simm.s32 @!p0 $0x400;
	s6 =	simm.s32 @!p0 $0x800;
	s3 =	sadd.s32 @!p0 s8, s2  }
0x174: {  	[tilespmem:s6], [sflag:$0x1] =	stream.strided.gather @!p0 [hbm4b:s3+s4], $0x800, s5, s4, $0x38;
	[tilespmem:$0x10800] =	vst v63  }
0x175: {  	s3 =	rddreg [dreg:$0x9]  }
0x176: {  	s6 =	simm.s32 @!p0 $0x1000;
	s3 =	sadd.s32 @!p0 s2, s3  }
0x177: {  	[tilespmem:s6], [sflag:$0x1] =	stream.strided.gather @!p0 [hbm4b:s3+s4], $0x800, s5, s4, $0x38;
	[tilespmem:$0x10800] =	vst v63  }
0x178: {  	s3 =	rddreg [dreg:$0xd]  }
0x179: {  	s6 =	simm.s32 @!p0 $0x1800;
	s3 =	sadd.s32 @!p0 s2, s3  }
0x17a: {  	[tilespmem:s6], [sflag:$0x1] =	stream.strided.gather @!p0 [hbm4b:s3+s4], $0x800, s5, s4, $0x38;
	[tilespmem:$0x10800] =	vst v63  }
0x17b: {  	s3 =	sadd.s32 @!p0 s2, s15;
	s6 =	simm.s32 @!p0 $0x2000  }
0x17c: {  	[tilespmem:s6], [sflag:$0x1] =	stream.strided.gather @!p0 [hbm4b:s3+s4], $0x800, s5, s4, $0x38;
	[tilespmem:$0x10800] =	vst v63  }
0x17d: {  	s3 =	sadd.s32 @!p0 s2, s18;
	s6 =	simm.s32 @!p0 $0x2800  }
0x17e: {  	[tilespmem:s6], [sflag:$0x1] =	stream.strided.gather @!p0 [hbm4b:s3+s4], $0x800, s5, s4, $0x38;
	[tilespmem:$0x10800] =	vst v63  }
0x17f: {  	s3 =	sadd.s32 @!p0 s2, s12;
	s6 =	simm.s32 @!p0 $0x3000  }
0x180: {  	[tilespmem:s6], [sflag:$0x1] =	stream.strided.gather @!p0 [hbm4b:s3+s4], $0x800, s5, s4, $0x38;
	[tilespmem:$0x10800] =	vst v63  }
0x181: {  	s3 =	sadd.s32 @!p0 s2, s20;
	s6 =	simm.s32 @!p0 $0x3800  }
0x182: {  	[tilespmem:s6], [sflag:$0x1] =	stream.strided.gather @!p0 [hbm4b:s3+s4], $0x800, s5, s4, $0x38;
	[tilespmem:$0x10800] =	vst v63  }
0x183: {  	s0 =	sshll.u32 @!p0 s0, $0x4;
	s2 =	sadd.s32 @!p0 s2, s14;
	s3 =	simm.s32 @!p0 $0x4000  }
0x184: {  	[tilespmem:s3], [sflag:$0x1] =	stream.strided.gather @!p0 [hbm4b:s2+s4], $0x800, s5, s4, $0x38;
	[tilespmem:$0x10800] =	vst v63  }
0x185: {  	s0 =	sadd.s32 @!p0 s9, s0;
	s2 =	simm.s32 @!p0 $0x0  }
0x186: {  	[tilespmem:s2], [sflag:$0x4] =	stream.linear.gather @!p0 [hbm4b:s0+s2], $0x400, $0x38;
	[tilespmem:$0x10800] =	vst v63  }
0x187: {  	s0 =	simm.s32 @!p0 $0x4  }
0x188: {  	_ =	swait.ge @!p0 [sflag:s0], $0x400  }
0x189: {  	[sflag:s0] =	ssyncset.done @!p0 $0x0  }
0x18a: {  	[sflag:s0] =	ssyncadd.s32 @!p0 $0xFFFFFC00;
	s0 =	simm.s32 $0x430  }
0x18b: {  	v2 =	vld [tilespmem:s0+$0xFFFFFFF0]  }
0x18c: {  	v5 =	vld [tilespmem:s0+$0xFFFFFFD0]  }
0x18d: {  	v6 =	vld [tilespmem:s0+$0xFFFFFFE0]  }
0x18e: {  	v4 =	vld [tilespmem:s0+$0x0]  }
0x18f: {  	v1 =	vld [tilespmem:s0+$0x20]  }
0x190: {  	s2 =	simm.s32 $0x0;
	v3 =	vld [tilespmem:s0+$0x10];
	v7 =	vand.u32 $0x7FF, v2  }
0x191: {  	v8 =	vand.u32 $0x7FF, v5;
	v7 =	vor.u32 s2, v7  }
0x192: {  	v9 =	vand.u32 $0x7FF, v6;
	v8 =	vor.u32 s2, v8  }
0x193: {  	v11 =	vand.u32 $0x7FF, v4;
	v9 =	vor.u32 s2, v9  }
0x194: {  	v10 =	vand.u32 $0x7FF, v1;
	v11 =	vor.u32 s2, v11  }
0x195: {  	v12 =	vand.u32 $0x7FF, v3;
	v10 =	vor.u32 s2, v10  }
0x196: {  	v12 =	vor.u32 s2, v12;
	v7 =	vld.idx.msk [tilespmem:v7+s17+$0x0], $0xffff  }
0x197: {  	v8 =	vld.idx.msk [tilespmem:v8+s17+$0x0], $0xffff  }
0x198: {  	v9 =	vld.idx.msk [tilespmem:v9+s17+$0x0], $0xffff  }
0x199: {  	v11 =	vld.idx.msk [tilespmem:v11+s17+$0x0], $0xffff  }
0x19a: {  	vm1 =	vgt.s32 v1, $0x7FF;
	vm2 =	vgt.s32 v5, $0x7FF;
	vm3 =	vgt.s32 v4, $0x7FF;
	v10 =	vld.idx.msk [tilespmem:v10+s17+$0x0], $0xffff  }
0x19b: {  	vm4 =	vgt.s32 v2, $0x7FF;
	vm5 =	vgt.s32 v6, $0x7FF;
	vm15 =	vgt.s32 v3, $0x7FF;
	v12 =	vld.idx.msk [tilespmem:v12+s17+$0x0], $0xffff  }
0x19c: {  	v13 =	vand.u32 $0xFFFF0000, v7;
	v7 =	vshll.u32 v7, $0x10;
	v14 =	vand.u32 $0xFFFF0000, v8  }
0x19d: {  	v8 =	vshll.u32 v8, $0x10;
	v7 =	vsel vm4, v13, v7;
	v13 =	vand.u32 $0xFFFF0000, v9  }
0x19e: {  	v9 =	vshll.u32 v9, $0x10;
	v8 =	vsel vm2, v14, v8;
	v14 =	vand.u32 $0xFFFF0000, v11  }
0x19f: {  	v11 =	vshll.u32 v11, $0x10;
	v9 =	vsel vm5, v13, v9;
	v13 =	vand.u32 $0xFFFF0000, v10  }
0x1a0: {  	v11 =	vsel vm3, v14, v11;
	v14 =	vand.u32 $0xFFFF0000, v12;
	v15 =	vmax.f32 v8, v9  }
0x1a1: {  	v12 =	vshll.u32 v12, $0x10;
	v10 =	vshll.u32 v10, $0x10;
	v15 =	vmax.f32 v15, v7  }
0x1a2: {  	v12 =	vsel vm15, v14, v12;
	v10 =	vsel vm1, v13, v10;
	v13 =	vmax.f32 v15, v11  }
0x1a3: {  	v10 =	vnsel vm0, $0xF149F2CA, v10;
	v13 =	vmax.f32 v13, v12  }
0x1a4: {  	v13 =	vmax.f32 v13, v10  }
0x1a5: {  	(xrf0) =	vmax.scan.msk.f32 $0xffff, v13;
	_ =	sdelay $0x5  }
0x1a6: {  	v13, _, _ =	vpop (xrf0)  }
0x1a7: {  	v13 =	vbroadcast v13, $0xF;
	_ =	sdelay $0x1  }
0x1a8: {  	v8 =	vsub.f32 v8, v13  }
0x1a9: {  	v9 =	vsub.f32 v9, v13  }
0x1aa: {  	v8 =	vmul.f32 $1.442695020e+00, v8  }
0x1ab: {  	v9 =	vmul.f32 $1.442695020e+00, v9  }
0x1ac: {  	v7 =	vsub.f32 v7, v13;
	(erf) = vpow2.f32 v8  }
0x1ad: {  	(erf) = vpow2.f32 v9  }
0x1ae: {  	v7 =	vmul.f32 $1.442695020e+00, v7;
	v8 =	vsub.f32 v11, v13  }
0x1af: {  	v9 =	vsub.f32 v12, v13  }
0x1b0: {  	v8 =	vmul.f32 $1.442695020e+00, v8;
	(erf) = vpow2.f32 v7  }
0x1b1: {  	v9 =	vmul.f32 $1.442695020e+00, v9  }
0x1b2: {  	(erf) = vpow2.f32 v8  }
0x1b3: {  	v7 =	vsub.f32 v10, v13;
	_ =	sdelay $0x1  }
0x1b4: {  	v7 =	vmul.f32 $1.442695020e+00, v7;
	(erf) = vpow2.f32 v9;
	v9 =	vpop (erf)  }
0x1b5: {  	v12 =	vpop (erf)  }
0x1b6: {  	(erf) = vpow2.f32 v7;
	v8 =	vadd.f32 v12, v9;
	_ =	sdelay $0x1  }
0x1b7: {  	v7 =	vpop (erf)  }
0x1b8: {  	v10 =	vadd.f32 v8, v7  }
0x1b9: {  	v8 =	vpop (erf)  }
0x1ba: {  	v11 =	vadd.f32 v10, v8;
	_ =	sdelay $0x1  }
0x1bb: {  	v10 =	vpop (erf)  }
0x1bc: {  	v13 =	vadd.f32 v11, v10  }
0x1bd: {  	v11 =	vpop (erf)  }
0x1be: {  	v13 =	vadd.f32 v13, v11;
	_ =	sdelay $0x1  }
0x1bf: {  	(xrf2) =	vadd.scan.msk.f32 $0xffff, v13;
	_ =	sdelay $0x9  }
0x1c0: {  	v13, _, _ =	vpop (xrf2)  }
0x1c1: {  	v13 =	vadd.f32 $9.999999960e-13, v13;
	_ =	sdelay $0x1  }
0x1c2: {  	v13 =	vbroadcast v13, $0xF  }
0x1c3: {  	s13 =	smov.u32 s8  }
0x1c4: {  	s6 =	smov.u32 s9;
	s4 =	simm.s32 $0x1000;
	s3 =	simm.s32 $0x0;
	(erf) = vrcp.f32 v13  }
.LBB2_12:
0x1c5: {  	_ =	sdelay $0x1  }
0x1c6: {  	p0 =	sne.s32 s4, $0x7000;
	s2 =	sadd.s32 $0x800, s2;
	s0 =	sadd.s32 $0x80, s0  }
0x1c7: {  	s5 =	smov.u32 s4;
	s4 =	sadd.s32 $0x1000, s4;
	_ =	sdelay $0x2  }
0x1c8: {  	v5 =	vadd.s32 s3, v5  }
0x1c9: {  	v6 =	vadd.s32 s3, v6  }
0x1ca: {  	v2 =	vadd.s32 s3, v2;
	v13 =	vpop (erf)  }
0x1cb: {  	v4 =	vadd.s32 s3, v4;
	v9 =	vmul.f32 v13, v9;
	v12 =	vmul.f32 v13, v12  }
0x1cc: {  	v3 =	vadd.s32 s3, v3  }
0x1cd: {  	v1 =	vadd.s32 s3, v1;
	s3 =	smov.u32 s5;
	[tilespmem:v5+s28+$0x0] =	vst.idx.add.f32.msk $0xffff, v9;
	v5 =	vmul.f32 v13, v7  }
0x1ce: {  	[tilespmem:v6+s28+$0x0] =	vst.idx.add.f32.msk $0xffff, v12;
	v6 =	vmul.f32 v13, v8  }
0x1cf: {  	[tilespmem:v2+s28+$0x0] =	vst.idx.add.f32.msk $0xffff, v5;
	v2 =	vmul.f32 v13, v10  }
0x1d0: {  	[tilespmem:v4+s28+$0x0] =	vst.idx.add.f32.msk $0xffff, v6;
	v4 =	vmul.f32 v13, v11  }
0x1d1: {  	[tilespmem:v3+s28+$0x0] =	vst.idx.add.f32.msk $0xffff, v2  }
0x1d2: {  	[tilespmem:v1+s28+$0x0] =	vst.idx.add.f32.msk $0x7, v4  }
0x1d3: {  	v2 =	vld [tilespmem:s0+$0xFFFFFFF0]  }
0x1d4: {  	v5 =	vld [tilespmem:s0+$0xFFFFFFD0]  }
0x1d5: {  	v6 =	vld [tilespmem:s0+$0xFFFFFFE0]  }
0x1d6: {  	v1 =	vld [tilespmem:s0+$0x20]  }
0x1d7: {  	v4 =	vld [tilespmem:s0+$0x0]  }
0x1d8: {  	v3 =	vld [tilespmem:s0+$0x10];
	v7 =	vand.u32 $0x7FF, v2  }
0x1d9: {  	v8 =	vand.u32 $0x7FF, v5;
	v7 =	vor.u32 s2, v7  }
0x1da: {  	v8 =	vor.u32 s2, v8;
	v9 =	vand.u32 $0x7FF, v6  }
0x1db: {  	v9 =	vor.u32 s2, v9;
	v10 =	vand.u32 $0x7FF, v1  }
0x1dc: {  	v11 =	vand.u32 $0x7FF, v4;
	v10 =	vor.u32 s2, v10  }
0x1dd: {  	v11 =	vor.u32 s2, v11;
	v12 =	vand.u32 $0x7FF, v3  }
0x1de: {  	v7 =	vld.idx.msk [tilespmem:v7+s17+$0x0], $0xffff;
	v12 =	vor.u32 s2, v12  }
0x1df: {  	v8 =	vld.idx.msk [tilespmem:v8+s17+$0x0], $0xffff  }
0x1e0: {  	v9 =	vld.idx.msk [tilespmem:v9+s17+$0x0], $0xffff  }
0x1e1: {  	v10 =	vld.idx.msk [tilespmem:v10+s17+$0x0], $0xffff  }
0x1e2: {  	vm1 =	vgt.s32 v1, $0x7FF;
	v11 =	vld.idx.msk [tilespmem:v11+s17+$0x0], $0xffff  }
0x1e3: {  	vm2 =	vgt.s32 v5, $0x7FF;
	vm3 =	vgt.s32 v4, $0x7FF;
	vm4 =	vgt.s32 v3, $0x7FF;
	v12 =	vld.idx.msk [tilespmem:v12+s17+$0x0], $0xffff  }
0x1e4: {  	vm5 =	vgt.s32 v2, $0x7FF;
	v13 =	vand.u32 $0xFFFF0000, v7;
	v7 =	vshll.u32 v7, $0x10  }
0x1e5: {  	vm6 =	vgt.s32 v6, $0x7FF;
	v14 =	vand.u32 $0xFFFF0000, v8;
	v7 =	vsel vm5, v13, v7  }
0x1e6: {  	v8 =	vshll.u32 v8, $0x10;
	v13 =	vand.u32 $0xFFFF0000, v9;
	v9 =	vshll.u32 v9, $0x10  }
0x1e7: {  	v8 =	vsel vm2, v14, v8;
	v9 =	vsel vm6, v13, v9;
	v13 =	vand.u32 $0xFFFF0000, v10  }
0x1e8: {  	v14 =	vand.u32 $0xFFFF0000, v11;
	v11 =	vshll.u32 v11, $0x10;
	v15 =	vmax.f32 v8, v9  }
0x1e9: {  	v11 =	vsel vm3, v14, v11;
	v14 =	vand.u32 $0xFFFF0000, v12;
	v12 =	vshll.u32 v12, $0x10  }
0x1ea: {  	v10 =	vshll.u32 v10, $0x10;
	v12 =	vsel vm4, v14, v12;
	v14 =	vmax.f32 v15, v7  }
0x1eb: {  	v10 =	vsel vm1, v13, v10;
	v13 =	vmax.f32 v14, v11  }
0x1ec: {  	v10 =	vnsel vm0, $0xF149F2CA, v10;
	v13 =	vmax.f32 v13, v12  }
0x1ed: {  	v13 =	vmax.f32 v13, v10  }
0x1ee: {  	(xrf0) =	vmax.scan.msk.f32 $0xffff, v13;
	_ =	sdelay $0x5  }
0x1ef: {  	v13, _, _ =	vpop (xrf0)  }
0x1f0: {  	v13 =	vbroadcast v13, $0xF;
	_ =	sdelay $0x1  }
0x1f1: {  	v8 =	vsub.f32 v8, v13;
	v9 =	vsub.f32 v9, v13  }
0x1f2: {  	v7 =	vsub.f32 v7, v13;
	v11 =	vsub.f32 v11, v13  }
0x1f3: {  	v12 =	vsub.f32 v12, v13;
	v8 =	vmul.f32 $1.442695020e+00, v8;
	v9 =	vmul.f32 $1.442695020e+00, v9  }
0x1f4: {  	v10 =	vsub.f32 v10, v13;
	v7 =	vmul.f32 $1.442695020e+00, v7;
	v11 =	vmul.f32 $1.442695020e+00, v11  }
0x1f5: {  	v12 =	vmul.f32 $1.442695020e+00, v12;
	(erf) = vpow2.f32 v8  }
0x1f6: {  	v8 =	vmul.f32 $1.442695020e+00, v10;
	(erf) = vpow2.f32 v9;
	_ =	sdelay $0x1  }
0x1f7: {  	(erf) = vpow2.f32 v7;
	_ =	sdelay $0x1  }
0x1f8: {  	(erf) = vpow2.f32 v11;
	_ =	sdelay $0x1  }
0x1f9: {  	(erf) = vpow2.f32 v12;
	_ =	sdelay $0x1  }
0x1fa: {  	v9 =	vpop (erf);
	(erf) = vpow2.f32 v8  }
0x1fb: {  	v12 =	vpop (erf)  }
0x1fc: {  	v11 =	vadd.f32 v12, v9  }
0x1fd: {  	v7 =	vpop (erf)  }
0x1fe: {  	v13 =	vadd.f32 v11, v7  }
0x1ff: {  	v8 =	vpop (erf)  }
0x200: {  	v14 =	vadd.f32 v13, v8  }
0x201: {  	v10 =	vpop (erf)  }
0x202: {  	v13 =	vadd.f32 v14, v10  }
0x203: {  	v11 =	vpop (erf)  }
0x204: {  	v13 =	vadd.f32 v13, v11;
	_ =	sdelay $0x1  }
0x205: {  	(xrf2) =	vadd.scan.msk.f32 $0xffff, v13;
	_ =	sdelay $0x9  }
0x206: {  	v13, _, _ =	vpop (xrf2)  }
.Ltmp5:
0x207: {  	v13 =	vadd.f32 $9.999999960e-13, v13;
	(pc) =	sbr.rel @p0 .LBB2_12-.Ltmp5, $3  }
0x208: {  	_ = 	snop  }
0x209: {  	v13 =	vbroadcast v13, $0xF;
	_ =	sdelay $0x1  }
0x20a: {  	(erf) = vrcp.f32 v13  }
0x20b: {  	_ =	sdelay $0x5  }
0x20c: {  	v5 =	vadd.s32 s3, v5  }
0x20d: {  	v6 =	vadd.s32 s3, v6  }
0x20e: {  	v2 =	vadd.s32 s3, v2;
	v13 =	vpop (erf)  }
0x20f: {  	v4 =	vadd.s32 s3, v4;
	v9 =	vmul.f32 v13, v9  }
0x210: {  	v3 =	vadd.s32 s3, v3;
	v12 =	vmul.f32 v13, v12  }
0x211: {  	v1 =	vadd.s32 s3, v1;
	v61 =	vmul.f32 v13, v7;
	[tilespmem:v5+s28+$0x0] =	vst.idx.add.f32.msk $0xffff, v9  }
0x212: {  	v62 =	vmul.f32 v13, v8;
	[tilespmem:v6+s28+$0x0] =	vst.idx.add.f32.msk $0xffff, v12  }
0x213: {  	[tilespmem:v2+s28+$0x0] =	vst.idx.add.f32.msk $0xffff, v61;
	v2 =	vmul.f32 v13, v10  }
0x214: {  	v63 =	vmul.f32 v13, v11;
	[tilespmem:v4+s28+$0x0] =	vst.idx.add.f32.msk $0xffff, v62  }
0x215: {  	s0 =	sshll.u32 s22, $0x9;
	s2 =	rddreg [dreg:$0x4];
	[tilespmem:v3+s28+$0x0] =	vst.idx.add.f32.msk $0xffff, v2  }
0x216: {  	s2 =	sadd.s32 s2, s0;
	[tilespmem:v1+s28+$0x0] =	vst.idx.add.f32.msk $0x7, v63  }
0x217: {  	[hbm4b:s2+s7] =	stream.strided.scatter [tilespmem:s28], [sflag:$0x3], $0x1000, s10, s7, $0x38;
	[tilespmem:$0x10800] =	vst v63  }
0x218: {  	s22 =	simm.s32 $0x9800;
	s9 =	sadd.s32 s0, s21  }
0x219: {  	[hbm4b:s9+s7] =	stream.strided.scatter [tilespmem:s22], [sflag:$0x3], $0x1000, s10, s7, $0x38;
	[tilespmem:$0x10800] =	vst v63  }
0x21a: {  	s4 =	simm.s32 $0xA800;
	s3 =	sadd.s32 s0, s23  }
0x21b: {  	[hbm4b:s3+s7] =	stream.strided.scatter [tilespmem:s4], [sflag:$0x3], $0x1000, s10, s7, $0x38;
	[tilespmem:$0x10800] =	vst v63  }
0x21c: {  	s8 =	simm.s32 $0xB800;
	s5 =	sadd.s32 s0, s24  }
0x21d: {  	[hbm4b:s5+s7] =	stream.strided.scatter [tilespmem:s8], [sflag:$0x3], $0x1000, s10, s7, $0x38;
	[tilespmem:$0x10800] =	vst v63  }
0x21e: {  	s19 =	sadd.s32 $0x1, s19;
	s9 =	sadd.s32 s0, s25;
	s22 =	simm.s32 $0xC800  }
0x21f: {  	[hbm4b:s9+s7] =	stream.strided.scatter [tilespmem:s22], [sflag:$0x3], $0x1000, s10, s7, $0x38;
	[tilespmem:$0x10800] =	vst v63  }
0x220: {  	p0 =	sne.s32 s19, $0x8;
	s4 =	sadd.s32 s0, s26;
	s5 =	simm.s32 $0xD800  }
0x221: {  	[hbm4b:s4+s7] =	stream.strided.scatter [tilespmem:s5], [sflag:$0x3], $0x1000, s10, s7, $0x38;
	[tilespmem:$0x10800] =	vst v63  }
.Ltmp6:
0x222: {  	_ = 	snop;
	(pc) =	sbr.rel @p0 .LBB2_4-.Ltmp6, $4  }
0x223: {  	s8 =	sadd.s32 s0, s29;
	s9 =	simm.s32 $0xE800  }
0x224: {  	[hbm4b:s8+s7] =	stream.strided.scatter [tilespmem:s9], [sflag:$0x3], $0x1000, s10, s7, $0x38;
	[tilespmem:$0x10800] =	vst v63  }
0x225: {  	s0 =	sadd.s32 s0, s30;
	s22 =	simm.s32 $0xF800  }
0x226: {  	[hbm4b:s0+s7] =	stream.strided.scatter [tilespmem:s22], [sflag:$0x3], $0x1000, s10, s7, $0x38;
	[tilespmem:$0x10800] =	vst v63  }
0x227: {  	_ =	swait.ge [sflag:s1], $0x1000  }
0x228: {  	[sflag:s1] =	ssyncset.done $0x0  }
0x229: {  	[sflag:s1] =	ssyncadd.s32 $0xFFFFF000  }
0x22a: {  	_ =	swait.ge [sflag:s1], $0x1000  }
0x22b: {  	[sflag:s1] =	ssyncset.done $0x0  }
0x22c: {  	[sflag:s1] =	ssyncadd.s32 $0xFFFFF000  }
0x22d: {  	_ =	swait.ge [sflag:s1], $0x1000  }
0x22e: {  	[sflag:s1] =	ssyncset.done $0x0  }
0x22f: {  	[sflag:s1] =	ssyncadd.s32 $0xFFFFF000  }
0x230: {  	_ =	swait.ge [sflag:s1], $0x1000  }
0x231: {  	[sflag:s1] =	ssyncset.done $0x0  }
0x232: {  	[sflag:s1] =	ssyncadd.s32 $0xFFFFF000  }
0x233: {  	_ =	swait.ge [sflag:s1], $0x1000  }
0x234: {  	[sflag:s1] =	ssyncset.done $0x0  }
0x235: {  	[sflag:s1] =	ssyncadd.s32 $0xFFFFF000  }
0x236: {  	_ =	swait.ge [sflag:s1], $0x1000  }
0x237: {  	[sflag:s1] =	ssyncset.done $0x0  }
0x238: {  	[sflag:s1] =	ssyncadd.s32 $0xFFFFF000  }
0x239: {  	_ =	swait.ge [sflag:s1], $0x1000  }
0x23a: {  	[sflag:s1] =	ssyncset.done $0x0  }
0x23b: {  	[sflag:s1] =	ssyncadd.s32 $0xFFFFF000  }
0x23c: {  	_ =	swait.ge [sflag:s1], $0x1000  }
0x23d: {  	s5 =	rddreg [dreg:$0x2]  }
0x23e: {  	s0 =	rddreg [dreg:$0x10];
	s5 =	sadd.s32 $0x1, s5  }
0x23f: {  	p0 =	sne.s32 s5, s0  }
.Ltmp7:
0x240: {  	_ = 	snop;
	(pc) =	sbr.rel @p0 .LBB2_1-.Ltmp7, $3  }
0x241: {  	_ =	sdelay $0x1  }
0x242: {  	[sflag:s1] =	ssyncset.done $0x0  }
0x243: {  	[sflag:s1] =	ssyncadd.s32 $0xFFFFF000  }
0x244: {  	_ =	sfence.sel $0x180000  }
0x245: {  	[bflag:$0x0] =	sbarrier.arrive $0xFFFF  }
0x246: {  	_ =	strace $0x9000004A  }
0x247: {  	s0 =	stileid.u32;
	[bflag:$0x2] =	sbarrier.arrive $0xFFFF  }
0x248: {  	p0 =	sne.s32 s0, $0x0;
	s0 =	rddreg [dreg:$0x1]  }
0x249: {  	s0 =	sadd.s32 @!p0 $0x100000, s0  }
0x24a: {  	[sflag:s0] =	ssyncadd.tile.s32 @!p0 $0x1;
	_ =	shalt  }
.Lfunc_end2:
_tile_overlayer_lowered:
.L_overlay_start_2:
0x24b: {  	(tag) =	ssettag $0x2  }
0x24c: {  	s0 =	rddreg [dreg:$0x0];
	s2 =	stileid.u32  }
0x24d: {  	s1 =	rddreg [dreg:$0x1];
	p0 =	sne.s32 s2, $0x0  }
0x24e: {  	s3 =	rddreg [dreg:$0x2];
	[bflag:$0x3] =	sbarrier.arrive $0xFFFF;
	s2 =	simm.s32 @!p0 $0x1C04  }
0x24f: {  	[timem:s3], [sflag:s2] =	dma.local @!p0 [hbm:s0], s1  }
0x250: {  	s0 =	simm.s32 @!p0 $0x4  }
0x251: {  	_ =	swait.ge @!p0 [sflag:s0], s1  }
0x252: {  	s1 =	ssub.s32 @!p0 $0x0, s1;
	[sflag:s0] =	ssyncset.done @!p0 $0x0  }
0x253: {  	[sflag:s0] =	ssyncadd.s32 @!p0 s1  }
0x254: {  	[bflag:$0x3] =	sbarrier.arrive $0xFFFF  }
0x255: {  	_ =	shalt  }

// kernel: kernel.9.cloned.1.call-start
scs
__scs_entry_jumppad:
0x0: {  	(pc) =	sbr.rel $0x88, $3  }
0x1: {  	(tag) =	ssettag $0x0;
	lr =	simm.s32 $0x1  }
0x2: {  	[smem:$0x3F97] =	sst lr;
	_ =	strace $0xD0000000  }
0x3: {  	_ = 	snop  }
0x4: {  	_ = 	snop  }
0x5: {  	_ = 	snop  }
0x6: {  	_ = 	snop  }
0x7: {  	_ = 	snop  }
__scs_overlays_trampoline_lowered:
0x8: {  	[smem:$0x3FA6] =	sst s0  }
0x9: {  	[smem:$0x3FA7] =	sst s1  }
0xa: {  	[smem:$0x3FA8] =	sst s2  }
0xb: {  	[smem:$0x3FA9] =	sst s3  }
0xc: {  	[smem:$0x3FAA] =	sst s4  }
0xd: {  	[smem:$0x3FAB] =	sst s5  }
0xe: {  	[smem:$0x3FAC] =	sst s6  }
0xf: {  	[smem:$0x3FAD] =	sst s7  }
0x10: {  	[smem:$0x3FAE] =	sst s8  }
0x11: {  	[smem:$0x3FAF] =	sst s9;
	s0 =	simm.s32 @!p0 $0x0  }
0x12: {  	s1 =	sld [smem:$0x3F95];
	s0 =	simm.s32 @p0 $0x1  }
0x13: {  	[smem:$0x3FB0] =	sst s0;
	s0 =	simm.s32 @!p1 $0x0  }
0x14: {  	s2 =	sld [smem:$0x3F94];
	s0 =	simm.s32 @p1 $0x1  }
0x15: {  	[smem:$0x3FB1] =	sst s0;
	s0 =	simm.s32 @!p2 $0x0  }
0x16: {  	s3 =	sld [smem:$0x3FDB];
	s0 =	simm.s32 @p2 $0x1  }
0x17: {  	s4 =	simm.s32 $0x1BF5;
	[smem:$0x3FB3] =	sst s0  }
0x18: {  	s0 =	sld [smem:$0x3F96];
	_ =	swait.ge [sflag:s4], $0x0  }
0x19: {  	s7 =	sld [smem:$0x3F97]  }
0x1a: {  	s8 =	sadd.s32 $0xFFFFE003, lr  }
0x1b: {  	s9 =	sadd.s32 $0xFFFFFEF7, lr;
	s5 =	simm.s32 $0xFFFFFFFF;
	p2 =	slt.u32 s8, $0xFFFFF086  }
0x1c: {  	p1 =	slt.u32 s9, $0xF7A;
	s5 =	simm.s32 @!p2 $0x0  }
0x1d: {  	s5 =	simm.s32 @p1 $0x1;
	p0 =	seq.s32 s7, s2  }
0x1e: {  	s7 =	smul.u32 @!p0 $0xF7A, s2;
	p2 =	seq.s32 @!p0 s5, $0x0  }
0x1f: {  	s9 =	smul.u32 $0xF7A, s1;
	s8 =	simm.s32 @!p0 $0x1BF5;
	p2 =	por !p2, p0  }
0x20: {  	[sflag:s8] =	ssyncset.s32 @!p0 $0xFFFFF086;
	s6 =	sadd.s32 @!p0 s3, s7;
	s7 =	simm.s32 @!p0 $0x108  }
0x21: {  	s3 =	sadd.s32 s3, s9;
	s6 =	sadd.s32 @!p0 $0x88, s6;
	s7 =	simm.s32 @p2 $0x1082  }
0x22: {  	[simem:s7], [sflag:s8] =	dma.local @!p0 [hbm:s6], $0xF7A  }
0x23: {  	s9 =	sor.u32 $0xD0000000, s2;
	s6 =	simm.s32 $0x108;
	_ =	swait.ge @!p0 [sflag:s8], $0x0  }
0x24: {  	s3 =	sadd.s32 $0x88, s3;
	s6 =	simm.s32 @!p1 $0x1082;
	[sflag:s4] =	ssyncset.s32 $0xFFFFF086  }
0x25: {  	[simem:s6], [sflag:s4] =	dma.local [hbm:s3], $0xF7A  }
0x26: {  	[smem:$0x3F97] =	sst s1;
	(tag) =	ssettag s2;
	_ =	strace s9  }
0x27: {  	s1 =	sld [smem:$0x3FA7]  }
0x28: {  	s2 =	sld [smem:$0x3FA8]  }
0x29: {  	s4 =	sld [smem:$0x3FAA]  }
0x2a: {  	p0 =	seq.s32 s5, $0x0;
	s5 =	sld [smem:$0x3FAB]  }
0x2b: {  	s6 =	sld [smem:$0x3FAC]  }
0x2c: {  	s7 =	sld [smem:$0x3FAD]  }
0x2d: {  	s3 =	simm.s32 $0x108;
	s8 =	sld [smem:$0x3FAE]  }
0x2e: {  	s3 =	simm.s32 @!p0 $0x1082;
	s9 =	sld [smem:$0x3FAF]  }
0x2f: {  	lr =	sadd.s32 s0, s3;
	s0 =	sld [smem:$0x3FA6]  }
0x30: {  	s3 =	sld [smem:$0x3FA9]  }
0x31: {  	[smem:$0x3FB2] =	sst s10  }
0x32: {  	s10 =	sld [smem:$0x3FB0];
	_ =	sdelay $0x3  }
0x33: {  	p0 =	seq.s32 s10, $0x1;
	s10 =	sld [smem:$0x3FB2];
	_ =	sdelay $0x3  }
0x34: {  	[smem:$0x3FB2] =	sst s10  }
0x35: {  	s10 =	sld [smem:$0x3FB1];
	_ =	sdelay $0x3  }
0x36: {  	p1 =	seq.s32 s10, $0x1;
	s10 =	sld [smem:$0x3FB2];
	_ =	sdelay $0x3  }
0x37: {  	[smem:$0x3FB2] =	sst s10  }
0x38: {  	s10 =	sld [smem:$0x3FB3]  }
0x39: {  	_ = 	snop;
	(pc) =	sbr.ind lr, $3  }
0x3a: {  	_ = 	snop  }
0x3b: {  	_ = 	snop  }
0x3c: {  	p2 =	seq.s32 s10, $0x1;
	s10 =	sld [smem:$0x3FB2]  }
0x3d: {  	_ =	shalt  }
0x3e: {  	_ =	shalt  }
0x3f: {  	_ =	shalt  }
0x40: {  	_ =	shalt  }
0x41: {  	_ =	shalt  }
0x42: {  	_ =	shalt  }
0x43: {  	_ =	shalt  }
0x44: {  	_ =	shalt  }
0x45: {  	_ =	shalt  }
0x46: {  	_ =	shalt  }
0x47: {  	_ =	shalt  }
0x48: {  	_ =	shalt  }
0x49: {  	_ =	shalt  }
0x4a: {  	_ =	shalt  }
0x4b: {  	_ =	shalt  }
0x4c: {  	_ =	shalt  }
0x4d: {  	_ =	shalt  }
0x4e: {  	_ =	shalt  }
0x4f: {  	_ =	shalt  }
0x50: {  	_ =	shalt  }
0x51: {  	_ =	shalt  }
0x52: {  	_ =	shalt  }
0x53: {  	_ =	shalt  }
0x54: {  	_ =	shalt  }
0x55: {  	_ =	shalt  }
0x56: {  	_ =	shalt  }
0x57: {  	_ =	shalt  }
0x58: {  	_ =	shalt  }
0x59: {  	_ =	shalt  }
0x5a: {  	_ =	shalt  }
0x5b: {  	_ =	shalt  }
0x5c: {  	_ =	shalt  }
0x5d: {  	_ =	shalt  }
0x5e: {  	_ =	shalt  }
0x5f: {  	_ =	shalt  }
0x60: {  	_ =	shalt  }
0x61: {  	_ =	shalt  }
0x62: {  	_ =	shalt  }
0x63: {  	_ =	shalt  }
0x64: {  	_ =	shalt  }
0x65: {  	_ =	shalt  }
0x66: {  	_ =	shalt  }
0x67: {  	_ =	shalt  }
0x68: {  	_ =	shalt  }
0x69: {  	_ =	shalt  }
0x6a: {  	_ =	shalt  }
0x6b: {  	_ =	shalt  }
0x6c: {  	_ =	shalt  }
0x6d: {  	_ =	shalt  }
0x6e: {  	_ =	shalt  }
0x6f: {  	_ =	shalt  }
0x70: {  	_ =	shalt  }
0x71: {  	_ =	shalt  }
0x72: {  	_ =	shalt  }
0x73: {  	_ =	shalt  }
0x74: {  	_ =	shalt  }
0x75: {  	_ =	shalt  }
0x76: {  	_ =	shalt  }
0x77: {  	_ =	shalt  }
0x78: {  	_ =	shalt  }
0x79: {  	_ =	shalt  }
0x7a: {  	_ =	shalt  }
0x7b: {  	_ =	shalt  }
0x7c: {  	_ =	shalt  }
0x7d: {  	_ =	shalt  }
0x7e: {  	_ =	shalt  }
0x7f: {  	_ =	shalt  }
0x80: {  	_ =	shalt  }
0x81: {  	_ =	shalt  }
0x82: {  	_ =	shalt  }
0x83: {  	_ =	shalt  }
0x84: {  	_ =	shalt  }
0x85: {  	_ =	shalt  }
0x86: {  	_ =	shalt  }
0x87: {  	_ =	shalt  }
.Lfunc_end0:
.L_simem_size_0:
called_computation_lowered:
.L_overlay_start_0:
0x88: {  	s2 =	sld [smem:$0x3FD9]  }
0x89: {  	s3 =	sld [smem:$0x3FFE];
	_ =	sdelay $0x1  }
0x8a: {  	s1 =	srdreg.scid  }
0x8b: {  	s0 =	sand.u32 $0x1, s1  }
0x8c: {  	s16 =	sshll.u32 s0, $0xA;
	s2 =	sadd.s32 s3, s2  }
0x8d: {  	s2 =	sadd.s32 s2, s16  }
0x8e: {  	[smem:$0x3FBE] =	sst s2  }
0x8f: {  	_ = 	snop  }
0x90: {  	(tm) =	ssettm $0x1  }
0x91: {  	s17 =	sld [smem:$0x3FFB];
	_ =	sdelay $0x3  }
0x92: {  	_ =	strace s17  }
0x93: {  	s2 =	sld [smem:$0x3FFC];
	_ =	sdelay $0x3  }
0x94: {  	_ =	strace s2  }
0x95: {  	s2 =	sld [smem:$0x3FFD];
	_ =	sdelay $0x3  }
0x96: {  	_ =	strace s2  }
0x97: {  	_ =	strace $0x8FFFFFFF  }
0x98: {  	s18 =	sld [smem:$0x3FDB];
	_ =	sdelay $0x1  }
0x99: {  	s19 =	simm.s32 $_scs_section_size  }
0x9a: {  	s4 =	simm.s32 $_size__tile_overlayer_lowered;
	s5 =	simm.s32 $_tile_overlayer_lowered  }
0x9b: {  	s22 =	simm.s32 $0x1BFF;
	s21 =	sshll.u32 s5, $0x1;
	s2 =	sadd.s32 s19, s18  }
0x9c: {  	s6 =	simm.s32 $0x0;
	s20 =	sshll.u32 s4, $0x1;
	s4 =	sadd.s32 s21, s2  }
0x9d: {  	[timem:s6], [sflag:s22] =	dma.local [hbm:s4], s20  }
0x9e: {  	_ =	swait.ge [sflag:s22], s20  }
0x9f: {  	s3 =	ssub.s32 $0x0, s20;
	[sflag:s22] =	ssyncset.done $0x0  }
0xa0: {  	[sflag:s22] =	ssyncadd.s32 s3;
	_ =	sdelay $0x1  }
0xa1: {  	s23 =	simm.s32 $0x1B8B  }
0xa2: {  	_ =	swait.ge [sflag:s23], $0x1  }
0xa3: {  	[sflag:s23] =	ssyncset.done $0x0  }
0xa4: {  	s25 =	simm.s32 $0x1B8E;
	s24 =	sld [smem:$0x3FFE];
	[sflag:s23] =	ssyncadd.s32 $0xFFFFFFFF  }
0xa5: {  	s26 =	simm.s32 $execute0_lowered;
	[smem:$0x3FD2] =	sst s25  }
0xa6: {  	s4 =	sshll.u32 s26, $0x1;
	_ =	strace $0x80000046;
	[dreg:$0x1] =	wrdreg $0xFFFFFFFF  }
0xa7: {  	s28 =	simm.s32 $_size_execute0_lowered;
	s2 =	sadd.s32 s2, s4;
	[dreg:$0x0] =	wrdreg $0x0  }
0xa8: {  	s4 =	sshll.u32 s28, $0x1;
	[dreg:$0x2] =	wrdreg s2  }
0xa9: {  	[dreg:$0x3] =	wrdreg s4  }
0xaa: {  	[dreg:$0x4] =	wrdreg $0xC0  }
0xab: {  	_ =	task [dreg:s6], $0x5FFFF  }
0xac: {  	[dreg:$0x1] =	wrdreg $0xFFFFFFFF  }
0xad: {  	[dreg:$0x0] =	wrdreg $0x60  }
0xae: {  	[dreg:$0x2] =	wrdreg s24  }
0xaf: {  	[dreg:$0x3] =	wrdreg $0x9  }
0xb0: {  	_ =	task.clear_ibuf [dreg:s6], $0x4FFFF;
	_ =	strace $0x90000046  }
0xb1: {  	s29 =	simm.s32 $0x9;
	_ =	strace $0x80000048  }
0xb2: {  	_ =	swait.ge [sflag:s29], $0x1  }
0xb3: {  	[sflag:s29] =	ssyncadd.s32 $0xFFFFFFFF  }
0xb4: {  	_ =	strace $0x90000048  }
0xb5: {  	_ =	sfence  }
0xb6: {  	s30 =	sld [smem:$0x0];
	_ =	sdelay $0x2  }
0xb7: {  	s31 =	sshll.u32 s1, $0xD;
	s1 =	sshrl.u32 s1, $0x2  }
0xb8: {  	s3 =	sand.u32 $0x4000, s31;
	s1 =	sadd.s32 s1, s30  }
0xb9: {  	s0 =	sor.u32 s3, s0;
	s1 =	sshll.u32 s1, $0x11  }
0xba: {  	s0 =	sor.u32 s1, s0  }
0xbb: {  	s0 =	sadd.s32 $0x8F2B, s0  }
0xbc: {  	[sflag:s0] =	ssyncadd.remote.s32 $0x1  }
0xbd: {  	_ =	sfence.sel $0xFFFF  }
0xbe: {  	[dreg:$0x0] =	wrdreg $0xFFFFFFFF;
	(pc) =	sbr.abs _section_cstart, $3  }
0xbf: {  	[dreg:$0x1] =	wrdreg $0xFFFFFFFF  }
0xc0: {  	_ =	task.clear_ibuf [dreg:s6], $0x2FFFF;
	_ =	strace $0x9FFFFFFF  }
0xc1: {  	(tm) =	ssettm $0x7FFFFFFF  }
tec
execute0_lowered:
.L_overlay_start_1:
0x0: {  	(tag) =	ssettag $0x1  }
0x1: {  	s0 =	rddreg [dreg:$0x0]  }
0x2: {  	s5 =	simm.s32 $0x0;
	s1 =	srdreg.scid;
	s3 =	stileid.u32  }
0x3: {  	s28 =	simm.s32 $0x8800;
	s31 =	simm.s32 $0x2;
	[smem:$0x7FF] =	sst s5  }
0x4: {  	s13 =	sadd.s32 $0x12600, s0;
	s1 =	sand.u32 $0x1, s1;
	s3 =	sshll.u32 s3, $0x8  }
0x5: {  	s6 =	sadd.s32 $0x2600, s0;
	s18 =	sadd.s32 $0x112600, s0;
	s24 =	sadd.s32 $0x12610, s0  }
0x6: {  	s7 =	sadd.s32 $0x12620, s0;
	s26 =	sadd.s32 $0x12630, s0;
	s8 =	sadd.s32 $0x12650, s0  }
0x7: {  	s10 =	sadd.s32 $0x12660, s0;
	s11 =	sadd.s32 $0x12670, s0;
	s21 =	sadd.s32 $0x112610, s0  }
0x8: {  	s29 =	sadd.s32 $0x112660, s0;
	_ =	strace $0x80000047;
	[dreg:$0x4] =	wrdreg s18  }
0x9: {  	s30 =	sadd.s32 $0x112670, s0;
	s2 =	ssub.s32 $0x2, s1;
	[dreg:$0x9] =	wrdreg s24  }
0xa: {  	s1 =	sshll.u32 s1, $0x7;
	[dreg:$0xd] =	wrdreg s7;
	s15 =	smov.u32 s26  }
0xb: {  	s12 =	smov.u32 s8;
	s20 =	smov.u32 s10;
	s3 =	sor.u32 s1, s3  }
0xc: {  	s14 =	smov.u32 s11;
	s4 =	sshrl.u32 s2, $0x1;
	s22 =	sshll.u32 s3, $0x8  }
0xd: {  	s1 =	simm.s32 $0x3;
	[dreg:$0x3] =	wrdreg s3;
	s23 =	sadd.s32 s13, s22  }
0xe: {  	s19 =	ssub.s32 s2, s4;
	s4 =	sadd.s32 s22, s24;
	[dreg:$0x5] =	wrdreg s23  }
0xf: {  	s16 =	sshll.u32 s3, $0x4;
	s25 =	sadd.s32 s22, s7;
	[dreg:$0x6] =	wrdreg s4  }
0x10: {  	s7 =	sadd.s32 $0x12640, s0;
	s9 =	sadd.s32 s22, s8;
	[dreg:$0x7] =	wrdreg s25  }
0x11: {  	s2 =	sadd.s32 s22, s11;
	s24 =	sadd.s32 $0x112630, s0;
	[dreg:$0xb] =	wrdreg s9  }
0x12: {  	s17 =	smax.u32 s19, $0x1;
	s19 =	sor.u32 $0x8, s3;
	[dreg:$0xe] =	wrdreg s2  }
0x13: {  	s11 =	simm.s32 $0x800;
	s4 =	sadd.s32 s22, s26;
	[dreg:$0x10] =	wrdreg s17  }
0x14: {  	s18 =	smov.u32 s7;
	s23 =	sadd.s32 $0x112620, s0;
	[dreg:$0x11] =	wrdreg s19  }
0x15: {  	s25 =	sadd.s32 $0x112640, s0;
	s2 =	sadd.s32 s6, s16;
	[dreg:$0x8] =	wrdreg s4  }
0x16: {  	s26 =	sadd.s32 $0x112650, s0;
	s4 =	sadd.s32 s22, s7;
	[dreg:$0xf] =	wrdreg s2  }
0x17: {  	s16 =	simm.s32 $0x1;
	[dreg:$0xa] =	wrdreg s4;
	s4 =	sadd.s32 s22, s10  }
0x18: {  	s17 =	simm.s32 $0x4800;
	s22 =	sor.u32 $0x10, s3;
	[dreg:$0xc] =	wrdreg s4  }
0x19: {  	v0 =	vimm.f32 $0.0e+00;
	vm0 =	vmmov $0x7;
	s7 =	simm.s32 $0x80;
	s10 =	simm.s32 $0x400;
	[dreg:$0x12] =	wrdreg s22  }
.LBB2_1:
0x1a: {  	[dreg:$0x2] =	wrdreg s5;
	s0 =	simm.s32 $0x40;
	s2 =	simm.s32 $0x0  }
.LBB2_2:
0x1b: {  	p0 =	sne.s32 s0, $0x1FFC0;
	[tilespmem:s2+$0x8800] =	vst v0;
	s2 =	smov.u32 s0;
	s0 =	sadd.s32 $0x40, s0  }
.Ltmp0:
0x1c: {  	(pc) =	sbr.rel @p0 .LBB2_2-.Ltmp0, $2  }
0x1d: {  	_ =	sdelay $0x2  }
0x1e: {  	s2 =	sshra.s32 s2, $0x2  }
0x1f: {  	[tilespmem:s2+$0x8800] =	vst v0;
	s0 =	rddreg [dreg:$0x5]  }
0x20: {  	[tilespmem:s11], [sflag:$0x1] =	stream.strided.gather [hbm4b:s0+s7], $0x800, s10, s7, $0x38;
	[tilespmem:$0x10800] =	vst v63  }
0x21: {  	s19 =	rddreg [dreg:$0x6];
	s22 =	simm.s32 $0x1000  }
0x22: {  	[tilespmem:s22], [sflag:$0x1] =	stream.strided.gather [hbm4b:s19+s7], $0x800, s10, s7, $0x38;
	[tilespmem:$0x10800] =	vst v63  }
0x23: {  	s2 =	rddreg [dreg:$0x7];
	s3 =	simm.s32 $0x1800  }
0x24: {  	[tilespmem:s3], [sflag:$0x1] =	stream.strided.gather [hbm4b:s2+s7], $0x800, s10, s7, $0x38;
	[tilespmem:$0x10800] =	vst v63  }
0x25: {  	s4 =	rddreg [dreg:$0x8];
	s5 =	simm.s32 $0x2000  }
0x26: {  	[tilespmem:s5], [sflag:$0x1] =	stream.strided.gather [hbm4b:s4+s7], $0x800, s10, s7, $0x38;
	[tilespmem:$0x10800] =	vst v63  }
0x27: {  	s8 =	rddreg [dreg:$0xa];
	s9 =	simm.s32 $0x2800  }
0x28: {  	[tilespmem:s9], [sflag:$0x1] =	stream.strided.gather [hbm4b:s8+s7], $0x800, s10, s7, $0x38;
	[tilespmem:$0x10800] =	vst v63  }
0x29: {  	s19 =	rddreg [dreg:$0xb];
	s22 =	simm.s32 $0x3000  }
0x2a: {  	[tilespmem:s22], [sflag:$0x1] =	stream.strided.gather [hbm4b:s19+s7], $0x800, s10, s7, $0x38;
	[tilespmem:$0x10800] =	vst v63  }
0x2b: {  	s3 =	rddreg [dreg:$0xc];
	s4 =	simm.s32 $0x3800  }
0x2c: {  	[tilespmem:s4], [sflag:$0x1] =	stream.strided.gather [hbm4b:s3+s7], $0x800, s10, s7, $0x38;
	[tilespmem:$0x10800] =	vst v63  }
0x2d: {  	s5 =	rddreg [dreg:$0xe];
	s8 =	simm.s32 $0x4000  }
0x2e: {  	[tilespmem:s8], [sflag:$0x1] =	stream.strided.gather [hbm4b:s5+s7], $0x800, s10, s7, $0x38;
	[tilespmem:$0x10800] =	vst v63  }
0x2f: {  	s9 =	rddreg [dreg:$0xf];
	s19 =	simm.s32 $0x0;
	s22 =	simm.s32 $0x4  }
0x30: {  	[tilespmem:s19], [sflag:$0x4] =	stream.linear.gather [hbm4b:s9+s19], $0x400, $0x38;
	[tilespmem:$0x10800] =	vst v63  }
0x31: {  	_ =	swait.ge [sflag:s22], $0x400  }
0x32: {  	[sflag:s22] =	ssyncset.done $0x0  }
0x33: {  	[sflag:s22] =	ssyncadd.s32 $0xFFFFFC00  }
.LBB2_4:
0x34: {  	_ =	swait.ge [sflag:s16], $0x800  }
0x35: {  	[sflag:s16] =	ssyncset.done $0x0  }
0x36: {  	[sflag:s16] =	ssyncadd.s32 $0xFFFFF800  }
0x37: {  	_ =	swait.ge [sflag:s16], $0x800  }
0x38: {  	[sflag:s16] =	ssyncset.done $0x0  }
0x39: {  	[sflag:s16] =	ssyncadd.s32 $0xFFFFF800  }
0x3a: {  	_ =	swait.ge [sflag:s16], $0x800  }
0x3b: {  	[sflag:s16] =	ssyncset.done $0x0  }
0x3c: {  	[sflag:s16] =	ssyncadd.s32 $0xFFFFF800  }
0x3d: {  	_ =	swait.ge [sflag:s16], $0x800  }
0x3e: {  	[sflag:s16] =	ssyncset.done $0x0  }
0x3f: {  	[sflag:s16] =	ssyncadd.s32 $0xFFFFF800  }
0x40: {  	_ =	swait.ge [sflag:s16], $0x800  }
0x41: {  	[sflag:s16] =	ssyncset.done $0x0  }
0x42: {  	[sflag:s16] =	ssyncadd.s32 $0xFFFFF800  }
0x43: {  	_ =	swait.ge [sflag:s16], $0x800  }
0x44: {  	[sflag:s16] =	ssyncset.done $0x0  }
0x45: {  	[sflag:s16] =	ssyncadd.s32 $0xFFFFF800  }
0x46: {  	p0 =	seq.s32 s19, $0x0;
	_ =	swait.ge [sflag:s16], $0x800  }
.Ltmp1:
0x47: {  	[sflag:s16] =	ssyncset.done $0x0;
	(pc) =	sbr.rel @p0 .LBB2_7-.Ltmp1, $4  }
0x48: {  	[sflag:s16] =	ssyncadd.s32 $0xFFFFF800  }
0x49: {  	_ =	swait.ge [sflag:s16], $0x800  }
0x4a: {  	[sflag:s16] =	ssyncset.done $0x0  }
0x4b: {  	[sflag:s16] =	ssyncadd.s32 $0xFFFFF800  }
0x4c: {  	_ =	swait.ge [sflag:s1], $0x1000  }
0x4d: {  	[sflag:s1] =	ssyncset.done $0x0  }
0x4e: {  	[sflag:s1] =	ssyncadd.s32 $0xFFFFF000  }
0x4f: {  	_ =	swait.ge [sflag:s1], $0x1000  }
0x50: {  	[sflag:s1] =	ssyncset.done $0x0  }
0x51: {  	[sflag:s1] =	ssyncadd.s32 $0xFFFFF000  }
0x52: {  	_ =	swait.ge [sflag:s1], $0x1000  }
0x53: {  	[sflag:s1] =	ssyncset.done $0x0  }
0x54: {  	[sflag:s1] =	ssyncadd.s32 $0xFFFFF000  }
0x55: {  	_ =	swait.ge [sflag:s1], $0x1000  }
0x56: {  	[sflag:s1] =	ssyncset.done $0x0  }
0x57: {  	[sflag:s1] =	ssyncadd.s32 $0xFFFFF000  }
0x58: {  	_ =	swait.ge [sflag:s1], $0x1000  }
0x59: {  	[sflag:s1] =	ssyncset.done $0x0  }
0x5a: {  	[sflag:s1] =	ssyncadd.s32 $0xFFFFF000  }
0x5b: {  	_ =	swait.ge [sflag:s1], $0x1000  }
0x5c: {  	[sflag:s1] =	ssyncset.done $0x0  }
0x5d: {  	[sflag:s1] =	ssyncadd.s32 $0xFFFFF000  }
0x5e: {  	_ =	swait.ge [sflag:s1], $0x1000  }
0x5f: {  	[sflag:s1] =	ssyncset.done $0x0  }
0x60: {  	[sflag:s1] =	ssyncadd.s32 $0xFFFFF000  }
0x61: {  	_ =	swait.ge [sflag:s1], $0x1000  }
0x62: {  	[sflag:s1] =	ssyncset.done $0x0  }
0x63: {  	s0 =	simm.s32 $0x0;
	s2 =	simm.s32 $0x430;
	[sflag:s1] =	ssyncadd.s32 $0xFFFFF000  }
.LBB2_6:
0x64: {  	v1 =	vld [tilespmem:s2+$0xFFFFFFD0];
	_ =	sdelay $0x4  }
0x65: {  	v1 =	vadd.s32 s0, v1;
	_ =	sdelay $0x4  }
0x66: {  	[tilespmem:v1+s28+$0x0] =	vst.idx.msk $0xffff, v0  }
0x67: {  	v1 =	vld [tilespmem:s2+$0xFFFFFFE0];
	_ =	sdelay $0x4  }
0x68: {  	v1 =	vadd.s32 s0, v1;
	_ =	sdelay $0x4  }
0x69: {  	[tilespmem:v1+s28+$0x0] =	vst.idx.msk $0xffff, v0  }
0x6a: {  	v1 =	vld [tilespmem:s2+$0xFFFFFFF0];
	_ =	sdelay $0x4  }
0x6b: {  	v1 =	vadd.s32 s0, v1;
	_ =	sdelay $0x4  }
0x6c: {  	[tilespmem:v1+s28+$0x0] =	vst.idx.msk $0xffff, v0  }
0x6d: {  	v1 =	vld [tilespmem:s2+$0x0];
	_ =	sdelay $0x4  }
0x6e: {  	v1 =	vadd.s32 s0, v1;
	_ =	sdelay $0x4  }
0x6f: {  	[tilespmem:v1+s28+$0x0] =	vst.idx.msk $0xffff, v0  }
0x70: {  	v1 =	vld [tilespmem:s2+$0x10];
	_ =	sdelay $0x4  }
0x71: {  	v1 =	vadd.s32 s0, v1;
	_ =	sdelay $0x4  }
0x72: {  	[tilespmem:v1+s28+$0x0] =	vst.idx.msk $0xffff, v0  }
0x73: {  	v1 =	vld [tilespmem:s2+$0x20];
	_ =	sdelay $0x4  }
0x74: {  	p0 =	sne.s32 s0, $0x7000;
	v1 =	vadd.s32 s0, v1  }
.Ltmp2:
0x75: {  	_ = 	snop;
	(pc) =	sbr.rel @p0 .LBB2_6-.Ltmp2, $2  }
0x76: {  	_ =	sdelay $0x2  }
0x77: {  	s2 =	sadd.s32 $0x80, s2;
	s0 =	sadd.s32 $0x1000, s0;
	[tilespmem:v1+s28+$0x0] =	vst.idx.msk $0x7, v0  }
.LBB2_7:
0x78: {  	s5 =	sshll.u32 s19, $0x4;
	s0 =	rddreg [dreg:$0x11]  }
0x79: {  	s22 =	sadd.s32 s0, s5  }
0x7a: {  	s0 =	sshll.u32 s22, $0x8  }
0x7b: {  	s8 =	smov.u32 s13;
	s2 =	sadd.s32 s13, s0;
	s13 =	rddreg [dreg:$0x9]  }
0x7c: {  	[tilespmem:s17], [sflag:$0x2] =	stream.strided.gather [hbm4b:s2+s7], $0x800, s10, s7, $0x38;
	[tilespmem:$0x10800] =	vst v63  }
0x7d: {  	s3 =	simm.s32 $0x5000;
	s2 =	sadd.s32 s0, s13  }
0x7e: {  	[tilespmem:s3], [sflag:$0x2] =	stream.strided.gather [hbm4b:s2+s7], $0x800, s10, s7, $0x38;
	[tilespmem:$0x10800] =	vst v63  }
0x7f: {  	s3 =	rddreg [dreg:$0xd]  }
0x80: {  	s4 =	simm.s32 $0x5800;
	s2 =	sadd.s32 s0, s3  }
0x81: {  	[tilespmem:s4], [sflag:$0x2] =	stream.strided.gather [hbm4b:s2+s7], $0x800, s10, s7, $0x38;
	[tilespmem:$0x10800] =	vst v63  }
0x82: {  	s9 =	sadd.s32 s0, s15;
	s13 =	simm.s32 $0x6000  }
0x83: {  	[tilespmem:s13], [sflag:$0x2] =	stream.strided.gather [hbm4b:s9+s7], $0x800, s10, s7, $0x38;
	[tilespmem:$0x10800] =	vst v63  }
0x84: {  	s3 =	sadd.s32 s0, s18;
	s4 =	simm.s32 $0x6800  }
0x85: {  	[tilespmem:s4], [sflag:$0x2] =	stream.strided.gather [hbm4b:s3+s7], $0x800, s10, s7, $0x38;
	[tilespmem:$0x10800] =	vst v63  }
0x86: {  	s9 =	sadd.s32 s0, s12;
	s13 =	simm.s32 $0x7000  }
0x87: {  	[tilespmem:s13], [sflag:$0x2] =	stream.strided.gather [hbm4b:s9+s7], $0x800, s10, s7, $0x38;
	[tilespmem:$0x10800] =	vst v63  }
0x88: {  	s4 =	sadd.s32 s0, s20;
	s0 =	sadd.s32 s0, s14;
	s9 =	simm.s32 $0x7800  }
0x89: {  	[tilespmem:s9], [sflag:$0x2] =	stream.strided.gather [hbm4b:s4+s7], $0x800, s10, s7, $0x38;
	[tilespmem:$0x10800] =	vst v63  }
0x8a: {  	s3 =	sshll.u32 s22, $0x4;
	s13 =	simm.s32 $0x8000;
	s9 =	smov.u32 s6  }
0x8b: {  	[tilespmem:s13], [sflag:$0x2] =	stream.strided.gather [hbm4b:s0+s7], $0x800, s10, s7, $0x38;
	[tilespmem:$0x10800] =	vst v63  }
0x8c: {  	s4 =	sadd.s32 s6, s3;
	s6 =	simm.s32 $0x4;
	s0 =	simm.s32 $0x0  }
0x8d: {  	[tilespmem:s10], [sflag:$0x4] =	stream.linear.gather [hbm4b:s4+s0], $0x400, $0x38;
	[tilespmem:$0x10800] =	vst v63  }
0x8e: {  	_ =	swait.ge [sflag:s6], $0x400  }
0x8f: {  	[sflag:s6] =	ssyncset.done $0x0  }
0x90: {  	s2 =	simm.s32 $0x30;
	[sflag:s6] =	ssyncadd.s32 $0xFFFFFC00  }
0x91: {  	v2 =	vld [tilespmem:s2+$0xFFFFFFF0]  }
0x92: {  	v5 =	vld [tilespmem:s2+$0xFFFFFFD0]  }
0x93: {  	v6 =	vld [tilespmem:s2+$0xFFFFFFE0]  }
0x94: {  	v4 =	vld [tilespmem:s2+$0x0]  }
0x95: {  	v1 =	vld [tilespmem:s2+$0x20]  }
0x96: {  	v3 =	vld [tilespmem:s2+$0x10];
	v7 =	vand.u32 $0x7FF, v2  }
0x97: {  	v8 =	vand.u32 $0x7FF, v5;
	v7 =	vor.u32 s0, v7  }
0x98: {  	v9 =	vand.u32 $0x7FF, v6;
	v8 =	vor.u32 s0, v8  }
0x99: {  	v11 =	vand.u32 $0x7FF, v4;
	v9 =	vor.u32 s0, v9  }
0x9a: {  	v10 =	vand.u32 $0x7FF, v1;
	v11 =	vor.u32 s0, v11  }
0x9b: {  	v12 =	vand.u32 $0x7FF, v3;
	v10 =	vor.u32 s0, v10  }
0x9c: {  	v12 =	vor.u32 s0, v12;
	v7 =	vld.idx.msk [tilespmem:v7+s11+$0x0], $0xffff  }
0x9d: {  	v8 =	vld.idx.msk [tilespmem:v8+s11+$0x0], $0xffff  }
0x9e: {  	v9 =	vld.idx.msk [tilespmem:v9+s11+$0x0], $0xffff  }
0x9f: {  	v11 =	vld.idx.msk [tilespmem:v11+s11+$0x0], $0xffff  }
0xa0: {  	vm1 =	vgt.s32 v1, $0x7FF;
	vm2 =	vgt.s32 v5, $0x7FF;
	vm3 =	vgt.s32 v4, $0x7FF;
	v10 =	vld.idx.msk [tilespmem:v10+s11+$0x0], $0xffff  }
0xa1: {  	vm4 =	vgt.s32 v2, $0x7FF;
	vm5 =	vgt.s32 v6, $0x7FF;
	vm15 =	vgt.s32 v3, $0x7FF;
	v12 =	vld.idx.msk [tilespmem:v12+s11+$0x0], $0xffff  }
0xa2: {  	v13 =	vand.u32 $0xFFFF0000, v7;
	v7 =	vshll.u32 v7, $0x10;
	v14 =	vand.u32 $0xFFFF0000, v8  }
0xa3: {  	v8 =	vshll.u32 v8, $0x10;
	v7 =	vsel vm4, v13, v7;
	v13 =	vand.u32 $0xFFFF0000, v9  }
0xa4: {  	v9 =	vshll.u32 v9, $0x10;
	v8 =	vsel vm2, v14, v8;
	v14 =	vand.u32 $0xFFFF0000, v11  }
0xa5: {  	v11 =	vshll.u32 v11, $0x10;
	v9 =	vsel vm5, v13, v9;
	v13 =	vand.u32 $0xFFFF0000, v10  }
0xa6: {  	v11 =	vsel vm3, v14, v11;
	v14 =	vand.u32 $0xFFFF0000, v12;
	v15 =	vmax.f32 v8, v9  }
0xa7: {  	v12 =	vshll.u32 v12, $0x10;
	v10 =	vshll.u32 v10, $0x10;
	v15 =	vmax.f32 v15, v7  }
0xa8: {  	v12 =	vsel vm15, v14, v12;
	v10 =	vsel vm1, v13, v10;
	v13 =	vmax.f32 v15, v11  }
0xa9: {  	v10 =	vnsel vm0, $0xF149F2CA, v10;
	v13 =	vmax.f32 v13, v12  }
0xaa: {  	v13 =	vmax.f32 v13, v10  }
0xab: {  	(xrf0) =	vmax.scan.msk.f32 $0xffff, v13;
	_ =	sdelay $0x5  }
0xac: {  	v13, _, _ =	vpop (xrf0)  }
0xad: {  	v13 =	vbroadcast v13, $0xF;
	_ =	sdelay $0x1  }
0xae: {  	v8 =	vsub.f32 v8, v13  }
0xaf: {  	v9 =	vsub.f32 v9, v13  }
0xb0: {  	v8 =	vmul.f32 $1.442695020e+00, v8  }
0xb1: {  	v9 =	vmul.f32 $1.442695020e+00, v9  }
0xb2: {  	v7 =	vsub.f32 v7, v13;
	(erf) = vpow2.f32 v8  }
0xb3: {  	(erf) = vpow2.f32 v9  }
0xb4: {  	v7 =	vmul.f32 $1.442695020e+00, v7;
	v8 =	vsub.f32 v11, v13  }
0xb5: {  	v9 =	vsub.f32 v12, v13  }
0xb6: {  	v8 =	vmul.f32 $1.442695020e+00, v8;
	(erf) = vpow2.f32 v7  }
0xb7: {  	v9 =	vmul.f32 $1.442695020e+00, v9  }
0xb8: {  	(erf) = vpow2.f32 v8  }
0xb9: {  	v7 =	vsub.f32 v10, v13;
	_ =	sdelay $0x1  }
0xba: {  	v7 =	vmul.f32 $1.442695020e+00, v7;
	(erf) = vpow2.f32 v9;
	v9 =	vpop (erf)  }
0xbb: {  	v12 =	vpop (erf)  }
0xbc: {  	(erf) = vpow2.f32 v7;
	v8 =	vadd.f32 v12, v9;
	_ =	sdelay $0x1  }
0xbd: {  	v7 =	vpop (erf)  }
0xbe: {  	v10 =	vadd.f32 v8, v7  }
0xbf: {  	v8 =	vpop (erf)  }
0xc0: {  	v11 =	vadd.f32 v10, v8;
	_ =	sdelay $0x1  }
0xc1: {  	v10 =	vpop (erf)  }
0xc2: {  	v13 =	vadd.f32 v11, v10  }
0xc3: {  	v11 =	vpop (erf)  }
0xc4: {  	v13 =	vadd.f32 v13, v11;
	_ =	sdelay $0x1  }
0xc5: {  	(xrf2) =	vadd.scan.msk.f32 $0xffff, v13;
	_ =	sdelay $0x9  }
0xc6: {  	v13, _, _ =	vpop (xrf2)  }
0xc7: {  	v13 =	vadd.f32 $9.999999960e-13, v13;
	_ =	sdelay $0x1  }
0xc8: {  	v13 =	vbroadcast v13, $0xF  }
0xc9: {  	s13 =	rddreg [dreg:$0x3]  }
0xca: {  	s3 =	simm.s32 $0x0;
	s4 =	simm.s32 $0x1000;
	s13 =	sor.u32 s13, s5;
	(erf) = vrcp.f32 v13  }
.LBB2_8:
0xcb: {  	_ =	sdelay $0x1  }
0xcc: {  	p0 =	sne.s32 s4, $0x7000;
	s0 =	sadd.s32 $0x800, s0;
	s2 =	sadd.s32 $0x80, s2  }
0xcd: {  	s6 =	smov.u32 s4;
	s4 =	sadd.s32 $0x1000, s4;
	_ =	sdelay $0x2  }
0xce: {  	v5 =	vadd.s32 s3, v5  }
0xcf: {  	v6 =	vadd.s32 s3, v6  }
0xd0: {  	v2 =	vadd.s32 s3, v2;
	v13 =	vpop (erf)  }
0xd1: {  	v4 =	vadd.s32 s3, v4;
	v9 =	vmul.f32 v13, v9;
	v12 =	vmul.f32 v13, v12  }
0xd2: {  	v3 =	vadd.s32 s3, v3  }
0xd3: {  	v1 =	vadd.s32 s3, v1;
	s3 =	smov.u32 s6;
	[tilespmem:v5+s28+$0x0] =	vst.idx.add.f32.msk $0xffff, v9;
	v5 =	vmul.f32 v13, v7  }
0xd4: {  	[tilespmem:v6+s28+$0x0] =	vst.idx.add.f32.msk $0xffff, v12;
	v6 =	vmul.f32 v13, v8  }
0xd5: {  	[tilespmem:v2+s28+$0x0] =	vst.idx.add.f32.msk $0xffff, v5;
	v2 =	vmul.f32 v13, v10  }
0xd6: {  	[tilespmem:v4+s28+$0x0] =	vst.idx.add.f32.msk $0xffff, v6;
	v4 =	vmul.f32 v13, v11  }
0xd7: {  	[tilespmem:v3+s28+$0x0] =	vst.idx.add.f32.msk $0xffff, v2  }
0xd8: {  	[tilespmem:v1+s28+$0x0] =	vst.idx.add.f32.msk $0x7, v4  }
0xd9: {  	v2 =	vld [tilespmem:s2+$0xFFFFFFF0]  }
0xda: {  	v5 =	vld [tilespmem:s2+$0xFFFFFFD0]  }
0xdb: {  	v6 =	vld [tilespmem:s2+$0xFFFFFFE0]  }
0xdc: {  	v1 =	vld [tilespmem:s2+$0x20]  }
0xdd: {  	v4 =	vld [tilespmem:s2+$0x0]  }
0xde: {  	v3 =	vld [tilespmem:s2+$0x10];
	v7 =	vand.u32 $0x7FF, v2  }
0xdf: {  	v8 =	vand.u32 $0x7FF, v5;
	v7 =	vor.u32 s0, v7  }
0xe0: {  	v8 =	vor.u32 s0, v8;
	v9 =	vand.u32 $0x7FF, v6  }
0xe1: {  	v9 =	vor.u32 s0, v9;
	v10 =	vand.u32 $0x7FF, v1  }
0xe2: {  	v11 =	vand.u32 $0x7FF, v4;
	v10 =	vor.u32 s0, v10  }
0xe3: {  	v11 =	vor.u32 s0, v11;
	v12 =	vand.u32 $0x7FF, v3  }
0xe4: {  	v7 =	vld.idx.msk [tilespmem:v7+s11+$0x0], $0xffff;
	v12 =	vor.u32 s0, v12  }
0xe5: {  	v8 =	vld.idx.msk [tilespmem:v8+s11+$0x0], $0xffff  }
0xe6: {  	v9 =	vld.idx.msk [tilespmem:v9+s11+$0x0], $0xffff  }
0xe7: {  	v10 =	vld.idx.msk [tilespmem:v10+s11+$0x0], $0xffff  }
0xe8: {  	vm1 =	vgt.s32 v1, $0x7FF;
	v11 =	vld.idx.msk [tilespmem:v11+s11+$0x0], $0xffff  }
0xe9: {  	vm2 =	vgt.s32 v5, $0x7FF;
	vm3 =	vgt.s32 v4, $0x7FF;
	vm4 =	vgt.s32 v3, $0x7FF;
	v12 =	vld.idx.msk [tilespmem:v12+s11+$0x0], $0xffff  }
0xea: {  	vm5 =	vgt.s32 v2, $0x7FF;
	v13 =	vand.u32 $0xFFFF0000, v7;
	v7 =	vshll.u32 v7, $0x10  }
0xeb: {  	vm6 =	vgt.s32 v6, $0x7FF;
	v14 =	vand.u32 $0xFFFF0000, v8;
	v7 =	vsel vm5, v13, v7  }
0xec: {  	v8 =	vshll.u32 v8, $0x10;
	v13 =	vand.u32 $0xFFFF0000, v9;
	v9 =	vshll.u32 v9, $0x10  }
0xed: {  	v8 =	vsel vm2, v14, v8;
	v9 =	vsel vm6, v13, v9;
	v13 =	vand.u32 $0xFFFF0000, v10  }
0xee: {  	v14 =	vand.u32 $0xFFFF0000, v11;
	v11 =	vshll.u32 v11, $0x10;
	v15 =	vmax.f32 v8, v9  }
0xef: {  	v11 =	vsel vm3, v14, v11;
	v14 =	vand.u32 $0xFFFF0000, v12;
	v12 =	vshll.u32 v12, $0x10  }
0xf0: {  	v10 =	vshll.u32 v10, $0x10;
	v12 =	vsel vm4, v14, v12;
	v14 =	vmax.f32 v15, v7  }
0xf1: {  	v10 =	vsel vm1, v13, v10;
	v13 =	vmax.f32 v14, v11  }
0xf2: {  	v10 =	vnsel vm0, $0xF149F2CA, v10;
	v13 =	vmax.f32 v13, v12  }
0xf3: {  	v13 =	vmax.f32 v13, v10  }
0xf4: {  	(xrf0) =	vmax.scan.msk.f32 $0xffff, v13;
	_ =	sdelay $0x5  }
0xf5: {  	v13, _, _ =	vpop (xrf0)  }
0xf6: {  	v13 =	vbroadcast v13, $0xF;
	_ =	sdelay $0x1  }
0xf7: {  	v8 =	vsub.f32 v8, v13;
	v9 =	vsub.f32 v9, v13  }
0xf8: {  	v7 =	vsub.f32 v7, v13;
	v11 =	vsub.f32 v11, v13  }
0xf9: {  	v12 =	vsub.f32 v12, v13;
	v8 =	vmul.f32 $1.442695020e+00, v8;
	v9 =	vmul.f32 $1.442695020e+00, v9  }
0xfa: {  	v10 =	vsub.f32 v10, v13;
	v7 =	vmul.f32 $1.442695020e+00, v7;
	v11 =	vmul.f32 $1.442695020e+00, v11  }
0xfb: {  	v12 =	vmul.f32 $1.442695020e+00, v12;
	(erf) = vpow2.f32 v8  }
0xfc: {  	v8 =	vmul.f32 $1.442695020e+00, v10;
	(erf) = vpow2.f32 v9;
	_ =	sdelay $0x1  }
0xfd: {  	(erf) = vpow2.f32 v7;
	_ =	sdelay $0x1  }
0xfe: {  	(erf) = vpow2.f32 v11;
	_ =	sdelay $0x1  }
0xff: {  	(erf) = vpow2.f32 v12;
	_ =	sdelay $0x1  }
0x100: {  	v9 =	vpop (erf);
	(erf) = vpow2.f32 v8  }
0x101: {  	v12 =	vpop (erf)  }
0x102: {  	v11 =	vadd.f32 v12, v9  }
0x103: {  	v7 =	vpop (erf)  }
0x104: {  	v13 =	vadd.f32 v11, v7  }
0x105: {  	v8 =	vpop (erf)  }
0x106: {  	v14 =	vadd.f32 v13, v8  }
0x107: {  	v10 =	vpop (erf)  }
0x108: {  	v13 =	vadd.f32 v14, v10  }
0x109: {  	v11 =	vpop (erf)  }
0x10a: {  	v13 =	vadd.f32 v13, v11;
	_ =	sdelay $0x1  }
0x10b: {  	(xrf2) =	vadd.scan.msk.f32 $0xffff, v13;
	_ =	sdelay $0x9  }
0x10c: {  	v13, _, _ =	vpop (xrf2)  }
.Ltmp3:
0x10d: {  	v13 =	vadd.f32 $9.999999960e-13, v13;
	(pc) =	sbr.rel @p0 .LBB2_8-.Ltmp3, $3  }
0x10e: {  	_ = 	snop  }
0x10f: {  	v13 =	vbroadcast v13, $0xF;
	_ =	sdelay $0x1  }
0x110: {  	(erf) = vrcp.f32 v13  }
0x111: {  	_ =	sdelay $0x5  }
0x112: {  	v5 =	vadd.s32 s3, v5  }
0x113: {  	v6 =	vadd.s32 s3, v6  }
0x114: {  	v2 =	vadd.s32 s3, v2;
	v13 =	vpop (erf)  }
0x115: {  	v4 =	vadd.s32 s3, v4;
	v9 =	vmul.f32 v13, v9  }
0x116: {  	v3 =	vadd.s32 s3, v3;
	v12 =	vmul.f32 v13, v12  }
0x117: {  	v1 =	vadd.s32 s3, v1;
	v61 =	vmul.f32 v13, v7;
	[tilespmem:v5+s28+$0x0] =	vst.idx.add.f32.msk $0xffff, v9  }
0x118: {  	v62 =	vmul.f32 v13, v8;
	[tilespmem:v6+s28+$0x0] =	vst.idx.add.f32.msk $0xffff, v12  }
0x119: {  	[tilespmem:v2+s28+$0x0] =	vst.idx.add.f32.msk $0xffff, v61;
	v2 =	vmul.f32 v13, v10  }
0x11a: {  	v63 =	vmul.f32 v13, v11;
	[tilespmem:v4+s28+$0x0] =	vst.idx.add.f32.msk $0xffff, v62  }
0x11b: {  	s0 =	sshll.u32 s13, $0x9;
	s2 =	rddreg [dreg:$0x4];
	[tilespmem:v3+s28+$0x0] =	vst.idx.add.f32.msk $0xffff, v2  }
0x11c: {  	s2 =	sadd.s32 s2, s0;
	[tilespmem:v1+s28+$0x0] =	vst.idx.add.f32.msk $0x7, v63  }
0x11d: {  	[hbm4b:s2+s7] =	stream.strided.scatter [tilespmem:s28], [sflag:$0x3], $0x1000, s10, s7, $0x38;
	[tilespmem:$0x10800] =	vst v63  }
0x11e: {  	s13 =	simm.s32 $0x9800;
	s6 =	sadd.s32 s0, s21  }
0x11f: {  	[hbm4b:s6+s7] =	stream.strided.scatter [tilespmem:s13], [sflag:$0x3], $0x1000, s10, s7, $0x38;
	[tilespmem:$0x10800] =	vst v63  }
0x120: {  	s4 =	simm.s32 $0xA800;
	s3 =	sadd.s32 s0, s23  }
0x121: {  	[hbm4b:s3+s7] =	stream.strided.scatter [tilespmem:s4], [sflag:$0x3], $0x1000, s10, s7, $0x38;
	[tilespmem:$0x10800] =	vst v63  }
0x122: {  	s6 =	sadd.s32 s0, s24;
	s13 =	simm.s32 $0xB800  }
0x123: {  	[hbm4b:s6+s7] =	stream.strided.scatter [tilespmem:s13], [sflag:$0x3], $0x1000, s10, s7, $0x38;
	[tilespmem:$0x10800] =	vst v63  }
0x124: {  	s3 =	sadd.s32 s0, s25;
	s4 =	simm.s32 $0xC800  }
0x125: {  	[hbm4b:s3+s7] =	stream.strided.scatter [tilespmem:s4], [sflag:$0x3], $0x1000, s10, s7, $0x38;
	[tilespmem:$0x10800] =	vst v63  }
0x126: {  	s6 =	sadd.s32 s0, s26;
	s13 =	simm.s32 $0xD800  }
0x127: {  	[hbm4b:s6+s7] =	stream.strided.scatter [tilespmem:s13], [sflag:$0x3], $0x1000, s10, s7, $0x38;
	[tilespmem:$0x10800] =	vst v63  }
0x128: {  	s4 =	sadd.s32 s0, s29;
	s6 =	simm.s32 $0xE800  }
0x129: {  	[hbm4b:s4+s7] =	stream.strided.scatter [tilespmem:s6], [sflag:$0x3], $0x1000, s10, s7, $0x38;
	[tilespmem:$0x10800] =	vst v63  }
0x12a: {  	s0 =	sadd.s32 s0, s30;
	s13 =	simm.s32 $0xF800  }
0x12b: {  	[hbm4b:s0+s7] =	stream.strided.scatter [tilespmem:s13], [sflag:$0x3], $0x1000, s10, s7, $0x38;
	[tilespmem:$0x10800] =	vst v63  }
0x12c: {  	_ =	swait.ge [sflag:s31], $0x800  }
0x12d: {  	[sflag:s31] =	ssyncset.done $0x0  }
0x12e: {  	[sflag:s31] =	ssyncadd.s32 $0xFFFFF800  }
0x12f: {  	_ =	swait.ge [sflag:s31], $0x800  }
0x130: {  	[sflag:s31] =	ssyncset.done $0x0  }
0x131: {  	[sflag:s31] =	ssyncadd.s32 $0xFFFFF800  }
0x132: {  	_ =	swait.ge [sflag:s31], $0x800  }
0x133: {  	[sflag:s31] =	ssyncset.done $0x0  }
0x134: {  	[sflag:s31] =	ssyncadd.s32 $0xFFFFF800  }
0x135: {  	_ =	swait.ge [sflag:s31], $0x800  }
0x136: {  	[sflag:s31] =	ssyncset.done $0x0  }
0x137: {  	[sflag:s31] =	ssyncadd.s32 $0xFFFFF800  }
0x138: {  	_ =	swait.ge [sflag:s31], $0x800  }
0x139: {  	[sflag:s31] =	ssyncset.done $0x0  }
0x13a: {  	[sflag:s31] =	ssyncadd.s32 $0xFFFFF800  }
0x13b: {  	_ =	swait.ge [sflag:s31], $0x800  }
0x13c: {  	[sflag:s31] =	ssyncset.done $0x0  }
0x13d: {  	[sflag:s31] =	ssyncadd.s32 $0xFFFFF800  }
0x13e: {  	_ =	swait.ge [sflag:s31], $0x800  }
0x13f: {  	[sflag:s31] =	ssyncset.done $0x0  }
0x140: {  	[sflag:s31] =	ssyncadd.s32 $0xFFFFF800  }
0x141: {  	_ =	swait.ge [sflag:s31], $0x800  }
0x142: {  	[sflag:s31] =	ssyncset.done $0x0  }
0x143: {  	[sflag:s31] =	ssyncadd.s32 $0xFFFFF800  }
0x144: {  	_ =	swait.ge [sflag:s1], $0x1000  }
0x145: {  	[sflag:s1] =	ssyncset.done $0x0  }
0x146: {  	[sflag:s1] =	ssyncadd.s32 $0xFFFFF000  }
0x147: {  	_ =	swait.ge [sflag:s1], $0x1000  }
0x148: {  	[sflag:s1] =	ssyncset.done $0x0  }
0x149: {  	[sflag:s1] =	ssyncadd.s32 $0xFFFFF000  }
0x14a: {  	_ =	swait.ge [sflag:s1], $0x1000  }
0x14b: {  	[sflag:s1] =	ssyncset.done $0x0  }
0x14c: {  	[sflag:s1] =	ssyncadd.s32 $0xFFFFF000  }
0x14d: {  	_ =	swait.ge [sflag:s1], $0x1000  }
0x14e: {  	[sflag:s1] =	ssyncset.done $0x0  }
0x14f: {  	[sflag:s1] =	ssyncadd.s32 $0xFFFFF000  }
0x150: {  	_ =	swait.ge [sflag:s1], $0x1000  }
0x151: {  	[sflag:s1] =	ssyncset.done $0x0  }
0x152: {  	[sflag:s1] =	ssyncadd.s32 $0xFFFFF000  }
0x153: {  	_ =	swait.ge [sflag:s1], $0x1000  }
0x154: {  	[sflag:s1] =	ssyncset.done $0x0  }
0x155: {  	[sflag:s1] =	ssyncadd.s32 $0xFFFFF000  }
0x156: {  	_ =	swait.ge [sflag:s1], $0x1000  }
0x157: {  	[sflag:s1] =	ssyncset.done $0x0  }
0x158: {  	[sflag:s1] =	ssyncadd.s32 $0xFFFFF000  }
0x159: {  	_ =	swait.ge [sflag:s1], $0x1000  }
0x15a: {  	[sflag:s1] =	ssyncset.done $0x0  }
0x15b: {  	s2 =	simm.s32 $0x30;
	s0 =	simm.s32 $0x0;
	[sflag:s1] =	ssyncadd.s32 $0xFFFFF000  }
.LBB2_10:
0x15c: {  	v1 =	vld [tilespmem:s2+$0xFFFFFFD0];
	_ =	sdelay $0x4  }
0x15d: {  	v1 =	vadd.s32 s0, v1;
	_ =	sdelay $0x4  }
0x15e: {  	[tilespmem:v1+s28+$0x0] =	vst.idx.msk $0xffff, v0  }
0x15f: {  	v1 =	vld [tilespmem:s2+$0xFFFFFFE0];
	_ =	sdelay $0x4  }
0x160: {  	v1 =	vadd.s32 s0, v1;
	_ =	sdelay $0x4  }
0x161: {  	[tilespmem:v1+s28+$0x0] =	vst.idx.msk $0xffff, v0  }
0x162: {  	v1 =	vld [tilespmem:s2+$0xFFFFFFF0];
	_ =	sdelay $0x4  }
0x163: {  	v1 =	vadd.s32 s0, v1;
	_ =	sdelay $0x4  }
0x164: {  	[tilespmem:v1+s28+$0x0] =	vst.idx.msk $0xffff, v0  }
0x165: {  	v1 =	vld [tilespmem:s2+$0x0];
	_ =	sdelay $0x4  }
0x166: {  	v1 =	vadd.s32 s0, v1;
	_ =	sdelay $0x4  }
0x167: {  	[tilespmem:v1+s28+$0x0] =	vst.idx.msk $0xffff, v0  }
0x168: {  	v1 =	vld [tilespmem:s2+$0x10];
	_ =	sdelay $0x4  }
0x169: {  	v1 =	vadd.s32 s0, v1;
	_ =	sdelay $0x4  }
0x16a: {  	[tilespmem:v1+s28+$0x0] =	vst.idx.msk $0xffff, v0  }
0x16b: {  	v1 =	vld [tilespmem:s2+$0x20];
	_ =	sdelay $0x4  }
0x16c: {  	p0 =	sne.s32 s0, $0x7000;
	v1 =	vadd.s32 s0, v1  }
.Ltmp4:
0x16d: {  	_ = 	snop;
	(pc) =	sbr.rel @p0 .LBB2_10-.Ltmp4, $2  }
0x16e: {  	_ =	sdelay $0x2  }
0x16f: {  	s2 =	sadd.s32 $0x80, s2;
	s0 =	sadd.s32 $0x1000, s0;
	[tilespmem:v1+s28+$0x0] =	vst.idx.msk $0x7, v0  }
0x170: {  	p0 =	seq.s32 s19, $0x7;
	s0 =	rddreg [dreg:$0x12]  }
0x171: {  	s0 =	sadd.s32 @!p0 s5, s0  }
0x172: {  	s4 =	simm.s32 @!p0 $0x80;
	s2 =	sshll.u32 @!p0 s0, $0x8  }
0x173: {  	s5 =	simm.s32 @!p0 $0x400;
	s6 =	simm.s32 @!p0 $0x800;
	s3 =	sadd.s32 @!p0 s8, s2  }
0x174: {  	[tilespmem:s6], [sflag:$0x1] =	stream.strided.gather @!p0 [hbm4b:s3+s4], $0x800, s5, s4, $0x38;
	[tilespmem:$0x10800] =	vst v63  }
0x175: {  	s3 =	rddreg [dreg:$0x9]  }
0x176: {  	s6 =	simm.s32 @!p0 $0x1000;
	s3 =	sadd.s32 @!p0 s2, s3  }
0x177: {  	[tilespmem:s6], [sflag:$0x1] =	stream.strided.gather @!p0 [hbm4b:s3+s4], $0x800, s5, s4, $0x38;
	[tilespmem:$0x10800] =	vst v63  }
0x178: {  	s3 =	rddreg [dreg:$0xd]  }
0x179: {  	s6 =	simm.s32 @!p0 $0x1800;
	s3 =	sadd.s32 @!p0 s2, s3  }
0x17a: {  	[tilespmem:s6], [sflag:$0x1] =	stream.strided.gather @!p0 [hbm4b:s3+s4], $0x800, s5, s4, $0x38;
	[tilespmem:$0x10800] =	vst v63  }
0x17b: {  	s3 =	sadd.s32 @!p0 s2, s15;
	s6 =	simm.s32 @!p0 $0x2000  }
0x17c: {  	[tilespmem:s6], [sflag:$0x1] =	stream.strided.gather @!p0 [hbm4b:s3+s4], $0x800, s5, s4, $0x38;
	[tilespmem:$0x10800] =	vst v63  }
0x17d: {  	s3 =	sadd.s32 @!p0 s2, s18;
	s6 =	simm.s32 @!p0 $0x2800  }
0x17e: {  	[tilespmem:s6], [sflag:$0x1] =	stream.strided.gather @!p0 [hbm4b:s3+s4], $0x800, s5, s4, $0x38;
	[tilespmem:$0x10800] =	vst v63  }
0x17f: {  	s3 =	sadd.s32 @!p0 s2, s12;
	s6 =	simm.s32 @!p0 $0x3000  }
0x180: {  	[tilespmem:s6], [sflag:$0x1] =	stream.strided.gather @!p0 [hbm4b:s3+s4], $0x800, s5, s4, $0x38;
	[tilespmem:$0x10800] =	vst v63  }
0x181: {  	s3 =	sadd.s32 @!p0 s2, s20;
	s6 =	simm.s32 @!p0 $0x3800  }
0x182: {  	[tilespmem:s6], [sflag:$0x1] =	stream.strided.gather @!p0 [hbm4b:s3+s4], $0x800, s5, s4, $0x38;
	[tilespmem:$0x10800] =	vst v63  }
0x183: {  	s0 =	sshll.u32 @!p0 s0, $0x4;
	s2 =	sadd.s32 @!p0 s2, s14;
	s3 =	simm.s32 @!p0 $0x4000  }
0x184: {  	[tilespmem:s3], [sflag:$0x1] =	stream.strided.gather @!p0 [hbm4b:s2+s4], $0x800, s5, s4, $0x38;
	[tilespmem:$0x10800] =	vst v63  }
0x185: {  	s0 =	sadd.s32 @!p0 s9, s0;
	s2 =	simm.s32 @!p0 $0x0  }
0x186: {  	[tilespmem:s2], [sflag:$0x4] =	stream.linear.gather @!p0 [hbm4b:s0+s2], $0x400, $0x38;
	[tilespmem:$0x10800] =	vst v63  }
0x187: {  	s0 =	simm.s32 @!p0 $0x4  }
0x188: {  	_ =	swait.ge @!p0 [sflag:s0], $0x400  }
0x189: {  	[sflag:s0] =	ssyncset.done @!p0 $0x0  }
0x18a: {  	[sflag:s0] =	ssyncadd.s32 @!p0 $0xFFFFFC00;
	s0 =	simm.s32 $0x430  }
0x18b: {  	v2 =	vld [tilespmem:s0+$0xFFFFFFF0]  }
0x18c: {  	v5 =	vld [tilespmem:s0+$0xFFFFFFD0]  }
0x18d: {  	v6 =	vld [tilespmem:s0+$0xFFFFFFE0]  }
0x18e: {  	v4 =	vld [tilespmem:s0+$0x0]  }
0x18f: {  	v1 =	vld [tilespmem:s0+$0x20]  }
0x190: {  	s2 =	simm.s32 $0x0;
	v3 =	vld [tilespmem:s0+$0x10];
	v7 =	vand.u32 $0x7FF, v2  }
0x191: {  	v8 =	vand.u32 $0x7FF, v5;
	v7 =	vor.u32 s2, v7  }
0x192: {  	v9 =	vand.u32 $0x7FF, v6;
	v8 =	vor.u32 s2, v8  }
0x193: {  	v11 =	vand.u32 $0x7FF, v4;
	v9 =	vor.u32 s2, v9  }
0x194: {  	v10 =	vand.u32 $0x7FF, v1;
	v11 =	vor.u32 s2, v11  }
0x195: {  	v12 =	vand.u32 $0x7FF, v3;
	v10 =	vor.u32 s2, v10  }
0x196: {  	v12 =	vor.u32 s2, v12;
	v7 =	vld.idx.msk [tilespmem:v7+s17+$0x0], $0xffff  }
0x197: {  	v8 =	vld.idx.msk [tilespmem:v8+s17+$0x0], $0xffff  }
0x198: {  	v9 =	vld.idx.msk [tilespmem:v9+s17+$0x0], $0xffff  }
0x199: {  	v11 =	vld.idx.msk [tilespmem:v11+s17+$0x0], $0xffff  }
0x19a: {  	vm1 =	vgt.s32 v1, $0x7FF;
	vm2 =	vgt.s32 v5, $0x7FF;
	vm3 =	vgt.s32 v4, $0x7FF;
	v10 =	vld.idx.msk [tilespmem:v10+s17+$0x0], $0xffff  }
0x19b: {  	vm4 =	vgt.s32 v2, $0x7FF;
	vm5 =	vgt.s32 v6, $0x7FF;
	vm15 =	vgt.s32 v3, $0x7FF;
	v12 =	vld.idx.msk [tilespmem:v12+s17+$0x0], $0xffff  }
0x19c: {  	v13 =	vand.u32 $0xFFFF0000, v7;
	v7 =	vshll.u32 v7, $0x10;
	v14 =	vand.u32 $0xFFFF0000, v8  }
0x19d: {  	v8 =	vshll.u32 v8, $0x10;
	v7 =	vsel vm4, v13, v7;
	v13 =	vand.u32 $0xFFFF0000, v9  }
0x19e: {  	v9 =	vshll.u32 v9, $0x10;
	v8 =	vsel vm2, v14, v8;
	v14 =	vand.u32 $0xFFFF0000, v11  }
0x19f: {  	v11 =	vshll.u32 v11, $0x10;
	v9 =	vsel vm5, v13, v9;
	v13 =	vand.u32 $0xFFFF0000, v10  }
0x1a0: {  	v11 =	vsel vm3, v14, v11;
	v14 =	vand.u32 $0xFFFF0000, v12;
	v15 =	vmax.f32 v8, v9  }
0x1a1: {  	v12 =	vshll.u32 v12, $0x10;
	v10 =	vshll.u32 v10, $0x10;
	v15 =	vmax.f32 v15, v7  }
0x1a2: {  	v12 =	vsel vm15, v14, v12;
	v10 =	vsel vm1, v13, v10;
	v13 =	vmax.f32 v15, v11  }
0x1a3: {  	v10 =	vnsel vm0, $0xF149F2CA, v10;
	v13 =	vmax.f32 v13, v12  }
0x1a4: {  	v13 =	vmax.f32 v13, v10  }
0x1a5: {  	(xrf0) =	vmax.scan.msk.f32 $0xffff, v13;
	_ =	sdelay $0x5  }
0x1a6: {  	v13, _, _ =	vpop (xrf0)  }
0x1a7: {  	v13 =	vbroadcast v13, $0xF;
	_ =	sdelay $0x1  }
0x1a8: {  	v8 =	vsub.f32 v8, v13  }
0x1a9: {  	v9 =	vsub.f32 v9, v13  }
0x1aa: {  	v8 =	vmul.f32 $1.442695020e+00, v8  }
0x1ab: {  	v9 =	vmul.f32 $1.442695020e+00, v9  }
0x1ac: {  	v7 =	vsub.f32 v7, v13;
	(erf) = vpow2.f32 v8  }
0x1ad: {  	(erf) = vpow2.f32 v9  }
0x1ae: {  	v7 =	vmul.f32 $1.442695020e+00, v7;
	v8 =	vsub.f32 v11, v13  }
0x1af: {  	v9 =	vsub.f32 v12, v13  }
0x1b0: {  	v8 =	vmul.f32 $1.442695020e+00, v8;
	(erf) = vpow2.f32 v7  }
0x1b1: {  	v9 =	vmul.f32 $1.442695020e+00, v9  }
0x1b2: {  	(erf) = vpow2.f32 v8  }
0x1b3: {  	v7 =	vsub.f32 v10, v13;
	_ =	sdelay $0x1  }
0x1b4: {  	v7 =	vmul.f32 $1.442695020e+00, v7;
	(erf) = vpow2.f32 v9;
	v9 =	vpop (erf)  }
0x1b5: {  	v12 =	vpop (erf)  }
0x1b6: {  	(erf) = vpow2.f32 v7;
	v8 =	vadd.f32 v12, v9;
	_ =	sdelay $0x1  }
0x1b7: {  	v7 =	vpop (erf)  }
0x1b8: {  	v10 =	vadd.f32 v8, v7  }
0x1b9: {  	v8 =	vpop (erf)  }
0x1ba: {  	v11 =	vadd.f32 v10, v8;
	_ =	sdelay $0x1  }
0x1bb: {  	v10 =	vpop (erf)  }
0x1bc: {  	v13 =	vadd.f32 v11, v10  }
0x1bd: {  	v11 =	vpop (erf)  }
0x1be: {  	v13 =	vadd.f32 v13, v11;
	_ =	sdelay $0x1  }
0x1bf: {  	(xrf2) =	vadd.scan.msk.f32 $0xffff, v13;
	_ =	sdelay $0x9  }
0x1c0: {  	v13, _, _ =	vpop (xrf2)  }
0x1c1: {  	v13 =	vadd.f32 $9.999999960e-13, v13;
	_ =	sdelay $0x1  }
0x1c2: {  	v13 =	vbroadcast v13, $0xF  }
0x1c3: {  	s13 =	smov.u32 s8  }
0x1c4: {  	s6 =	smov.u32 s9;
	s4 =	simm.s32 $0x1000;
	s3 =	simm.s32 $0x0;
	(erf) = vrcp.f32 v13  }
.LBB2_12:
0x1c5: {  	_ =	sdelay $0x1  }
0x1c6: {  	p0 =	sne.s32 s4, $0x7000;
	s2 =	sadd.s32 $0x800, s2;
	s0 =	sadd.s32 $0x80, s0  }
0x1c7: {  	s5 =	smov.u32 s4;
	s4 =	sadd.s32 $0x1000, s4;
	_ =	sdelay $0x2  }
0x1c8: {  	v5 =	vadd.s32 s3, v5  }
0x1c9: {  	v6 =	vadd.s32 s3, v6  }
0x1ca: {  	v2 =	vadd.s32 s3, v2;
	v13 =	vpop (erf)  }
0x1cb: {  	v4 =	vadd.s32 s3, v4;
	v9 =	vmul.f32 v13, v9;
	v12 =	vmul.f32 v13, v12  }
0x1cc: {  	v3 =	vadd.s32 s3, v3  }
0x1cd: {  	v1 =	vadd.s32 s3, v1;
	s3 =	smov.u32 s5;
	[tilespmem:v5+s28+$0x0] =	vst.idx.add.f32.msk $0xffff, v9;
	v5 =	vmul.f32 v13, v7  }
0x1ce: {  	[tilespmem:v6+s28+$0x0] =	vst.idx.add.f32.msk $0xffff, v12;
	v6 =	vmul.f32 v13, v8  }
0x1cf: {  	[tilespmem:v2+s28+$0x0] =	vst.idx.add.f32.msk $0xffff, v5;
	v2 =	vmul.f32 v13, v10  }
0x1d0: {  	[tilespmem:v4+s28+$0x0] =	vst.idx.add.f32.msk $0xffff, v6;
	v4 =	vmul.f32 v13, v11  }
0x1d1: {  	[tilespmem:v3+s28+$0x0] =	vst.idx.add.f32.msk $0xffff, v2  }
0x1d2: {  	[tilespmem:v1+s28+$0x0] =	vst.idx.add.f32.msk $0x7, v4  }
0x1d3: {  	v2 =	vld [tilespmem:s0+$0xFFFFFFF0]  }
0x1d4: {  	v5 =	vld [tilespmem:s0+$0xFFFFFFD0]  }
0x1d5: {  	v6 =	vld [tilespmem:s0+$0xFFFFFFE0]  }
0x1d6: {  	v1 =	vld [tilespmem:s0+$0x20]  }
0x1d7: {  	v4 =	vld [tilespmem:s0+$0x0]  }
0x1d8: {  	v3 =	vld [tilespmem:s0+$0x10];
	v7 =	vand.u32 $0x7FF, v2  }
0x1d9: {  	v8 =	vand.u32 $0x7FF, v5;
	v7 =	vor.u32 s2, v7  }
0x1da: {  	v8 =	vor.u32 s2, v8;
	v9 =	vand.u32 $0x7FF, v6  }
0x1db: {  	v9 =	vor.u32 s2, v9;
	v10 =	vand.u32 $0x7FF, v1  }
0x1dc: {  	v11 =	vand.u32 $0x7FF, v4;
	v10 =	vor.u32 s2, v10  }
0x1dd: {  	v11 =	vor.u32 s2, v11;
	v12 =	vand.u32 $0x7FF, v3  }
0x1de: {  	v7 =	vld.idx.msk [tilespmem:v7+s17+$0x0], $0xffff;
	v12 =	vor.u32 s2, v12  }
0x1df: {  	v8 =	vld.idx.msk [tilespmem:v8+s17+$0x0], $0xffff  }
0x1e0: {  	v9 =	vld.idx.msk [tilespmem:v9+s17+$0x0], $0xffff  }
0x1e1: {  	v10 =	vld.idx.msk [tilespmem:v10+s17+$0x0], $0xffff  }
0x1e2: {  	vm1 =	vgt.s32 v1, $0x7FF;
	v11 =	vld.idx.msk [tilespmem:v11+s17+$0x0], $0xffff  }
0x1e3: {  	vm2 =	vgt.s32 v5, $0x7FF;
	vm3 =	vgt.s32 v4, $0x7FF;
	vm4 =	vgt.s32 v3, $0x7FF;
	v12 =	vld.idx.msk [tilespmem:v12+s17+$0x0], $0xffff  }
0x1e4: {  	vm5 =	vgt.s32 v2, $0x7FF;
	v13 =	vand.u32 $0xFFFF0000, v7;
	v7 =	vshll.u32 v7, $0x10  }
0x1e5: {  	vm6 =	vgt.s32 v6, $0x7FF;
	v14 =	vand.u32 $0xFFFF0000, v8;
	v7 =	vsel vm5, v13, v7  }
0x1e6: {  	v8 =	vshll.u32 v8, $0x10;
	v13 =	vand.u32 $0xFFFF0000, v9;
	v9 =	vshll.u32 v9, $0x10  }
0x1e7: {  	v8 =	vsel vm2, v14, v8;
	v9 =	vsel vm6, v13, v9;
	v13 =	vand.u32 $0xFFFF0000, v10  }
0x1e8: {  	v14 =	vand.u32 $0xFFFF0000, v11;
	v11 =	vshll.u32 v11, $0x10;
	v15 =	vmax.f32 v8, v9  }
0x1e9: {  	v11 =	vsel vm3, v14, v11;
	v14 =	vand.u32 $0xFFFF0000, v12;
	v12 =	vshll.u32 v12, $0x10  }
0x1ea: {  	v10 =	vshll.u32 v10, $0x10;
	v12 =	vsel vm4, v14, v12;
	v14 =	vmax.f32 v15, v7  }
0x1eb: {  	v10 =	vsel vm1, v13, v10;
	v13 =	vmax.f32 v14, v11  }
0x1ec: {  	v10 =	vnsel vm0, $0xF149F2CA, v10;
	v13 =	vmax.f32 v13, v12  }
0x1ed: {  	v13 =	vmax.f32 v13, v10  }
0x1ee: {  	(xrf0) =	vmax.scan.msk.f32 $0xffff, v13;
	_ =	sdelay $0x5  }
0x1ef: {  	v13, _, _ =	vpop (xrf0)  }
0x1f0: {  	v13 =	vbroadcast v13, $0xF;
	_ =	sdelay $0x1  }
0x1f1: {  	v8 =	vsub.f32 v8, v13;
	v9 =	vsub.f32 v9, v13  }
0x1f2: {  	v7 =	vsub.f32 v7, v13;
	v11 =	vsub.f32 v11, v13  }
0x1f3: {  	v12 =	vsub.f32 v12, v13;
	v8 =	vmul.f32 $1.442695020e+00, v8;
	v9 =	vmul.f32 $1.442695020e+00, v9  }
0x1f4: {  	v10 =	vsub.f32 v10, v13;
	v7 =	vmul.f32 $1.442695020e+00, v7;
	v11 =	vmul.f32 $1.442695020e+00, v11  }
0x1f5: {  	v12 =	vmul.f32 $1.442695020e+00, v12;
	(erf) = vpow2.f32 v8  }
0x1f6: {  	v8 =	vmul.f32 $1.442695020e+00, v10;
	(erf) = vpow2.f32 v9;
	_ =	sdelay $0x1  }
0x1f7: {  	(erf) = vpow2.f32 v7;
	_ =	sdelay $0x1  }
0x1f8: {  	(erf) = vpow2.f32 v11;
	_ =	sdelay $0x1  }
0x1f9: {  	(erf) = vpow2.f32 v12;
	_ =	sdelay $0x1  }
0x1fa: {  	v9 =	vpop (erf);
	(erf) = vpow2.f32 v8  }
0x1fb: {  	v12 =	vpop (erf)  }
0x1fc: {  	v11 =	vadd.f32 v12, v9  }
0x1fd: {  	v7 =	vpop (erf)  }
0x1fe: {  	v13 =	vadd.f32 v11, v7  }
0x1ff: {  	v8 =	vpop (erf)  }
0x200: {  	v14 =	vadd.f32 v13, v8  }
0x201: {  	v10 =	vpop (erf)  }
0x202: {  	v13 =	vadd.f32 v14, v10  }
0x203: {  	v11 =	vpop (erf)  }
0x204: {  	v13 =	vadd.f32 v13, v11;
	_ =	sdelay $0x1  }
0x205: {  	(xrf2) =	vadd.scan.msk.f32 $0xffff, v13;
	_ =	sdelay $0x9  }
0x206: {  	v13, _, _ =	vpop (xrf2)  }
.Ltmp5:
0x207: {  	v13 =	vadd.f32 $9.999999960e-13, v13;
	(pc) =	sbr.rel @p0 .LBB2_12-.Ltmp5, $3  }
0x208: {  	_ = 	snop  }
0x209: {  	v13 =	vbroadcast v13, $0xF;
	_ =	sdelay $0x1  }
0x20a: {  	(erf) = vrcp.f32 v13  }
0x20b: {  	_ =	sdelay $0x5  }
0x20c: {  	v5 =	vadd.s32 s3, v5  }
0x20d: {  	v6 =	vadd.s32 s3, v6  }
0x20e: {  	v2 =	vadd.s32 s3, v2;
	v13 =	vpop (erf)  }
0x20f: {  	v4 =	vadd.s32 s3, v4;
	v9 =	vmul.f32 v13, v9  }
0x210: {  	v3 =	vadd.s32 s3, v3;
	v12 =	vmul.f32 v13, v12  }
0x211: {  	v1 =	vadd.s32 s3, v1;
	v61 =	vmul.f32 v13, v7;
	[tilespmem:v5+s28+$0x0] =	vst.idx.add.f32.msk $0xffff, v9  }
0x212: {  	v62 =	vmul.f32 v13, v8;
	[tilespmem:v6+s28+$0x0] =	vst.idx.add.f32.msk $0xffff, v12  }
0x213: {  	[tilespmem:v2+s28+$0x0] =	vst.idx.add.f32.msk $0xffff, v61;
	v2 =	vmul.f32 v13, v10  }
0x214: {  	v63 =	vmul.f32 v13, v11;
	[tilespmem:v4+s28+$0x0] =	vst.idx.add.f32.msk $0xffff, v62  }
0x215: {  	s0 =	sshll.u32 s22, $0x9;
	s2 =	rddreg [dreg:$0x4];
	[tilespmem:v3+s28+$0x0] =	vst.idx.add.f32.msk $0xffff, v2  }
0x216: {  	s2 =	sadd.s32 s2, s0;
	[tilespmem:v1+s28+$0x0] =	vst.idx.add.f32.msk $0x7, v63  }
0x217: {  	[hbm4b:s2+s7] =	stream.strided.scatter [tilespmem:s28], [sflag:$0x3], $0x1000, s10, s7, $0x38;
	[tilespmem:$0x10800] =	vst v63  }
0x218: {  	s22 =	simm.s32 $0x9800;
	s9 =	sadd.s32 s0, s21  }
0x219: {  	[hbm4b:s9+s7] =	stream.strided.scatter [tilespmem:s22], [sflag:$0x3], $0x1000, s10, s7, $0x38;
	[tilespmem:$0x10800] =	vst v63  }
0x21a: {  	s4 =	simm.s32 $0xA800;
	s3 =	sadd.s32 s0, s23  }
0x21b: {  	[hbm4b:s3+s7] =	stream.strided.scatter [tilespmem:s4], [sflag:$0x3], $0x1000, s10, s7, $0x38;
	[tilespmem:$0x10800] =	vst v63  }
0x21c: {  	s8 =	simm.s32 $0xB800;
	s5 =	sadd.s32 s0, s24  }
0x21d: {  	[hbm4b:s5+s7] =	stream.strided.scatter [tilespmem:s8], [sflag:$0x3], $0x1000, s10, s7, $0x38;
	[tilespmem:$0x10800] =	vst v63  }
0x21e: {  	s19 =	sadd.s32 $0x1, s19;
	s9 =	sadd.s32 s0, s25;
	s22 =	simm.s32 $0xC800  }
0x21f: {  	[hbm4b:s9+s7] =	stream.strided.scatter [tilespmem:s22], [sflag:$0x3], $0x1000, s10, s7, $0x38;
	[tilespmem:$0x10800] =	vst v63  }
0x220: {  	p0 =	sne.s32 s19, $0x8;
	s4 =	sadd.s32 s0, s26;
	s5 =	simm.s32 $0xD800  }
0x221: {  	[hbm4b:s4+s7] =	stream.strided.scatter [tilespmem:s5], [sflag:$0x3], $0x1000, s10, s7, $0x38;
	[tilespmem:$0x10800] =	vst v63  }
.Ltmp6:
0x222: {  	_ = 	snop;
	(pc) =	sbr.rel @p0 .LBB2_4-.Ltmp6, $4  }
0x223: {  	s8 =	sadd.s32 s0, s29;
	s9 =	simm.s32 $0xE800  }
0x224: {  	[hbm4b:s8+s7] =	stream.strided.scatter [tilespmem:s9], [sflag:$0x3], $0x1000, s10, s7, $0x38;
	[tilespmem:$0x10800] =	vst v63  }
0x225: {  	s0 =	sadd.s32 s0, s30;
	s22 =	simm.s32 $0xF800  }
0x226: {  	[hbm4b:s0+s7] =	stream.strided.scatter [tilespmem:s22], [sflag:$0x3], $0x1000, s10, s7, $0x38;
	[tilespmem:$0x10800] =	vst v63  }
0x227: {  	_ =	swait.ge [sflag:s1], $0x1000  }
0x228: {  	[sflag:s1] =	ssyncset.done $0x0  }
0x229: {  	[sflag:s1] =	ssyncadd.s32 $0xFFFFF000  }
0x22a: {  	_ =	swait.ge [sflag:s1], $0x1000  }
0x22b: {  	[sflag:s1] =	ssyncset.done $0x0  }
0x22c: {  	[sflag:s1] =	ssyncadd.s32 $0xFFFFF000  }
0x22d: {  	_ =	swait.ge [sflag:s1], $0x1000  }
0x22e: {  	[sflag:s1] =	ssyncset.done $0x0  }
0x22f: {  	[sflag:s1] =	ssyncadd.s32 $0xFFFFF000  }
0x230: {  	_ =	swait.ge [sflag:s1], $0x1000  }
0x231: {  	[sflag:s1] =	ssyncset.done $0x0  }
0x232: {  	[sflag:s1] =	ssyncadd.s32 $0xFFFFF000  }
0x233: {  	_ =	swait.ge [sflag:s1], $0x1000  }
0x234: {  	[sflag:s1] =	ssyncset.done $0x0  }
0x235: {  	[sflag:s1] =	ssyncadd.s32 $0xFFFFF000  }
0x236: {  	_ =	swait.ge [sflag:s1], $0x1000  }
0x237: {  	[sflag:s1] =	ssyncset.done $0x0  }
0x238: {  	[sflag:s1] =	ssyncadd.s32 $0xFFFFF000  }
0x239: {  	_ =	swait.ge [sflag:s1], $0x1000  }
0x23a: {  	[sflag:s1] =	ssyncset.done $0x0  }
0x23b: {  	[sflag:s1] =	ssyncadd.s32 $0xFFFFF000  }
0x23c: {  	_ =	swait.ge [sflag:s1], $0x1000  }
0x23d: {  	s5 =	rddreg [dreg:$0x2]  }
0x23e: {  	s0 =	rddreg [dreg:$0x10];
	s5 =	sadd.s32 $0x1, s5  }
0x23f: {  	p0 =	sne.s32 s5, s0  }
.Ltmp7:
0x240: {  	_ = 	snop;
	(pc) =	sbr.rel @p0 .LBB2_1-.Ltmp7, $3  }
0x241: {  	_ =	sdelay $0x1  }
0x242: {  	[sflag:s1] =	ssyncset.done $0x0  }
0x243: {  	[sflag:s1] =	ssyncadd.s32 $0xFFFFF000  }
0x244: {  	_ =	sfence.sel $0x180000  }
0x245: {  	[bflag:$0x0] =	sbarrier.arrive $0xFFFF  }
0x246: {  	_ =	strace $0x90000047  }
0x247: {  	s0 =	stileid.u32;
	[bflag:$0x2] =	sbarrier.arrive $0xFFFF  }
0x248: {  	p0 =	sne.s32 s0, $0x0;
	s0 =	rddreg [dreg:$0x1]  }
0x249: {  	s0 =	sadd.s32 @!p0 $0x100000, s0  }
0x24a: {  	[sflag:s0] =	ssyncadd.tile.s32 @!p0 $0x1;
	_ =	shalt  }
.Lfunc_end2:
_tile_overlayer_lowered:
.L_overlay_start_2:
0x24b: {  	(tag) =	ssettag $0x2  }
0x24c: {  	s0 =	rddreg [dreg:$0x0];
	s2 =	stileid.u32  }
0x24d: {  	s1 =	rddreg [dreg:$0x1];
	p0 =	sne.s32 s2, $0x0  }
0x24e: {  	s3 =	rddreg [dreg:$0x2];
	[bflag:$0x3] =	sbarrier.arrive $0xFFFF;
	s2 =	simm.s32 @!p0 $0x1C04  }
0x24f: {  	[timem:s3], [sflag:s2] =	dma.local @!p0 [hbm:s0], s1  }
0x250: {  	s0 =	simm.s32 @!p0 $0x4  }
0x251: {  	_ =	swait.ge @!p0 [sflag:s0], s1  }
0x252: {  	s1 =	ssub.s32 @!p0 $0x0, s1;
	[sflag:s0] =	ssyncset.done @!p0 $0x0  }
0x253: {  	[sflag:s0] =	ssyncadd.s32 @!p0 s1  }
0x254: {  	[bflag:$0x3] =	sbarrier.arrive $0xFFFF  }
0x255: {  	_ =	shalt  }

</sc_bundles>
